<compile_context>
chip_gen: v7x
topology: tpu7x:2x2x1
jax: 0.10.2.dev20260603
libtpu: 0.0.44.dev20260713+nightly
codegen_flags: <defaults>
</compile_context>

<pallas_src>
import functools

import jax
import jax.numpy as jnp
from jax import lax
from jax.experimental import pallas as pl
from jax.experimental.pallas import tpu as pltpu
from jax.experimental.pallas import tpu_sc as plsc

N = 10000
D_IN = 128
F = 4
N_CLASSES = 16

NP = 10112
E = 320000
CW = 128
CHUNKS = 80
EPW = CHUNKS * CW
EP = EPW * 32
ZR = NP // 16
C_FAST = 56
C_SLOW = 104

_mesh = plsc.VectorSubcoreMesh(core_axis_name="c", subcore_axis_name="s")


def _make_edge_pass(with_gather):

    NRING = 4
    CA, CB = C_FAST, C_SLOW
    CMAX = max(CA, CB)
    CB_BASE = 16 * CA

    @functools.partial(
        pl.kernel,
        mesh=_mesh,
        compiler_params=pltpu.CompilerParams(use_tc_tiling_on_sc=False),
        out_type=jax.ShapeDtypeStruct((2, NP, F), jnp.float32),
        scratch_types=[
            pltpu.VMEM((CMAX, CW), jnp.int32),
            pltpu.VMEM((CMAX, CW), jnp.int32),
            pltpu.VMEM((NRING, CW, F), jnp.float32),
            pltpu.VMEM((ZR, F), jnp.float32),
            pltpu.VMEM_SHARED((NP, F), jnp.float32),
        ] + [pltpu.SemaphoreType.DMA] * (1 + NRING),
    )
    def _ep(row_hbm, col_hbm, g_hbm, z_hbm, out_hbm,
            rowv, colv, rowsv, zbuf, acc, *sems_all):
        ssem = sems_all[0]
        semg = sems_all[1:]
        cid = lax.axis_index("c")
        sid = lax.axis_index("s")

        def gfire2(k, b):
            pltpu.async_copy(g_hbm.at[rowv.at[k]], rowsv.at[b], semg[b])

        def gwait2(k, b):
            pltpu.make_async_copy(g_hbm.at[rowv.at[k]], rowsv.at[b],
                                  semg[b]).wait()

        def stage_and_prime(C, cbase):
            pltpu.sync_copy(col_hbm.at[pl.ds(cbase, C), :],
                            colv.at[pl.ds(0, C), :])
            if with_gather:
                pltpu.sync_copy(row_hbm.at[pl.ds(cbase, C), :],
                                rowv.at[pl.ds(0, C), :])
                for j in range(NRING):
                    gfire2(j, j)

        @pl.when(cid == 0)
        def _():
            stage_and_prime(CA, sid * CA)

        @pl.when(cid == 1)
        def _():
            stage_and_prime(CB, CB_BASE + sid * CB)

        if not with_gather:
            pltpu.sync_copy(g_hbm.at[pl.ds(0, CW), :], rowsv.at[0])
        pltpu.sync_copy(z_hbm.at[pl.ds(sid * ZR, ZR), :], zbuf)
        pltpu.sync_copy(zbuf, acc.at[pl.ds(sid * ZR, ZR), :])
        plsc.subcore_barrier()

        def scat(k, b):
            src = rowsv.at[b] if with_gather else rowsv.at[0]
            pltpu.async_copy(src, acc.at[colv.at[k]], ssem, add=True).wait()

        def mainloop(C):
            if with_gather:
                G = C // NRING

                def gbody(gi, c):
                    for b in range(NRING):
                        k = gi * NRING + b
                        gwait2(k, b)
                        scat(k, b)

                        @pl.when(gi < G - 1)
                        def _():
                            gfire2(k + NRING, b)
                    return c

                lax.fori_loop(0, G, gbody, 0)
            else:
                def sbody(k, c):
                    scat(k, 0)
                    return c

                lax.fori_loop(0, C, sbody, 0)

        @pl.when(cid == 0)
        def _():
            mainloop(CA)

        @pl.when(cid == 1)
        def _():
            mainloop(CB)

        plsc.subcore_barrier()
        pltpu.sync_copy(acc.at[pl.ds(sid * ZR, ZR), :], zbuf)
        pltpu.sync_copy(zbuf, out_hbm.at[cid, pl.ds(sid * ZR, ZR), :])

    return _ep


_edge_pass = _make_edge_pass(True)
_deg_pass = _make_edge_pass(False)


def _t1_body(dp, x, w1, dis_o, g1_o):
    deg = dp[0, :N, 0:1] + dp[1, :N, 0:1] + 1.0
    dis = lax.rsqrt(deg)
    dis_o[...] = dis
    z = jnp.dot(x[...], w1[...], preferred_element_type=jnp.float32)
    g1_o[...] = z * dis


_t1 = pl.pallas_call(
    _t1_body,
    out_shape=(
        jax.ShapeDtypeStruct((N, 1), jnp.float32),
        jax.ShapeDtypeStruct((N, F), jnp.float32),
    ),
)


def _mid_stage(fo):
    def body(sp, g, dis, b, w, gout):
        s = sp[0, :N, :] + sp[1, :N, :] + g[...]
        h = jnp.tanh(dis[...] * s + b[...])
        z = jnp.dot(h, w[...], preferred_element_type=jnp.float32)
        gz = dis[...] * z
        if fo < F:
            gz = jnp.concatenate([gz, jnp.zeros((N, F - fo), jnp.float32)], axis=1)
        gout[...] = gz

    return pl.pallas_call(
        body,
        out_shape=jax.ShapeDtypeStruct((N, F), jnp.float32),
    )


_t2 = _mid_stage(F)
_t3 = _mid_stage(2)


def _t4_body(sp, g3, dis, b3, wc, bc, out_o, h3_o):
    s = sp[0, :N, 0:2] + sp[1, :N, 0:2] + g3[:, 0:2]
    h3 = jnp.tanh(dis[...] * s + b3[...])
    h3_o[...] = h3
    out_o[...] = jnp.dot(h3, wc[...], preferred_element_type=jnp.float32) + bc[...]


_t4 = pl.pallas_call(
    _t4_body,
    out_shape=(
        jax.ShapeDtypeStruct((N, N_CLASSES), jnp.float32),
        jax.ShapeDtypeStruct((N, 2), jnp.float32),
    ),
)


def kernel(x, edge_index, W1, b1, W2, b2, W3, b3, Wc, bc):
    row = edge_index[0]
    col = edge_index[1]
    pad = EP - E
    row2d = jnp.concatenate([row, jnp.zeros((pad,), jnp.int32)]).reshape(-1, CW)
    col2d = jnp.concatenate([col, jnp.full((pad,), N, jnp.int32)]).reshape(-1, CW)
    zeros_np = jnp.zeros((NP, F), jnp.float32)
    ones_tab = jnp.ones((CW, F), jnp.float32)

    deg_p = _deg_pass(row2d, col2d, ones_tab, zeros_np)
    dis, g1 = _t1(deg_p, x, W1)
    s1 = _edge_pass(row2d, col2d, g1, zeros_np)
    g2 = _t2(s1, g1, dis, b1.reshape(1, F), W2)
    s2 = _edge_pass(row2d, col2d, g2, zeros_np)
    g3 = _t3(s2, g2, dis, b2.reshape(1, F), W3)
    s3 = _edge_pass(row2d, col2d, g3, zeros_np)
    out, h3 = _t4(s3, g3, dis, b3.reshape(1, 2), Wc, bc.reshape(1, N_CLASSES))
    return (out, h3)

# --- scband reference (transcript-rebuilt; emitter-appended) ---
"""Pipeline reference for scband-gcn-10368051052900 (READ-ONLY COPY).

The authoritative reference and input builder live on the scoring server;
editing this copy changes nothing except your own understanding.
"""

import jax, jax.numpy as jnp
import numpy as np

N = 10000
E = 320000
D_IN = 128
N_CLASSES = 16


def setup_inputs(seed: int = 0) -> dict:
    key = jax.random.key(seed)
    ks = jax.random.split(key, 12)
    x = jax.random.normal(ks[0], (N, D_IN), dtype=jnp.float32)
    edge_index = jax.random.randint(ks[1], (2, E), 0, N, dtype=jnp.int32)
    W1 = jax.random.normal(ks[2], (D_IN, 4), dtype=jnp.float32) * 0.1
    b1 = jnp.zeros((4,), dtype=jnp.float32)
    W2 = jax.random.normal(ks[3], (4, 4), dtype=jnp.float32) * 0.1
    b2 = jnp.zeros((4,), dtype=jnp.float32)
    W3 = jax.random.normal(ks[4], (4, 2), dtype=jnp.float32) * 0.1
    b3 = jnp.zeros((2,), dtype=jnp.float32)
    Wc = jax.random.normal(ks[5], (2, N_CLASSES), dtype=jnp.float32) * 0.1
    bc = jnp.zeros((N_CLASSES,), dtype=jnp.float32)
    return {"x": x, "edge_index": edge_index, "W1": W1, "b1": b1, "W2": W2, "b2": b2, "W3": W3, "b3": b3, "Wc": Wc, "bc": bc}


def _gcn_conv(h, row, col, norm, W, b):
    # GCNConv: symmetric-normalized aggregation with self loops (norm precomputed)
    h = h @ W
    msg = jnp.take(h, row, axis=0) * norm[:, None]
    out = jax.ops.segment_sum(msg, col, num_segments=N)
    return out + b


def reference(x, edge_index, W1, b1, W2, b2, W3, b3, Wc, bc):
    ar = jnp.arange(N, dtype=edge_index.dtype)
    ei = jnp.concatenate([edge_index, jnp.stack([ar, ar])], axis=1)
    row, col = ei[0], ei[1]
    ones = jnp.ones((ei.shape[1],), dtype=x.dtype)
    deg = jax.ops.segment_sum(ones, col, num_segments=N)
    dis = jnp.where(deg > 0, jax.lax.rsqrt(jnp.maximum(deg, 1e-12)), 0.0)
    norm = jnp.take(dis, row) * jnp.take(dis, col)
    h = jnp.tanh(_gcn_conv(x, row, col, norm, W1, b1))
    h = jnp.tanh(_gcn_conv(h, row, col, norm, W2, b2))
    h = jnp.tanh(_gcn_conv(h, row, col, norm, W3, b3))
    out = h @ Wc + bc
    return (out, h)

if __name__ == "__main__":
    import jax
    _d = setup_inputs()
    print(jax.jit(kernel)(*tuple(_d.values())))

</pallas_src>

<mosaic_0001>
#map = affine_map<(d0, d1) -> (0, 0)>
#map1 = affine_map<(d0, d1) -> (0, 0, 0)>
module attributes {stable_mosaic.version = 14 : i64} {
  func.func @_ep(%arg0: i32, %arg1: i32, %arg2: memref<2560x128xi32, #tpu.memory_space<hbm>>, %arg3: memref<2560x128xi32, #tpu.memory_space<hbm>>, %arg4: memref<10000x4xf32, #tpu.memory_space<hbm>>, %arg5: memref<10112x4xf32, #tpu.memory_space<hbm>>, %arg6: memref<2x10112x4xf32, #tpu.memory_space<hbm>>, %arg7: memref<104x128xi32, #tpu.memory_space<vmem>>, %arg8: memref<104x128xi32, #tpu.memory_space<vmem>>, %arg9: memref<4x128x4xf32, #tpu.memory_space<vmem>>, %arg10: memref<632x4xf32, #tpu.memory_space<vmem>>, %arg11: memref<10112x4xf32, #tpu.memory_space<vmem_shared>>, %arg12: memref<!tpu.dma_semaphore, #tpu.memory_space<semaphore_mem>>, %arg13: memref<!tpu.dma_semaphore, #tpu.memory_space<semaphore_mem>>, %arg14: memref<!tpu.dma_semaphore, #tpu.memory_space<semaphore_mem>>, %arg15: memref<!tpu.dma_semaphore, #tpu.memory_space<semaphore_mem>>, %arg16: memref<!tpu.dma_semaphore, #tpu.memory_space<semaphore_mem>>) attributes {dimension_semantics = [#tpu.dimension_semantics<core_parallel>, #tpu.dimension_semantics<subcore_parallel>], iteration_bounds = array<i64: 2, 16>, scalar_prefetch = 0 : i64, scratch_operands = 10 : i64, tpu.core_type = #tpu.core_type<sc_vector_subcore>, window_params = [{transform_indices = #map}, {transform_indices = #map}, {transform_indices = #map}, {transform_indices = #map}, {transform_indices = #map1}]} {
    %eq3A = arith.constant 0 : i32
    %eq3A_0 = arith.cmpi eq, %arg0, %eq3A : i32
    %convert_element_type3A = arith.extui %eq3A_0 : i1 to i32
    %cond3A = arith.constant 0 : i32
    %cond3A_1 = arith.cmpi ne, %convert_element_type3A, %cond3A : i32
    scf.if %cond3A_1 {
      %mul3A_25 = arith.constant 56 : i32
      %mul3A_26 = arith.muli %arg1, %mul3A_25 : i32
      "tpu.region"() ({
        %run_scoped3A = tpu.sem_alloc : memref<!tpu.dma_semaphore, #tpu.memory_space<semaphore_mem>>
        %dma_start3A_74 = arith.constant 0 : i32
        %dma_start3A_75 = arith.constant 0 : i32
        %dma_start3A_76 = tpu.memref_slice %arg8[%dma_start3A_74, %dma_start3A_75] : memref<104x128xi32, #tpu.memory_space<vmem>> -> memref<56x128xi32, #tpu.memory_space<vmem>>
        %dma_start3A_77 = arith.constant 0 : i32
        %dma_start3A_78 = tpu.memref_slice %arg3[%mul3A_26, %dma_start3A_77] : memref<2560x128xi32, #tpu.memory_space<hbm>> -> memref<56x128xi32, #tpu.memory_space<hbm>>
        %dma_start3A_79 = arith.constant 0 : i32
        %dma_start3A_80 = arith.constant 0 : i32
        %dma_start3A_81 = tpu.memref_slice %arg8[%dma_start3A_79, %dma_start3A_80] : memref<104x128xi32, #tpu.memory_space<vmem>> -> memref<56x128xi32, #tpu.memory_space<vmem>>
        %dma_start3A_82 = arith.constant 0 : i32
        %dma_start3A_83 = tpu.memref_slice %arg3[%mul3A_26, %dma_start3A_82] : memref<2560x128xi32, #tpu.memory_space<hbm>> -> memref<56x128xi32, #tpu.memory_space<hbm>>
        tpu.enqueue_dma source(%dma_start3A_83 : memref<56x128xi32, #tpu.memory_space<hbm>>) target(%dma_start3A_81 : memref<56x128xi32, #tpu.memory_space<vmem>>) target_semaphore(%run_scoped3A : memref<!tpu.dma_semaphore, #tpu.memory_space<semaphore_mem>>)
        %dma_wait3A = arith.constant 0 : i32
        %dma_wait3A_84 = arith.constant 0 : i32
        %dma_wait3A_85 = tpu.memref_slice %arg8[%dma_wait3A, %dma_wait3A_84] : memref<104x128xi32, #tpu.memory_space<vmem>> -> memref<56x128xi32, #tpu.memory_space<vmem>>
        %dma_wait3A_86 = arith.constant 0 : i32
        %dma_wait3A_87 = tpu.memref_slice %arg3[%mul3A_26, %dma_wait3A_86] : memref<2560x128xi32, #tpu.memory_space<hbm>> -> memref<56x128xi32, #tpu.memory_space<hbm>>
        %dma_wait3A_88 = arith.constant 0 : i32
        %dma_wait3A_89 = arith.constant 0 : i32
        %dma_wait3A_90 = tpu.memref_slice %arg8[%dma_wait3A_88, %dma_wait3A_89] : memref<104x128xi32, #tpu.memory_space<vmem>> -> memref<56x128xi32, #tpu.memory_space<vmem>>
        %dma_wait3A_91 = arith.constant 0 : i32
        %dma_wait3A_92 = tpu.memref_slice %arg3[%mul3A_26, %dma_wait3A_91] : memref<2560x128xi32, #tpu.memory_space<hbm>> -> memref<56x128xi32, #tpu.memory_space<hbm>>
        tpu.wait_dma2 semaphore(%run_scoped3A : memref<!tpu.dma_semaphore, #tpu.memory_space<semaphore_mem>>) src(%dma_wait3A_92 : memref<56x128xi32, #tpu.memory_space<hbm>>) dst(%dma_wait3A_90 : memref<56x128xi32, #tpu.memory_space<vmem>>)
        tpu.yield
      }) : () -> ()
      "tpu.region"() ({
        %run_scoped3A = tpu.sem_alloc : memref<!tpu.dma_semaphore, #tpu.memory_space<semaphore_mem>>
        %dma_start3A_74 = arith.constant 0 : i32
        %dma_start3A_75 = arith.constant 0 : i32
        %dma_start3A_76 = tpu.memref_slice %arg7[%dma_start3A_74, %dma_start3A_75] : memref<104x128xi32, #tpu.memory_space<vmem>> -> memref<56x128xi32, #tpu.memory_space<vmem>>
        %dma_start3A_77 = arith.constant 0 : i32
        %dma_start3A_78 = tpu.memref_slice %arg2[%mul3A_26, %dma_start3A_77] : memref<2560x128xi32, #tpu.memory_space<hbm>> -> memref<56x128xi32, #tpu.memory_space<hbm>>
        %dma_start3A_79 = arith.constant 0 : i32
        %dma_start3A_80 = arith.constant 0 : i32
        %dma_start3A_81 = tpu.memref_slice %arg7[%dma_start3A_79, %dma_start3A_80] : memref<104x128xi32, #tpu.memory_space<vmem>> -> memref<56x128xi32, #tpu.memory_space<vmem>>
        %dma_start3A_82 = arith.constant 0 : i32
        %dma_start3A_83 = tpu.memref_slice %arg2[%mul3A_26, %dma_start3A_82] : memref<2560x128xi32, #tpu.memory_space<hbm>> -> memref<56x128xi32, #tpu.memory_space<hbm>>
        tpu.enqueue_dma source(%dma_start3A_83 : memref<56x128xi32, #tpu.memory_space<hbm>>) target(%dma_start3A_81 : memref<56x128xi32, #tpu.memory_space<vmem>>) target_semaphore(%run_scoped3A : memref<!tpu.dma_semaphore, #tpu.memory_space<semaphore_mem>>)
        %dma_wait3A = arith.constant 0 : i32
        %dma_wait3A_84 = arith.constant 0 : i32
        %dma_wait3A_85 = tpu.memref_slice %arg7[%dma_wait3A, %dma_wait3A_84] : memref<104x128xi32, #tpu.memory_space<vmem>> -> memref<56x128xi32, #tpu.memory_space<vmem>>
        %dma_wait3A_86 = arith.constant 0 : i32
        %dma_wait3A_87 = tpu.memref_slice %arg2[%mul3A_26, %dma_wait3A_86] : memref<2560x128xi32, #tpu.memory_space<hbm>> -> memref<56x128xi32, #tpu.memory_space<hbm>>
        %dma_wait3A_88 = arith.constant 0 : i32
        %dma_wait3A_89 = arith.constant 0 : i32
        %dma_wait3A_90 = tpu.memref_slice %arg7[%dma_wait3A_88, %dma_wait3A_89] : memref<104x128xi32, #tpu.memory_space<vmem>> -> memref<56x128xi32, #tpu.memory_space<vmem>>
        %dma_wait3A_91 = arith.constant 0 : i32
        %dma_wait3A_92 = tpu.memref_slice %arg2[%mul3A_26, %dma_wait3A_91] : memref<2560x128xi32, #tpu.memory_space<hbm>> -> memref<56x128xi32, #tpu.memory_space<hbm>>
        tpu.wait_dma2 semaphore(%run_scoped3A : memref<!tpu.dma_semaphore, #tpu.memory_space<semaphore_mem>>) src(%dma_wait3A_92 : memref<56x128xi32, #tpu.memory_space<hbm>>) dst(%dma_wait3A_90 : memref<56x128xi32, #tpu.memory_space<vmem>>)
        tpu.yield
      }) : () -> ()
      %dma_start3A = arith.constant 0 : i32
      %dma_start3A_27 = arith.constant 0 : i32
      %dma_start3A_28 = arith.constant 0 : i32
      %dma_start3A_29 = arith.constant 0 : i32
      %dma_start3A_30 = tpu.memref_slice %arg9[%dma_start3A_27, %dma_start3A_28, %dma_start3A_29] : memref<4x128x4xf32, #tpu.memory_space<vmem>> -> memref<1x128x4xf32, #tpu.memory_space<vmem>>
      %dma_start3A_31 = tpu.memref_squeeze %dma_start3A_30 : memref<1x128x4xf32, #tpu.memory_space<vmem>> -> memref<128x4xf32, #tpu.memory_space<vmem>>
      %dma_start3A_32 = arith.constant 0 : i32
      %dma_start3A_33 = tpu.memref_slice %arg7[%dma_start3A, %dma_start3A_32] : memref<104x128xi32, #tpu.memory_space<vmem>> -> memref<1x128xi32, #tpu.memory_space<vmem>>
      %dma_start3A_34 = tpu.memref_squeeze %dma_start3A_33 : memref<1x128xi32, #tpu.memory_space<vmem>> -> memref<128xi32, #tpu.memory_space<vmem>>
      %dma_start3A_35 = arith.constant 0 : i32
      %dma_start3A_36 = arith.constant 0 : i32
      %dma_start3A_37 = tpu.memref_slice %arg4[%dma_start3A_35, %dma_start3A_36] : memref<10000x4xf32, #tpu.memory_space<hbm>> -> memref<10000x4xf32, #tpu.memory_space<hbm>>
      tpu.enqueue_indirect_dma source(%dma_start3A_37 : memref<10000x4xf32, #tpu.memory_space<hbm>>) target(%dma_start3A_31 : memref<128x4xf32, #tpu.memory_space<vmem>>) offsets(%dma_start3A_34 : memref<128xi32, #tpu.memory_space<vmem>>) semaphore(%arg13 : memref<!tpu.dma_semaphore, #tpu.memory_space<semaphore_mem>>)
      %dma_start3A_38 = arith.constant 1 : i32
      %dma_start3A_39 = arith.constant 1 : i32
      %dma_start3A_40 = arith.constant 0 : i32
      %dma_start3A_41 = arith.constant 0 : i32
      %dma_start3A_42 = tpu.memref_slice %arg9[%dma_start3A_39, %dma_start3A_40, %dma_start3A_41] : memref<4x128x4xf32, #tpu.memory_space<vmem>> -> memref<1x128x4xf32, #tpu.memory_space<vmem>>
      %dma_start3A_43 = tpu.memref_squeeze %dma_start3A_42 : memref<1x128x4xf32, #tpu.memory_space<vmem>> -> memref<128x4xf32, #tpu.memory_space<vmem>>
      %dma_start3A_44 = arith.constant 0 : i32
      %dma_start3A_45 = tpu.memref_slice %arg7[%dma_start3A_38, %dma_start3A_44] : memref<104x128xi32, #tpu.memory_space<vmem>> -> memref<1x128xi32, #tpu.memory_space<vmem>>
      %dma_start3A_46 = tpu.memref_squeeze %dma_start3A_45 : memref<1x128xi32, #tpu.memory_space<vmem>> -> memref<128xi32, #tpu.memory_space<vmem>>
      %dma_start3A_47 = arith.constant 0 : i32
      %dma_start3A_48 = arith.constant 0 : i32
      %dma_start3A_49 = tpu.memref_slice %arg4[%dma_start3A_47, %dma_start3A_48] : memref<10000x4xf32, #tpu.memory_space<hbm>> -> memref<10000x4xf32, #tpu.memory_space<hbm>>
      tpu.enqueue_indirect_dma source(%dma_start3A_49 : memref<10000x4xf32, #tpu.memory_space<hbm>>) target(%dma_start3A_43 : memref<128x4xf32, #tpu.memory_space<vmem>>) offsets(%dma_start3A_46 : memref<128xi32, #tpu.memory_space<vmem>>) semaphore(%arg14 : memref<!tpu.dma_semaphore, #tpu.memory_space<semaphore_mem>>)
      %dma_start3A_50 = arith.constant 2 : i32
      %dma_start3A_51 = arith.constant 2 : i32
      %dma_start3A_52 = arith.constant 0 : i32
      %dma_start3A_53 = arith.constant 0 : i32
      %dma_start3A_54 = tpu.memref_slice %arg9[%dma_start3A_51, %dma_start3A_52, %dma_start3A_53] : memref<4x128x4xf32, #tpu.memory_space<vmem>> -> memref<1x128x4xf32, #tpu.memory_space<vmem>>
      %dma_start3A_55 = tpu.memref_squeeze %dma_start3A_54 : memref<1x128x4xf32, #tpu.memory_space<vmem>> -> memref<128x4xf32, #tpu.memory_space<vmem>>
      %dma_start3A_56 = arith.constant 0 : i32
      %dma_start3A_57 = tpu.memref_slice %arg7[%dma_start3A_50, %dma_start3A_56] : memref<104x128xi32, #tpu.memory_space<vmem>> -> memref<1x128xi32, #tpu.memory_space<vmem>>
      %dma_start3A_58 = tpu.memref_squeeze %dma_start3A_57 : memref<1x128xi32, #tpu.memory_space<vmem>> -> memref<128xi32, #tpu.memory_space<vmem>>
      %dma_start3A_59 = arith.constant 0 : i32
      %dma_start3A_60 = arith.constant 0 : i32
      %dma_start3A_61 = tpu.memref_slice %arg4[%dma_start3A_59, %dma_start3A_60] : memref<10000x4xf32, #tpu.memory_space<hbm>> -> memref<10000x4xf32, #tpu.memory_space<hbm>>
      tpu.enqueue_indirect_dma source(%dma_start3A_61 : memref<10000x4xf32, #tpu.memory_space<hbm>>) target(%dma_start3A_55 : memref<128x4xf32, #tpu.memory_space<vmem>>) offsets(%dma_start3A_58 : memref<128xi32, #tpu.memory_space<vmem>>) semaphore(%arg15 : memref<!tpu.dma_semaphore, #tpu.memory_space<semaphore_mem>>)
      %dma_start3A_62 = arith.constant 3 : i32
      %dma_start3A_63 = arith.constant 3 : i32
      %dma_start3A_64 = arith.constant 0 : i32
      %dma_start3A_65 = arith.constant 0 : i32
      %dma_start3A_66 = tpu.memref_slice %arg9[%dma_start3A_63, %dma_start3A_64, %dma_start3A_65] : memref<4x128x4xf32, #tpu.memory_space<vmem>> -> memref<1x128x4xf32, #tpu.memory_space<vmem>>
      %dma_start3A_67 = tpu.memref_squeeze %dma_start3A_66 : memref<1x128x4xf32, #tpu.memory_space<vmem>> -> memref<128x4xf32, #tpu.memory_space<vmem>>
      %dma_start3A_68 = arith.constant 0 : i32
      %dma_start3A_69 = tpu.memref_slice %arg7[%dma_start3A_62, %dma_start3A_68] : memref<104x128xi32, #tpu.memory_space<vmem>> -> memref<1x128xi32, #tpu.memory_space<vmem>>
      %dma_start3A_70 = tpu.memref_squeeze %dma_start3A_69 : memref<1x128xi32, #tpu.memory_space<vmem>> -> memref<128xi32, #tpu.memory_space<vmem>>
      %dma_start3A_71 = arith.constant 0 : i32
      %dma_start3A_72 = arith.constant 0 : i32
      %dma_start3A_73 = tpu.memref_slice %arg4[%dma_start3A_71, %dma_start3A_72] : memref<10000x4xf32, #tpu.memory_space<hbm>> -> memref<10000x4xf32, #tpu.memory_space<hbm>>
      tpu.enqueue_indirect_dma source(%dma_start3A_73 : memref<10000x4xf32, #tpu.memory_space<hbm>>) target(%dma_start3A_67 : memref<128x4xf32, #tpu.memory_space<vmem>>) offsets(%dma_start3A_70 : memref<128xi32, #tpu.memory_space<vmem>>) semaphore(%arg16 : memref<!tpu.dma_semaphore, #tpu.memory_space<semaphore_mem>>)
    } else {
    }
    %eq3A_2 = arith.constant 1 : i32
    %eq3A_3 = arith.cmpi eq, %arg0, %eq3A_2 : i32
    %convert_element_type3A_4 = arith.extui %eq3A_3 : i1 to i32
    %cond3A_5 = arith.constant 0 : i32
    %cond3A_6 = arith.cmpi ne, %convert_element_type3A_4, %cond3A_5 : i32
    scf.if %cond3A_6 {
      %mul3A_25 = arith.constant 104 : i32
      %mul3A_26 = arith.muli %arg1, %mul3A_25 : i32
      %add3A = arith.constant 896 : i32
      %add3A_27 = arith.addi %add3A, %mul3A_26 : i32
      "tpu.region"() ({
        %run_scoped3A = tpu.sem_alloc : memref<!tpu.dma_semaphore, #tpu.memory_space<semaphore_mem>>
        %dma_start3A_75 = arith.constant 0 : i32
        %dma_start3A_76 = arith.constant 0 : i32
        %dma_start3A_77 = tpu.memref_slice %arg8[%dma_start3A_75, %dma_start3A_76] : memref<104x128xi32, #tpu.memory_space<vmem>> -> memref<104x128xi32, #tpu.memory_space<vmem>>
        %dma_start3A_78 = arith.constant 0 : i32
        %dma_start3A_79 = tpu.memref_slice %arg3[%add3A_27, %dma_start3A_78] : memref<2560x128xi32, #tpu.memory_space<hbm>> -> memref<104x128xi32, #tpu.memory_space<hbm>>
        %dma_start3A_80 = arith.constant 0 : i32
        %dma_start3A_81 = arith.constant 0 : i32
        %dma_start3A_82 = tpu.memref_slice %arg8[%dma_start3A_80, %dma_start3A_81] : memref<104x128xi32, #tpu.memory_space<vmem>> -> memref<104x128xi32, #tpu.memory_space<vmem>>
        %dma_start3A_83 = arith.constant 0 : i32
        %dma_start3A_84 = tpu.memref_slice %arg3[%add3A_27, %dma_start3A_83] : memref<2560x128xi32, #tpu.memory_space<hbm>> -> memref<104x128xi32, #tpu.memory_space<hbm>>
        tpu.enqueue_dma source(%dma_start3A_84 : memref<104x128xi32, #tpu.memory_space<hbm>>) target(%dma_start3A_82 : memref<104x128xi32, #tpu.memory_space<vmem>>) target_semaphore(%run_scoped3A : memref<!tpu.dma_semaphore, #tpu.memory_space<semaphore_mem>>)
        %dma_wait3A = arith.constant 0 : i32
        %dma_wait3A_85 = arith.constant 0 : i32
        %dma_wait3A_86 = tpu.memref_slice %arg8[%dma_wait3A, %dma_wait3A_85] : memref<104x128xi32, #tpu.memory_space<vmem>> -> memref<104x128xi32, #tpu.memory_space<vmem>>
        %dma_wait3A_87 = arith.constant 0 : i32
        %dma_wait3A_88 = tpu.memref_slice %arg3[%add3A_27, %dma_wait3A_87] : memref<2560x128xi32, #tpu.memory_space<hbm>> -> memref<104x128xi32, #tpu.memory_space<hbm>>
        %dma_wait3A_89 = arith.constant 0 : i32
        %dma_wait3A_90 = arith.constant 0 : i32
        %dma_wait3A_91 = tpu.memref_slice %arg8[%dma_wait3A_89, %dma_wait3A_90] : memref<104x128xi32, #tpu.memory_space<vmem>> -> memref<104x128xi32, #tpu.memory_space<vmem>>
        %dma_wait3A_92 = arith.constant 0 : i32
        %dma_wait3A_93 = tpu.memref_slice %arg3[%add3A_27, %dma_wait3A_92] : memref<2560x128xi32, #tpu.memory_space<hbm>> -> memref<104x128xi32, #tpu.memory_space<hbm>>
        tpu.wait_dma2 semaphore(%run_scoped3A : memref<!tpu.dma_semaphore, #tpu.memory_space<semaphore_mem>>) src(%dma_wait3A_93 : memref<104x128xi32, #tpu.memory_space<hbm>>) dst(%dma_wait3A_91 : memref<104x128xi32, #tpu.memory_space<vmem>>)
        tpu.yield
      }) : () -> ()
      "tpu.region"() ({
        %run_scoped3A = tpu.sem_alloc : memref<!tpu.dma_semaphore, #tpu.memory_space<semaphore_mem>>
        %dma_start3A_75 = arith.constant 0 : i32
        %dma_start3A_76 = arith.constant 0 : i32
        %dma_start3A_77 = tpu.memref_slice %arg7[%dma_start3A_75, %dma_start3A_76] : memref<104x128xi32, #tpu.memory_space<vmem>> -> memref<104x128xi32, #tpu.memory_space<vmem>>
        %dma_start3A_78 = arith.constant 0 : i32
        %dma_start3A_79 = tpu.memref_slice %arg2[%add3A_27, %dma_start3A_78] : memref<2560x128xi32, #tpu.memory_space<hbm>> -> memref<104x128xi32, #tpu.memory_space<hbm>>
        %dma_start3A_80 = arith.constant 0 : i32
        %dma_start3A_81 = arith.constant 0 : i32
        %dma_start3A_82 = tpu.memref_slice %arg7[%dma_start3A_80, %dma_start3A_81] : memref<104x128xi32, #tpu.memory_space<vmem>> -> memref<104x128xi32, #tpu.memory_space<vmem>>
        %dma_start3A_83 = arith.constant 0 : i32
        %dma_start3A_84 = tpu.memref_slice %arg2[%add3A_27, %dma_start3A_83] : memref<2560x128xi32, #tpu.memory_space<hbm>> -> memref<104x128xi32, #tpu.memory_space<hbm>>
        tpu.enqueue_dma source(%dma_start3A_84 : memref<104x128xi32, #tpu.memory_space<hbm>>) target(%dma_start3A_82 : memref<104x128xi32, #tpu.memory_space<vmem>>) target_semaphore(%run_scoped3A : memref<!tpu.dma_semaphore, #tpu.memory_space<semaphore_mem>>)
        %dma_wait3A = arith.constant 0 : i32
        %dma_wait3A_85 = arith.constant 0 : i32
        %dma_wait3A_86 = tpu.memref_slice %arg7[%dma_wait3A, %dma_wait3A_85] : memref<104x128xi32, #tpu.memory_space<vmem>> -> memref<104x128xi32, #tpu.memory_space<vmem>>
        %dma_wait3A_87 = arith.constant 0 : i32
        %dma_wait3A_88 = tpu.memref_slice %arg2[%add3A_27, %dma_wait3A_87] : memref<2560x128xi32, #tpu.memory_space<hbm>> -> memref<104x128xi32, #tpu.memory_space<hbm>>
        %dma_wait3A_89 = arith.constant 0 : i32
        %dma_wait3A_90 = arith.constant 0 : i32
        %dma_wait3A_91 = tpu.memref_slice %arg7[%dma_wait3A_89, %dma_wait3A_90] : memref<104x128xi32, #tpu.memory_space<vmem>> -> memref<104x128xi32, #tpu.memory_space<vmem>>
        %dma_wait3A_92 = arith.constant 0 : i32
        %dma_wait3A_93 = tpu.memref_slice %arg2[%add3A_27, %dma_wait3A_92] : memref<2560x128xi32, #tpu.memory_space<hbm>> -> memref<104x128xi32, #tpu.memory_space<hbm>>
        tpu.wait_dma2 semaphore(%run_scoped3A : memref<!tpu.dma_semaphore, #tpu.memory_space<semaphore_mem>>) src(%dma_wait3A_93 : memref<104x128xi32, #tpu.memory_space<hbm>>) dst(%dma_wait3A_91 : memref<104x128xi32, #tpu.memory_space<vmem>>)
        tpu.yield
      }) : () -> ()
      %dma_start3A = arith.constant 0 : i32
      %dma_start3A_28 = arith.constant 0 : i32
      %dma_start3A_29 = arith.constant 0 : i32
      %dma_start3A_30 = arith.constant 0 : i32
      %dma_start3A_31 = tpu.memref_slice %arg9[%dma_start3A_28, %dma_start3A_29, %dma_start3A_30] : memref<4x128x4xf32, #tpu.memory_space<vmem>> -> memref<1x128x4xf32, #tpu.memory_space<vmem>>
      %dma_start3A_32 = tpu.memref_squeeze %dma_start3A_31 : memref<1x128x4xf32, #tpu.memory_space<vmem>> -> memref<128x4xf32, #tpu.memory_space<vmem>>
      %dma_start3A_33 = arith.constant 0 : i32
      %dma_start3A_34 = tpu.memref_slice %arg7[%dma_start3A, %dma_start3A_33] : memref<104x128xi32, #tpu.memory_space<vmem>> -> memref<1x128xi32, #tpu.memory_space<vmem>>
      %dma_start3A_35 = tpu.memref_squeeze %dma_start3A_34 : memref<1x128xi32, #tpu.memory_space<vmem>> -> memref<128xi32, #tpu.memory_space<vmem>>
      %dma_start3A_36 = arith.constant 0 : i32
      %dma_start3A_37 = arith.constant 0 : i32
      %dma_start3A_38 = tpu.memref_slice %arg4[%dma_start3A_36, %dma_start3A_37] : memref<10000x4xf32, #tpu.memory_space<hbm>> -> memref<10000x4xf32, #tpu.memory_space<hbm>>
      tpu.enqueue_indirect_dma source(%dma_start3A_38 : memref<10000x4xf32, #tpu.memory_space<hbm>>) target(%dma_start3A_32 : memref<128x4xf32, #tpu.memory_space<vmem>>) offsets(%dma_start3A_35 : memref<128xi32, #tpu.memory_space<vmem>>) semaphore(%arg13 : memref<!tpu.dma_semaphore, #tpu.memory_space<semaphore_mem>>)
      %dma_start3A_39 = arith.constant 1 : i32
      %dma_start3A_40 = arith.constant 1 : i32
      %dma_start3A_41 = arith.constant 0 : i32
      %dma_start3A_42 = arith.constant 0 : i32
      %dma_start3A_43 = tpu.memref_slice %arg9[%dma_start3A_40, %dma_start3A_41, %dma_start3A_42] : memref<4x128x4xf32, #tpu.memory_space<vmem>> -> memref<1x128x4xf32, #tpu.memory_space<vmem>>
      %dma_start3A_44 = tpu.memref_squeeze %dma_start3A_43 : memref<1x128x4xf32, #tpu.memory_space<vmem>> -> memref<128x4xf32, #tpu.memory_space<vmem>>
      %dma_start3A_45 = arith.constant 0 : i32
      %dma_start3A_46 = tpu.memref_slice %arg7[%dma_start3A_39, %dma_start3A_45] : memref<104x128xi32, #tpu.memory_space<vmem>> -> memref<1x128xi32, #tpu.memory_space<vmem>>
      %dma_start3A_47 = tpu.memref_squeeze %dma_start3A_46 : memref<1x128xi32, #tpu.memory_space<vmem>> -> memref<128xi32, #tpu.memory_space<vmem>>
      %dma_start3A_48 = arith.constant 0 : i32
      %dma_start3A_49 = arith.constant 0 : i32
      %dma_start3A_50 = tpu.memref_slice %arg4[%dma_start3A_48, %dma_start3A_49] : memref<10000x4xf32, #tpu.memory_space<hbm>> -> memref<10000x4xf32, #tpu.memory_space<hbm>>
      tpu.enqueue_indirect_dma source(%dma_start3A_50 : memref<10000x4xf32, #tpu.memory_space<hbm>>) target(%dma_start3A_44 : memref<128x4xf32, #tpu.memory_space<vmem>>) offsets(%dma_start3A_47 : memref<128xi32, #tpu.memory_space<vmem>>) semaphore(%arg14 : memref<!tpu.dma_semaphore, #tpu.memory_space<semaphore_mem>>)
      %dma_start3A_51 = arith.constant 2 : i32
      %dma_start3A_52 = arith.constant 2 : i32
      %dma_start3A_53 = arith.constant 0 : i32
      %dma_start3A_54 = arith.constant 0 : i32
      %dma_start3A_55 = tpu.memref_slice %arg9[%dma_start3A_52, %dma_start3A_53, %dma_start3A_54] : memref<4x128x4xf32, #tpu.memory_space<vmem>> -> memref<1x128x4xf32, #tpu.memory_space<vmem>>
      %dma_start3A_56 = tpu.memref_squeeze %dma_start3A_55 : memref<1x128x4xf32, #tpu.memory_space<vmem>> -> memref<128x4xf32, #tpu.memory_space<vmem>>
      %dma_start3A_57 = arith.constant 0 : i32
      %dma_start3A_58 = tpu.memref_slice %arg7[%dma_start3A_51, %dma_start3A_57] : memref<104x128xi32, #tpu.memory_space<vmem>> -> memref<1x128xi32, #tpu.memory_space<vmem>>
      %dma_start3A_59 = tpu.memref_squeeze %dma_start3A_58 : memref<1x128xi32, #tpu.memory_space<vmem>> -> memref<128xi32, #tpu.memory_space<vmem>>
      %dma_start3A_60 = arith.constant 0 : i32
      %dma_start3A_61 = arith.constant 0 : i32
      %dma_start3A_62 = tpu.memref_slice %arg4[%dma_start3A_60, %dma_start3A_61] : memref<10000x4xf32, #tpu.memory_space<hbm>> -> memref<10000x4xf32, #tpu.memory_space<hbm>>
      tpu.enqueue_indirect_dma source(%dma_start3A_62 : memref<10000x4xf32, #tpu.memory_space<hbm>>) target(%dma_start3A_56 : memref<128x4xf32, #tpu.memory_space<vmem>>) offsets(%dma_start3A_59 : memref<128xi32, #tpu.memory_space<vmem>>) semaphore(%arg15 : memref<!tpu.dma_semaphore, #tpu.memory_space<semaphore_mem>>)
      %dma_start3A_63 = arith.constant 3 : i32
      %dma_start3A_64 = arith.constant 3 : i32
      %dma_start3A_65 = arith.constant 0 : i32
      %dma_start3A_66 = arith.constant 0 : i32
      %dma_start3A_67 = tpu.memref_slice %arg9[%dma_start3A_64, %dma_start3A_65, %dma_start3A_66] : memref<4x128x4xf32, #tpu.memory_space<vmem>> -> memref<1x128x4xf32, #tpu.memory_space<vmem>>
      %dma_start3A_68 = tpu.memref_squeeze %dma_start3A_67 : memref<1x128x4xf32, #tpu.memory_space<vmem>> -> memref<128x4xf32, #tpu.memory_space<vmem>>
      %dma_start3A_69 = arith.constant 0 : i32
      %dma_start3A_70 = tpu.memref_slice %arg7[%dma_start3A_63, %dma_start3A_69] : memref<104x128xi32, #tpu.memory_space<vmem>> -> memref<1x128xi32, #tpu.memory_space<vmem>>
      %dma_start3A_71 = tpu.memref_squeeze %dma_start3A_70 : memref<1x128xi32, #tpu.memory_space<vmem>> -> memref<128xi32, #tpu.memory_space<vmem>>
      %dma_start3A_72 = arith.constant 0 : i32
      %dma_start3A_73 = arith.constant 0 : i32
      %dma_start3A_74 = tpu.memref_slice %arg4[%dma_start3A_72, %dma_start3A_73] : memref<10000x4xf32, #tpu.memory_space<hbm>> -> memref<10000x4xf32, #tpu.memory_space<hbm>>
      tpu.enqueue_indirect_dma source(%dma_start3A_74 : memref<10000x4xf32, #tpu.memory_space<hbm>>) target(%dma_start3A_68 : memref<128x4xf32, #tpu.memory_space<vmem>>) offsets(%dma_start3A_71 : memref<128xi32, #tpu.memory_space<vmem>>) semaphore(%arg16 : memref<!tpu.dma_semaphore, #tpu.memory_space<semaphore_mem>>)
    } else {
    }
    %mul3A = arith.constant 632 : i32
    %mul3A_7 = arith.muli %arg1, %mul3A : i32
    "tpu.region"() ({
      %run_scoped3A = tpu.sem_alloc : memref<!tpu.dma_semaphore, #tpu.memory_space<semaphore_mem>>
      %dma_start3A = arith.constant 0 : i32
      %dma_start3A_25 = tpu.memref_slice %arg5[%mul3A_7, %dma_start3A] : memref<10112x4xf32, #tpu.memory_space<hbm>> -> memref<632x4xf32, #tpu.memory_space<hbm>>
      %dma_start3A_26 = arith.constant 0 : i32
      %dma_start3A_27 = tpu.memref_slice %arg5[%mul3A_7, %dma_start3A_26] : memref<10112x4xf32, #tpu.memory_space<hbm>> -> memref<632x4xf32, #tpu.memory_space<hbm>>
      tpu.enqueue_dma source(%dma_start3A_27 : memref<632x4xf32, #tpu.memory_space<hbm>>) target(%arg10 : memref<632x4xf32, #tpu.memory_space<vmem>>) target_semaphore(%run_scoped3A : memref<!tpu.dma_semaphore, #tpu.memory_space<semaphore_mem>>)
      %dma_wait3A = arith.constant 0 : i32
      %dma_wait3A_28 = tpu.memref_slice %arg5[%mul3A_7, %dma_wait3A] : memref<10112x4xf32, #tpu.memory_space<hbm>> -> memref<632x4xf32, #tpu.memory_space<hbm>>
      %dma_wait3A_29 = arith.constant 0 : i32
      %dma_wait3A_30 = tpu.memref_slice %arg5[%mul3A_7, %dma_wait3A_29] : memref<10112x4xf32, #tpu.memory_space<hbm>> -> memref<632x4xf32, #tpu.memory_space<hbm>>
      tpu.wait_dma2 semaphore(%run_scoped3A : memref<!tpu.dma_semaphore, #tpu.memory_space<semaphore_mem>>) src(%dma_wait3A_30 : memref<632x4xf32, #tpu.memory_space<hbm>>) dst(%arg10 : memref<632x4xf32, #tpu.memory_space<vmem>>)
      tpu.yield
    }) : () -> ()
    %mul3A_8 = arith.constant 632 : i32
    %mul3A_9 = arith.muli %arg1, %mul3A_8 : i32
    "tpu.region"() ({
      %run_scoped3A = tpu.sem_alloc : memref<!tpu.dma_semaphore, #tpu.memory_space<semaphore_mem>>
      %dma_start3A = arith.constant 0 : i32
      %dma_start3A_25 = tpu.memref_slice %arg11[%mul3A_9, %dma_start3A] : memref<10112x4xf32, #tpu.memory_space<vmem_shared>> -> memref<632x4xf32, #tpu.memory_space<vmem_shared>>
      %dma_start3A_26 = arith.constant 0 : i32
      %dma_start3A_27 = tpu.memref_slice %arg11[%mul3A_9, %dma_start3A_26] : memref<10112x4xf32, #tpu.memory_space<vmem_shared>> -> memref<632x4xf32, #tpu.memory_space<vmem_shared>>
      tpu.enqueue_dma source(%arg10 : memref<632x4xf32, #tpu.memory_space<vmem>>) target(%dma_start3A_27 : memref<632x4xf32, #tpu.memory_space<vmem_shared>>) target_semaphore(%run_scoped3A : memref<!tpu.dma_semaphore, #tpu.memory_space<semaphore_mem>>)
      %dma_wait3A = arith.constant 0 : i32
      %dma_wait3A_28 = tpu.memref_slice %arg11[%mul3A_9, %dma_wait3A] : memref<10112x4xf32, #tpu.memory_space<vmem_shared>> -> memref<632x4xf32, #tpu.memory_space<vmem_shared>>
      %dma_wait3A_29 = arith.constant 0 : i32
      %dma_wait3A_30 = tpu.memref_slice %arg11[%mul3A_9, %dma_wait3A_29] : memref<10112x4xf32, #tpu.memory_space<vmem_shared>> -> memref<632x4xf32, #tpu.memory_space<vmem_shared>>
      tpu.wait_dma2 semaphore(%run_scoped3A : memref<!tpu.dma_semaphore, #tpu.memory_space<semaphore_mem>>) src(%arg10 : memref<632x4xf32, #tpu.memory_space<vmem>>) dst(%dma_wait3A_30 : memref<632x4xf32, #tpu.memory_space<vmem_shared>>)
      tpu.yield
    }) : () -> ()
    %barrier3A = arith.constant 0 : index
    tpu.barrier barrier_id(%barrier3A)
    %eq3A_10 = arith.constant 0 : i32
    %eq3A_11 = arith.cmpi eq, %arg0, %eq3A_10 : i32
    %convert_element_type3A_12 = arith.extui %eq3A_11 : i1 to i32
    %cond3A_13 = arith.constant 0 : i32
    %cond3A_14 = arith.cmpi ne, %convert_element_type3A_12, %cond3A_13 : i32
    scf.if %cond3A_14 {
      %scan3A = arith.constant 0 : i32
      %scan3A_25 = arith.constant 0 : i32
      %scan3A_26 = arith.constant 14 : i32
      %scan3A_27 = arith.addi %scan3A_25, %scan3A_26 : i32
      %scan3A_28 = arith.constant 1 : i32
      scf.for %scan3A_30 = %scan3A_25 to %scan3A_27 step %scan3A_28  : i32 {
        %mul3A_31 = arith.constant 4 : i32
        %mul3A_32 = arith.muli %scan3A_30, %mul3A_31 : i32
        %add3A = arith.constant 0 : i32
        %add3A_33 = arith.addi %mul3A_32, %add3A : i32
        %dma_wait3A = arith.constant 0 : i32
        %dma_wait3A_34 = arith.constant 0 : i32
        %dma_wait3A_35 = arith.constant 0 : i32
        %dma_wait3A_36 = tpu.memref_slice %arg9[%dma_wait3A, %dma_wait3A_34, %dma_wait3A_35] : memref<4x128x4xf32, #tpu.memory_space<vmem>> -> memref<1x128x4xf32, #tpu.memory_space<vmem>>
        %dma_wait3A_37 = tpu.memref_squeeze %dma_wait3A_36 : memref<1x128x4xf32, #tpu.memory_space<vmem>> -> memref<128x4xf32, #tpu.memory_space<vmem>>
        %dma_wait3A_38 = arith.constant 0 : i32
        %dma_wait3A_39 = tpu.memref_slice %arg7[%add3A_33, %dma_wait3A_38] : memref<104x128xi32, #tpu.memory_space<vmem>> -> memref<1x128xi32, #tpu.memory_space<vmem>>
        %dma_wait3A_40 = tpu.memref_squeeze %dma_wait3A_39 : memref<1x128xi32, #tpu.memory_space<vmem>> -> memref<128xi32, #tpu.memory_space<vmem>>
        %dma_wait3A_41 = arith.constant 0 : i32
        %dma_wait3A_42 = arith.constant 0 : i32
        %dma_wait3A_43 = tpu.memref_slice %arg4[%dma_wait3A_41, %dma_wait3A_42] : memref<10000x4xf32, #tpu.memory_space<hbm>> -> memref<10000x4xf32, #tpu.memory_space<hbm>>
        tpu.wait_indirect_dma semaphore(%arg13 : memref<!tpu.dma_semaphore, #tpu.memory_space<semaphore_mem>>) src(%dma_wait3A_43 : memref<10000x4xf32, #tpu.memory_space<hbm>>) dst(%dma_wait3A_37 : memref<128x4xf32, #tpu.memory_space<vmem>>)
        %dma_start3A = arith.constant 0 : i32
        %dma_start3A_44 = arith.constant 0 : i32
        %dma_start3A_45 = arith.constant 0 : i32
        %dma_start3A_46 = tpu.memref_slice %arg9[%dma_start3A, %dma_start3A_44, %dma_start3A_45] : memref<4x128x4xf32, #tpu.memory_space<vmem>> -> memref<1x128x4xf32, #tpu.memory_space<vmem>>
        %dma_start3A_47 = tpu.memref_squeeze %dma_start3A_46 : memref<1x128x4xf32, #tpu.memory_space<vmem>> -> memref<128x4xf32, #tpu.memory_space<vmem>>
        %dma_start3A_48 = arith.constant 0 : i32
        %dma_start3A_49 = tpu.memref_slice %arg8[%add3A_33, %dma_start3A_48] : memref<104x128xi32, #tpu.memory_space<vmem>> -> memref<1x128xi32, #tpu.memory_space<vmem>>
        %dma_start3A_50 = tpu.memref_squeeze %dma_start3A_49 : memref<1x128xi32, #tpu.memory_space<vmem>> -> memref<128xi32, #tpu.memory_space<vmem>>
        %dma_start3A_51 = arith.constant 0 : i32
        %dma_start3A_52 = arith.constant 0 : i32
        %dma_start3A_53 = tpu.memref_slice %arg11[%dma_start3A_51, %dma_start3A_52] : memref<10112x4xf32, #tpu.memory_space<vmem_shared>> -> memref<10112x4xf32, #tpu.memory_space<vmem_shared>>
        tpu.enqueue_indirect_dma source(%dma_start3A_47 : memref<128x4xf32, #tpu.memory_space<vmem>>) target(%dma_start3A_53 : memref<10112x4xf32, #tpu.memory_space<vmem_shared>>) offsets(%dma_start3A_50 : memref<128xi32, #tpu.memory_space<vmem>>) semaphore(%arg12 : memref<!tpu.dma_semaphore, #tpu.memory_space<semaphore_mem>>) {add = true}
        %dma_wait3A_54 = arith.constant 0 : i32
        %dma_wait3A_55 = arith.constant 0 : i32
        %dma_wait3A_56 = arith.constant 0 : i32
        %dma_wait3A_57 = tpu.memref_slice %arg9[%dma_wait3A_54, %dma_wait3A_55, %dma_wait3A_56] : memref<4x128x4xf32, #tpu.memory_space<vmem>> -> memref<1x128x4xf32, #tpu.memory_space<vmem>>
        %dma_wait3A_58 = tpu.memref_squeeze %dma_wait3A_57 : memref<1x128x4xf32, #tpu.memory_space<vmem>> -> memref<128x4xf32, #tpu.memory_space<vmem>>
        %dma_wait3A_59 = arith.constant 0 : i32
        %dma_wait3A_60 = tpu.memref_slice %arg8[%add3A_33, %dma_wait3A_59] : memref<104x128xi32, #tpu.memory_space<vmem>> -> memref<1x128xi32, #tpu.memory_space<vmem>>
        %dma_wait3A_61 = tpu.memref_squeeze %dma_wait3A_60 : memref<1x128xi32, #tpu.memory_space<vmem>> -> memref<128xi32, #tpu.memory_space<vmem>>
        %dma_wait3A_62 = arith.constant 0 : i32
        %dma_wait3A_63 = arith.constant 0 : i32
        %dma_wait3A_64 = tpu.memref_slice %arg11[%dma_wait3A_62, %dma_wait3A_63] : memref<10112x4xf32, #tpu.memory_space<vmem_shared>> -> memref<10112x4xf32, #tpu.memory_space<vmem_shared>>
        tpu.wait_indirect_dma semaphore(%arg12 : memref<!tpu.dma_semaphore, #tpu.memory_space<semaphore_mem>>) src(%dma_wait3A_58 : memref<128x4xf32, #tpu.memory_space<vmem>>) dst(%dma_wait3A_64 : memref<10112x4xf32, #tpu.memory_space<vmem_shared>>)
        %lt3A = arith.constant 13 : i32
        %lt3A_65 = arith.cmpi slt, %scan3A_30, %lt3A : i32
        %convert_element_type3A_66 = arith.extui %lt3A_65 : i1 to i32
        %cond3A_67 = arith.constant 0 : i32
        %cond3A_68 = arith.cmpi ne, %convert_element_type3A_66, %cond3A_67 : i32
        scf.if %cond3A_68 {
          %add3A_195 = arith.constant 4 : i32
          %add3A_196 = arith.addi %add3A_33, %add3A_195 : i32
          %dma_start3A_197 = arith.constant 0 : i32
          %dma_start3A_198 = arith.constant 0 : i32
          %dma_start3A_199 = arith.constant 0 : i32
          %dma_start3A_200 = tpu.memref_slice %arg9[%dma_start3A_197, %dma_start3A_198, %dma_start3A_199] : memref<4x128x4xf32, #tpu.memory_space<vmem>> -> memref<1x128x4xf32, #tpu.memory_space<vmem>>
          %dma_start3A_201 = tpu.memref_squeeze %dma_start3A_200 : memref<1x128x4xf32, #tpu.memory_space<vmem>> -> memref<128x4xf32, #tpu.memory_space<vmem>>
          %dma_start3A_202 = arith.constant 0 : i32
          %dma_start3A_203 = tpu.memref_slice %arg7[%add3A_196, %dma_start3A_202] : memref<104x128xi32, #tpu.memory_space<vmem>> -> memref<1x128xi32, #tpu.memory_space<vmem>>
          %dma_start3A_204 = tpu.memref_squeeze %dma_start3A_203 : memref<1x128xi32, #tpu.memory_space<vmem>> -> memref<128xi32, #tpu.memory_space<vmem>>
          %dma_start3A_205 = arith.constant 0 : i32
          %dma_start3A_206 = arith.constant 0 : i32
          %dma_start3A_207 = tpu.memref_slice %arg4[%dma_start3A_205, %dma_start3A_206] : memref<10000x4xf32, #tpu.memory_space<hbm>> -> memref<10000x4xf32, #tpu.memory_space<hbm>>
          tpu.enqueue_indirect_dma source(%dma_start3A_207 : memref<10000x4xf32, #tpu.memory_space<hbm>>) target(%dma_start3A_201 : memref<128x4xf32, #tpu.memory_space<vmem>>) offsets(%dma_start3A_204 : memref<128xi32, #tpu.memory_space<vmem>>) semaphore(%arg13 : memref<!tpu.dma_semaphore, #tpu.memory_space<semaphore_mem>>)
        } else {
        }
        %mul3A_69 = arith.constant 4 : i32
        %mul3A_70 = arith.muli %scan3A_30, %mul3A_69 : i32
        %add3A_71 = arith.constant 1 : i32
        %add3A_72 = arith.addi %mul3A_70, %add3A_71 : i32
        %dma_wait3A_73 = arith.constant 1 : i32
        %dma_wait3A_74 = arith.constant 0 : i32
        %dma_wait3A_75 = arith.constant 0 : i32
        %dma_wait3A_76 = tpu.memref_slice %arg9[%dma_wait3A_73, %dma_wait3A_74, %dma_wait3A_75] : memref<4x128x4xf32, #tpu.memory_space<vmem>> -> memref<1x128x4xf32, #tpu.memory_space<vmem>>
        %dma_wait3A_77 = tpu.memref_squeeze %dma_wait3A_76 : memref<1x128x4xf32, #tpu.memory_space<vmem>> -> memref<128x4xf32, #tpu.memory_space<vmem>>
        %dma_wait3A_78 = arith.constant 0 : i32
        %dma_wait3A_79 = tpu.memref_slice %arg7[%add3A_72, %dma_wait3A_78] : memref<104x128xi32, #tpu.memory_space<vmem>> -> memref<1x128xi32, #tpu.memory_space<vmem>>
        %dma_wait3A_80 = tpu.memref_squeeze %dma_wait3A_79 : memref<1x128xi32, #tpu.memory_space<vmem>> -> memref<128xi32, #tpu.memory_space<vmem>>
        %dma_wait3A_81 = arith.constant 0 : i32
        %dma_wait3A_82 = arith.constant 0 : i32
        %dma_wait3A_83 = tpu.memref_slice %arg4[%dma_wait3A_81, %dma_wait3A_82] : memref<10000x4xf32, #tpu.memory_space<hbm>> -> memref<10000x4xf32, #tpu.memory_space<hbm>>
        tpu.wait_indirect_dma semaphore(%arg14 : memref<!tpu.dma_semaphore, #tpu.memory_space<semaphore_mem>>) src(%dma_wait3A_83 : memref<10000x4xf32, #tpu.memory_space<hbm>>) dst(%dma_wait3A_77 : memref<128x4xf32, #tpu.memory_space<vmem>>)
        %dma_start3A_84 = arith.constant 1 : i32
        %dma_start3A_85 = arith.constant 0 : i32
        %dma_start3A_86 = arith.constant 0 : i32
        %dma_start3A_87 = tpu.memref_slice %arg9[%dma_start3A_84, %dma_start3A_85, %dma_start3A_86] : memref<4x128x4xf32, #tpu.memory_space<vmem>> -> memref<1x128x4xf32, #tpu.memory_space<vmem>>
        %dma_start3A_88 = tpu.memref_squeeze %dma_start3A_87 : memref<1x128x4xf32, #tpu.memory_space<vmem>> -> memref<128x4xf32, #tpu.memory_space<vmem>>
        %dma_start3A_89 = arith.constant 0 : i32
        %dma_start3A_90 = tpu.memref_slice %arg8[%add3A_72, %dma_start3A_89] : memref<104x128xi32, #tpu.memory_space<vmem>> -> memref<1x128xi32, #tpu.memory_space<vmem>>
        %dma_start3A_91 = tpu.memref_squeeze %dma_start3A_90 : memref<1x128xi32, #tpu.memory_space<vmem>> -> memref<128xi32, #tpu.memory_space<vmem>>
        %dma_start3A_92 = arith.constant 0 : i32
        %dma_start3A_93 = arith.constant 0 : i32
        %dma_start3A_94 = tpu.memref_slice %arg11[%dma_start3A_92, %dma_start3A_93] : memref<10112x4xf32, #tpu.memory_space<vmem_shared>> -> memref<10112x4xf32, #tpu.memory_space<vmem_shared>>
        tpu.enqueue_indirect_dma source(%dma_start3A_88 : memref<128x4xf32, #tpu.memory_space<vmem>>) target(%dma_start3A_94 : memref<10112x4xf32, #tpu.memory_space<vmem_shared>>) offsets(%dma_start3A_91 : memref<128xi32, #tpu.memory_space<vmem>>) semaphore(%arg12 : memref<!tpu.dma_semaphore, #tpu.memory_space<semaphore_mem>>) {add = true}
        %dma_wait3A_95 = arith.constant 1 : i32
        %dma_wait3A_96 = arith.constant 0 : i32
        %dma_wait3A_97 = arith.constant 0 : i32
        %dma_wait3A_98 = tpu.memref_slice %arg9[%dma_wait3A_95, %dma_wait3A_96, %dma_wait3A_97] : memref<4x128x4xf32, #tpu.memory_space<vmem>> -> memref<1x128x4xf32, #tpu.memory_space<vmem>>
        %dma_wait3A_99 = tpu.memref_squeeze %dma_wait3A_98 : memref<1x128x4xf32, #tpu.memory_space<vmem>> -> memref<128x4xf32, #tpu.memory_space<vmem>>
        %dma_wait3A_100 = arith.constant 0 : i32
        %dma_wait3A_101 = tpu.memref_slice %arg8[%add3A_72, %dma_wait3A_100] : memref<104x128xi32, #tpu.memory_space<vmem>> -> memref<1x128xi32, #tpu.memory_space<vmem>>
        %dma_wait3A_102 = tpu.memref_squeeze %dma_wait3A_101 : memref<1x128xi32, #tpu.memory_space<vmem>> -> memref<128xi32, #tpu.memory_space<vmem>>
        %dma_wait3A_103 = arith.constant 0 : i32
        %dma_wait3A_104 = arith.constant 0 : i32
        %dma_wait3A_105 = tpu.memref_slice %arg11[%dma_wait3A_103, %dma_wait3A_104] : memref<10112x4xf32, #tpu.memory_space<vmem_shared>> -> memref<10112x4xf32, #tpu.memory_space<vmem_shared>>
        tpu.wait_indirect_dma semaphore(%arg12 : memref<!tpu.dma_semaphore, #tpu.memory_space<semaphore_mem>>) src(%dma_wait3A_99 : memref<128x4xf32, #tpu.memory_space<vmem>>) dst(%dma_wait3A_105 : memref<10112x4xf32, #tpu.memory_space<vmem_shared>>)
        %lt3A_106 = arith.constant 13 : i32
        %lt3A_107 = arith.cmpi slt, %scan3A_30, %lt3A_106 : i32
        %convert_element_type3A_108 = arith.extui %lt3A_107 : i1 to i32
        %cond3A_109 = arith.constant 0 : i32
        %cond3A_110 = arith.cmpi ne, %convert_element_type3A_108, %cond3A_109 : i32
        scf.if %cond3A_110 {
          %add3A_195 = arith.constant 4 : i32
          %add3A_196 = arith.addi %add3A_72, %add3A_195 : i32
          %dma_start3A_197 = arith.constant 1 : i32
          %dma_start3A_198 = arith.constant 0 : i32
          %dma_start3A_199 = arith.constant 0 : i32
          %dma_start3A_200 = tpu.memref_slice %arg9[%dma_start3A_197, %dma_start3A_198, %dma_start3A_199] : memref<4x128x4xf32, #tpu.memory_space<vmem>> -> memref<1x128x4xf32, #tpu.memory_space<vmem>>
          %dma_start3A_201 = tpu.memref_squeeze %dma_start3A_200 : memref<1x128x4xf32, #tpu.memory_space<vmem>> -> memref<128x4xf32, #tpu.memory_space<vmem>>
          %dma_start3A_202 = arith.constant 0 : i32
          %dma_start3A_203 = tpu.memref_slice %arg7[%add3A_196, %dma_start3A_202] : memref<104x128xi32, #tpu.memory_space<vmem>> -> memref<1x128xi32, #tpu.memory_space<vmem>>
          %dma_start3A_204 = tpu.memref_squeeze %dma_start3A_203 : memref<1x128xi32, #tpu.memory_space<vmem>> -> memref<128xi32, #tpu.memory_space<vmem>>
          %dma_start3A_205 = arith.constant 0 : i32
          %dma_start3A_206 = arith.constant 0 : i32
          %dma_start3A_207 = tpu.memref_slice %arg4[%dma_start3A_205, %dma_start3A_206] : memref<10000x4xf32, #tpu.memory_space<hbm>> -> memref<10000x4xf32, #tpu.memory_space<hbm>>
          tpu.enqueue_indirect_dma source(%dma_start3A_207 : memref<10000x4xf32, #tpu.memory_space<hbm>>) target(%dma_start3A_201 : memref<128x4xf32, #tpu.memory_space<vmem>>) offsets(%dma_start3A_204 : memref<128xi32, #tpu.memory_space<vmem>>) semaphore(%arg14 : memref<!tpu.dma_semaphore, #tpu.memory_space<semaphore_mem>>)
        } else {
        }
        %mul3A_111 = arith.constant 4 : i32
        %mul3A_112 = arith.muli %scan3A_30, %mul3A_111 : i32
        %add3A_113 = arith.constant 2 : i32
        %add3A_114 = arith.addi %mul3A_112, %add3A_113 : i32
        %dma_wait3A_115 = arith.constant 2 : i32
        %dma_wait3A_116 = arith.constant 0 : i32
        %dma_wait3A_117 = arith.constant 0 : i32
        %dma_wait3A_118 = tpu.memref_slice %arg9[%dma_wait3A_115, %dma_wait3A_116, %dma_wait3A_117] : memref<4x128x4xf32, #tpu.memory_space<vmem>> -> memref<1x128x4xf32, #tpu.memory_space<vmem>>
        %dma_wait3A_119 = tpu.memref_squeeze %dma_wait3A_118 : memref<1x128x4xf32, #tpu.memory_space<vmem>> -> memref<128x4xf32, #tpu.memory_space<vmem>>
        %dma_wait3A_120 = arith.constant 0 : i32
        %dma_wait3A_121 = tpu.memref_slice %arg7[%add3A_114, %dma_wait3A_120] : memref<104x128xi32, #tpu.memory_space<vmem>> -> memref<1x128xi32, #tpu.memory_space<vmem>>
        %dma_wait3A_122 = tpu.memref_squeeze %dma_wait3A_121 : memref<1x128xi32, #tpu.memory_space<vmem>> -> memref<128xi32, #tpu.memory_space<vmem>>
        %dma_wait3A_123 = arith.constant 0 : i32
        %dma_wait3A_124 = arith.constant 0 : i32
        %dma_wait3A_125 = tpu.memref_slice %arg4[%dma_wait3A_123, %dma_wait3A_124] : memref<10000x4xf32, #tpu.memory_space<hbm>> -> memref<10000x4xf32, #tpu.memory_space<hbm>>
        tpu.wait_indirect_dma semaphore(%arg15 : memref<!tpu.dma_semaphore, #tpu.memory_space<semaphore_mem>>) src(%dma_wait3A_125 : memref<10000x4xf32, #tpu.memory_space<hbm>>) dst(%dma_wait3A_119 : memref<128x4xf32, #tpu.memory_space<vmem>>)
        %dma_start3A_126 = arith.constant 2 : i32
        %dma_start3A_127 = arith.constant 0 : i32
        %dma_start3A_128 = arith.constant 0 : i32
        %dma_start3A_129 = tpu.memref_slice %arg9[%dma_start3A_126, %dma_start3A_127, %dma_start3A_128] : memref<4x128x4xf32, #tpu.memory_space<vmem>> -> memref<1x128x4xf32, #tpu.memory_space<vmem>>
        %dma_start3A_130 = tpu.memref_squeeze %dma_start3A_129 : memref<1x128x4xf32, #tpu.memory_space<vmem>> -> memref<128x4xf32, #tpu.memory_space<vmem>>
        %dma_start3A_131 = arith.constant 0 : i32
        %dma_start3A_132 = tpu.memref_slice %arg8[%add3A_114, %dma_start3A_131] : memref<104x128xi32, #tpu.memory_space<vmem>> -> memref<1x128xi32, #tpu.memory_space<vmem>>
        %dma_start3A_133 = tpu.memref_squeeze %dma_start3A_132 : memref<1x128xi32, #tpu.memory_space<vmem>> -> memref<128xi32, #tpu.memory_space<vmem>>
        %dma_start3A_134 = arith.constant 0 : i32
        %dma_start3A_135 = arith.constant 0 : i32
        %dma_start3A_136 = tpu.memref_slice %arg11[%dma_start3A_134, %dma_start3A_135] : memref<10112x4xf32, #tpu.memory_space<vmem_shared>> -> memref<10112x4xf32, #tpu.memory_space<vmem_shared>>
        tpu.enqueue_indirect_dma source(%dma_start3A_130 : memref<128x4xf32, #tpu.memory_space<vmem>>) target(%dma_start3A_136 : memref<10112x4xf32, #tpu.memory_space<vmem_shared>>) offsets(%dma_start3A_133 : memref<128xi32, #tpu.memory_space<vmem>>) semaphore(%arg12 : memref<!tpu.dma_semaphore, #tpu.memory_space<semaphore_mem>>) {add = true}
        %dma_wait3A_137 = arith.constant 2 : i32
        %dma_wait3A_138 = arith.constant 0 : i32
        %dma_wait3A_139 = arith.constant 0 : i32
        %dma_wait3A_140 = tpu.memref_slice %arg9[%dma_wait3A_137, %dma_wait3A_138, %dma_wait3A_139] : memref<4x128x4xf32, #tpu.memory_space<vmem>> -> memref<1x128x4xf32, #tpu.memory_space<vmem>>
        %dma_wait3A_141 = tpu.memref_squeeze %dma_wait3A_140 : memref<1x128x4xf32, #tpu.memory_space<vmem>> -> memref<128x4xf32, #tpu.memory_space<vmem>>
        %dma_wait3A_142 = arith.constant 0 : i32
        %dma_wait3A_143 = tpu.memref_slice %arg8[%add3A_114, %dma_wait3A_142] : memref<104x128xi32, #tpu.memory_space<vmem>> -> memref<1x128xi32, #tpu.memory_space<vmem>>
        %dma_wait3A_144 = tpu.memref_squeeze %dma_wait3A_143 : memref<1x128xi32, #tpu.memory_space<vmem>> -> memref<128xi32, #tpu.memory_space<vmem>>
        %dma_wait3A_145 = arith.constant 0 : i32
        %dma_wait3A_146 = arith.constant 0 : i32
        %dma_wait3A_147 = tpu.memref_slice %arg11[%dma_wait3A_145, %dma_wait3A_146] : memref<10112x4xf32, #tpu.memory_space<vmem_shared>> -> memref<10112x4xf32, #tpu.memory_space<vmem_shared>>
        tpu.wait_indirect_dma semaphore(%arg12 : memref<!tpu.dma_semaphore, #tpu.memory_space<semaphore_mem>>) src(%dma_wait3A_141 : memref<128x4xf32, #tpu.memory_space<vmem>>) dst(%dma_wait3A_147 : memref<10112x4xf32, #tpu.memory_space<vmem_shared>>)
        %lt3A_148 = arith.constant 13 : i32
        %lt3A_149 = arith.cmpi slt, %scan3A_30, %lt3A_148 : i32
        %convert_element_type3A_150 = arith.extui %lt3A_149 : i1 to i32
        %cond3A_151 = arith.constant 0 : i32
        %cond3A_152 = arith.cmpi ne, %convert_element_type3A_150, %cond3A_151 : i32
        scf.if %cond3A_152 {
          %add3A_195 = arith.constant 4 : i32
          %add3A_196 = arith.addi %add3A_114, %add3A_195 : i32
          %dma_start3A_197 = arith.constant 2 : i32
          %dma_start3A_198 = arith.constant 0 : i32
          %dma_start3A_199 = arith.constant 0 : i32
          %dma_start3A_200 = tpu.memref_slice %arg9[%dma_start3A_197, %dma_start3A_198, %dma_start3A_199] : memref<4x128x4xf32, #tpu.memory_space<vmem>> -> memref<1x128x4xf32, #tpu.memory_space<vmem>>
          %dma_start3A_201 = tpu.memref_squeeze %dma_start3A_200 : memref<1x128x4xf32, #tpu.memory_space<vmem>> -> memref<128x4xf32, #tpu.memory_space<vmem>>
          %dma_start3A_202 = arith.constant 0 : i32
          %dma_start3A_203 = tpu.memref_slice %arg7[%add3A_196, %dma_start3A_202] : memref<104x128xi32, #tpu.memory_space<vmem>> -> memref<1x128xi32, #tpu.memory_space<vmem>>
          %dma_start3A_204 = tpu.memref_squeeze %dma_start3A_203 : memref<1x128xi32, #tpu.memory_space<vmem>> -> memref<128xi32, #tpu.memory_space<vmem>>
          %dma_start3A_205 = arith.constant 0 : i32
          %dma_start3A_206 = arith.constant 0 : i32
          %dma_start3A_207 = tpu.memref_slice %arg4[%dma_start3A_205, %dma_start3A_206] : memref<10000x4xf32, #tpu.memory_space<hbm>> -> memref<10000x4xf32, #tpu.memory_space<hbm>>
          tpu.enqueue_indirect_dma source(%dma_start3A_207 : memref<10000x4xf32, #tpu.memory_space<hbm>>) target(%dma_start3A_201 : memref<128x4xf32, #tpu.memory_space<vmem>>) offsets(%dma_start3A_204 : memref<128xi32, #tpu.memory_space<vmem>>) semaphore(%arg15 : memref<!tpu.dma_semaphore, #tpu.memory_space<semaphore_mem>>)
        } else {
        }
        %mul3A_153 = arith.constant 4 : i32
        %mul3A_154 = arith.muli %scan3A_30, %mul3A_153 : i32
        %add3A_155 = arith.constant 3 : i32
        %add3A_156 = arith.addi %mul3A_154, %add3A_155 : i32
        %dma_wait3A_157 = arith.constant 3 : i32
        %dma_wait3A_158 = arith.constant 0 : i32
        %dma_wait3A_159 = arith.constant 0 : i32
        %dma_wait3A_160 = tpu.memref_slice %arg9[%dma_wait3A_157, %dma_wait3A_158, %dma_wait3A_159] : memref<4x128x4xf32, #tpu.memory_space<vmem>> -> memref<1x128x4xf32, #tpu.memory_space<vmem>>
        %dma_wait3A_161 = tpu.memref_squeeze %dma_wait3A_160 : memref<1x128x4xf32, #tpu.memory_space<vmem>> -> memref<128x4xf32, #tpu.memory_space<vmem>>
        %dma_wait3A_162 = arith.constant 0 : i32
        %dma_wait3A_163 = tpu.memref_slice %arg7[%add3A_156, %dma_wait3A_162] : memref<104x128xi32, #tpu.memory_space<vmem>> -> memref<1x128xi32, #tpu.memory_space<vmem>>
        %dma_wait3A_164 = tpu.memref_squeeze %dma_wait3A_163 : memref<1x128xi32, #tpu.memory_space<vmem>> -> memref<128xi32, #tpu.memory_space<vmem>>
        %dma_wait3A_165 = arith.constant 0 : i32
        %dma_wait3A_166 = arith.constant 0 : i32
        %dma_wait3A_167 = tpu.memref_slice %arg4[%dma_wait3A_165, %dma_wait3A_166] : memref<10000x4xf32, #tpu.memory_space<hbm>> -> memref<10000x4xf32, #tpu.memory_space<hbm>>
        tpu.wait_indirect_dma semaphore(%arg16 : memref<!tpu.dma_semaphore, #tpu.memory_space<semaphore_mem>>) src(%dma_wait3A_167 : memref<10000x4xf32, #tpu.memory_space<hbm>>) dst(%dma_wait3A_161 : memref<128x4xf32, #tpu.memory_space<vmem>>)
        %dma_start3A_168 = arith.constant 3 : i32
        %dma_start3A_169 = arith.constant 0 : i32
        %dma_start3A_170 = arith.constant 0 : i32
        %dma_start3A_171 = tpu.memref_slice %arg9[%dma_start3A_168, %dma_start3A_169, %dma_start3A_170] : memref<4x128x4xf32, #tpu.memory_space<vmem>> -> memref<1x128x4xf32, #tpu.memory_space<vmem>>
        %dma_start3A_172 = tpu.memref_squeeze %dma_start3A_171 : memref<1x128x4xf32, #tpu.memory_space<vmem>> -> memref<128x4xf32, #tpu.memory_space<vmem>>
        %dma_start3A_173 = arith.constant 0 : i32
        %dma_start3A_174 = tpu.memref_slice %arg8[%add3A_156, %dma_start3A_173] : memref<104x128xi32, #tpu.memory_space<vmem>> -> memref<1x128xi32, #tpu.memory_space<vmem>>
        %dma_start3A_175 = tpu.memref_squeeze %dma_start3A_174 : memref<1x128xi32, #tpu.memory_space<vmem>> -> memref<128xi32, #tpu.memory_space<vmem>>
        %dma_start3A_176 = arith.constant 0 : i32
        %dma_start3A_177 = arith.constant 0 : i32
        %dma_start3A_178 = tpu.memref_slice %arg11[%dma_start3A_176, %dma_start3A_177] : memref<10112x4xf32, #tpu.memory_space<vmem_shared>> -> memref<10112x4xf32, #tpu.memory_space<vmem_shared>>
        tpu.enqueue_indirect_dma source(%dma_start3A_172 : memref<128x4xf32, #tpu.memory_space<vmem>>) target(%dma_start3A_178 : memref<10112x4xf32, #tpu.memory_space<vmem_shared>>) offsets(%dma_start3A_175 : memref<128xi32, #tpu.memory_space<vmem>>) semaphore(%arg12 : memref<!tpu.dma_semaphore, #tpu.memory_space<semaphore_mem>>) {add = true}
        %dma_wait3A_179 = arith.constant 3 : i32
        %dma_wait3A_180 = arith.constant 0 : i32
        %dma_wait3A_181 = arith.constant 0 : i32
        %dma_wait3A_182 = tpu.memref_slice %arg9[%dma_wait3A_179, %dma_wait3A_180, %dma_wait3A_181] : memref<4x128x4xf32, #tpu.memory_space<vmem>> -> memref<1x128x4xf32, #tpu.memory_space<vmem>>
        %dma_wait3A_183 = tpu.memref_squeeze %dma_wait3A_182 : memref<1x128x4xf32, #tpu.memory_space<vmem>> -> memref<128x4xf32, #tpu.memory_space<vmem>>
        %dma_wait3A_184 = arith.constant 0 : i32
        %dma_wait3A_185 = tpu.memref_slice %arg8[%add3A_156, %dma_wait3A_184] : memref<104x128xi32, #tpu.memory_space<vmem>> -> memref<1x128xi32, #tpu.memory_space<vmem>>
        %dma_wait3A_186 = tpu.memref_squeeze %dma_wait3A_185 : memref<1x128xi32, #tpu.memory_space<vmem>> -> memref<128xi32, #tpu.memory_space<vmem>>
        %dma_wait3A_187 = arith.constant 0 : i32
        %dma_wait3A_188 = arith.constant 0 : i32
        %dma_wait3A_189 = tpu.memref_slice %arg11[%dma_wait3A_187, %dma_wait3A_188] : memref<10112x4xf32, #tpu.memory_space<vmem_shared>> -> memref<10112x4xf32, #tpu.memory_space<vmem_shared>>
        tpu.wait_indirect_dma semaphore(%arg12 : memref<!tpu.dma_semaphore, #tpu.memory_space<semaphore_mem>>) src(%dma_wait3A_183 : memref<128x4xf32, #tpu.memory_space<vmem>>) dst(%dma_wait3A_189 : memref<10112x4xf32, #tpu.memory_space<vmem_shared>>)
        %lt3A_190 = arith.constant 13 : i32
        %lt3A_191 = arith.cmpi slt, %scan3A_30, %lt3A_190 : i32
        %convert_element_type3A_192 = arith.extui %lt3A_191 : i1 to i32
        %cond3A_193 = arith.constant 0 : i32
        %cond3A_194 = arith.cmpi ne, %convert_element_type3A_192, %cond3A_193 : i32
        scf.if %cond3A_194 {
          %add3A_195 = arith.constant 4 : i32
          %add3A_196 = arith.addi %add3A_156, %add3A_195 : i32
          %dma_start3A_197 = arith.constant 3 : i32
          %dma_start3A_198 = arith.constant 0 : i32
          %dma_start3A_199 = arith.constant 0 : i32
          %dma_start3A_200 = tpu.memref_slice %arg9[%dma_start3A_197, %dma_start3A_198, %dma_start3A_199] : memref<4x128x4xf32, #tpu.memory_space<vmem>> -> memref<1x128x4xf32, #tpu.memory_space<vmem>>
          %dma_start3A_201 = tpu.memref_squeeze %dma_start3A_200 : memref<1x128x4xf32, #tpu.memory_space<vmem>> -> memref<128x4xf32, #tpu.memory_space<vmem>>
          %dma_start3A_202 = arith.constant 0 : i32
          %dma_start3A_203 = tpu.memref_slice %arg7[%add3A_196, %dma_start3A_202] : memref<104x128xi32, #tpu.memory_space<vmem>> -> memref<1x128xi32, #tpu.memory_space<vmem>>
          %dma_start3A_204 = tpu.memref_squeeze %dma_start3A_203 : memref<1x128xi32, #tpu.memory_space<vmem>> -> memref<128xi32, #tpu.memory_space<vmem>>
          %dma_start3A_205 = arith.constant 0 : i32
          %dma_start3A_206 = arith.constant 0 : i32
          %dma_start3A_207 = tpu.memref_slice %arg4[%dma_start3A_205, %dma_start3A_206] : memref<10000x4xf32, #tpu.memory_space<hbm>> -> memref<10000x4xf32, #tpu.memory_space<hbm>>
          tpu.enqueue_indirect_dma source(%dma_start3A_207 : memref<10000x4xf32, #tpu.memory_space<hbm>>) target(%dma_start3A_201 : memref<128x4xf32, #tpu.memory_space<vmem>>) offsets(%dma_start3A_204 : memref<128xi32, #tpu.memory_space<vmem>>) semaphore(%arg16 : memref<!tpu.dma_semaphore, #tpu.memory_space<semaphore_mem>>)
        } else {
        }
      }
      %scan3A_29 = arith.constant 14 : i32
    } else {
    }
    %eq3A_15 = arith.constant 1 : i32
    %eq3A_16 = arith.cmpi eq, %arg0, %eq3A_15 : i32
    %convert_element_type3A_17 = arith.extui %eq3A_16 : i1 to i32
    %cond3A_18 = arith.constant 0 : i32
    %cond3A_19 = arith.cmpi ne, %convert_element_type3A_17, %cond3A_18 : i32
    scf.if %cond3A_19 {
      %scan3A = arith.constant 0 : i32
      %scan3A_25 = arith.constant 0 : i32
      %scan3A_26 = arith.constant 26 : i32
      %scan3A_27 = arith.addi %scan3A_25, %scan3A_26 : i32
      %scan3A_28 = arith.constant 1 : i32
      scf.for %scan3A_30 = %scan3A_25 to %scan3A_27 step %scan3A_28  : i32 {
        %mul3A_31 = arith.constant 4 : i32
        %mul3A_32 = arith.muli %scan3A_30, %mul3A_31 : i32
        %add3A = arith.constant 0 : i32
        %add3A_33 = arith.addi %mul3A_32, %add3A : i32
        %dma_wait3A = arith.constant 0 : i32
        %dma_wait3A_34 = arith.constant 0 : i32
        %dma_wait3A_35 = arith.constant 0 : i32
        %dma_wait3A_36 = tpu.memref_slice %arg9[%dma_wait3A, %dma_wait3A_34, %dma_wait3A_35] : memref<4x128x4xf32, #tpu.memory_space<vmem>> -> memref<1x128x4xf32, #tpu.memory_space<vmem>>
        %dma_wait3A_37 = tpu.memref_squeeze %dma_wait3A_36 : memref<1x128x4xf32, #tpu.memory_space<vmem>> -> memref<128x4xf32, #tpu.memory_space<vmem>>
        %dma_wait3A_38 = arith.constant 0 : i32
        %dma_wait3A_39 = tpu.memref_slice %arg7[%add3A_33, %dma_wait3A_38] : memref<104x128xi32, #tpu.memory_space<vmem>> -> memref<1x128xi32, #tpu.memory_space<vmem>>
        %dma_wait3A_40 = tpu.memref_squeeze %dma_wait3A_39 : memref<1x128xi32, #tpu.memory_space<vmem>> -> memref<128xi32, #tpu.memory_space<vmem>>
        %dma_wait3A_41 = arith.constant 0 : i32
        %dma_wait3A_42 = arith.constant 0 : i32
        %dma_wait3A_43 = tpu.memref_slice %arg4[%dma_wait3A_41, %dma_wait3A_42] : memref<10000x4xf32, #tpu.memory_space<hbm>> -> memref<10000x4xf32, #tpu.memory_space<hbm>>
        tpu.wait_indirect_dma semaphore(%arg13 : memref<!tpu.dma_semaphore, #tpu.memory_space<semaphore_mem>>) src(%dma_wait3A_43 : memref<10000x4xf32, #tpu.memory_space<hbm>>) dst(%dma_wait3A_37 : memref<128x4xf32, #tpu.memory_space<vmem>>)
        %dma_start3A = arith.constant 0 : i32
        %dma_start3A_44 = arith.constant 0 : i32
        %dma_start3A_45 = arith.constant 0 : i32
        %dma_start3A_46 = tpu.memref_slice %arg9[%dma_start3A, %dma_start3A_44, %dma_start3A_45] : memref<4x128x4xf32, #tpu.memory_space<vmem>> -> memref<1x128x4xf32, #tpu.memory_space<vmem>>
        %dma_start3A_47 = tpu.memref_squeeze %dma_start3A_46 : memref<1x128x4xf32, #tpu.memory_space<vmem>> -> memref<128x4xf32, #tpu.memory_space<vmem>>
        %dma_start3A_48 = arith.constant 0 : i32
        %dma_start3A_49 = tpu.memref_slice %arg8[%add3A_33, %dma_start3A_48] : memref<104x128xi32, #tpu.memory_space<vmem>> -> memref<1x128xi32, #tpu.memory_space<vmem>>
        %dma_start3A_50 = tpu.memref_squeeze %dma_start3A_49 : memref<1x128xi32, #tpu.memory_space<vmem>> -> memref<128xi32, #tpu.memory_space<vmem>>
        %dma_start3A_51 = arith.constant 0 : i32
        %dma_start3A_52 = arith.constant 0 : i32
        %dma_start3A_53 = tpu.memref_slice %arg11[%dma_start3A_51, %dma_start3A_52] : memref<10112x4xf32, #tpu.memory_space<vmem_shared>> -> memref<10112x4xf32, #tpu.memory_space<vmem_shared>>
        tpu.enqueue_indirect_dma source(%dma_start3A_47 : memref<128x4xf32, #tpu.memory_space<vmem>>) target(%dma_start3A_53 : memref<10112x4xf32, #tpu.memory_space<vmem_shared>>) offsets(%dma_start3A_50 : memref<128xi32, #tpu.memory_space<vmem>>) semaphore(%arg12 : memref<!tpu.dma_semaphore, #tpu.memory_space<semaphore_mem>>) {add = true}
        %dma_wait3A_54 = arith.constant 0 : i32
        %dma_wait3A_55 = arith.constant 0 : i32
        %dma_wait3A_56 = arith.constant 0 : i32
        %dma_wait3A_57 = tpu.memref_slice %arg9[%dma_wait3A_54, %dma_wait3A_55, %dma_wait3A_56] : memref<4x128x4xf32, #tpu.memory_space<vmem>> -> memref<1x128x4xf32, #tpu.memory_space<vmem>>
        %dma_wait3A_58 = tpu.memref_squeeze %dma_wait3A_57 : memref<1x128x4xf32, #tpu.memory_space<vmem>> -> memref<128x4xf32, #tpu.memory_space<vmem>>
        %dma_wait3A_59 = arith.constant 0 : i32
        %dma_wait3A_60 = tpu.memref_slice %arg8[%add3A_33, %dma_wait3A_59] : memref<104x128xi32, #tpu.memory_space<vmem>> -> memref<1x128xi32, #tpu.memory_space<vmem>>
        %dma_wait3A_61 = tpu.memref_squeeze %dma_wait3A_60 : memref<1x128xi32, #tpu.memory_space<vmem>> -> memref<128xi32, #tpu.memory_space<vmem>>
        %dma_wait3A_62 = arith.constant 0 : i32
        %dma_wait3A_63 = arith.constant 0 : i32
        %dma_wait3A_64 = tpu.memref_slice %arg11[%dma_wait3A_62, %dma_wait3A_63] : memref<10112x4xf32, #tpu.memory_space<vmem_shared>> -> memref<10112x4xf32, #tpu.memory_space<vmem_shared>>
        tpu.wait_indirect_dma semaphore(%arg12 : memref<!tpu.dma_semaphore, #tpu.memory_space<semaphore_mem>>) src(%dma_wait3A_58 : memref<128x4xf32, #tpu.memory_space<vmem>>) dst(%dma_wait3A_64 : memref<10112x4xf32, #tpu.memory_space<vmem_shared>>)
        %lt3A = arith.constant 25 : i32
        %lt3A_65 = arith.cmpi slt, %scan3A_30, %lt3A : i32
        %convert_element_type3A_66 = arith.extui %lt3A_65 : i1 to i32
        %cond3A_67 = arith.constant 0 : i32
        %cond3A_68 = arith.cmpi ne, %convert_element_type3A_66, %cond3A_67 : i32
        scf.if %cond3A_68 {
          %add3A_195 = arith.constant 4 : i32
          %add3A_196 = arith.addi %add3A_33, %add3A_195 : i32
          %dma_start3A_197 = arith.constant 0 : i32
          %dma_start3A_198 = arith.constant 0 : i32
          %dma_start3A_199 = arith.constant 0 : i32
          %dma_start3A_200 = tpu.memref_slice %arg9[%dma_start3A_197, %dma_start3A_198, %dma_start3A_199] : memref<4x128x4xf32, #tpu.memory_space<vmem>> -> memref<1x128x4xf32, #tpu.memory_space<vmem>>
          %dma_start3A_201 = tpu.memref_squeeze %dma_start3A_200 : memref<1x128x4xf32, #tpu.memory_space<vmem>> -> memref<128x4xf32, #tpu.memory_space<vmem>>
          %dma_start3A_202 = arith.constant 0 : i32
          %dma_start3A_203 = tpu.memref_slice %arg7[%add3A_196, %dma_start3A_202] : memref<104x128xi32, #tpu.memory_space<vmem>> -> memref<1x128xi32, #tpu.memory_space<vmem>>
          %dma_start3A_204 = tpu.memref_squeeze %dma_start3A_203 : memref<1x128xi32, #tpu.memory_space<vmem>> -> memref<128xi32, #tpu.memory_space<vmem>>
          %dma_start3A_205 = arith.constant 0 : i32
          %dma_start3A_206 = arith.constant 0 : i32
          %dma_start3A_207 = tpu.memref_slice %arg4[%dma_start3A_205, %dma_start3A_206] : memref<10000x4xf32, #tpu.memory_space<hbm>> -> memref<10000x4xf32, #tpu.memory_space<hbm>>
          tpu.enqueue_indirect_dma source(%dma_start3A_207 : memref<10000x4xf32, #tpu.memory_space<hbm>>) target(%dma_start3A_201 : memref<128x4xf32, #tpu.memory_space<vmem>>) offsets(%dma_start3A_204 : memref<128xi32, #tpu.memory_space<vmem>>) semaphore(%arg13 : memref<!tpu.dma_semaphore, #tpu.memory_space<semaphore_mem>>)
        } else {
        }
        %mul3A_69 = arith.constant 4 : i32
        %mul3A_70 = arith.muli %scan3A_30, %mul3A_69 : i32
        %add3A_71 = arith.constant 1 : i32
        %add3A_72 = arith.addi %mul3A_70, %add3A_71 : i32
        %dma_wait3A_73 = arith.constant 1 : i32
        %dma_wait3A_74 = arith.constant 0 : i32
        %dma_wait3A_75 = arith.constant 0 : i32
        %dma_wait3A_76 = tpu.memref_slice %arg9[%dma_wait3A_73, %dma_wait3A_74, %dma_wait3A_75] : memref<4x128x4xf32, #tpu.memory_space<vmem>> -> memref<1x128x4xf32, #tpu.memory_space<vmem>>
        %dma_wait3A_77 = tpu.memref_squeeze %dma_wait3A_76 : memref<1x128x4xf32, #tpu.memory_space<vmem>> -> memref<128x4xf32, #tpu.memory_space<vmem>>
        %dma_wait3A_78 = arith.constant 0 : i32
        %dma_wait3A_79 = tpu.memref_slice %arg7[%add3A_72, %dma_wait3A_78] : memref<104x128xi32, #tpu.memory_space<vmem>> -> memref<1x128xi32, #tpu.memory_space<vmem>>
        %dma_wait3A_80 = tpu.memref_squeeze %dma_wait3A_79 : memref<1x128xi32, #tpu.memory_space<vmem>> -> memref<128xi32, #tpu.memory_space<vmem>>
        %dma_wait3A_81 = arith.constant 0 : i32
        %dma_wait3A_82 = arith.constant 0 : i32
        %dma_wait3A_83 = tpu.memref_slice %arg4[%dma_wait3A_81, %dma_wait3A_82] : memref<10000x4xf32, #tpu.memory_space<hbm>> -> memref<10000x4xf32, #tpu.memory_space<hbm>>
        tpu.wait_indirect_dma semaphore(%arg14 : memref<!tpu.dma_semaphore, #tpu.memory_space<semaphore_mem>>) src(%dma_wait3A_83 : memref<10000x4xf32, #tpu.memory_space<hbm>>) dst(%dma_wait3A_77 : memref<128x4xf32, #tpu.memory_space<vmem>>)
        %dma_start3A_84 = arith.constant 1 : i32
        %dma_start3A_85 = arith.constant 0 : i32
        %dma_start3A_86 = arith.constant 0 : i32
        %dma_start3A_87 = tpu.memref_slice %arg9[%dma_start3A_84, %dma_start3A_85, %dma_start3A_86] : memref<4x128x4xf32, #tpu.memory_space<vmem>> -> memref<1x128x4xf32, #tpu.memory_space<vmem>>
        %dma_start3A_88 = tpu.memref_squeeze %dma_start3A_87 : memref<1x128x4xf32, #tpu.memory_space<vmem>> -> memref<128x4xf32, #tpu.memory_space<vmem>>
        %dma_start3A_89 = arith.constant 0 : i32
        %dma_start3A_90 = tpu.memref_slice %arg8[%add3A_72, %dma_start3A_89] : memref<104x128xi32, #tpu.memory_space<vmem>> -> memref<1x128xi32, #tpu.memory_space<vmem>>
        %dma_start3A_91 = tpu.memref_squeeze %dma_start3A_90 : memref<1x128xi32, #tpu.memory_space<vmem>> -> memref<128xi32, #tpu.memory_space<vmem>>
        %dma_start3A_92 = arith.constant 0 : i32
        %dma_start3A_93 = arith.constant 0 : i32
        %dma_start3A_94 = tpu.memref_slice %arg11[%dma_start3A_92, %dma_start3A_93] : memref<10112x4xf32, #tpu.memory_space<vmem_shared>> -> memref<10112x4xf32, #tpu.memory_space<vmem_shared>>
        tpu.enqueue_indirect_dma source(%dma_start3A_88 : memref<128x4xf32, #tpu.memory_space<vmem>>) target(%dma_start3A_94 : memref<10112x4xf32, #tpu.memory_space<vmem_shared>>) offsets(%dma_start3A_91 : memref<128xi32, #tpu.memory_space<vmem>>) semaphore(%arg12 : memref<!tpu.dma_semaphore, #tpu.memory_space<semaphore_mem>>) {add = true}
        %dma_wait3A_95 = arith.constant 1 : i32
        %dma_wait3A_96 = arith.constant 0 : i32
        %dma_wait3A_97 = arith.constant 0 : i32
        %dma_wait3A_98 = tpu.memref_slice %arg9[%dma_wait3A_95, %dma_wait3A_96, %dma_wait3A_97] : memref<4x128x4xf32, #tpu.memory_space<vmem>> -> memref<1x128x4xf32, #tpu.memory_space<vmem>>
        %dma_wait3A_99 = tpu.memref_squeeze %dma_wait3A_98 : memref<1x128x4xf32, #tpu.memory_space<vmem>> -> memref<128x4xf32, #tpu.memory_space<vmem>>
        %dma_wait3A_100 = arith.constant 0 : i32
        %dma_wait3A_101 = tpu.memref_slice %arg8[%add3A_72, %dma_wait3A_100] : memref<104x128xi32, #tpu.memory_space<vmem>> -> memref<1x128xi32, #tpu.memory_space<vmem>>
        %dma_wait3A_102 = tpu.memref_squeeze %dma_wait3A_101 : memref<1x128xi32, #tpu.memory_space<vmem>> -> memref<128xi32, #tpu.memory_space<vmem>>
        %dma_wait3A_103 = arith.constant 0 : i32
        %dma_wait3A_104 = arith.constant 0 : i32
        %dma_wait3A_105 = tpu.memref_slice %arg11[%dma_wait3A_103, %dma_wait3A_104] : memref<10112x4xf32, #tpu.memory_space<vmem_shared>> -> memref<10112x4xf32, #tpu.memory_space<vmem_shared>>
        tpu.wait_indirect_dma semaphore(%arg12 : memref<!tpu.dma_semaphore, #tpu.memory_space<semaphore_mem>>) src(%dma_wait3A_99 : memref<128x4xf32, #tpu.memory_space<vmem>>) dst(%dma_wait3A_105 : memref<10112x4xf32, #tpu.memory_space<vmem_shared>>)
        %lt3A_106 = arith.constant 25 : i32
        %lt3A_107 = arith.cmpi slt, %scan3A_30, %lt3A_106 : i32
        %convert_element_type3A_108 = arith.extui %lt3A_107 : i1 to i32
        %cond3A_109 = arith.constant 0 : i32
        %cond3A_110 = arith.cmpi ne, %convert_element_type3A_108, %cond3A_109 : i32
        scf.if %cond3A_110 {
          %add3A_195 = arith.constant 4 : i32
          %add3A_196 = arith.addi %add3A_72, %add3A_195 : i32
          %dma_start3A_197 = arith.constant 1 : i32
          %dma_start3A_198 = arith.constant 0 : i32
          %dma_start3A_199 = arith.constant 0 : i32
          %dma_start3A_200 = tpu.memref_slice %arg9[%dma_start3A_197, %dma_start3A_198, %dma_start3A_199] : memref<4x128x4xf32, #tpu.memory_space<vmem>> -> memref<1x128x4xf32, #tpu.memory_space<vmem>>
          %dma_start3A_201 = tpu.memref_squeeze %dma_start3A_200 : memref<1x128x4xf32, #tpu.memory_space<vmem>> -> memref<128x4xf32, #tpu.memory_space<vmem>>
          %dma_start3A_202 = arith.constant 0 : i32
          %dma_start3A_203 = tpu.memref_slice %arg7[%add3A_196, %dma_start3A_202] : memref<104x128xi32, #tpu.memory_space<vmem>> -> memref<1x128xi32, #tpu.memory_space<vmem>>
          %dma_start3A_204 = tpu.memref_squeeze %dma_start3A_203 : memref<1x128xi32, #tpu.memory_space<vmem>> -> memref<128xi32, #tpu.memory_space<vmem>>
          %dma_start3A_205 = arith.constant 0 : i32
          %dma_start3A_206 = arith.constant 0 : i32
          %dma_start3A_207 = tpu.memref_slice %arg4[%dma_start3A_205, %dma_start3A_206] : memref<10000x4xf32, #tpu.memory_space<hbm>> -> memref<10000x4xf32, #tpu.memory_space<hbm>>
          tpu.enqueue_indirect_dma source(%dma_start3A_207 : memref<10000x4xf32, #tpu.memory_space<hbm>>) target(%dma_start3A_201 : memref<128x4xf32, #tpu.memory_space<vmem>>) offsets(%dma_start3A_204 : memref<128xi32, #tpu.memory_space<vmem>>) semaphore(%arg14 : memref<!tpu.dma_semaphore, #tpu.memory_space<semaphore_mem>>)
        } else {
        }
        %mul3A_111 = arith.constant 4 : i32
        %mul3A_112 = arith.muli %scan3A_30, %mul3A_111 : i32
        %add3A_113 = arith.constant 2 : i32
        %add3A_114 = arith.addi %mul3A_112, %add3A_113 : i32
        %dma_wait3A_115 = arith.constant 2 : i32
        %dma_wait3A_116 = arith.constant 0 : i32
        %dma_wait3A_117 = arith.constant 0 : i32
        %dma_wait3A_118 = tpu.memref_slice %arg9[%dma_wait3A_115, %dma_wait3A_116, %dma_wait3A_117] : memref<4x128x4xf32, #tpu.memory_space<vmem>> -> memref<1x128x4xf32, #tpu.memory_space<vmem>>
        %dma_wait3A_119 = tpu.memref_squeeze %dma_wait3A_118 : memref<1x128x4xf32, #tpu.memory_space<vmem>> -> memref<128x4xf32, #tpu.memory_space<vmem>>
        %dma_wait3A_120 = arith.constant 0 : i32
        %dma_wait3A_121 = tpu.memref_slice %arg7[%add3A_114, %dma_wait3A_120] : memref<104x128xi32, #tpu.memory_space<vmem>> -> memref<1x128xi32, #tpu.memory_space<vmem>>
        %dma_wait3A_122 = tpu.memref_squeeze %dma_wait3A_121 : memref<1x128xi32, #tpu.memory_space<vmem>> -> memref<128xi32, #tpu.memory_space<vmem>>
        %dma_wait3A_123 = arith.constant 0 : i32
        %dma_wait3A_124 = arith.constant 0 : i32
        %dma_wait3A_125 = tpu.memref_slice %arg4[%dma_wait3A_123, %dma_wait3A_124] : memref<10000x4xf32, #tpu.memory_space<hbm>> -> memref<10000x4xf32, #tpu.memory_space<hbm>>
        tpu.wait_indirect_dma semaphore(%arg15 : memref<!tpu.dma_semaphore, #tpu.memory_space<semaphore_mem>>) src(%dma_wait3A_125 : memref<10000x4xf32, #tpu.memory_space<hbm>>) dst(%dma_wait3A_119 : memref<128x4xf32, #tpu.memory_space<vmem>>)
        %dma_start3A_126 = arith.constant 2 : i32
        %dma_start3A_127 = arith.constant 0 : i32
        %dma_start3A_128 = arith.constant 0 : i32
        %dma_start3A_129 = tpu.memref_slice %arg9[%dma_start3A_126, %dma_start3A_127, %dma_start3A_128] : memref<4x128x4xf32, #tpu.memory_space<vmem>> -> memref<1x128x4xf32, #tpu.memory_space<vmem>>
        %dma_start3A_130 = tpu.memref_squeeze %dma_start3A_129 : memref<1x128x4xf32, #tpu.memory_space<vmem>> -> memref<128x4xf32, #tpu.memory_space<vmem>>
        %dma_start3A_131 = arith.constant 0 : i32
        %dma_start3A_132 = tpu.memref_slice %arg8[%add3A_114, %dma_start3A_131] : memref<104x128xi32, #tpu.memory_space<vmem>> -> memref<1x128xi32, #tpu.memory_space<vmem>>
        %dma_start3A_133 = tpu.memref_squeeze %dma_start3A_132 : memref<1x128xi32, #tpu.memory_space<vmem>> -> memref<128xi32, #tpu.memory_space<vmem>>
        %dma_start3A_134 = arith.constant 0 : i32
        %dma_start3A_135 = arith.constant 0 : i32
        %dma_start3A_136 = tpu.memref_slice %arg11[%dma_start3A_134, %dma_start3A_135] : memref<10112x4xf32, #tpu.memory_space<vmem_shared>> -> memref<10112x4xf32, #tpu.memory_space<vmem_shared>>
        tpu.enqueue_indirect_dma source(%dma_start3A_130 : memref<128x4xf32, #tpu.memory_space<vmem>>) target(%dma_start3A_136 : memref<10112x4xf32, #tpu.memory_space<vmem_shared>>) offsets(%dma_start3A_133 : memref<128xi32, #tpu.memory_space<vmem>>) semaphore(%arg12 : memref<!tpu.dma_semaphore, #tpu.memory_space<semaphore_mem>>) {add = true}
        %dma_wait3A_137 = arith.constant 2 : i32
        %dma_wait3A_138 = arith.constant 0 : i32
        %dma_wait3A_139 = arith.constant 0 : i32
        %dma_wait3A_140 = tpu.memref_slice %arg9[%dma_wait3A_137, %dma_wait3A_138, %dma_wait3A_139] : memref<4x128x4xf32, #tpu.memory_space<vmem>> -> memref<1x128x4xf32, #tpu.memory_space<vmem>>
        %dma_wait3A_141 = tpu.memref_squeeze %dma_wait3A_140 : memref<1x128x4xf32, #tpu.memory_space<vmem>> -> memref<128x4xf32, #tpu.memory_space<vmem>>
        %dma_wait3A_142 = arith.constant 0 : i32
        %dma_wait3A_143 = tpu.memref_slice %arg8[%add3A_114, %dma_wait3A_142] : memref<104x128xi32, #tpu.memory_space<vmem>> -> memref<1x128xi32, #tpu.memory_space<vmem>>
        %dma_wait3A_144 = tpu.memref_squeeze %dma_wait3A_143 : memref<1x128xi32, #tpu.memory_space<vmem>> -> memref<128xi32, #tpu.memory_space<vmem>>
        %dma_wait3A_145 = arith.constant 0 : i32
        %dma_wait3A_146 = arith.constant 0 : i32
        %dma_wait3A_147 = tpu.memref_slice %arg11[%dma_wait3A_145, %dma_wait3A_146] : memref<10112x4xf32, #tpu.memory_space<vmem_shared>> -> memref<10112x4xf32, #tpu.memory_space<vmem_shared>>
        tpu.wait_indirect_dma semaphore(%arg12 : memref<!tpu.dma_semaphore, #tpu.memory_space<semaphore_mem>>) src(%dma_wait3A_141 : memref<128x4xf32, #tpu.memory_space<vmem>>) dst(%dma_wait3A_147 : memref<10112x4xf32, #tpu.memory_space<vmem_shared>>)
        %lt3A_148 = arith.constant 25 : i32
        %lt3A_149 = arith.cmpi slt, %scan3A_30, %lt3A_148 : i32
        %convert_element_type3A_150 = arith.extui %lt3A_149 : i1 to i32
        %cond3A_151 = arith.constant 0 : i32
        %cond3A_152 = arith.cmpi ne, %convert_element_type3A_150, %cond3A_151 : i32
        scf.if %cond3A_152 {
          %add3A_195 = arith.constant 4 : i32
          %add3A_196 = arith.addi %add3A_114, %add3A_195 : i32
          %dma_start3A_197 = arith.constant 2 : i32
          %dma_start3A_198 = arith.constant 0 : i32
          %dma_start3A_199 = arith.constant 0 : i32
          %dma_start3A_200 = tpu.memref_slice %arg9[%dma_start3A_197, %dma_start3A_198, %dma_start3A_199] : memref<4x128x4xf32, #tpu.memory_space<vmem>> -> memref<1x128x4xf32, #tpu.memory_space<vmem>>
          %dma_start3A_201 = tpu.memref_squeeze %dma_start3A_200 : memref<1x128x4xf32, #tpu.memory_space<vmem>> -> memref<128x4xf32, #tpu.memory_space<vmem>>
          %dma_start3A_202 = arith.constant 0 : i32
          %dma_start3A_203 = tpu.memref_slice %arg7[%add3A_196, %dma_start3A_202] : memref<104x128xi32, #tpu.memory_space<vmem>> -> memref<1x128xi32, #tpu.memory_space<vmem>>
          %dma_start3A_204 = tpu.memref_squeeze %dma_start3A_203 : memref<1x128xi32, #tpu.memory_space<vmem>> -> memref<128xi32, #tpu.memory_space<vmem>>
          %dma_start3A_205 = arith.constant 0 : i32
          %dma_start3A_206 = arith.constant 0 : i32
          %dma_start3A_207 = tpu.memref_slice %arg4[%dma_start3A_205, %dma_start3A_206] : memref<10000x4xf32, #tpu.memory_space<hbm>> -> memref<10000x4xf32, #tpu.memory_space<hbm>>
          tpu.enqueue_indirect_dma source(%dma_start3A_207 : memref<10000x4xf32, #tpu.memory_space<hbm>>) target(%dma_start3A_201 : memref<128x4xf32, #tpu.memory_space<vmem>>) offsets(%dma_start3A_204 : memref<128xi32, #tpu.memory_space<vmem>>) semaphore(%arg15 : memref<!tpu.dma_semaphore, #tpu.memory_space<semaphore_mem>>)
        } else {
        }
        %mul3A_153 = arith.constant 4 : i32
        %mul3A_154 = arith.muli %scan3A_30, %mul3A_153 : i32
        %add3A_155 = arith.constant 3 : i32
        %add3A_156 = arith.addi %mul3A_154, %add3A_155 : i32
        %dma_wait3A_157 = arith.constant 3 : i32
        %dma_wait3A_158 = arith.constant 0 : i32
        %dma_wait3A_159 = arith.constant 0 : i32
        %dma_wait3A_160 = tpu.memref_slice %arg9[%dma_wait3A_157, %dma_wait3A_158, %dma_wait3A_159] : memref<4x128x4xf32, #tpu.memory_space<vmem>> -> memref<1x128x4xf32, #tpu.memory_space<vmem>>
        %dma_wait3A_161 = tpu.memref_squeeze %dma_wait3A_160 : memref<1x128x4xf32, #tpu.memory_space<vmem>> -> memref<128x4xf32, #tpu.memory_space<vmem>>
        %dma_wait3A_162 = arith.constant 0 : i32
        %dma_wait3A_163 = tpu.memref_slice %arg7[%add3A_156, %dma_wait3A_162] : memref<104x128xi32, #tpu.memory_space<vmem>> -> memref<1x128xi32, #tpu.memory_space<vmem>>
        %dma_wait3A_164 = tpu.memref_squeeze %dma_wait3A_163 : memref<1x128xi32, #tpu.memory_space<vmem>> -> memref<128xi32, #tpu.memory_space<vmem>>
        %dma_wait3A_165 = arith.constant 0 : i32
        %dma_wait3A_166 = arith.constant 0 : i32
        %dma_wait3A_167 = tpu.memref_slice %arg4[%dma_wait3A_165, %dma_wait3A_166] : memref<10000x4xf32, #tpu.memory_space<hbm>> -> memref<10000x4xf32, #tpu.memory_space<hbm>>
        tpu.wait_indirect_dma semaphore(%arg16 : memref<!tpu.dma_semaphore, #tpu.memory_space<semaphore_mem>>) src(%dma_wait3A_167 : memref<10000x4xf32, #tpu.memory_space<hbm>>) dst(%dma_wait3A_161 : memref<128x4xf32, #tpu.memory_space<vmem>>)
        %dma_start3A_168 = arith.constant 3 : i32
        %dma_start3A_169 = arith.constant 0 : i32
        %dma_start3A_170 = arith.constant 0 : i32
        %dma_start3A_171 = tpu.memref_slice %arg9[%dma_start3A_168, %dma_start3A_169, %dma_start3A_170] : memref<4x128x4xf32, #tpu.memory_space<vmem>> -> memref<1x128x4xf32, #tpu.memory_space<vmem>>
        %dma_start3A_172 = tpu.memref_squeeze %dma_start3A_171 : memref<1x128x4xf32, #tpu.memory_space<vmem>> -> memref<128x4xf32, #tpu.memory_space<vmem>>
        %dma_start3A_173 = arith.constant 0 : i32
        %dma_start3A_174 = tpu.memref_slice %arg8[%add3A_156, %dma_start3A_173] : memref<104x128xi32, #tpu.memory_space<vmem>> -> memref<1x128xi32, #tpu.memory_space<vmem>>
        %dma_start3A_175 = tpu.memref_squeeze %dma_start3A_174 : memref<1x128xi32, #tpu.memory_space<vmem>> -> memref<128xi32, #tpu.memory_space<vmem>>
        %dma_start3A_176 = arith.constant 0 : i32
        %dma_start3A_177 = arith.constant 0 : i32
        %dma_start3A_178 = tpu.memref_slice %arg11[%dma_start3A_176, %dma_start3A_177] : memref<10112x4xf32, #tpu.memory_space<vmem_shared>> -> memref<10112x4xf32, #tpu.memory_space<vmem_shared>>
        tpu.enqueue_indirect_dma source(%dma_start3A_172 : memref<128x4xf32, #tpu.memory_space<vmem>>) target(%dma_start3A_178 : memref<10112x4xf32, #tpu.memory_space<vmem_shared>>) offsets(%dma_start3A_175 : memref<128xi32, #tpu.memory_space<vmem>>) semaphore(%arg12 : memref<!tpu.dma_semaphore, #tpu.memory_space<semaphore_mem>>) {add = true}
        %dma_wait3A_179 = arith.constant 3 : i32
        %dma_wait3A_180 = arith.constant 0 : i32
        %dma_wait3A_181 = arith.constant 0 : i32
        %dma_wait3A_182 = tpu.memref_slice %arg9[%dma_wait3A_179, %dma_wait3A_180, %dma_wait3A_181] : memref<4x128x4xf32, #tpu.memory_space<vmem>> -> memref<1x128x4xf32, #tpu.memory_space<vmem>>
        %dma_wait3A_183 = tpu.memref_squeeze %dma_wait3A_182 : memref<1x128x4xf32, #tpu.memory_space<vmem>> -> memref<128x4xf32, #tpu.memory_space<vmem>>
        %dma_wait3A_184 = arith.constant 0 : i32
        %dma_wait3A_185 = tpu.memref_slice %arg8[%add3A_156, %dma_wait3A_184] : memref<104x128xi32, #tpu.memory_space<vmem>> -> memref<1x128xi32, #tpu.memory_space<vmem>>
        %dma_wait3A_186 = tpu.memref_squeeze %dma_wait3A_185 : memref<1x128xi32, #tpu.memory_space<vmem>> -> memref<128xi32, #tpu.memory_space<vmem>>
        %dma_wait3A_187 = arith.constant 0 : i32
        %dma_wait3A_188 = arith.constant 0 : i32
        %dma_wait3A_189 = tpu.memref_slice %arg11[%dma_wait3A_187, %dma_wait3A_188] : memref<10112x4xf32, #tpu.memory_space<vmem_shared>> -> memref<10112x4xf32, #tpu.memory_space<vmem_shared>>
        tpu.wait_indirect_dma semaphore(%arg12 : memref<!tpu.dma_semaphore, #tpu.memory_space<semaphore_mem>>) src(%dma_wait3A_183 : memref<128x4xf32, #tpu.memory_space<vmem>>) dst(%dma_wait3A_189 : memref<10112x4xf32, #tpu.memory_space<vmem_shared>>)
        %lt3A_190 = arith.constant 25 : i32
        %lt3A_191 = arith.cmpi slt, %scan3A_30, %lt3A_190 : i32
        %convert_element_type3A_192 = arith.extui %lt3A_191 : i1 to i32
        %cond3A_193 = arith.constant 0 : i32
        %cond3A_194 = arith.cmpi ne, %convert_element_type3A_192, %cond3A_193 : i32
        scf.if %cond3A_194 {
          %add3A_195 = arith.constant 4 : i32
          %add3A_196 = arith.addi %add3A_156, %add3A_195 : i32
          %dma_start3A_197 = arith.constant 3 : i32
          %dma_start3A_198 = arith.constant 0 : i32
          %dma_start3A_199 = arith.constant 0 : i32
          %dma_start3A_200 = tpu.memref_slice %arg9[%dma_start3A_197, %dma_start3A_198, %dma_start3A_199] : memref<4x128x4xf32, #tpu.memory_space<vmem>> -> memref<1x128x4xf32, #tpu.memory_space<vmem>>
          %dma_start3A_201 = tpu.memref_squeeze %dma_start3A_200 : memref<1x128x4xf32, #tpu.memory_space<vmem>> -> memref<128x4xf32, #tpu.memory_space<vmem>>
          %dma_start3A_202 = arith.constant 0 : i32
          %dma_start3A_203 = tpu.memref_slice %arg7[%add3A_196, %dma_start3A_202] : memref<104x128xi32, #tpu.memory_space<vmem>> -> memref<1x128xi32, #tpu.memory_space<vmem>>
          %dma_start3A_204 = tpu.memref_squeeze %dma_start3A_203 : memref<1x128xi32, #tpu.memory_space<vmem>> -> memref<128xi32, #tpu.memory_space<vmem>>
          %dma_start3A_205 = arith.constant 0 : i32
          %dma_start3A_206 = arith.constant 0 : i32
          %dma_start3A_207 = tpu.memref_slice %arg4[%dma_start3A_205, %dma_start3A_206] : memref<10000x4xf32, #tpu.memory_space<hbm>> -> memref<10000x4xf32, #tpu.memory_space<hbm>>
          tpu.enqueue_indirect_dma source(%dma_start3A_207 : memref<10000x4xf32, #tpu.memory_space<hbm>>) target(%dma_start3A_201 : memref<128x4xf32, #tpu.memory_space<vmem>>) offsets(%dma_start3A_204 : memref<128xi32, #tpu.memory_space<vmem>>) semaphore(%arg16 : memref<!tpu.dma_semaphore, #tpu.memory_space<semaphore_mem>>)
        } else {
        }
      }
      %scan3A_29 = arith.constant 26 : i32
    } else {
    }
    %barrier3A_20 = arith.constant 0 : index
    tpu.barrier barrier_id(%barrier3A_20)
    %mul3A_21 = arith.constant 632 : i32
    %mul3A_22 = arith.muli %arg1, %mul3A_21 : i32
    "tpu.region"() ({
      %run_scoped3A = tpu.sem_alloc : memref<!tpu.dma_semaphore, #tpu.memory_space<semaphore_mem>>
      %dma_start3A = arith.constant 0 : i32
      %dma_start3A_25 = tpu.memref_slice %arg11[%mul3A_22, %dma_start3A] : memref<10112x4xf32, #tpu.memory_space<vmem_shared>> -> memref<632x4xf32, #tpu.memory_space<vmem_shared>>
      %dma_start3A_26 = arith.constant 0 : i32
      %dma_start3A_27 = tpu.memref_slice %arg11[%mul3A_22, %dma_start3A_26] : memref<10112x4xf32, #tpu.memory_space<vmem_shared>> -> memref<632x4xf32, #tpu.memory_space<vmem_shared>>
      tpu.enqueue_dma source(%dma_start3A_27 : memref<632x4xf32, #tpu.memory_space<vmem_shared>>) target(%arg10 : memref<632x4xf32, #tpu.memory_space<vmem>>) target_semaphore(%run_scoped3A : memref<!tpu.dma_semaphore, #tpu.memory_space<semaphore_mem>>)
      %dma_wait3A = arith.constant 0 : i32
      %dma_wait3A_28 = tpu.memref_slice %arg11[%mul3A_22, %dma_wait3A] : memref<10112x4xf32, #tpu.memory_space<vmem_shared>> -> memref<632x4xf32, #tpu.memory_space<vmem_shared>>
      %dma_wait3A_29 = arith.constant 0 : i32
      %dma_wait3A_30 = tpu.memref_slice %arg11[%mul3A_22, %dma_wait3A_29] : memref<10112x4xf32, #tpu.memory_space<vmem_shared>> -> memref<632x4xf32, #tpu.memory_space<vmem_shared>>
      tpu.wait_dma2 semaphore(%run_scoped3A : memref<!tpu.dma_semaphore, #tpu.memory_space<semaphore_mem>>) src(%dma_wait3A_30 : memref<632x4xf32, #tpu.memory_space<vmem_shared>>) dst(%arg10 : memref<632x4xf32, #tpu.memory_space<vmem>>)
      tpu.yield
    }) : () -> ()
    %mul3A_23 = arith.constant 632 : i32
    %mul3A_24 = arith.muli %arg1, %mul3A_23 : i32
    "tpu.region"() ({
      %run_scoped3A = tpu.sem_alloc : memref<!tpu.dma_semaphore, #tpu.memory_space<semaphore_mem>>
      %dma_start3A = arith.constant 0 : i32
      %dma_start3A_25 = tpu.memref_slice %arg6[%arg0, %mul3A_24, %dma_start3A] : memref<2x10112x4xf32, #tpu.memory_space<hbm>> -> memref<1x632x4xf32, #tpu.memory_space<hbm>>
      %dma_start3A_26 = tpu.memref_squeeze %dma_start3A_25 : memref<1x632x4xf32, #tpu.memory_space<hbm>> -> memref<632x4xf32, #tpu.memory_space<hbm>>
      %dma_start3A_27 = arith.constant 0 : i32
      %dma_start3A_28 = tpu.memref_slice %arg6[%arg0, %mul3A_24, %dma_start3A_27] : memref<2x10112x4xf32, #tpu.memory_space<hbm>> -> memref<1x632x4xf32, #tpu.memory_space<hbm>>
      %dma_start3A_29 = tpu.memref_squeeze %dma_start3A_28 : memref<1x632x4xf32, #tpu.memory_space<hbm>> -> memref<632x4xf32, #tpu.memory_space<hbm>>
      tpu.enqueue_dma source(%arg10 : memref<632x4xf32, #tpu.memory_space<vmem>>) target(%dma_start3A_29 : memref<632x4xf32, #tpu.memory_space<hbm>>) target_semaphore(%run_scoped3A : memref<!tpu.dma_semaphore, #tpu.memory_space<semaphore_mem>>)
      %dma_wait3A = arith.constant 0 : i32
      %dma_wait3A_30 = tpu.memref_slice %arg6[%arg0, %mul3A_24, %dma_wait3A] : memref<2x10112x4xf32, #tpu.memory_space<hbm>> -> memref<1x632x4xf32, #tpu.memory_space<hbm>>
      %dma_wait3A_31 = tpu.memref_squeeze %dma_wait3A_30 : memref<1x632x4xf32, #tpu.memory_space<hbm>> -> memref<632x4xf32, #tpu.memory_space<hbm>>
      %dma_wait3A_32 = arith.constant 0 : i32
      %dma_wait3A_33 = tpu.memref_slice %arg6[%arg0, %mul3A_24, %dma_wait3A_32] : memref<2x10112x4xf32, #tpu.memory_space<hbm>> -> memref<1x632x4xf32, #tpu.memory_space<hbm>>
      %dma_wait3A_34 = tpu.memref_squeeze %dma_wait3A_33 : memref<1x632x4xf32, #tpu.memory_space<hbm>> -> memref<632x4xf32, #tpu.memory_space<hbm>>
      tpu.wait_dma2 semaphore(%run_scoped3A : memref<!tpu.dma_semaphore, #tpu.memory_space<semaphore_mem>>) src(%arg10 : memref<632x4xf32, #tpu.memory_space<vmem>>) dst(%dma_wait3A_34 : memref<632x4xf32, #tpu.memory_space<hbm>>)
      tpu.yield
    }) : () -> ()
    return
  }
}

#map = affine_map<(d0, d1) -> (0, 0)>
#map1 = affine_map<(d0, d1) -> (0, 0, 0)>
module attributes {stable_mosaic.version = 14 : i64} {
  func.func @_ep(%arg0: i32, %arg1: i32, %arg2: memref<2560x128xi32, #tpu.memory_space<hbm>>, %arg3: memref<2560x128xi32, #tpu.memory_space<hbm>>, %arg4: memref<128x4xf32, #tpu.memory_space<hbm>>, %arg5: memref<10112x4xf32, #tpu.memory_space<hbm>>, %arg6: memref<2x10112x4xf32, #tpu.memory_space<hbm>>, %arg7: memref<104x128xi32, #tpu.memory_space<vmem>>, %arg8: memref<104x128xi32, #tpu.memory_space<vmem>>, %arg9: memref<4x128x4xf32, #tpu.memory_space<vmem>>, %arg10: memref<632x4xf32, #tpu.memory_space<vmem>>, %arg11: memref<10112x4xf32, #tpu.memory_space<vmem_shared>>, %arg12: memref<!tpu.dma_semaphore, #tpu.memory_space<semaphore_mem>>, %arg13: memref<!tpu.dma_semaphore, #tpu.memory_space<semaphore_mem>>, %arg14: memref<!tpu.dma_semaphore, #tpu.memory_space<semaphore_mem>>, %arg15: memref<!tpu.dma_semaphore, #tpu.memory_space<semaphore_mem>>, %arg16: memref<!tpu.dma_semaphore, #tpu.memory_space<semaphore_mem>>) attributes {dimension_semantics = [#tpu.dimension_semantics<core_parallel>, #tpu.dimension_semantics<subcore_parallel>], iteration_bounds = array<i64: 2, 16>, scalar_prefetch = 0 : i64, scratch_operands = 10 : i64, tpu.core_type = #tpu.core_type<sc_vector_subcore>, window_params = [{transform_indices = #map}, {transform_indices = #map}, {transform_indices = #map}, {transform_indices = #map}, {transform_indices = #map1}]} {
    %eq3A = arith.constant 0 : i32
    %eq3A_0 = arith.cmpi eq, %arg0, %eq3A : i32
    %convert_element_type3A = arith.extui %eq3A_0 : i1 to i32
    %cond3A = arith.constant 0 : i32
    %cond3A_1 = arith.cmpi ne, %convert_element_type3A, %cond3A : i32
    scf.if %cond3A_1 {
      %mul3A_25 = arith.constant 56 : i32
      %mul3A_26 = arith.muli %arg1, %mul3A_25 : i32
      "tpu.region"() ({
        %run_scoped3A_27 = tpu.sem_alloc : memref<!tpu.dma_semaphore, #tpu.memory_space<semaphore_mem>>
        %dma_start3A = arith.constant 0 : i32
        %dma_start3A_28 = arith.constant 0 : i32
        %dma_start3A_29 = tpu.memref_slice %arg8[%dma_start3A, %dma_start3A_28] : memref<104x128xi32, #tpu.memory_space<vmem>> -> memref<56x128xi32, #tpu.memory_space<vmem>>
        %dma_start3A_30 = arith.constant 0 : i32
        %dma_start3A_31 = tpu.memref_slice %arg3[%mul3A_26, %dma_start3A_30] : memref<2560x128xi32, #tpu.memory_space<hbm>> -> memref<56x128xi32, #tpu.memory_space<hbm>>
        %dma_start3A_32 = arith.constant 0 : i32
        %dma_start3A_33 = arith.constant 0 : i32
        %dma_start3A_34 = tpu.memref_slice %arg8[%dma_start3A_32, %dma_start3A_33] : memref<104x128xi32, #tpu.memory_space<vmem>> -> memref<56x128xi32, #tpu.memory_space<vmem>>
        %dma_start3A_35 = arith.constant 0 : i32
        %dma_start3A_36 = tpu.memref_slice %arg3[%mul3A_26, %dma_start3A_35] : memref<2560x128xi32, #tpu.memory_space<hbm>> -> memref<56x128xi32, #tpu.memory_space<hbm>>
        tpu.enqueue_dma source(%dma_start3A_36 : memref<56x128xi32, #tpu.memory_space<hbm>>) target(%dma_start3A_34 : memref<56x128xi32, #tpu.memory_space<vmem>>) target_semaphore(%run_scoped3A_27 : memref<!tpu.dma_semaphore, #tpu.memory_space<semaphore_mem>>)
        %dma_wait3A = arith.constant 0 : i32
        %dma_wait3A_37 = arith.constant 0 : i32
        %dma_wait3A_38 = tpu.memref_slice %arg8[%dma_wait3A, %dma_wait3A_37] : memref<104x128xi32, #tpu.memory_space<vmem>> -> memref<56x128xi32, #tpu.memory_space<vmem>>
        %dma_wait3A_39 = arith.constant 0 : i32
        %dma_wait3A_40 = tpu.memref_slice %arg3[%mul3A_26, %dma_wait3A_39] : memref<2560x128xi32, #tpu.memory_space<hbm>> -> memref<56x128xi32, #tpu.memory_space<hbm>>
        %dma_wait3A_41 = arith.constant 0 : i32
        %dma_wait3A_42 = arith.constant 0 : i32
        %dma_wait3A_43 = tpu.memref_slice %arg8[%dma_wait3A_41, %dma_wait3A_42] : memref<104x128xi32, #tpu.memory_space<vmem>> -> memref<56x128xi32, #tpu.memory_space<vmem>>
        %dma_wait3A_44 = arith.constant 0 : i32
        %dma_wait3A_45 = tpu.memref_slice %arg3[%mul3A_26, %dma_wait3A_44] : memref<2560x128xi32, #tpu.memory_space<hbm>> -> memref<56x128xi32, #tpu.memory_space<hbm>>
        tpu.wait_dma2 semaphore(%run_scoped3A_27 : memref<!tpu.dma_semaphore, #tpu.memory_space<semaphore_mem>>) src(%dma_wait3A_45 : memref<56x128xi32, #tpu.memory_space<hbm>>) dst(%dma_wait3A_43 : memref<56x128xi32, #tpu.memory_space<vmem>>)
        tpu.yield
      }) : () -> ()
    } else {
    }
    %eq3A_2 = arith.constant 1 : i32
    %eq3A_3 = arith.cmpi eq, %arg0, %eq3A_2 : i32
    %convert_element_type3A_4 = arith.extui %eq3A_3 : i1 to i32
    %cond3A_5 = arith.constant 0 : i32
    %cond3A_6 = arith.cmpi ne, %convert_element_type3A_4, %cond3A_5 : i32
    scf.if %cond3A_6 {
      %mul3A_25 = arith.constant 104 : i32
      %mul3A_26 = arith.muli %arg1, %mul3A_25 : i32
      %add3A = arith.constant 896 : i32
      %add3A_27 = arith.addi %add3A, %mul3A_26 : i32
      "tpu.region"() ({
        %run_scoped3A_28 = tpu.sem_alloc : memref<!tpu.dma_semaphore, #tpu.memory_space<semaphore_mem>>
        %dma_start3A = arith.constant 0 : i32
        %dma_start3A_29 = arith.constant 0 : i32
        %dma_start3A_30 = tpu.memref_slice %arg8[%dma_start3A, %dma_start3A_29] : memref<104x128xi32, #tpu.memory_space<vmem>> -> memref<104x128xi32, #tpu.memory_space<vmem>>
        %dma_start3A_31 = arith.constant 0 : i32
        %dma_start3A_32 = tpu.memref_slice %arg3[%add3A_27, %dma_start3A_31] : memref<2560x128xi32, #tpu.memory_space<hbm>> -> memref<104x128xi32, #tpu.memory_space<hbm>>
        %dma_start3A_33 = arith.constant 0 : i32
        %dma_start3A_34 = arith.constant 0 : i32
        %dma_start3A_35 = tpu.memref_slice %arg8[%dma_start3A_33, %dma_start3A_34] : memref<104x128xi32, #tpu.memory_space<vmem>> -> memref<104x128xi32, #tpu.memory_space<vmem>>
        %dma_start3A_36 = arith.constant 0 : i32
        %dma_start3A_37 = tpu.memref_slice %arg3[%add3A_27, %dma_start3A_36] : memref<2560x128xi32, #tpu.memory_space<hbm>> -> memref<104x128xi32, #tpu.memory_space<hbm>>
        tpu.enqueue_dma source(%dma_start3A_37 : memref<104x128xi32, #tpu.memory_space<hbm>>) target(%dma_start3A_35 : memref<104x128xi32, #tpu.memory_space<vmem>>) target_semaphore(%run_scoped3A_28 : memref<!tpu.dma_semaphore, #tpu.memory_space<semaphore_mem>>)
        %dma_wait3A = arith.constant 0 : i32
        %dma_wait3A_38 = arith.constant 0 : i32
        %dma_wait3A_39 = tpu.memref_slice %arg8[%dma_wait3A, %dma_wait3A_38] : memref<104x128xi32, #tpu.memory_space<vmem>> -> memref<104x128xi32, #tpu.memory_space<vmem>>
        %dma_wait3A_40 = arith.constant 0 : i32
        %dma_wait3A_41 = tpu.memref_slice %arg3[%add3A_27, %dma_wait3A_40] : memref<2560x128xi32, #tpu.memory_space<hbm>> -> memref<104x128xi32, #tpu.memory_space<hbm>>
        %dma_wait3A_42 = arith.constant 0 : i32
        %dma_wait3A_43 = arith.constant 0 : i32
        %dma_wait3A_44 = tpu.memref_slice %arg8[%dma_wait3A_42, %dma_wait3A_43] : memref<104x128xi32, #tpu.memory_space<vmem>> -> memref<104x128xi32, #tpu.memory_space<vmem>>
        %dma_wait3A_45 = arith.constant 0 : i32
        %dma_wait3A_46 = tpu.memref_slice %arg3[%add3A_27, %dma_wait3A_45] : memref<2560x128xi32, #tpu.memory_space<hbm>> -> memref<104x128xi32, #tpu.memory_space<hbm>>
        tpu.wait_dma2 semaphore(%run_scoped3A_28 : memref<!tpu.dma_semaphore, #tpu.memory_space<semaphore_mem>>) src(%dma_wait3A_46 : memref<104x128xi32, #tpu.memory_space<hbm>>) dst(%dma_wait3A_44 : memref<104x128xi32, #tpu.memory_space<vmem>>)
        tpu.yield
      }) : () -> ()
    } else {
    }
    %run_scoped3A = arith.constant 0 : i32
    "tpu.region"() ({
      %run_scoped3A_25 = tpu.sem_alloc : memref<!tpu.dma_semaphore, #tpu.memory_space<semaphore_mem>>
      %dma_start3A = arith.constant 0 : i32
      %dma_start3A_26 = arith.constant 0 : i32
      %dma_start3A_27 = tpu.memref_slice %arg9[%run_scoped3A, %dma_start3A, %dma_start3A_26] : memref<4x128x4xf32, #tpu.memory_space<vmem>> -> memref<1x128x4xf32, #tpu.memory_space<vmem>>
      %dma_start3A_28 = tpu.memref_squeeze %dma_start3A_27 : memref<1x128x4xf32, #tpu.memory_space<vmem>> -> memref<128x4xf32, #tpu.memory_space<vmem>>
      %dma_start3A_29 = arith.constant 0 : i32
      %dma_start3A_30 = arith.constant 0 : i32
      %dma_start3A_31 = tpu.memref_slice %arg4[%dma_start3A_29, %dma_start3A_30] : memref<128x4xf32, #tpu.memory_space<hbm>> -> memref<128x4xf32, #tpu.memory_space<hbm>>
      %dma_start3A_32 = arith.constant 0 : i32
      %dma_start3A_33 = arith.constant 0 : i32
      %dma_start3A_34 = tpu.memref_slice %arg9[%run_scoped3A, %dma_start3A_32, %dma_start3A_33] : memref<4x128x4xf32, #tpu.memory_space<vmem>> -> memref<1x128x4xf32, #tpu.memory_space<vmem>>
      %dma_start3A_35 = tpu.memref_squeeze %dma_start3A_34 : memref<1x128x4xf32, #tpu.memory_space<vmem>> -> memref<128x4xf32, #tpu.memory_space<vmem>>
      %dma_start3A_36 = arith.constant 0 : i32
      %dma_start3A_37 = arith.constant 0 : i32
      %dma_start3A_38 = tpu.memref_slice %arg4[%dma_start3A_36, %dma_start3A_37] : memref<128x4xf32, #tpu.memory_space<hbm>> -> memref<128x4xf32, #tpu.memory_space<hbm>>
      tpu.enqueue_dma source(%dma_start3A_38 : memref<128x4xf32, #tpu.memory_space<hbm>>) target(%dma_start3A_35 : memref<128x4xf32, #tpu.memory_space<vmem>>) target_semaphore(%run_scoped3A_25 : memref<!tpu.dma_semaphore, #tpu.memory_space<semaphore_mem>>)
      %dma_wait3A = arith.constant 0 : i32
      %dma_wait3A_39 = arith.constant 0 : i32
      %dma_wait3A_40 = tpu.memref_slice %arg9[%run_scoped3A, %dma_wait3A, %dma_wait3A_39] : memref<4x128x4xf32, #tpu.memory_space<vmem>> -> memref<1x128x4xf32, #tpu.memory_space<vmem>>
      %dma_wait3A_41 = tpu.memref_squeeze %dma_wait3A_40 : memref<1x128x4xf32, #tpu.memory_space<vmem>> -> memref<128x4xf32, #tpu.memory_space<vmem>>
      %dma_wait3A_42 = arith.constant 0 : i32
      %dma_wait3A_43 = arith.constant 0 : i32
      %dma_wait3A_44 = tpu.memref_slice %arg4[%dma_wait3A_42, %dma_wait3A_43] : memref<128x4xf32, #tpu.memory_space<hbm>> -> memref<128x4xf32, #tpu.memory_space<hbm>>
      %dma_wait3A_45 = arith.constant 0 : i32
      %dma_wait3A_46 = arith.constant 0 : i32
      %dma_wait3A_47 = tpu.memref_slice %arg9[%run_scoped3A, %dma_wait3A_45, %dma_wait3A_46] : memref<4x128x4xf32, #tpu.memory_space<vmem>> -> memref<1x128x4xf32, #tpu.memory_space<vmem>>
      %dma_wait3A_48 = tpu.memref_squeeze %dma_wait3A_47 : memref<1x128x4xf32, #tpu.memory_space<vmem>> -> memref<128x4xf32, #tpu.memory_space<vmem>>
      %dma_wait3A_49 = arith.constant 0 : i32
      %dma_wait3A_50 = arith.constant 0 : i32
      %dma_wait3A_51 = tpu.memref_slice %arg4[%dma_wait3A_49, %dma_wait3A_50] : memref<128x4xf32, #tpu.memory_space<hbm>> -> memref<128x4xf32, #tpu.memory_space<hbm>>
      tpu.wait_dma2 semaphore(%run_scoped3A_25 : memref<!tpu.dma_semaphore, #tpu.memory_space<semaphore_mem>>) src(%dma_wait3A_51 : memref<128x4xf32, #tpu.memory_space<hbm>>) dst(%dma_wait3A_48 : memref<128x4xf32, #tpu.memory_space<vmem>>)
      tpu.yield
    }) : () -> ()
    %mul3A = arith.constant 632 : i32
    %mul3A_7 = arith.muli %arg1, %mul3A : i32
    "tpu.region"() ({
      %run_scoped3A_25 = tpu.sem_alloc : memref<!tpu.dma_semaphore, #tpu.memory_space<semaphore_mem>>
      %dma_start3A = arith.constant 0 : i32
      %dma_start3A_26 = tpu.memref_slice %arg5[%mul3A_7, %dma_start3A] : memref<10112x4xf32, #tpu.memory_space<hbm>> -> memref<632x4xf32, #tpu.memory_space<hbm>>
      %dma_start3A_27 = arith.constant 0 : i32
      %dma_start3A_28 = tpu.memref_slice %arg5[%mul3A_7, %dma_start3A_27] : memref<10112x4xf32, #tpu.memory_space<hbm>> -> memref<632x4xf32, #tpu.memory_space<hbm>>
      tpu.enqueue_dma source(%dma_start3A_28 : memref<632x4xf32, #tpu.memory_space<hbm>>) target(%arg10 : memref<632x4xf32, #tpu.memory_space<vmem>>) target_semaphore(%run_scoped3A_25 : memref<!tpu.dma_semaphore, #tpu.memory_space<semaphore_mem>>)
      %dma_wait3A = arith.constant 0 : i32
      %dma_wait3A_29 = tpu.memref_slice %arg5[%mul3A_7, %dma_wait3A] : memref<10112x4xf32, #tpu.memory_space<hbm>> -> memref<632x4xf32, #tpu.memory_space<hbm>>
      %dma_wait3A_30 = arith.constant 0 : i32
      %dma_wait3A_31 = tpu.memref_slice %arg5[%mul3A_7, %dma_wait3A_30] : memref<10112x4xf32, #tpu.memory_space<hbm>> -> memref<632x4xf32, #tpu.memory_space<hbm>>
      tpu.wait_dma2 semaphore(%run_scoped3A_25 : memref<!tpu.dma_semaphore, #tpu.memory_space<semaphore_mem>>) src(%dma_wait3A_31 : memref<632x4xf32, #tpu.memory_space<hbm>>) dst(%arg10 : memref<632x4xf32, #tpu.memory_space<vmem>>)
      tpu.yield
    }) : () -> ()
    %mul3A_8 = arith.constant 632 : i32
    %mul3A_9 = arith.muli %arg1, %mul3A_8 : i32
    "tpu.region"() ({
      %run_scoped3A_25 = tpu.sem_alloc : memref<!tpu.dma_semaphore, #tpu.memory_space<semaphore_mem>>
      %dma_start3A = arith.constant 0 : i32
      %dma_start3A_26 = tpu.memref_slice %arg11[%mul3A_9, %dma_start3A] : memref<10112x4xf32, #tpu.memory_space<vmem_shared>> -> memref<632x4xf32, #tpu.memory_space<vmem_shared>>
      %dma_start3A_27 = arith.constant 0 : i32
      %dma_start3A_28 = tpu.memref_slice %arg11[%mul3A_9, %dma_start3A_27] : memref<10112x4xf32, #tpu.memory_space<vmem_shared>> -> memref<632x4xf32, #tpu.memory_space<vmem_shared>>
      tpu.enqueue_dma source(%arg10 : memref<632x4xf32, #tpu.memory_space<vmem>>) target(%dma_start3A_28 : memref<632x4xf32, #tpu.memory_space<vmem_shared>>) target_semaphore(%run_scoped3A_25 : memref<!tpu.dma_semaphore, #tpu.memory_space<semaphore_mem>>)
      %dma_wait3A = arith.constant 0 : i32
      %dma_wait3A_29 = tpu.memref_slice %arg11[%mul3A_9, %dma_wait3A] : memref<10112x4xf32, #tpu.memory_space<vmem_shared>> -> memref<632x4xf32, #tpu.memory_space<vmem_shared>>
      %dma_wait3A_30 = arith.constant 0 : i32
      %dma_wait3A_31 = tpu.memref_slice %arg11[%mul3A_9, %dma_wait3A_30] : memref<10112x4xf32, #tpu.memory_space<vmem_shared>> -> memref<632x4xf32, #tpu.memory_space<vmem_shared>>
      tpu.wait_dma2 semaphore(%run_scoped3A_25 : memref<!tpu.dma_semaphore, #tpu.memory_space<semaphore_mem>>) src(%arg10 : memref<632x4xf32, #tpu.memory_space<vmem>>) dst(%dma_wait3A_31 : memref<632x4xf32, #tpu.memory_space<vmem_shared>>)
      tpu.yield
    }) : () -> ()
    %barrier3A = arith.constant 0 : index
    tpu.barrier barrier_id(%barrier3A)
    %eq3A_10 = arith.constant 0 : i32
    %eq3A_11 = arith.cmpi eq, %arg0, %eq3A_10 : i32
    %convert_element_type3A_12 = arith.extui %eq3A_11 : i1 to i32
    %cond3A_13 = arith.constant 0 : i32
    %cond3A_14 = arith.cmpi ne, %convert_element_type3A_12, %cond3A_13 : i32
    scf.if %cond3A_14 {
      %scan3A = arith.constant 0 : i32
      %scan3A_25 = arith.constant 0 : i32
      %scan3A_26 = arith.constant 56 : i32
      %scan3A_27 = arith.addi %scan3A_25, %scan3A_26 : i32
      %scan3A_28 = arith.constant 1 : i32
      scf.for %scan3A_30 = %scan3A_25 to %scan3A_27 step %scan3A_28  : i32 {
        %dma_start3A = arith.constant 0 : i32
        %dma_start3A_31 = arith.constant 0 : i32
        %dma_start3A_32 = arith.constant 0 : i32
        %dma_start3A_33 = tpu.memref_slice %arg9[%dma_start3A, %dma_start3A_31, %dma_start3A_32] : memref<4x128x4xf32, #tpu.memory_space<vmem>> -> memref<1x128x4xf32, #tpu.memory_space<vmem>>
        %dma_start3A_34 = tpu.memref_squeeze %dma_start3A_33 : memref<1x128x4xf32, #tpu.memory_space<vmem>> -> memref<128x4xf32, #tpu.memory_space<vmem>>
        %dma_start3A_35 = arith.constant 0 : i32
        %dma_start3A_36 = tpu.memref_slice %arg8[%scan3A_30, %dma_start3A_35] : memref<104x128xi32, #tpu.memory_space<vmem>> -> memref<1x128xi32, #tpu.memory_space<vmem>>
        %dma_start3A_37 = tpu.memref_squeeze %dma_start3A_36 : memref<1x128xi32, #tpu.memory_space<vmem>> -> memref<128xi32, #tpu.memory_space<vmem>>
        %dma_start3A_38 = arith.constant 0 : i32
        %dma_start3A_39 = arith.constant 0 : i32
        %dma_start3A_40 = tpu.memref_slice %arg11[%dma_start3A_38, %dma_start3A_39] : memref<10112x4xf32, #tpu.memory_space<vmem_shared>> -> memref<10112x4xf32, #tpu.memory_space<vmem_shared>>
        tpu.enqueue_indirect_dma source(%dma_start3A_34 : memref<128x4xf32, #tpu.memory_space<vmem>>) target(%dma_start3A_40 : memref<10112x4xf32, #tpu.memory_space<vmem_shared>>) offsets(%dma_start3A_37 : memref<128xi32, #tpu.memory_space<vmem>>) semaphore(%arg12 : memref<!tpu.dma_semaphore, #tpu.memory_space<semaphore_mem>>) {add = true}
        %dma_wait3A = arith.constant 0 : i32
        %dma_wait3A_41 = arith.constant 0 : i32
        %dma_wait3A_42 = arith.constant 0 : i32
        %dma_wait3A_43 = tpu.memref_slice %arg9[%dma_wait3A, %dma_wait3A_41, %dma_wait3A_42] : memref<4x128x4xf32, #tpu.memory_space<vmem>> -> memref<1x128x4xf32, #tpu.memory_space<vmem>>
        %dma_wait3A_44 = tpu.memref_squeeze %dma_wait3A_43 : memref<1x128x4xf32, #tpu.memory_space<vmem>> -> memref<128x4xf32, #tpu.memory_space<vmem>>
        %dma_wait3A_45 = arith.constant 0 : i32
        %dma_wait3A_46 = tpu.memref_slice %arg8[%scan3A_30, %dma_wait3A_45] : memref<104x128xi32, #tpu.memory_space<vmem>> -> memref<1x128xi32, #tpu.memory_space<vmem>>
        %dma_wait3A_47 = tpu.memref_squeeze %dma_wait3A_46 : memref<1x128xi32, #tpu.memory_space<vmem>> -> memref<128xi32, #tpu.memory_space<vmem>>
        %dma_wait3A_48 = arith.constant 0 : i32
        %dma_wait3A_49 = arith.constant 0 : i32
        %dma_wait3A_50 = tpu.memref_slice %arg11[%dma_wait3A_48, %dma_wait3A_49] : memref<10112x4xf32, #tpu.memory_space<vmem_shared>> -> memref<10112x4xf32, #tpu.memory_space<vmem_shared>>
        tpu.wait_indirect_dma semaphore(%arg12 : memref<!tpu.dma_semaphore, #tpu.memory_space<semaphore_mem>>) src(%dma_wait3A_44 : memref<128x4xf32, #tpu.memory_space<vmem>>) dst(%dma_wait3A_50 : memref<10112x4xf32, #tpu.memory_space<vmem_shared>>)
      }
      %scan3A_29 = arith.constant 56 : i32
    } else {
    }
    %eq3A_15 = arith.constant 1 : i32
    %eq3A_16 = arith.cmpi eq, %arg0, %eq3A_15 : i32
    %convert_element_type3A_17 = arith.extui %eq3A_16 : i1 to i32
    %cond3A_18 = arith.constant 0 : i32
    %cond3A_19 = arith.cmpi ne, %convert_element_type3A_17, %cond3A_18 : i32
    scf.if %cond3A_19 {
      %scan3A = arith.constant 0 : i32
      %scan3A_25 = arith.constant 0 : i32
      %scan3A_26 = arith.constant 104 : i32
      %scan3A_27 = arith.addi %scan3A_25, %scan3A_26 : i32
      %scan3A_28 = arith.constant 1 : i32
      scf.for %scan3A_30 = %scan3A_25 to %scan3A_27 step %scan3A_28  : i32 {
        %dma_start3A = arith.constant 0 : i32
        %dma_start3A_31 = arith.constant 0 : i32
        %dma_start3A_32 = arith.constant 0 : i32
        %dma_start3A_33 = tpu.memref_slice %arg9[%dma_start3A, %dma_start3A_31, %dma_start3A_32] : memref<4x128x4xf32, #tpu.memory_space<vmem>> -> memref<1x128x4xf32, #tpu.memory_space<vmem>>
        %dma_start3A_34 = tpu.memref_squeeze %dma_start3A_33 : memref<1x128x4xf32, #tpu.memory_space<vmem>> -> memref<128x4xf32, #tpu.memory_space<vmem>>
        %dma_start3A_35 = arith.constant 0 : i32
        %dma_start3A_36 = tpu.memref_slice %arg8[%scan3A_30, %dma_start3A_35] : memref<104x128xi32, #tpu.memory_space<vmem>> -> memref<1x128xi32, #tpu.memory_space<vmem>>
        %dma_start3A_37 = tpu.memref_squeeze %dma_start3A_36 : memref<1x128xi32, #tpu.memory_space<vmem>> -> memref<128xi32, #tpu.memory_space<vmem>>
        %dma_start3A_38 = arith.constant 0 : i32
        %dma_start3A_39 = arith.constant 0 : i32
        %dma_start3A_40 = tpu.memref_slice %arg11[%dma_start3A_38, %dma_start3A_39] : memref<10112x4xf32, #tpu.memory_space<vmem_shared>> -> memref<10112x4xf32, #tpu.memory_space<vmem_shared>>
        tpu.enqueue_indirect_dma source(%dma_start3A_34 : memref<128x4xf32, #tpu.memory_space<vmem>>) target(%dma_start3A_40 : memref<10112x4xf32, #tpu.memory_space<vmem_shared>>) offsets(%dma_start3A_37 : memref<128xi32, #tpu.memory_space<vmem>>) semaphore(%arg12 : memref<!tpu.dma_semaphore, #tpu.memory_space<semaphore_mem>>) {add = true}
        %dma_wait3A = arith.constant 0 : i32
        %dma_wait3A_41 = arith.constant 0 : i32
        %dma_wait3A_42 = arith.constant 0 : i32
        %dma_wait3A_43 = tpu.memref_slice %arg9[%dma_wait3A, %dma_wait3A_41, %dma_wait3A_42] : memref<4x128x4xf32, #tpu.memory_space<vmem>> -> memref<1x128x4xf32, #tpu.memory_space<vmem>>
        %dma_wait3A_44 = tpu.memref_squeeze %dma_wait3A_43 : memref<1x128x4xf32, #tpu.memory_space<vmem>> -> memref<128x4xf32, #tpu.memory_space<vmem>>
        %dma_wait3A_45 = arith.constant 0 : i32
        %dma_wait3A_46 = tpu.memref_slice %arg8[%scan3A_30, %dma_wait3A_45] : memref<104x128xi32, #tpu.memory_space<vmem>> -> memref<1x128xi32, #tpu.memory_space<vmem>>
        %dma_wait3A_47 = tpu.memref_squeeze %dma_wait3A_46 : memref<1x128xi32, #tpu.memory_space<vmem>> -> memref<128xi32, #tpu.memory_space<vmem>>
        %dma_wait3A_48 = arith.constant 0 : i32
        %dma_wait3A_49 = arith.constant 0 : i32
        %dma_wait3A_50 = tpu.memref_slice %arg11[%dma_wait3A_48, %dma_wait3A_49] : memref<10112x4xf32, #tpu.memory_space<vmem_shared>> -> memref<10112x4xf32, #tpu.memory_space<vmem_shared>>
        tpu.wait_indirect_dma semaphore(%arg12 : memref<!tpu.dma_semaphore, #tpu.memory_space<semaphore_mem>>) src(%dma_wait3A_44 : memref<128x4xf32, #tpu.memory_space<vmem>>) dst(%dma_wait3A_50 : memref<10112x4xf32, #tpu.memory_space<vmem_shared>>)
      }
      %scan3A_29 = arith.constant 104 : i32
    } else {
    }
    %barrier3A_20 = arith.constant 0 : index
    tpu.barrier barrier_id(%barrier3A_20)
    %mul3A_21 = arith.constant 632 : i32
    %mul3A_22 = arith.muli %arg1, %mul3A_21 : i32
    "tpu.region"() ({
      %run_scoped3A_25 = tpu.sem_alloc : memref<!tpu.dma_semaphore, #tpu.memory_space<semaphore_mem>>
      %dma_start3A = arith.constant 0 : i32
      %dma_start3A_26 = tpu.memref_slice %arg11[%mul3A_22, %dma_start3A] : memref<10112x4xf32, #tpu.memory_space<vmem_shared>> -> memref<632x4xf32, #tpu.memory_space<vmem_shared>>
      %dma_start3A_27 = arith.constant 0 : i32
      %dma_start3A_28 = tpu.memref_slice %arg11[%mul3A_22, %dma_start3A_27] : memref<10112x4xf32, #tpu.memory_space<vmem_shared>> -> memref<632x4xf32, #tpu.memory_space<vmem_shared>>
      tpu.enqueue_dma source(%dma_start3A_28 : memref<632x4xf32, #tpu.memory_space<vmem_shared>>) target(%arg10 : memref<632x4xf32, #tpu.memory_space<vmem>>) target_semaphore(%run_scoped3A_25 : memref<!tpu.dma_semaphore, #tpu.memory_space<semaphore_mem>>)
      %dma_wait3A = arith.constant 0 : i32
      %dma_wait3A_29 = tpu.memref_slice %arg11[%mul3A_22, %dma_wait3A] : memref<10112x4xf32, #tpu.memory_space<vmem_shared>> -> memref<632x4xf32, #tpu.memory_space<vmem_shared>>
      %dma_wait3A_30 = arith.constant 0 : i32
      %dma_wait3A_31 = tpu.memref_slice %arg11[%mul3A_22, %dma_wait3A_30] : memref<10112x4xf32, #tpu.memory_space<vmem_shared>> -> memref<632x4xf32, #tpu.memory_space<vmem_shared>>
      tpu.wait_dma2 semaphore(%run_scoped3A_25 : memref<!tpu.dma_semaphore, #tpu.memory_space<semaphore_mem>>) src(%dma_wait3A_31 : memref<632x4xf32, #tpu.memory_space<vmem_shared>>) dst(%arg10 : memref<632x4xf32, #tpu.memory_space<vmem>>)
      tpu.yield
    }) : () -> ()
    %mul3A_23 = arith.constant 632 : i32
    %mul3A_24 = arith.muli %arg1, %mul3A_23 : i32
    "tpu.region"() ({
      %run_scoped3A_25 = tpu.sem_alloc : memref<!tpu.dma_semaphore, #tpu.memory_space<semaphore_mem>>
      %dma_start3A = arith.constant 0 : i32
      %dma_start3A_26 = tpu.memref_slice %arg6[%arg0, %mul3A_24, %dma_start3A] : memref<2x10112x4xf32, #tpu.memory_space<hbm>> -> memref<1x632x4xf32, #tpu.memory_space<hbm>>
      %dma_start3A_27 = tpu.memref_squeeze %dma_start3A_26 : memref<1x632x4xf32, #tpu.memory_space<hbm>> -> memref<632x4xf32, #tpu.memory_space<hbm>>
      %dma_start3A_28 = arith.constant 0 : i32
      %dma_start3A_29 = tpu.memref_slice %arg6[%arg0, %mul3A_24, %dma_start3A_28] : memref<2x10112x4xf32, #tpu.memory_space<hbm>> -> memref<1x632x4xf32, #tpu.memory_space<hbm>>
      %dma_start3A_30 = tpu.memref_squeeze %dma_start3A_29 : memref<1x632x4xf32, #tpu.memory_space<hbm>> -> memref<632x4xf32, #tpu.memory_space<hbm>>
      tpu.enqueue_dma source(%arg10 : memref<632x4xf32, #tpu.memory_space<vmem>>) target(%dma_start3A_30 : memref<632x4xf32, #tpu.memory_space<hbm>>) target_semaphore(%run_scoped3A_25 : memref<!tpu.dma_semaphore, #tpu.memory_space<semaphore_mem>>)
      %dma_wait3A = arith.constant 0 : i32
      %dma_wait3A_31 = tpu.memref_slice %arg6[%arg0, %mul3A_24, %dma_wait3A] : memref<2x10112x4xf32, #tpu.memory_space<hbm>> -> memref<1x632x4xf32, #tpu.memory_space<hbm>>
      %dma_wait3A_32 = tpu.memref_squeeze %dma_wait3A_31 : memref<1x632x4xf32, #tpu.memory_space<hbm>> -> memref<632x4xf32, #tpu.memory_space<hbm>>
      %dma_wait3A_33 = arith.constant 0 : i32
      %dma_wait3A_34 = tpu.memref_slice %arg6[%arg0, %mul3A_24, %dma_wait3A_33] : memref<2x10112x4xf32, #tpu.memory_space<hbm>> -> memref<1x632x4xf32, #tpu.memory_space<hbm>>
      %dma_wait3A_35 = tpu.memref_squeeze %dma_wait3A_34 : memref<1x632x4xf32, #tpu.memory_space<hbm>> -> memref<632x4xf32, #tpu.memory_space<hbm>>
      tpu.wait_dma2 semaphore(%run_scoped3A_25 : memref<!tpu.dma_semaphore, #tpu.memory_space<semaphore_mem>>) src(%arg10 : memref<632x4xf32, #tpu.memory_space<vmem>>) dst(%dma_wait3A_35 : memref<632x4xf32, #tpu.memory_space<hbm>>)
      tpu.yield
    }) : () -> ()
    return
  }
}

#map = affine_map<(d0, d1) -> (0, 0)>
#map1 = affine_map<(d0, d1) -> (0, 0, 0)>
module attributes {stable_mosaic.version = 14 : i64} {
  func.func @_ep(%arg0: i32, %arg1: i32, %arg2: memref<2560x128xi32, #tpu.memory_space<hbm>>, %arg3: memref<2560x128xi32, #tpu.memory_space<hbm>>, %arg4: memref<10000x4xf32, #tpu.memory_space<hbm>>, %arg5: memref<10112x4xf32, #tpu.memory_space<hbm>>, %arg6: memref<2x10112x4xf32, #tpu.memory_space<hbm>>, %arg7: memref<104x128xi32, #tpu.memory_space<vmem>>, %arg8: memref<104x128xi32, #tpu.memory_space<vmem>>, %arg9: memref<4x128x4xf32, #tpu.memory_space<vmem>>, %arg10: memref<632x4xf32, #tpu.memory_space<vmem>>, %arg11: memref<10112x4xf32, #tpu.memory_space<vmem_shared>>, %arg12: memref<!tpu.dma_semaphore, #tpu.memory_space<semaphore_mem>>, %arg13: memref<!tpu.dma_semaphore, #tpu.memory_space<semaphore_mem>>, %arg14: memref<!tpu.dma_semaphore, #tpu.memory_space<semaphore_mem>>, %arg15: memref<!tpu.dma_semaphore, #tpu.memory_space<semaphore_mem>>, %arg16: memref<!tpu.dma_semaphore, #tpu.memory_space<semaphore_mem>>) attributes {dimension_semantics = [#tpu.dimension_semantics<core_parallel>, #tpu.dimension_semantics<subcore_parallel>], iteration_bounds = array<i64: 2, 16>, scalar_prefetch = 0 : i64, scratch_operands = 10 : i64, tpu.core_type = #tpu.core_type<sc_vector_subcore>, window_params = [{transform_indices = #map}, {transform_indices = #map}, {transform_indices = #map}, {transform_indices = #map}, {transform_indices = #map1}]} {
    %eq3A = arith.constant 0 : i32
    %eq3A_0 = arith.cmpi eq, %arg0, %eq3A : i32
    %convert_element_type3A = arith.extui %eq3A_0 : i1 to i32
    %cond3A = arith.constant 0 : i32
    %cond3A_1 = arith.cmpi ne, %convert_element_type3A, %cond3A : i32
    scf.if %cond3A_1 {
      %mul3A_25 = arith.constant 56 : i32
      %mul3A_26 = arith.muli %arg1, %mul3A_25 : i32
      "tpu.region"() ({
        %run_scoped3A = tpu.sem_alloc : memref<!tpu.dma_semaphore, #tpu.memory_space<semaphore_mem>>
        %dma_start3A_74 = arith.constant 0 : i32
        %dma_start3A_75 = arith.constant 0 : i32
        %dma_start3A_76 = tpu.memref_slice %arg8[%dma_start3A_74, %dma_start3A_75] : memref<104x128xi32, #tpu.memory_space<vmem>> -> memref<56x128xi32, #tpu.memory_space<vmem>>
        %dma_start3A_77 = arith.constant 0 : i32
        %dma_start3A_78 = tpu.memref_slice %arg3[%mul3A_26, %dma_start3A_77] : memref<2560x128xi32, #tpu.memory_space<hbm>> -> memref<56x128xi32, #tpu.memory_space<hbm>>
        %dma_start3A_79 = arith.constant 0 : i32
        %dma_start3A_80 = arith.constant 0 : i32
        %dma_start3A_81 = tpu.memref_slice %arg8[%dma_start3A_79, %dma_start3A_80] : memref<104x128xi32, #tpu.memory_space<vmem>> -> memref<56x128xi32, #tpu.memory_space<vmem>>
        %dma_start3A_82 = arith.constant 0 : i32
        %dma_start3A_83 = tpu.memref_slice %arg3[%mul3A_26, %dma_start3A_82] : memref<2560x128xi32, #tpu.memory_space<hbm>> -> memref<56x128xi32, #tpu.memory_space<hbm>>
        tpu.enqueue_dma source(%dma_start3A_83 : memref<56x128xi32, #tpu.memory_space<hbm>>) target(%dma_start3A_81 : memref<56x128xi32, #tpu.memory_space<vmem>>) target_semaphore(%run_scoped3A : memref<!tpu.dma_semaphore, #tpu.memory_space<semaphore_mem>>)
        %dma_wait3A = arith.constant 0 : i32
        %dma_wait3A_84 = arith.constant 0 : i32
        %dma_wait3A_85 = tpu.memref_slice %arg8[%dma_wait3A, %dma_wait3A_84] : memref<104x128xi32, #tpu.memory_space<vmem>> -> memref<56x128xi32, #tpu.memory_space<vmem>>
        %dma_wait3A_86 = arith.constant 0 : i32
        %dma_wait3A_87 = tpu.memref_slice %arg3[%mul3A_26, %dma_wait3A_86] : memref<2560x128xi32, #tpu.memory_space<hbm>> -> memref<56x128xi32, #tpu.memory_space<hbm>>
        %dma_wait3A_88 = arith.constant 0 : i32
        %dma_wait3A_89 = arith.constant 0 : i32
        %dma_wait3A_90 = tpu.memref_slice %arg8[%dma_wait3A_88, %dma_wait3A_89] : memref<104x128xi32, #tpu.memory_space<vmem>> -> memref<56x128xi32, #tpu.memory_space<vmem>>
        %dma_wait3A_91 = arith.constant 0 : i32
        %dma_wait3A_92 = tpu.memref_slice %arg3[%mul3A_26, %dma_wait3A_91] : memref<2560x128xi32, #tpu.memory_space<hbm>> -> memref<56x128xi32, #tpu.memory_space<hbm>>
        tpu.wait_dma2 semaphore(%run_scoped3A : memref<!tpu.dma_semaphore, #tpu.memory_space<semaphore_mem>>) src(%dma_wait3A_92 : memref<56x128xi32, #tpu.memory_space<hbm>>) dst(%dma_wait3A_90 : memref<56x128xi32, #tpu.memory_space<vmem>>)
        tpu.yield
      }) : () -> ()
      "tpu.region"() ({
        %run_scoped3A = tpu.sem_alloc : memref<!tpu.dma_semaphore, #tpu.memory_space<semaphore_mem>>
        %dma_start3A_74 = arith.constant 0 : i32
        %dma_start3A_75 = arith.constant 0 : i32
        %dma_start3A_76 = tpu.memref_slice %arg7[%dma_start3A_74, %dma_start3A_75] : memref<104x128xi32, #tpu.memory_space<vmem>> -> memref<56x128xi32, #tpu.memory_space<vmem>>
        %dma_start3A_77 = arith.constant 0 : i32
        %dma_start3A_78 = tpu.memref_slice %arg2[%mul3A_26, %dma_start3A_77] : memref<2560x128xi32, #tpu.memory_space<hbm>> -> memref<56x128xi32, #tpu.memory_space<hbm>>
        %dma_start3A_79 = arith.constant 0 : i32
        %dma_start3A_80 = arith.constant 0 : i32
        %dma_start3A_81 = tpu.memref_slice %arg7[%dma_start3A_79, %dma_start3A_80] : memref<104x128xi32, #tpu.memory_space<vmem>> -> memref<56x128xi32, #tpu.memory_space<vmem>>
        %dma_start3A_82 = arith.constant 0 : i32
        %dma_start3A_83 = tpu.memref_slice %arg2[%mul3A_26, %dma_start3A_82] : memref<2560x128xi32, #tpu.memory_space<hbm>> -> memref<56x128xi32, #tpu.memory_space<hbm>>
        tpu.enqueue_dma source(%dma_start3A_83 : memref<56x128xi32, #tpu.memory_space<hbm>>) target(%dma_start3A_81 : memref<56x128xi32, #tpu.memory_space<vmem>>) target_semaphore(%run_scoped3A : memref<!tpu.dma_semaphore, #tpu.memory_space<semaphore_mem>>)
        %dma_wait3A = arith.constant 0 : i32
        %dma_wait3A_84 = arith.constant 0 : i32
        %dma_wait3A_85 = tpu.memref_slice %arg7[%dma_wait3A, %dma_wait3A_84] : memref<104x128xi32, #tpu.memory_space<vmem>> -> memref<56x128xi32, #tpu.memory_space<vmem>>
        %dma_wait3A_86 = arith.constant 0 : i32
        %dma_wait3A_87 = tpu.memref_slice %arg2[%mul3A_26, %dma_wait3A_86] : memref<2560x128xi32, #tpu.memory_space<hbm>> -> memref<56x128xi32, #tpu.memory_space<hbm>>
        %dma_wait3A_88 = arith.constant 0 : i32
        %dma_wait3A_89 = arith.constant 0 : i32
        %dma_wait3A_90 = tpu.memref_slice %arg7[%dma_wait3A_88, %dma_wait3A_89] : memref<104x128xi32, #tpu.memory_space<vmem>> -> memref<56x128xi32, #tpu.memory_space<vmem>>
        %dma_wait3A_91 = arith.constant 0 : i32
        %dma_wait3A_92 = tpu.memref_slice %arg2[%mul3A_26, %dma_wait3A_91] : memref<2560x128xi32, #tpu.memory_space<hbm>> -> memref<56x128xi32, #tpu.memory_space<hbm>>
        tpu.wait_dma2 semaphore(%run_scoped3A : memref<!tpu.dma_semaphore, #tpu.memory_space<semaphore_mem>>) src(%dma_wait3A_92 : memref<56x128xi32, #tpu.memory_space<hbm>>) dst(%dma_wait3A_90 : memref<56x128xi32, #tpu.memory_space<vmem>>)
        tpu.yield
      }) : () -> ()
      %dma_start3A = arith.constant 0 : i32
      %dma_start3A_27 = arith.constant 0 : i32
      %dma_start3A_28 = arith.constant 0 : i32
      %dma_start3A_29 = arith.constant 0 : i32
      %dma_start3A_30 = tpu.memref_slice %arg9[%dma_start3A_27, %dma_start3A_28, %dma_start3A_29] : memref<4x128x4xf32, #tpu.memory_space<vmem>> -> memref<1x128x4xf32, #tpu.memory_space<vmem>>
      %dma_start3A_31 = tpu.memref_squeeze %dma_start3A_30 : memref<1x128x4xf32, #tpu.memory_space<vmem>> -> memref<128x4xf32, #tpu.memory_space<vmem>>
      %dma_start3A_32 = arith.constant 0 : i32
      %dma_start3A_33 = tpu.memref_slice %arg7[%dma_start3A, %dma_start3A_32] : memref<104x128xi32, #tpu.memory_space<vmem>> -> memref<1x128xi32, #tpu.memory_space<vmem>>
      %dma_start3A_34 = tpu.memref_squeeze %dma_start3A_33 : memref<1x128xi32, #tpu.memory_space<vmem>> -> memref<128xi32, #tpu.memory_space<vmem>>
      %dma_start3A_35 = arith.constant 0 : i32
      %dma_start3A_36 = arith.constant 0 : i32
      %dma_start3A_37 = tpu.memref_slice %arg4[%dma_start3A_35, %dma_start3A_36] : memref<10000x4xf32, #tpu.memory_space<hbm>> -> memref<10000x4xf32, #tpu.memory_space<hbm>>
      tpu.enqueue_indirect_dma source(%dma_start3A_37 : memref<10000x4xf32, #tpu.memory_space<hbm>>) target(%dma_start3A_31 : memref<128x4xf32, #tpu.memory_space<vmem>>) offsets(%dma_start3A_34 : memref<128xi32, #tpu.memory_space<vmem>>) semaphore(%arg13 : memref<!tpu.dma_semaphore, #tpu.memory_space<semaphore_mem>>)
      %dma_start3A_38 = arith.constant 1 : i32
      %dma_start3A_39 = arith.constant 1 : i32
      %dma_start3A_40 = arith.constant 0 : i32
      %dma_start3A_41 = arith.constant 0 : i32
      %dma_start3A_42 = tpu.memref_slice %arg9[%dma_start3A_39, %dma_start3A_40, %dma_start3A_41] : memref<4x128x4xf32, #tpu.memory_space<vmem>> -> memref<1x128x4xf32, #tpu.memory_space<vmem>>
      %dma_start3A_43 = tpu.memref_squeeze %dma_start3A_42 : memref<1x128x4xf32, #tpu.memory_space<vmem>> -> memref<128x4xf32, #tpu.memory_space<vmem>>
      %dma_start3A_44 = arith.constant 0 : i32
      %dma_start3A_45 = tpu.memref_slice %arg7[%dma_start3A_38, %dma_start3A_44] : memref<104x128xi32, #tpu.memory_space<vmem>> -> memref<1x128xi32, #tpu.memory_space<vmem>>
      %dma_start3A_46 = tpu.memref_squeeze %dma_start3A_45 : memref<1x128xi32, #tpu.memory_space<vmem>> -> memref<128xi32, #tpu.memory_space<vmem>>
      %dma_start3A_47 = arith.constant 0 : i32
      %dma_start3A_48 = arith.constant 0 : i32
      %dma_start3A_49 = tpu.memref_slice %arg4[%dma_start3A_47, %dma_start3A_48] : memref<10000x4xf32, #tpu.memory_space<hbm>> -> memref<10000x4xf32, #tpu.memory_space<hbm>>
      tpu.enqueue_indirect_dma source(%dma_start3A_49 : memref<10000x4xf32, #tpu.memory_space<hbm>>) target(%dma_start3A_43 : memref<128x4xf32, #tpu.memory_space<vmem>>) offsets(%dma_start3A_46 : memref<128xi32, #tpu.memory_space<vmem>>) semaphore(%arg14 : memref<!tpu.dma_semaphore, #tpu.memory_space<semaphore_mem>>)
      %dma_start3A_50 = arith.constant 2 : i32
      %dma_start3A_51 = arith.constant 2 : i32
      %dma_start3A_52 = arith.constant 0 : i32
      %dma_start3A_53 = arith.constant 0 : i32
      %dma_start3A_54 = tpu.memref_slice %arg9[%dma_start3A_51, %dma_start3A_52, %dma_start3A_53] : memref<4x128x4xf32, #tpu.memory_space<vmem>> -> memref<1x128x4xf32, #tpu.memory_space<vmem>>
      %dma_start3A_55 = tpu.memref_squeeze %dma_start3A_54 : memref<1x128x4xf32, #tpu.memory_space<vmem>> -> memref<128x4xf32, #tpu.memory_space<vmem>>
      %dma_start3A_56 = arith.constant 0 : i32
      %dma_start3A_57 = tpu.memref_slice %arg7[%dma_start3A_50, %dma_start3A_56] : memref<104x128xi32, #tpu.memory_space<vmem>> -> memref<1x128xi32, #tpu.memory_space<vmem>>
      %dma_start3A_58 = tpu.memref_squeeze %dma_start3A_57 : memref<1x128xi32, #tpu.memory_space<vmem>> -> memref<128xi32, #tpu.memory_space<vmem>>
      %dma_start3A_59 = arith.constant 0 : i32
      %dma_start3A_60 = arith.constant 0 : i32
      %dma_start3A_61 = tpu.memref_slice %arg4[%dma_start3A_59, %dma_start3A_60] : memref<10000x4xf32, #tpu.memory_space<hbm>> -> memref<10000x4xf32, #tpu.memory_space<hbm>>
      tpu.enqueue_indirect_dma source(%dma_start3A_61 : memref<10000x4xf32, #tpu.memory_space<hbm>>) target(%dma_start3A_55 : memref<128x4xf32, #tpu.memory_space<vmem>>) offsets(%dma_start3A_58 : memref<128xi32, #tpu.memory_space<vmem>>) semaphore(%arg15 : memref<!tpu.dma_semaphore, #tpu.memory_space<semaphore_mem>>)
      %dma_start3A_62 = arith.constant 3 : i32
      %dma_start3A_63 = arith.constant 3 : i32
      %dma_start3A_64 = arith.constant 0 : i32
      %dma_start3A_65 = arith.constant 0 : i32
      %dma_start3A_66 = tpu.memref_slice %arg9[%dma_start3A_63, %dma_start3A_64, %dma_start3A_65] : memref<4x128x4xf32, #tpu.memory_space<vmem>> -> memref<1x128x4xf32, #tpu.memory_space<vmem>>
      %dma_start3A_67 = tpu.memref_squeeze %dma_start3A_66 : memref<1x128x4xf32, #tpu.memory_space<vmem>> -> memref<128x4xf32, #tpu.memory_space<vmem>>
      %dma_start3A_68 = arith.constant 0 : i32
      %dma_start3A_69 = tpu.memref_slice %arg7[%dma_start3A_62, %dma_start3A_68] : memref<104x128xi32, #tpu.memory_space<vmem>> -> memref<1x128xi32, #tpu.memory_space<vmem>>
      %dma_start3A_70 = tpu.memref_squeeze %dma_start3A_69 : memref<1x128xi32, #tpu.memory_space<vmem>> -> memref<128xi32, #tpu.memory_space<vmem>>
      %dma_start3A_71 = arith.constant 0 : i32
      %dma_start3A_72 = arith.constant 0 : i32
      %dma_start3A_73 = tpu.memref_slice %arg4[%dma_start3A_71, %dma_start3A_72] : memref<10000x4xf32, #tpu.memory_space<hbm>> -> memref<10000x4xf32, #tpu.memory_space<hbm>>
      tpu.enqueue_indirect_dma source(%dma_start3A_73 : memref<10000x4xf32, #tpu.memory_space<hbm>>) target(%dma_start3A_67 : memref<128x4xf32, #tpu.memory_space<vmem>>) offsets(%dma_start3A_70 : memref<128xi32, #tpu.memory_space<vmem>>) semaphore(%arg16 : memref<!tpu.dma_semaphore, #tpu.memory_space<semaphore_mem>>)
    } else {
    }
    %eq3A_2 = arith.constant 1 : i32
    %eq3A_3 = arith.cmpi eq, %arg0, %eq3A_2 : i32
    %convert_element_type3A_4 = arith.extui %eq3A_3 : i1 to i32
    %cond3A_5 = arith.constant 0 : i32
    %cond3A_6 = arith.cmpi ne, %convert_element_type3A_4, %cond3A_5 : i32
    scf.if %cond3A_6 {
      %mul3A_25 = arith.constant 104 : i32
      %mul3A_26 = arith.muli %arg1, %mul3A_25 : i32
      %add3A = arith.constant 896 : i32
      %add3A_27 = arith.addi %add3A, %mul3A_26 : i32
      "tpu.region"() ({
        %run_scoped3A = tpu.sem_alloc : memref<!tpu.dma_semaphore, #tpu.memory_space<semaphore_mem>>
        %dma_start3A_75 = arith.constant 0 : i32
        %dma_start3A_76 = arith.constant 0 : i32
        %dma_start3A_77 = tpu.memref_slice %arg8[%dma_start3A_75, %dma_start3A_76] : memref<104x128xi32, #tpu.memory_space<vmem>> -> memref<104x128xi32, #tpu.memory_space<vmem>>
        %dma_start3A_78 = arith.constant 0 : i32
        %dma_start3A_79 = tpu.memref_slice %arg3[%add3A_27, %dma_start3A_78] : memref<2560x128xi32, #tpu.memory_space<hbm>> -> memref<104x128xi32, #tpu.memory_space<hbm>>
        %dma_start3A_80 = arith.constant 0 : i32
        %dma_start3A_81 = arith.constant 0 : i32
        %dma_start3A_82 = tpu.memref_slice %arg8[%dma_start3A_80, %dma_start3A_81] : memref<104x128xi32, #tpu.memory_space<vmem>> -> memref<104x128xi32, #tpu.memory_space<vmem>>
        %dma_start3A_83 = arith.constant 0 : i32
        %dma_start3A_84 = tpu.memref_slice %arg3[%add3A_27, %dma_start3A_83] : memref<2560x128xi32, #tpu.memory_space<hbm>> -> memref<104x128xi32, #tpu.memory_space<hbm>>
        tpu.enqueue_dma source(%dma_start3A_84 : memref<104x128xi32, #tpu.memory_space<hbm>>) target(%dma_start3A_82 : memref<104x128xi32, #tpu.memory_space<vmem>>) target_semaphore(%run_scoped3A : memref<!tpu.dma_semaphore, #tpu.memory_space<semaphore_mem>>)
        %dma_wait3A = arith.constant 0 : i32
        %dma_wait3A_85 = arith.constant 0 : i32
        %dma_wait3A_86 = tpu.memref_slice %arg8[%dma_wait3A, %dma_wait3A_85] : memref<104x128xi32, #tpu.memory_space<vmem>> -> memref<104x128xi32, #tpu.memory_space<vmem>>
        %dma_wait3A_87 = arith.constant 0 : i32
        %dma_wait3A_88 = tpu.memref_slice %arg3[%add3A_27, %dma_wait3A_87] : memref<2560x128xi32, #tpu.memory_space<hbm>> -> memref<104x128xi32, #tpu.memory_space<hbm>>
        %dma_wait3A_89 = arith.constant 0 : i32
        %dma_wait3A_90 = arith.constant 0 : i32
        %dma_wait3A_91 = tpu.memref_slice %arg8[%dma_wait3A_89, %dma_wait3A_90] : memref<104x128xi32, #tpu.memory_space<vmem>> -> memref<104x128xi32, #tpu.memory_space<vmem>>
        %dma_wait3A_92 = arith.constant 0 : i32
        %dma_wait3A_93 = tpu.memref_slice %arg3[%add3A_27, %dma_wait3A_92] : memref<2560x128xi32, #tpu.memory_space<hbm>> -> memref<104x128xi32, #tpu.memory_space<hbm>>
        tpu.wait_dma2 semaphore(%run_scoped3A : memref<!tpu.dma_semaphore, #tpu.memory_space<semaphore_mem>>) src(%dma_wait3A_93 : memref<104x128xi32, #tpu.memory_space<hbm>>) dst(%dma_wait3A_91 : memref<104x128xi32, #tpu.memory_space<vmem>>)
        tpu.yield
      }) : () -> ()
      "tpu.region"() ({
        %run_scoped3A = tpu.sem_alloc : memref<!tpu.dma_semaphore, #tpu.memory_space<semaphore_mem>>
        %dma_start3A_75 = arith.constant 0 : i32
        %dma_start3A_76 = arith.constant 0 : i32
        %dma_start3A_77 = tpu.memref_slice %arg7[%dma_start3A_75, %dma_start3A_76] : memref<104x128xi32, #tpu.memory_space<vmem>> -> memref<104x128xi32, #tpu.memory_space<vmem>>
        %dma_start3A_78 = arith.constant 0 : i32
        %dma_start3A_79 = tpu.memref_slice %arg2[%add3A_27, %dma_start3A_78] : memref<2560x128xi32, #tpu.memory_space<hbm>> -> memref<104x128xi32, #tpu.memory_space<hbm>>
        %dma_start3A_80 = arith.constant 0 : i32
        %dma_start3A_81 = arith.constant 0 : i32
        %dma_start3A_82 = tpu.memref_slice %arg7[%dma_start3A_80, %dma_start3A_81] : memref<104x128xi32, #tpu.memory_space<vmem>> -> memref<104x128xi32, #tpu.memory_space<vmem>>
        %dma_start3A_83 = arith.constant 0 : i32
        %dma_start3A_84 = tpu.memref_slice %arg2[%add3A_27, %dma_start3A_83] : memref<2560x128xi32, #tpu.memory_space<hbm>> -> memref<104x128xi32, #tpu.memory_space<hbm>>
        tpu.enqueue_dma source(%dma_start3A_84 : memref<104x128xi32, #tpu.memory_space<hbm>>) target(%dma_start3A_82 : memref<104x128xi32, #tpu.memory_space<vmem>>) target_semaphore(%run_scoped3A : memref<!tpu.dma_semaphore, #tpu.memory_space<semaphore_mem>>)
        %dma_wait3A = arith.constant 0 : i32
        %dma_wait3A_85 = arith.constant 0 : i32
        %dma_wait3A_86 = tpu.memref_slice %arg7[%dma_wait3A, %dma_wait3A_85] : memref<104x128xi32, #tpu.memory_space<vmem>> -> memref<104x128xi32, #tpu.memory_space<vmem>>
        %dma_wait3A_87 = arith.constant 0 : i32
        %dma_wait3A_88 = tpu.memref_slice %arg2[%add3A_27, %dma_wait3A_87] : memref<2560x128xi32, #tpu.memory_space<hbm>> -> memref<104x128xi32, #tpu.memory_space<hbm>>
        %dma_wait3A_89 = arith.constant 0 : i32
        %dma_wait3A_90 = arith.constant 0 : i32
        %dma_wait3A_91 = tpu.memref_slice %arg7[%dma_wait3A_89, %dma_wait3A_90] : memref<104x128xi32, #tpu.memory_space<vmem>> -> memref<104x128xi32, #tpu.memory_space<vmem>>
        %dma_wait3A_92 = arith.constant 0 : i32
        %dma_wait3A_93 = tpu.memref_slice %arg2[%add3A_27, %dma_wait3A_92] : memref<2560x128xi32, #tpu.memory_space<hbm>> -> memref<104x128xi32, #tpu.memory_space<hbm>>
        tpu.wait_dma2 semaphore(%run_scoped3A : memref<!tpu.dma_semaphore, #tpu.memory_space<semaphore_mem>>) src(%dma_wait3A_93 : memref<104x128xi32, #tpu.memory_space<hbm>>) dst(%dma_wait3A_91 : memref<104x128xi32, #tpu.memory_space<vmem>>)
        tpu.yield
      }) : () -> ()
      %dma_start3A = arith.constant 0 : i32
      %dma_start3A_28 = arith.constant 0 : i32
      %dma_start3A_29 = arith.constant 0 : i32
      %dma_start3A_30 = arith.constant 0 : i32
      %dma_start3A_31 = tpu.memref_slice %arg9[%dma_start3A_28, %dma_start3A_29, %dma_start3A_30] : memref<4x128x4xf32, #tpu.memory_space<vmem>> -> memref<1x128x4xf32, #tpu.memory_space<vmem>>
      %dma_start3A_32 = tpu.memref_squeeze %dma_start3A_31 : memref<1x128x4xf32, #tpu.memory_space<vmem>> -> memref<128x4xf32, #tpu.memory_space<vmem>>
      %dma_start3A_33 = arith.constant 0 : i32
      %dma_start3A_34 = tpu.memref_slice %arg7[%dma_start3A, %dma_start3A_33] : memref<104x128xi32, #tpu.memory_space<vmem>> -> memref<1x128xi32, #tpu.memory_space<vmem>>
      %dma_start3A_35 = tpu.memref_squeeze %dma_start3A_34 : memref<1x128xi32, #tpu.memory_space<vmem>> -> memref<128xi32, #tpu.memory_space<vmem>>
      %dma_start3A_36 = arith.constant 0 : i32
      %dma_start3A_37 = arith.constant 0 : i32
      %dma_start3A_38 = tpu.memref_slice %arg4[%dma_start3A_36, %dma_start3A_37] : memref<10000x4xf32, #tpu.memory_space<hbm>> -> memref<10000x4xf32, #tpu.memory_space<hbm>>
      tpu.enqueue_indirect_dma source(%dma_start3A_38 : memref<10000x4xf32, #tpu.memory_space<hbm>>) target(%dma_start3A_32 : memref<128x4xf32, #tpu.memory_space<vmem>>) offsets(%dma_start3A_35 : memref<128xi32, #tpu.memory_space<vmem>>) semaphore(%arg13 : memref<!tpu.dma_semaphore, #tpu.memory_space<semaphore_mem>>)
      %dma_start3A_39 = arith.constant 1 : i32
      %dma_start3A_40 = arith.constant 1 : i32
      %dma_start3A_41 = arith.constant 0 : i32
      %dma_start3A_42 = arith.constant 0 : i32
      %dma_start3A_43 = tpu.memref_slice %arg9[%dma_start3A_40, %dma_start3A_41, %dma_start3A_42] : memref<4x128x4xf32, #tpu.memory_space<vmem>> -> memref<1x128x4xf32, #tpu.memory_space<vmem>>
      %dma_start3A_44 = tpu.memref_squeeze %dma_start3A_43 : memref<1x128x4xf32, #tpu.memory_space<vmem>> -> memref<128x4xf32, #tpu.memory_space<vmem>>
      %dma_start3A_45 = arith.constant 0 : i32
      %dma_start3A_46 = tpu.memref_slice %arg7[%dma_start3A_39, %dma_start3A_45] : memref<104x128xi32, #tpu.memory_space<vmem>> -> memref<1x128xi32, #tpu.memory_space<vmem>>
      %dma_start3A_47 = tpu.memref_squeeze %dma_start3A_46 : memref<1x128xi32, #tpu.memory_space<vmem>> -> memref<128xi32, #tpu.memory_space<vmem>>
      %dma_start3A_48 = arith.constant 0 : i32
      %dma_start3A_49 = arith.constant 0 : i32
      %dma_start3A_50 = tpu.memref_slice %arg4[%dma_start3A_48, %dma_start3A_49] : memref<10000x4xf32, #tpu.memory_space<hbm>> -> memref<10000x4xf32, #tpu.memory_space<hbm>>
      tpu.enqueue_indirect_dma source(%dma_start3A_50 : memref<10000x4xf32, #tpu.memory_space<hbm>>) target(%dma_start3A_44 : memref<128x4xf32, #tpu.memory_space<vmem>>) offsets(%dma_start3A_47 : memref<128xi32, #tpu.memory_space<vmem>>) semaphore(%arg14 : memref<!tpu.dma_semaphore, #tpu.memory_space<semaphore_mem>>)
      %dma_start3A_51 = arith.constant 2 : i32
      %dma_start3A_52 = arith.constant 2 : i32
      %dma_start3A_53 = arith.constant 0 : i32
      %dma_start3A_54 = arith.constant 0 : i32
      %dma_start3A_55 = tpu.memref_slice %arg9[%dma_start3A_52, %dma_start3A_53, %dma_start3A_54] : memref<4x128x4xf32, #tpu.memory_space<vmem>> -> memref<1x128x4xf32, #tpu.memory_space<vmem>>
      %dma_start3A_56 = tpu.memref_squeeze %dma_start3A_55 : memref<1x128x4xf32, #tpu.memory_space<vmem>> -> memref<128x4xf32, #tpu.memory_space<vmem>>
      %dma_start3A_57 = arith.constant 0 : i32
      %dma_start3A_58 = tpu.memref_slice %arg7[%dma_start3A_51, %dma_start3A_57] : memref<104x128xi32, #tpu.memory_space<vmem>> -> memref<1x128xi32, #tpu.memory_space<vmem>>
      %dma_start3A_59 = tpu.memref_squeeze %dma_start3A_58 : memref<1x128xi32, #tpu.memory_space<vmem>> -> memref<128xi32, #tpu.memory_space<vmem>>
      %dma_start3A_60 = arith.constant 0 : i32
      %dma_start3A_61 = arith.constant 0 : i32
      %dma_start3A_62 = tpu.memref_slice %arg4[%dma_start3A_60, %dma_start3A_61] : memref<10000x4xf32, #tpu.memory_space<hbm>> -> memref<10000x4xf32, #tpu.memory_space<hbm>>
      tpu.enqueue_indirect_dma source(%dma_start3A_62 : memref<10000x4xf32, #tpu.memory_space<hbm>>) target(%dma_start3A_56 : memref<128x4xf32, #tpu.memory_space<vmem>>) offsets(%dma_start3A_59 : memref<128xi32, #tpu.memory_space<vmem>>) semaphore(%arg15 : memref<!tpu.dma_semaphore, #tpu.memory_space<semaphore_mem>>)
      %dma_start3A_63 = arith.constant 3 : i32
      %dma_start3A_64 = arith.constant 3 : i32
      %dma_start3A_65 = arith.constant 0 : i32
      %dma_start3A_66 = arith.constant 0 : i32
      %dma_start3A_67 = tpu.memref_slice %arg9[%dma_start3A_64, %dma_start3A_65, %dma_start3A_66] : memref<4x128x4xf32, #tpu.memory_space<vmem>> -> memref<1x128x4xf32, #tpu.memory_space<vmem>>
      %dma_start3A_68 = tpu.memref_squeeze %dma_start3A_67 : memref<1x128x4xf32, #tpu.memory_space<vmem>> -> memref<128x4xf32, #tpu.memory_space<vmem>>
      %dma_start3A_69 = arith.constant 0 : i32
      %dma_start3A_70 = tpu.memref_slice %arg7[%dma_start3A_63, %dma_start3A_69] : memref<104x128xi32, #tpu.memory_space<vmem>> -> memref<1x128xi32, #tpu.memory_space<vmem>>
      %dma_start3A_71 = tpu.memref_squeeze %dma_start3A_70 : memref<1x128xi32, #tpu.memory_space<vmem>> -> memref<128xi32, #tpu.memory_space<vmem>>
      %dma_start3A_72 = arith.constant 0 : i32
      %dma_start3A_73 = arith.constant 0 : i32
      %dma_start3A_74 = tpu.memref_slice %arg4[%dma_start3A_72, %dma_start3A_73] : memref<10000x4xf32, #tpu.memory_space<hbm>> -> memref<10000x4xf32, #tpu.memory_space<hbm>>
      tpu.enqueue_indirect_dma source(%dma_start3A_74 : memref<10000x4xf32, #tpu.memory_space<hbm>>) target(%dma_start3A_68 : memref<128x4xf32, #tpu.memory_space<vmem>>) offsets(%dma_start3A_71 : memref<128xi32, #tpu.memory_space<vmem>>) semaphore(%arg16 : memref<!tpu.dma_semaphore, #tpu.memory_space<semaphore_mem>>)
    } else {
    }
    %mul3A = arith.constant 632 : i32
    %mul3A_7 = arith.muli %arg1, %mul3A : i32
    "tpu.region"() ({
      %run_scoped3A = tpu.sem_alloc : memref<!tpu.dma_semaphore, #tpu.memory_space<semaphore_mem>>
      %dma_start3A = arith.constant 0 : i32
      %dma_start3A_25 = tpu.memref_slice %arg5[%mul3A_7, %dma_start3A] : memref<10112x4xf32, #tpu.memory_space<hbm>> -> memref<632x4xf32, #tpu.memory_space<hbm>>
      %dma_start3A_26 = arith.constant 0 : i32
      %dma_start3A_27 = tpu.memref_slice %arg5[%mul3A_7, %dma_start3A_26] : memref<10112x4xf32, #tpu.memory_space<hbm>> -> memref<632x4xf32, #tpu.memory_space<hbm>>
      tpu.enqueue_dma source(%dma_start3A_27 : memref<632x4xf32, #tpu.memory_space<hbm>>) target(%arg10 : memref<632x4xf32, #tpu.memory_space<vmem>>) target_semaphore(%run_scoped3A : memref<!tpu.dma_semaphore, #tpu.memory_space<semaphore_mem>>)
      %dma_wait3A = arith.constant 0 : i32
      %dma_wait3A_28 = tpu.memref_slice %arg5[%mul3A_7, %dma_wait3A] : memref<10112x4xf32, #tpu.memory_space<hbm>> -> memref<632x4xf32, #tpu.memory_space<hbm>>
      %dma_wait3A_29 = arith.constant 0 : i32
      %dma_wait3A_30 = tpu.memref_slice %arg5[%mul3A_7, %dma_wait3A_29] : memref<10112x4xf32, #tpu.memory_space<hbm>> -> memref<632x4xf32, #tpu.memory_space<hbm>>
      tpu.wait_dma2 semaphore(%run_scoped3A : memref<!tpu.dma_semaphore, #tpu.memory_space<semaphore_mem>>) src(%dma_wait3A_30 : memref<632x4xf32, #tpu.memory_space<hbm>>) dst(%arg10 : memref<632x4xf32, #tpu.memory_space<vmem>>)
      tpu.yield
    }) : () -> ()
    %mul3A_8 = arith.constant 632 : i32
    %mul3A_9 = arith.muli %arg1, %mul3A_8 : i32
    "tpu.region"() ({
      %run_scoped3A = tpu.sem_alloc : memref<!tpu.dma_semaphore, #tpu.memory_space<semaphore_mem>>
      %dma_start3A = arith.constant 0 : i32
      %dma_start3A_25 = tpu.memref_slice %arg11[%mul3A_9, %dma_start3A] : memref<10112x4xf32, #tpu.memory_space<vmem_shared>> -> memref<632x4xf32, #tpu.memory_space<vmem_shared>>
      %dma_start3A_26 = arith.constant 0 : i32
      %dma_start3A_27 = tpu.memref_slice %arg11[%mul3A_9, %dma_start3A_26] : memref<10112x4xf32, #tpu.memory_space<vmem_shared>> -> memref<632x4xf32, #tpu.memory_space<vmem_shared>>
      tpu.enqueue_dma source(%arg10 : memref<632x4xf32, #tpu.memory_space<vmem>>) target(%dma_start3A_27 : memref<632x4xf32, #tpu.memory_space<vmem_shared>>) target_semaphore(%run_scoped3A : memref<!tpu.dma_semaphore, #tpu.memory_space<semaphore_mem>>)
      %dma_wait3A = arith.constant 0 : i32
      %dma_wait3A_28 = tpu.memref_slice %arg11[%mul3A_9, %dma_wait3A] : memref<10112x4xf32, #tpu.memory_space<vmem_shared>> -> memref<632x4xf32, #tpu.memory_space<vmem_shared>>
      %dma_wait3A_29 = arith.constant 0 : i32
      %dma_wait3A_30 = tpu.memref_slice %arg11[%mul3A_9, %dma_wait3A_29] : memref<10112x4xf32, #tpu.memory_space<vmem_shared>> -> memref<632x4xf32, #tpu.memory_space<vmem_shared>>
      tpu.wait_dma2 semaphore(%run_scoped3A : memref<!tpu.dma_semaphore, #tpu.memory_space<semaphore_mem>>) src(%arg10 : memref<632x4xf32, #tpu.memory_space<vmem>>) dst(%dma_wait3A_30 : memref<632x4xf32, #tpu.memory_space<vmem_shared>>)
      tpu.yield
    }) : () -> ()
    %barrier3A = arith.constant 0 : index
    tpu.barrier barrier_id(%barrier3A)
    %eq3A_10 = arith.constant 0 : i32
    %eq3A_11 = arith.cmpi eq, %arg0, %eq3A_10 : i32
    %convert_element_type3A_12 = arith.extui %eq3A_11 : i1 to i32
    %cond3A_13 = arith.constant 0 : i32
    %cond3A_14 = arith.cmpi ne, %convert_element_type3A_12, %cond3A_13 : i32
    scf.if %cond3A_14 {
      %scan3A = arith.constant 0 : i32
      %scan3A_25 = arith.constant 0 : i32
      %scan3A_26 = arith.constant 14 : i32
      %scan3A_27 = arith.addi %scan3A_25, %scan3A_26 : i32
      %scan3A_28 = arith.constant 1 : i32
      scf.for %scan3A_30 = %scan3A_25 to %scan3A_27 step %scan3A_28  : i32 {
        %mul3A_31 = arith.constant 4 : i32
        %mul3A_32 = arith.muli %scan3A_30, %mul3A_31 : i32
        %add3A = arith.constant 0 : i32
        %add3A_33 = arith.addi %mul3A_32, %add3A : i32
        %dma_wait3A = arith.constant 0 : i32
        %dma_wait3A_34 = arith.constant 0 : i32
        %dma_wait3A_35 = arith.constant 0 : i32
        %dma_wait3A_36 = tpu.memref_slice %arg9[%dma_wait3A, %dma_wait3A_34, %dma_wait3A_35] : memref<4x128x4xf32, #tpu.memory_space<vmem>> -> memref<1x128x4xf32, #tpu.memory_space<vmem>>
        %dma_wait3A_37 = tpu.memref_squeeze %dma_wait3A_36 : memref<1x128x4xf32, #tpu.memory_space<vmem>> -> memref<128x4xf32, #tpu.memory_space<vmem>>
        %dma_wait3A_38 = arith.constant 0 : i32
        %dma_wait3A_39 = tpu.memref_slice %arg7[%add3A_33, %dma_wait3A_38] : memref<104x128xi32, #tpu.memory_space<vmem>> -> memref<1x128xi32, #tpu.memory_space<vmem>>
        %dma_wait3A_40 = tpu.memref_squeeze %dma_wait3A_39 : memref<1x128xi32, #tpu.memory_space<vmem>> -> memref<128xi32, #tpu.memory_space<vmem>>
        %dma_wait3A_41 = arith.constant 0 : i32
        %dma_wait3A_42 = arith.constant 0 : i32
        %dma_wait3A_43 = tpu.memref_slice %arg4[%dma_wait3A_41, %dma_wait3A_42] : memref<10000x4xf32, #tpu.memory_space<hbm>> -> memref<10000x4xf32, #tpu.memory_space<hbm>>
        tpu.wait_indirect_dma semaphore(%arg13 : memref<!tpu.dma_semaphore, #tpu.memory_space<semaphore_mem>>) src(%dma_wait3A_43 : memref<10000x4xf32, #tpu.memory_space<hbm>>) dst(%dma_wait3A_37 : memref<128x4xf32, #tpu.memory_space<vmem>>)
        %dma_start3A = arith.constant 0 : i32
        %dma_start3A_44 = arith.constant 0 : i32
        %dma_start3A_45 = arith.constant 0 : i32
        %dma_start3A_46 = tpu.memref_slice %arg9[%dma_start3A, %dma_start3A_44, %dma_start3A_45] : memref<4x128x4xf32, #tpu.memory_space<vmem>> -> memref<1x128x4xf32, #tpu.memory_space<vmem>>
        %dma_start3A_47 = tpu.memref_squeeze %dma_start3A_46 : memref<1x128x4xf32, #tpu.memory_space<vmem>> -> memref<128x4xf32, #tpu.memory_space<vmem>>
        %dma_start3A_48 = arith.constant 0 : i32
        %dma_start3A_49 = tpu.memref_slice %arg8[%add3A_33, %dma_start3A_48] : memref<104x128xi32, #tpu.memory_space<vmem>> -> memref<1x128xi32, #tpu.memory_space<vmem>>
        %dma_start3A_50 = tpu.memref_squeeze %dma_start3A_49 : memref<1x128xi32, #tpu.memory_space<vmem>> -> memref<128xi32, #tpu.memory_space<vmem>>
        %dma_start3A_51 = arith.constant 0 : i32
        %dma_start3A_52 = arith.constant 0 : i32
        %dma_start3A_53 = tpu.memref_slice %arg11[%dma_start3A_51, %dma_start3A_52] : memref<10112x4xf32, #tpu.memory_space<vmem_shared>> -> memref<10112x4xf32, #tpu.memory_space<vmem_shared>>
        tpu.enqueue_indirect_dma source(%dma_start3A_47 : memref<128x4xf32, #tpu.memory_space<vmem>>) target(%dma_start3A_53 : memref<10112x4xf32, #tpu.memory_space<vmem_shared>>) offsets(%dma_start3A_50 : memref<128xi32, #tpu.memory_space<vmem>>) semaphore(%arg12 : memref<!tpu.dma_semaphore, #tpu.memory_space<semaphore_mem>>) {add = true}
        %dma_wait3A_54 = arith.constant 0 : i32
        %dma_wait3A_55 = arith.constant 0 : i32
        %dma_wait3A_56 = arith.constant 0 : i32
        %dma_wait3A_57 = tpu.memref_slice %arg9[%dma_wait3A_54, %dma_wait3A_55, %dma_wait3A_56] : memref<4x128x4xf32, #tpu.memory_space<vmem>> -> memref<1x128x4xf32, #tpu.memory_space<vmem>>
        %dma_wait3A_58 = tpu.memref_squeeze %dma_wait3A_57 : memref<1x128x4xf32, #tpu.memory_space<vmem>> -> memref<128x4xf32, #tpu.memory_space<vmem>>
        %dma_wait3A_59 = arith.constant 0 : i32
        %dma_wait3A_60 = tpu.memref_slice %arg8[%add3A_33, %dma_wait3A_59] : memref<104x128xi32, #tpu.memory_space<vmem>> -> memref<1x128xi32, #tpu.memory_space<vmem>>
        %dma_wait3A_61 = tpu.memref_squeeze %dma_wait3A_60 : memref<1x128xi32, #tpu.memory_space<vmem>> -> memref<128xi32, #tpu.memory_space<vmem>>
        %dma_wait3A_62 = arith.constant 0 : i32
        %dma_wait3A_63 = arith.constant 0 : i32
        %dma_wait3A_64 = tpu.memref_slice %arg11[%dma_wait3A_62, %dma_wait3A_63] : memref<10112x4xf32, #tpu.memory_space<vmem_shared>> -> memref<10112x4xf32, #tpu.memory_space<vmem_shared>>
        tpu.wait_indirect_dma semaphore(%arg12 : memref<!tpu.dma_semaphore, #tpu.memory_space<semaphore_mem>>) src(%dma_wait3A_58 : memref<128x4xf32, #tpu.memory_space<vmem>>) dst(%dma_wait3A_64 : memref<10112x4xf32, #tpu.memory_space<vmem_shared>>)
        %lt3A = arith.constant 13 : i32
        %lt3A_65 = arith.cmpi slt, %scan3A_30, %lt3A : i32
        %convert_element_type3A_66 = arith.extui %lt3A_65 : i1 to i32
        %cond3A_67 = arith.constant 0 : i32
        %cond3A_68 = arith.cmpi ne, %convert_element_type3A_66, %cond3A_67 : i32
        scf.if %cond3A_68 {
          %add3A_195 = arith.constant 4 : i32
          %add3A_196 = arith.addi %add3A_33, %add3A_195 : i32
          %dma_start3A_197 = arith.constant 0 : i32
          %dma_start3A_198 = arith.constant 0 : i32
          %dma_start3A_199 = arith.constant 0 : i32
          %dma_start3A_200 = tpu.memref_slice %arg9[%dma_start3A_197, %dma_start3A_198, %dma_start3A_199] : memref<4x128x4xf32, #tpu.memory_space<vmem>> -> memref<1x128x4xf32, #tpu.memory_space<vmem>>
          %dma_start3A_201 = tpu.memref_squeeze %dma_start3A_200 : memref<1x128x4xf32, #tpu.memory_space<vmem>> -> memref<128x4xf32, #tpu.memory_space<vmem>>
          %dma_start3A_202 = arith.constant 0 : i32
          %dma_start3A_203 = tpu.memref_slice %arg7[%add3A_196, %dma_start3A_202] : memref<104x128xi32, #tpu.memory_space<vmem>> -> memref<1x128xi32, #tpu.memory_space<vmem>>
          %dma_start3A_204 = tpu.memref_squeeze %dma_start3A_203 : memref<1x128xi32, #tpu.memory_space<vmem>> -> memref<128xi32, #tpu.memory_space<vmem>>
          %dma_start3A_205 = arith.constant 0 : i32
          %dma_start3A_206 = arith.constant 0 : i32
          %dma_start3A_207 = tpu.memref_slice %arg4[%dma_start3A_205, %dma_start3A_206] : memref<10000x4xf32, #tpu.memory_space<hbm>> -> memref<10000x4xf32, #tpu.memory_space<hbm>>
          tpu.enqueue_indirect_dma source(%dma_start3A_207 : memref<10000x4xf32, #tpu.memory_space<hbm>>) target(%dma_start3A_201 : memref<128x4xf32, #tpu.memory_space<vmem>>) offsets(%dma_start3A_204 : memref<128xi32, #tpu.memory_space<vmem>>) semaphore(%arg13 : memref<!tpu.dma_semaphore, #tpu.memory_space<semaphore_mem>>)
        } else {
        }
        %mul3A_69 = arith.constant 4 : i32
        %mul3A_70 = arith.muli %scan3A_30, %mul3A_69 : i32
        %add3A_71 = arith.constant 1 : i32
        %add3A_72 = arith.addi %mul3A_70, %add3A_71 : i32
        %dma_wait3A_73 = arith.constant 1 : i32
        %dma_wait3A_74 = arith.constant 0 : i32
        %dma_wait3A_75 = arith.constant 0 : i32
        %dma_wait3A_76 = tpu.memref_slice %arg9[%dma_wait3A_73, %dma_wait3A_74, %dma_wait3A_75] : memref<4x128x4xf32, #tpu.memory_space<vmem>> -> memref<1x128x4xf32, #tpu.memory_space<vmem>>
        %dma_wait3A_77 = tpu.memref_squeeze %dma_wait3A_76 : memref<1x128x4xf32, #tpu.memory_space<vmem>> -> memref<128x4xf32, #tpu.memory_space<vmem>>
        %dma_wait3A_78 = arith.constant 0 : i32
        %dma_wait3A_79 = tpu.memref_slice %arg7[%add3A_72, %dma_wait3A_78] : memref<104x128xi32, #tpu.memory_space<vmem>> -> memref<1x128xi32, #tpu.memory_space<vmem>>
        %dma_wait3A_80 = tpu.memref_squeeze %dma_wait3A_79 : memref<1x128xi32, #tpu.memory_space<vmem>> -> memref<128xi32, #tpu.memory_space<vmem>>
        %dma_wait3A_81 = arith.constant 0 : i32
        %dma_wait3A_82 = arith.constant 0 : i32
        %dma_wait3A_83 = tpu.memref_slice %arg4[%dma_wait3A_81, %dma_wait3A_82] : memref<10000x4xf32, #tpu.memory_space<hbm>> -> memref<10000x4xf32, #tpu.memory_space<hbm>>
        tpu.wait_indirect_dma semaphore(%arg14 : memref<!tpu.dma_semaphore, #tpu.memory_space<semaphore_mem>>) src(%dma_wait3A_83 : memref<10000x4xf32, #tpu.memory_space<hbm>>) dst(%dma_wait3A_77 : memref<128x4xf32, #tpu.memory_space<vmem>>)
        %dma_start3A_84 = arith.constant 1 : i32
        %dma_start3A_85 = arith.constant 0 : i32
        %dma_start3A_86 = arith.constant 0 : i32
        %dma_start3A_87 = tpu.memref_slice %arg9[%dma_start3A_84, %dma_start3A_85, %dma_start3A_86] : memref<4x128x4xf32, #tpu.memory_space<vmem>> -> memref<1x128x4xf32, #tpu.memory_space<vmem>>
        %dma_start3A_88 = tpu.memref_squeeze %dma_start3A_87 : memref<1x128x4xf32, #tpu.memory_space<vmem>> -> memref<128x4xf32, #tpu.memory_space<vmem>>
        %dma_start3A_89 = arith.constant 0 : i32
        %dma_start3A_90 = tpu.memref_slice %arg8[%add3A_72, %dma_start3A_89] : memref<104x128xi32, #tpu.memory_space<vmem>> -> memref<1x128xi32, #tpu.memory_space<vmem>>
        %dma_start3A_91 = tpu.memref_squeeze %dma_start3A_90 : memref<1x128xi32, #tpu.memory_space<vmem>> -> memref<128xi32, #tpu.memory_space<vmem>>
        %dma_start3A_92 = arith.constant 0 : i32
        %dma_start3A_93 = arith.constant 0 : i32
        %dma_start3A_94 = tpu.memref_slice %arg11[%dma_start3A_92, %dma_start3A_93] : memref<10112x4xf32, #tpu.memory_space<vmem_shared>> -> memref<10112x4xf32, #tpu.memory_space<vmem_shared>>
        tpu.enqueue_indirect_dma source(%dma_start3A_88 : memref<128x4xf32, #tpu.memory_space<vmem>>) target(%dma_start3A_94 : memref<10112x4xf32, #tpu.memory_space<vmem_shared>>) offsets(%dma_start3A_91 : memref<128xi32, #tpu.memory_space<vmem>>) semaphore(%arg12 : memref<!tpu.dma_semaphore, #tpu.memory_space<semaphore_mem>>) {add = true}
        %dma_wait3A_95 = arith.constant 1 : i32
        %dma_wait3A_96 = arith.constant 0 : i32
        %dma_wait3A_97 = arith.constant 0 : i32
        %dma_wait3A_98 = tpu.memref_slice %arg9[%dma_wait3A_95, %dma_wait3A_96, %dma_wait3A_97] : memref<4x128x4xf32, #tpu.memory_space<vmem>> -> memref<1x128x4xf32, #tpu.memory_space<vmem>>
        %dma_wait3A_99 = tpu.memref_squeeze %dma_wait3A_98 : memref<1x128x4xf32, #tpu.memory_space<vmem>> -> memref<128x4xf32, #tpu.memory_space<vmem>>
        %dma_wait3A_100 = arith.constant 0 : i32
        %dma_wait3A_101 = tpu.memref_slice %arg8[%add3A_72, %dma_wait3A_100] : memref<104x128xi32, #tpu.memory_space<vmem>> -> memref<1x128xi32, #tpu.memory_space<vmem>>
        %dma_wait3A_102 = tpu.memref_squeeze %dma_wait3A_101 : memref<1x128xi32, #tpu.memory_space<vmem>> -> memref<128xi32, #tpu.memory_space<vmem>>
        %dma_wait3A_103 = arith.constant 0 : i32
        %dma_wait3A_104 = arith.constant 0 : i32
        %dma_wait3A_105 = tpu.memref_slice %arg11[%dma_wait3A_103, %dma_wait3A_104] : memref<10112x4xf32, #tpu.memory_space<vmem_shared>> -> memref<10112x4xf32, #tpu.memory_space<vmem_shared>>
        tpu.wait_indirect_dma semaphore(%arg12 : memref<!tpu.dma_semaphore, #tpu.memory_space<semaphore_mem>>) src(%dma_wait3A_99 : memref<128x4xf32, #tpu.memory_space<vmem>>) dst(%dma_wait3A_105 : memref<10112x4xf32, #tpu.memory_space<vmem_shared>>)
        %lt3A_106 = arith.constant 13 : i32
        %lt3A_107 = arith.cmpi slt, %scan3A_30, %lt3A_106 : i32
        %convert_element_type3A_108 = arith.extui %lt3A_107 : i1 to i32
        %cond3A_109 = arith.constant 0 : i32
        %cond3A_110 = arith.cmpi ne, %convert_element_type3A_108, %cond3A_109 : i32
        scf.if %cond3A_110 {
          %add3A_195 = arith.constant 4 : i32
          %add3A_196 = arith.addi %add3A_72, %add3A_195 : i32
          %dma_start3A_197 = arith.constant 1 : i32
          %dma_start3A_198 = arith.constant 0 : i32
          %dma_start3A_199 = arith.constant 0 : i32
          %dma_start3A_200 = tpu.memref_slice %arg9[%dma_start3A_197, %dma_start3A_198, %dma_start3A_199] : memref<4x128x4xf32, #tpu.memory_space<vmem>> -> memref<1x128x4xf32, #tpu.memory_space<vmem>>
          %dma_start3A_201 = tpu.memref_squeeze %dma_start3A_200 : memref<1x128x4xf32, #tpu.memory_space<vmem>> -> memref<128x4xf32, #tpu.memory_space<vmem>>
          %dma_start3A_202 = arith.constant 0 : i32
          %dma_start3A_203 = tpu.memref_slice %arg7[%add3A_196, %dma_start3A_202] : memref<104x128xi32, #tpu.memory_space<vmem>> -> memref<1x128xi32, #tpu.memory_space<vmem>>
          %dma_start3A_204 = tpu.memref_squeeze %dma_start3A_203 : memref<1x128xi32, #tpu.memory_space<vmem>> -> memref<128xi32, #tpu.memory_space<vmem>>
          %dma_start3A_205 = arith.constant 0 : i32
          %dma_start3A_206 = arith.constant 0 : i32
          %dma_start3A_207 = tpu.memref_slice %arg4[%dma_start3A_205, %dma_start3A_206] : memref<10000x4xf32, #tpu.memory_space<hbm>> -> memref<10000x4xf32, #tpu.memory_space<hbm>>
          tpu.enqueue_indirect_dma source(%dma_start3A_207 : memref<10000x4xf32, #tpu.memory_space<hbm>>) target(%dma_start3A_201 : memref<128x4xf32, #tpu.memory_space<vmem>>) offsets(%dma_start3A_204 : memref<128xi32, #tpu.memory_space<vmem>>) semaphore(%arg14 : memref<!tpu.dma_semaphore, #tpu.memory_space<semaphore_mem>>)
        } else {
        }
        %mul3A_111 = arith.constant 4 : i32
        %mul3A_112 = arith.muli %scan3A_30, %mul3A_111 : i32
        %add3A_113 = arith.constant 2 : i32
        %add3A_114 = arith.addi %mul3A_112, %add3A_113 : i32
        %dma_wait3A_115 = arith.constant 2 : i32
        %dma_wait3A_116 = arith.constant 0 : i32
        %dma_wait3A_117 = arith.constant 0 : i32
        %dma_wait3A_118 = tpu.memref_slice %arg9[%dma_wait3A_115, %dma_wait3A_116, %dma_wait3A_117] : memref<4x128x4xf32, #tpu.memory_space<vmem>> -> memref<1x128x4xf32, #tpu.memory_space<vmem>>
        %dma_wait3A_119 = tpu.memref_squeeze %dma_wait3A_118 : memref<1x128x4xf32, #tpu.memory_space<vmem>> -> memref<128x4xf32, #tpu.memory_space<vmem>>
        %dma_wait3A_120 = arith.constant 0 : i32
        %dma_wait3A_121 = tpu.memref_slice %arg7[%add3A_114, %dma_wait3A_120] : memref<104x128xi32, #tpu.memory_space<vmem>> -> memref<1x128xi32, #tpu.memory_space<vmem>>
        %dma_wait3A_122 = tpu.memref_squeeze %dma_wait3A_121 : memref<1x128xi32, #tpu.memory_space<vmem>> -> memref<128xi32, #tpu.memory_space<vmem>>
        %dma_wait3A_123 = arith.constant 0 : i32
        %dma_wait3A_124 = arith.constant 0 : i32
        %dma_wait3A_125 = tpu.memref_slice %arg4[%dma_wait3A_123, %dma_wait3A_124] : memref<10000x4xf32, #tpu.memory_space<hbm>> -> memref<10000x4xf32, #tpu.memory_space<hbm>>
        tpu.wait_indirect_dma semaphore(%arg15 : memref<!tpu.dma_semaphore, #tpu.memory_space<semaphore_mem>>) src(%dma_wait3A_125 : memref<10000x4xf32, #tpu.memory_space<hbm>>) dst(%dma_wait3A_119 : memref<128x4xf32, #tpu.memory_space<vmem>>)
        %dma_start3A_126 = arith.constant 2 : i32
        %dma_start3A_127 = arith.constant 0 : i32
        %dma_start3A_128 = arith.constant 0 : i32
        %dma_start3A_129 = tpu.memref_slice %arg9[%dma_start3A_126, %dma_start3A_127, %dma_start3A_128] : memref<4x128x4xf32, #tpu.memory_space<vmem>> -> memref<1x128x4xf32, #tpu.memory_space<vmem>>
        %dma_start3A_130 = tpu.memref_squeeze %dma_start3A_129 : memref<1x128x4xf32, #tpu.memory_space<vmem>> -> memref<128x4xf32, #tpu.memory_space<vmem>>
        %dma_start3A_131 = arith.constant 0 : i32
        %dma_start3A_132 = tpu.memref_slice %arg8[%add3A_114, %dma_start3A_131] : memref<104x128xi32, #tpu.memory_space<vmem>> -> memref<1x128xi32, #tpu.memory_space<vmem>>
        %dma_start3A_133 = tpu.memref_squeeze %dma_start3A_132 : memref<1x128xi32, #tpu.memory_space<vmem>> -> memref<128xi32, #tpu.memory_space<vmem>>
        %dma_start3A_134 = arith.constant 0 : i32
        %dma_start3A_135 = arith.constant 0 : i32
        %dma_start3A_136 = tpu.memref_slice %arg11[%dma_start3A_134, %dma_start3A_135] : memref<10112x4xf32, #tpu.memory_space<vmem_shared>> -> memref<10112x4xf32, #tpu.memory_space<vmem_shared>>
        tpu.enqueue_indirect_dma source(%dma_start3A_130 : memref<128x4xf32, #tpu.memory_space<vmem>>) target(%dma_start3A_136 : memref<10112x4xf32, #tpu.memory_space<vmem_shared>>) offsets(%dma_start3A_133 : memref<128xi32, #tpu.memory_space<vmem>>) semaphore(%arg12 : memref<!tpu.dma_semaphore, #tpu.memory_space<semaphore_mem>>) {add = true}
        %dma_wait3A_137 = arith.constant 2 : i32
        %dma_wait3A_138 = arith.constant 0 : i32
        %dma_wait3A_139 = arith.constant 0 : i32
        %dma_wait3A_140 = tpu.memref_slice %arg9[%dma_wait3A_137, %dma_wait3A_138, %dma_wait3A_139] : memref<4x128x4xf32, #tpu.memory_space<vmem>> -> memref<1x128x4xf32, #tpu.memory_space<vmem>>
        %dma_wait3A_141 = tpu.memref_squeeze %dma_wait3A_140 : memref<1x128x4xf32, #tpu.memory_space<vmem>> -> memref<128x4xf32, #tpu.memory_space<vmem>>
        %dma_wait3A_142 = arith.constant 0 : i32
        %dma_wait3A_143 = tpu.memref_slice %arg8[%add3A_114, %dma_wait3A_142] : memref<104x128xi32, #tpu.memory_space<vmem>> -> memref<1x128xi32, #tpu.memory_space<vmem>>
        %dma_wait3A_144 = tpu.memref_squeeze %dma_wait3A_143 : memref<1x128xi32, #tpu.memory_space<vmem>> -> memref<128xi32, #tpu.memory_space<vmem>>
        %dma_wait3A_145 = arith.constant 0 : i32
        %dma_wait3A_146 = arith.constant 0 : i32
        %dma_wait3A_147 = tpu.memref_slice %arg11[%dma_wait3A_145, %dma_wait3A_146] : memref<10112x4xf32, #tpu.memory_space<vmem_shared>> -> memref<10112x4xf32, #tpu.memory_space<vmem_shared>>
        tpu.wait_indirect_dma semaphore(%arg12 : memref<!tpu.dma_semaphore, #tpu.memory_space<semaphore_mem>>) src(%dma_wait3A_141 : memref<128x4xf32, #tpu.memory_space<vmem>>) dst(%dma_wait3A_147 : memref<10112x4xf32, #tpu.memory_space<vmem_shared>>)
        %lt3A_148 = arith.constant 13 : i32
        %lt3A_149 = arith.cmpi slt, %scan3A_30, %lt3A_148 : i32
        %convert_element_type3A_150 = arith.extui %lt3A_149 : i1 to i32
        %cond3A_151 = arith.constant 0 : i32
        %cond3A_152 = arith.cmpi ne, %convert_element_type3A_150, %cond3A_151 : i32
        scf.if %cond3A_152 {
          %add3A_195 = arith.constant 4 : i32
          %add3A_196 = arith.addi %add3A_114, %add3A_195 : i32
          %dma_start3A_197 = arith.constant 2 : i32
          %dma_start3A_198 = arith.constant 0 : i32
          %dma_start3A_199 = arith.constant 0 : i32
          %dma_start3A_200 = tpu.memref_slice %arg9[%dma_start3A_197, %dma_start3A_198, %dma_start3A_199] : memref<4x128x4xf32, #tpu.memory_space<vmem>> -> memref<1x128x4xf32, #tpu.memory_space<vmem>>
          %dma_start3A_201 = tpu.memref_squeeze %dma_start3A_200 : memref<1x128x4xf32, #tpu.memory_space<vmem>> -> memref<128x4xf32, #tpu.memory_space<vmem>>
          %dma_start3A_202 = arith.constant 0 : i32
          %dma_start3A_203 = tpu.memref_slice %arg7[%add3A_196, %dma_start3A_202] : memref<104x128xi32, #tpu.memory_space<vmem>> -> memref<1x128xi32, #tpu.memory_space<vmem>>
          %dma_start3A_204 = tpu.memref_squeeze %dma_start3A_203 : memref<1x128xi32, #tpu.memory_space<vmem>> -> memref<128xi32, #tpu.memory_space<vmem>>
          %dma_start3A_205 = arith.constant 0 : i32
          %dma_start3A_206 = arith.constant 0 : i32
          %dma_start3A_207 = tpu.memref_slice %arg4[%dma_start3A_205, %dma_start3A_206] : memref<10000x4xf32, #tpu.memory_space<hbm>> -> memref<10000x4xf32, #tpu.memory_space<hbm>>
          tpu.enqueue_indirect_dma source(%dma_start3A_207 : memref<10000x4xf32, #tpu.memory_space<hbm>>) target(%dma_start3A_201 : memref<128x4xf32, #tpu.memory_space<vmem>>) offsets(%dma_start3A_204 : memref<128xi32, #tpu.memory_space<vmem>>) semaphore(%arg15 : memref<!tpu.dma_semaphore, #tpu.memory_space<semaphore_mem>>)
        } else {
        }
        %mul3A_153 = arith.constant 4 : i32
        %mul3A_154 = arith.muli %scan3A_30, %mul3A_153 : i32
        %add3A_155 = arith.constant 3 : i32
        %add3A_156 = arith.addi %mul3A_154, %add3A_155 : i32
        %dma_wait3A_157 = arith.constant 3 : i32
        %dma_wait3A_158 = arith.constant 0 : i32
        %dma_wait3A_159 = arith.constant 0 : i32
        %dma_wait3A_160 = tpu.memref_slice %arg9[%dma_wait3A_157, %dma_wait3A_158, %dma_wait3A_159] : memref<4x128x4xf32, #tpu.memory_space<vmem>> -> memref<1x128x4xf32, #tpu.memory_space<vmem>>
        %dma_wait3A_161 = tpu.memref_squeeze %dma_wait3A_160 : memref<1x128x4xf32, #tpu.memory_space<vmem>> -> memref<128x4xf32, #tpu.memory_space<vmem>>
        %dma_wait3A_162 = arith.constant 0 : i32
        %dma_wait3A_163 = tpu.memref_slice %arg7[%add3A_156, %dma_wait3A_162] : memref<104x128xi32, #tpu.memory_space<vmem>> -> memref<1x128xi32, #tpu.memory_space<vmem>>
        %dma_wait3A_164 = tpu.memref_squeeze %dma_wait3A_163 : memref<1x128xi32, #tpu.memory_space<vmem>> -> memref<128xi32, #tpu.memory_space<vmem>>
        %dma_wait3A_165 = arith.constant 0 : i32
        %dma_wait3A_166 = arith.constant 0 : i32
        %dma_wait3A_167 = tpu.memref_slice %arg4[%dma_wait3A_165, %dma_wait3A_166] : memref<10000x4xf32, #tpu.memory_space<hbm>> -> memref<10000x4xf32, #tpu.memory_space<hbm>>
        tpu.wait_indirect_dma semaphore(%arg16 : memref<!tpu.dma_semaphore, #tpu.memory_space<semaphore_mem>>) src(%dma_wait3A_167 : memref<10000x4xf32, #tpu.memory_space<hbm>>) dst(%dma_wait3A_161 : memref<128x4xf32, #tpu.memory_space<vmem>>)
        %dma_start3A_168 = arith.constant 3 : i32
        %dma_start3A_169 = arith.constant 0 : i32
        %dma_start3A_170 = arith.constant 0 : i32
        %dma_start3A_171 = tpu.memref_slice %arg9[%dma_start3A_168, %dma_start3A_169, %dma_start3A_170] : memref<4x128x4xf32, #tpu.memory_space<vmem>> -> memref<1x128x4xf32, #tpu.memory_space<vmem>>
        %dma_start3A_172 = tpu.memref_squeeze %dma_start3A_171 : memref<1x128x4xf32, #tpu.memory_space<vmem>> -> memref<128x4xf32, #tpu.memory_space<vmem>>
        %dma_start3A_173 = arith.constant 0 : i32
        %dma_start3A_174 = tpu.memref_slice %arg8[%add3A_156, %dma_start3A_173] : memref<104x128xi32, #tpu.memory_space<vmem>> -> memref<1x128xi32, #tpu.memory_space<vmem>>
        %dma_start3A_175 = tpu.memref_squeeze %dma_start3A_174 : memref<1x128xi32, #tpu.memory_space<vmem>> -> memref<128xi32, #tpu.memory_space<vmem>>
        %dma_start3A_176 = arith.constant 0 : i32
        %dma_start3A_177 = arith.constant 0 : i32
        %dma_start3A_178 = tpu.memref_slice %arg11[%dma_start3A_176, %dma_start3A_177] : memref<10112x4xf32, #tpu.memory_space<vmem_shared>> -> memref<10112x4xf32, #tpu.memory_space<vmem_shared>>
        tpu.enqueue_indirect_dma source(%dma_start3A_172 : memref<128x4xf32, #tpu.memory_space<vmem>>) target(%dma_start3A_178 : memref<10112x4xf32, #tpu.memory_space<vmem_shared>>) offsets(%dma_start3A_175 : memref<128xi32, #tpu.memory_space<vmem>>) semaphore(%arg12 : memref<!tpu.dma_semaphore, #tpu.memory_space<semaphore_mem>>) {add = true}
        %dma_wait3A_179 = arith.constant 3 : i32
        %dma_wait3A_180 = arith.constant 0 : i32
        %dma_wait3A_181 = arith.constant 0 : i32
        %dma_wait3A_182 = tpu.memref_slice %arg9[%dma_wait3A_179, %dma_wait3A_180, %dma_wait3A_181] : memref<4x128x4xf32, #tpu.memory_space<vmem>> -> memref<1x128x4xf32, #tpu.memory_space<vmem>>
        %dma_wait3A_183 = tpu.memref_squeeze %dma_wait3A_182 : memref<1x128x4xf32, #tpu.memory_space<vmem>> -> memref<128x4xf32, #tpu.memory_space<vmem>>
        %dma_wait3A_184 = arith.constant 0 : i32
        %dma_wait3A_185 = tpu.memref_slice %arg8[%add3A_156, %dma_wait3A_184] : memref<104x128xi32, #tpu.memory_space<vmem>> -> memref<1x128xi32, #tpu.memory_space<vmem>>
        %dma_wait3A_186 = tpu.memref_squeeze %dma_wait3A_185 : memref<1x128xi32, #tpu.memory_space<vmem>> -> memref<128xi32, #tpu.memory_space<vmem>>
        %dma_wait3A_187 = arith.constant 0 : i32
        %dma_wait3A_188 = arith.constant 0 : i32
        %dma_wait3A_189 = tpu.memref_slice %arg11[%dma_wait3A_187, %dma_wait3A_188] : memref<10112x4xf32, #tpu.memory_space<vmem_shared>> -> memref<10112x4xf32, #tpu.memory_space<vmem_shared>>
        tpu.wait_indirect_dma semaphore(%arg12 : memref<!tpu.dma_semaphore, #tpu.memory_space<semaphore_mem>>) src(%dma_wait3A_183 : memref<128x4xf32, #tpu.memory_space<vmem>>) dst(%dma_wait3A_189 : memref<10112x4xf32, #tpu.memory_space<vmem_shared>>)
        %lt3A_190 = arith.constant 13 : i32
        %lt3A_191 = arith.cmpi slt, %scan3A_30, %lt3A_190 : i32
        %convert_element_type3A_192 = arith.extui %lt3A_191 : i1 to i32
        %cond3A_193 = arith.constant 0 : i32
        %cond3A_194 = arith.cmpi ne, %convert_element_type3A_192, %cond3A_193 : i32
        scf.if %cond3A_194 {
          %add3A_195 = arith.constant 4 : i32
          %add3A_196 = arith.addi %add3A_156, %add3A_195 : i32
          %dma_start3A_197 = arith.constant 3 : i32
          %dma_start3A_198 = arith.constant 0 : i32
          %dma_start3A_199 = arith.constant 0 : i32
          %dma_start3A_200 = tpu.memref_slice %arg9[%dma_start3A_197, %dma_start3A_198, %dma_start3A_199] : memref<4x128x4xf32, #tpu.memory_space<vmem>> -> memref<1x128x4xf32, #tpu.memory_space<vmem>>
          %dma_start3A_201 = tpu.memref_squeeze %dma_start3A_200 : memref<1x128x4xf32, #tpu.memory_space<vmem>> -> memref<128x4xf32, #tpu.memory_space<vmem>>
          %dma_start3A_202 = arith.constant 0 : i32
          %dma_start3A_203 = tpu.memref_slice %arg7[%add3A_196, %dma_start3A_202] : memref<104x128xi32, #tpu.memory_space<vmem>> -> memref<1x128xi32, #tpu.memory_space<vmem>>
          %dma_start3A_204 = tpu.memref_squeeze %dma_start3A_203 : memref<1x128xi32, #tpu.memory_space<vmem>> -> memref<128xi32, #tpu.memory_space<vmem>>
          %dma_start3A_205 = arith.constant 0 : i32
          %dma_start3A_206 = arith.constant 0 : i32
          %dma_start3A_207 = tpu.memref_slice %arg4[%dma_start3A_205, %dma_start3A_206] : memref<10000x4xf32, #tpu.memory_space<hbm>> -> memref<10000x4xf32, #tpu.memory_space<hbm>>
          tpu.enqueue_indirect_dma source(%dma_start3A_207 : memref<10000x4xf32, #tpu.memory_space<hbm>>) target(%dma_start3A_201 : memref<128x4xf32, #tpu.memory_space<vmem>>) offsets(%dma_start3A_204 : memref<128xi32, #tpu.memory_space<vmem>>) semaphore(%arg16 : memref<!tpu.dma_semaphore, #tpu.memory_space<semaphore_mem>>)
        } else {
        }
      }
      %scan3A_29 = arith.constant 14 : i32
    } else {
    }
    %eq3A_15 = arith.constant 1 : i32
    %eq3A_16 = arith.cmpi eq, %arg0, %eq3A_15 : i32
    %convert_element_type3A_17 = arith.extui %eq3A_16 : i1 to i32
    %cond3A_18 = arith.constant 0 : i32
    %cond3A_19 = arith.cmpi ne, %convert_element_type3A_17, %cond3A_18 : i32
    scf.if %cond3A_19 {
      %scan3A = arith.constant 0 : i32
      %scan3A_25 = arith.constant 0 : i32
      %scan3A_26 = arith.constant 26 : i32
      %scan3A_27 = arith.addi %scan3A_25, %scan3A_26 : i32
      %scan3A_28 = arith.constant 1 : i32
      scf.for %scan3A_30 = %scan3A_25 to %scan3A_27 step %scan3A_28  : i32 {
        %mul3A_31 = arith.constant 4 : i32
        %mul3A_32 = arith.muli %scan3A_30, %mul3A_31 : i32
        %add3A = arith.constant 0 : i32
        %add3A_33 = arith.addi %mul3A_32, %add3A : i32
        %dma_wait3A = arith.constant 0 : i32
        %dma_wait3A_34 = arith.constant 0 : i32
        %dma_wait3A_35 = arith.constant 0 : i32
        %dma_wait3A_36 = tpu.memref_slice %arg9[%dma_wait3A, %dma_wait3A_34, %dma_wait3A_35] : memref<4x128x4xf32, #tpu.memory_space<vmem>> -> memref<1x128x4xf32, #tpu.memory_space<vmem>>
        %dma_wait3A_37 = tpu.memref_squeeze %dma_wait3A_36 : memref<1x128x4xf32, #tpu.memory_space<vmem>> -> memref<128x4xf32, #tpu.memory_space<vmem>>
        %dma_wait3A_38 = arith.constant 0 : i32
        %dma_wait3A_39 = tpu.memref_slice %arg7[%add3A_33, %dma_wait3A_38] : memref<104x128xi32, #tpu.memory_space<vmem>> -> memref<1x128xi32, #tpu.memory_space<vmem>>
        %dma_wait3A_40 = tpu.memref_squeeze %dma_wait3A_39 : memref<1x128xi32, #tpu.memory_space<vmem>> -> memref<128xi32, #tpu.memory_space<vmem>>
        %dma_wait3A_41 = arith.constant 0 : i32
        %dma_wait3A_42 = arith.constant 0 : i32
        %dma_wait3A_43 = tpu.memref_slice %arg4[%dma_wait3A_41, %dma_wait3A_42] : memref<10000x4xf32, #tpu.memory_space<hbm>> -> memref<10000x4xf32, #tpu.memory_space<hbm>>
        tpu.wait_indirect_dma semaphore(%arg13 : memref<!tpu.dma_semaphore, #tpu.memory_space<semaphore_mem>>) src(%dma_wait3A_43 : memref<10000x4xf32, #tpu.memory_space<hbm>>) dst(%dma_wait3A_37 : memref<128x4xf32, #tpu.memory_space<vmem>>)
        %dma_start3A = arith.constant 0 : i32
        %dma_start3A_44 = arith.constant 0 : i32
        %dma_start3A_45 = arith.constant 0 : i32
        %dma_start3A_46 = tpu.memref_slice %arg9[%dma_start3A, %dma_start3A_44, %dma_start3A_45] : memref<4x128x4xf32, #tpu.memory_space<vmem>> -> memref<1x128x4xf32, #tpu.memory_space<vmem>>
        %dma_start3A_47 = tpu.memref_squeeze %dma_start3A_46 : memref<1x128x4xf32, #tpu.memory_space<vmem>> -> memref<128x4xf32, #tpu.memory_space<vmem>>
        %dma_start3A_48 = arith.constant 0 : i32
        %dma_start3A_49 = tpu.memref_slice %arg8[%add3A_33, %dma_start3A_48] : memref<104x128xi32, #tpu.memory_space<vmem>> -> memref<1x128xi32, #tpu.memory_space<vmem>>
        %dma_start3A_50 = tpu.memref_squeeze %dma_start3A_49 : memref<1x128xi32, #tpu.memory_space<vmem>> -> memref<128xi32, #tpu.memory_space<vmem>>
        %dma_start3A_51 = arith.constant 0 : i32
        %dma_start3A_52 = arith.constant 0 : i32
        %dma_start3A_53 = tpu.memref_slice %arg11[%dma_start3A_51, %dma_start3A_52] : memref<10112x4xf32, #tpu.memory_space<vmem_shared>> -> memref<10112x4xf32, #tpu.memory_space<vmem_shared>>
        tpu.enqueue_indirect_dma source(%dma_start3A_47 : memref<128x4xf32, #tpu.memory_space<vmem>>) target(%dma_start3A_53 : memref<10112x4xf32, #tpu.memory_space<vmem_shared>>) offsets(%dma_start3A_50 : memref<128xi32, #tpu.memory_space<vmem>>) semaphore(%arg12 : memref<!tpu.dma_semaphore, #tpu.memory_space<semaphore_mem>>) {add = true}
        %dma_wait3A_54 = arith.constant 0 : i32
        %dma_wait3A_55 = arith.constant 0 : i32
        %dma_wait3A_56 = arith.constant 0 : i32
        %dma_wait3A_57 = tpu.memref_slice %arg9[%dma_wait3A_54, %dma_wait3A_55, %dma_wait3A_56] : memref<4x128x4xf32, #tpu.memory_space<vmem>> -> memref<1x128x4xf32, #tpu.memory_space<vmem>>
        %dma_wait3A_58 = tpu.memref_squeeze %dma_wait3A_57 : memref<1x128x4xf32, #tpu.memory_space<vmem>> -> memref<128x4xf32, #tpu.memory_space<vmem>>
        %dma_wait3A_59 = arith.constant 0 : i32
        %dma_wait3A_60 = tpu.memref_slice %arg8[%add3A_33, %dma_wait3A_59] : memref<104x128xi32, #tpu.memory_space<vmem>> -> memref<1x128xi32, #tpu.memory_space<vmem>>
        %dma_wait3A_61 = tpu.memref_squeeze %dma_wait3A_60 : memref<1x128xi32, #tpu.memory_space<vmem>> -> memref<128xi32, #tpu.memory_space<vmem>>
        %dma_wait3A_62 = arith.constant 0 : i32
        %dma_wait3A_63 = arith.constant 0 : i32
        %dma_wait3A_64 = tpu.memref_slice %arg11[%dma_wait3A_62, %dma_wait3A_63] : memref<10112x4xf32, #tpu.memory_space<vmem_shared>> -> memref<10112x4xf32, #tpu.memory_space<vmem_shared>>
        tpu.wait_indirect_dma semaphore(%arg12 : memref<!tpu.dma_semaphore, #tpu.memory_space<semaphore_mem>>) src(%dma_wait3A_58 : memref<128x4xf32, #tpu.memory_space<vmem>>) dst(%dma_wait3A_64 : memref<10112x4xf32, #tpu.memory_space<vmem_shared>>)
        %lt3A = arith.constant 25 : i32
        %lt3A_65 = arith.cmpi slt, %scan3A_30, %lt3A : i32
        %convert_element_type3A_66 = arith.extui %lt3A_65 : i1 to i32
        %cond3A_67 = arith.constant 0 : i32
        %cond3A_68 = arith.cmpi ne, %convert_element_type3A_66, %cond3A_67 : i32
        scf.if %cond3A_68 {
          %add3A_195 = arith.constant 4 : i32
          %add3A_196 = arith.addi %add3A_33, %add3A_195 : i32
          %dma_start3A_197 = arith.constant 0 : i32
          %dma_start3A_198 = arith.constant 0 : i32
          %dma_start3A_199 = arith.constant 0 : i32
          %dma_start3A_200 = tpu.memref_slice %arg9[%dma_start3A_197, %dma_start3A_198, %dma_start3A_199] : memref<4x128x4xf32, #tpu.memory_space<vmem>> -> memref<1x128x4xf32, #tpu.memory_space<vmem>>
          %dma_start3A_201 = tpu.memref_squeeze %dma_start3A_200 : memref<1x128x4xf32, #tpu.memory_space<vmem>> -> memref<128x4xf32, #tpu.memory_space<vmem>>
          %dma_start3A_202 = arith.constant 0 : i32
          %dma_start3A_203 = tpu.memref_slice %arg7[%add3A_196, %dma_start3A_202] : memref<104x128xi32, #tpu.memory_space<vmem>> -> memref<1x128xi32, #tpu.memory_space<vmem>>
          %dma_start3A_204 = tpu.memref_squeeze %dma_start3A_203 : memref<1x128xi32, #tpu.memory_space<vmem>> -> memref<128xi32, #tpu.memory_space<vmem>>
          %dma_start3A_205 = arith.constant 0 : i32
          %dma_start3A_206 = arith.constant 0 : i32
          %dma_start3A_207 = tpu.memref_slice %arg4[%dma_start3A_205, %dma_start3A_206] : memref<10000x4xf32, #tpu.memory_space<hbm>> -> memref<10000x4xf32, #tpu.memory_space<hbm>>
          tpu.enqueue_indirect_dma source(%dma_start3A_207 : memref<10000x4xf32, #tpu.memory_space<hbm>>) target(%dma_start3A_201 : memref<128x4xf32, #tpu.memory_space<vmem>>) offsets(%dma_start3A_204 : memref<128xi32, #tpu.memory_space<vmem>>) semaphore(%arg13 : memref<!tpu.dma_semaphore, #tpu.memory_space<semaphore_mem>>)
        } else {
        }
        %mul3A_69 = arith.constant 4 : i32
        %mul3A_70 = arith.muli %scan3A_30, %mul3A_69 : i32
        %add3A_71 = arith.constant 1 : i32
        %add3A_72 = arith.addi %mul3A_70, %add3A_71 : i32
        %dma_wait3A_73 = arith.constant 1 : i32
        %dma_wait3A_74 = arith.constant 0 : i32
        %dma_wait3A_75 = arith.constant 0 : i32
        %dma_wait3A_76 = tpu.memref_slice %arg9[%dma_wait3A_73, %dma_wait3A_74, %dma_wait3A_75] : memref<4x128x4xf32, #tpu.memory_space<vmem>> -> memref<1x128x4xf32, #tpu.memory_space<vmem>>
        %dma_wait3A_77 = tpu.memref_squeeze %dma_wait3A_76 : memref<1x128x4xf32, #tpu.memory_space<vmem>> -> memref<128x4xf32, #tpu.memory_space<vmem>>
        %dma_wait3A_78 = arith.constant 0 : i32
        %dma_wait3A_79 = tpu.memref_slice %arg7[%add3A_72, %dma_wait3A_78] : memref<104x128xi32, #tpu.memory_space<vmem>> -> memref<1x128xi32, #tpu.memory_space<vmem>>
        %dma_wait3A_80 = tpu.memref_squeeze %dma_wait3A_79 : memref<1x128xi32, #tpu.memory_space<vmem>> -> memref<128xi32, #tpu.memory_space<vmem>>
        %dma_wait3A_81 = arith.constant 0 : i32
        %dma_wait3A_82 = arith.constant 0 : i32
        %dma_wait3A_83 = tpu.memref_slice %arg4[%dma_wait3A_81, %dma_wait3A_82] : memref<10000x4xf32, #tpu.memory_space<hbm>> -> memref<10000x4xf32, #tpu.memory_space<hbm>>
        tpu.wait_indirect_dma semaphore(%arg14 : memref<!tpu.dma_semaphore, #tpu.memory_space<semaphore_mem>>) src(%dma_wait3A_83 : memref<10000x4xf32, #tpu.memory_space<hbm>>) dst(%dma_wait3A_77 : memref<128x4xf32, #tpu.memory_space<vmem>>)
        %dma_start3A_84 = arith.constant 1 : i32
        %dma_start3A_85 = arith.constant 0 : i32
        %dma_start3A_86 = arith.constant 0 : i32
        %dma_start3A_87 = tpu.memref_slice %arg9[%dma_start3A_84, %dma_start3A_85, %dma_start3A_86] : memref<4x128x4xf32, #tpu.memory_space<vmem>> -> memref<1x128x4xf32, #tpu.memory_space<vmem>>
        %dma_start3A_88 = tpu.memref_squeeze %dma_start3A_87 : memref<1x128x4xf32, #tpu.memory_space<vmem>> -> memref<128x4xf32, #tpu.memory_space<vmem>>
        %dma_start3A_89 = arith.constant 0 : i32
        %dma_start3A_90 = tpu.memref_slice %arg8[%add3A_72, %dma_start3A_89] : memref<104x128xi32, #tpu.memory_space<vmem>> -> memref<1x128xi32, #tpu.memory_space<vmem>>
        %dma_start3A_91 = tpu.memref_squeeze %dma_start3A_90 : memref<1x128xi32, #tpu.memory_space<vmem>> -> memref<128xi32, #tpu.memory_space<vmem>>
        %dma_start3A_92 = arith.constant 0 : i32
        %dma_start3A_93 = arith.constant 0 : i32
        %dma_start3A_94 = tpu.memref_slice %arg11[%dma_start3A_92, %dma_start3A_93] : memref<10112x4xf32, #tpu.memory_space<vmem_shared>> -> memref<10112x4xf32, #tpu.memory_space<vmem_shared>>
        tpu.enqueue_indirect_dma source(%dma_start3A_88 : memref<128x4xf32, #tpu.memory_space<vmem>>) target(%dma_start3A_94 : memref<10112x4xf32, #tpu.memory_space<vmem_shared>>) offsets(%dma_start3A_91 : memref<128xi32, #tpu.memory_space<vmem>>) semaphore(%arg12 : memref<!tpu.dma_semaphore, #tpu.memory_space<semaphore_mem>>) {add = true}
        %dma_wait3A_95 = arith.constant 1 : i32
        %dma_wait3A_96 = arith.constant 0 : i32
        %dma_wait3A_97 = arith.constant 0 : i32
        %dma_wait3A_98 = tpu.memref_slice %arg9[%dma_wait3A_95, %dma_wait3A_96, %dma_wait3A_97] : memref<4x128x4xf32, #tpu.memory_space<vmem>> -> memref<1x128x4xf32, #tpu.memory_space<vmem>>
        %dma_wait3A_99 = tpu.memref_squeeze %dma_wait3A_98 : memref<1x128x4xf32, #tpu.memory_space<vmem>> -> memref<128x4xf32, #tpu.memory_space<vmem>>
        %dma_wait3A_100 = arith.constant 0 : i32
        %dma_wait3A_101 = tpu.memref_slice %arg8[%add3A_72, %dma_wait3A_100] : memref<104x128xi32, #tpu.memory_space<vmem>> -> memref<1x128xi32, #tpu.memory_space<vmem>>
        %dma_wait3A_102 = tpu.memref_squeeze %dma_wait3A_101 : memref<1x128xi32, #tpu.memory_space<vmem>> -> memref<128xi32, #tpu.memory_space<vmem>>
        %dma_wait3A_103 = arith.constant 0 : i32
        %dma_wait3A_104 = arith.constant 0 : i32
        %dma_wait3A_105 = tpu.memref_slice %arg11[%dma_wait3A_103, %dma_wait3A_104] : memref<10112x4xf32, #tpu.memory_space<vmem_shared>> -> memref<10112x4xf32, #tpu.memory_space<vmem_shared>>
        tpu.wait_indirect_dma semaphore(%arg12 : memref<!tpu.dma_semaphore, #tpu.memory_space<semaphore_mem>>) src(%dma_wait3A_99 : memref<128x4xf32, #tpu.memory_space<vmem>>) dst(%dma_wait3A_105 : memref<10112x4xf32, #tpu.memory_space<vmem_shared>>)
        %lt3A_106 = arith.constant 25 : i32
        %lt3A_107 = arith.cmpi slt, %scan3A_30, %lt3A_106 : i32
        %convert_element_type3A_108 = arith.extui %lt3A_107 : i1 to i32
        %cond3A_109 = arith.constant 0 : i32
        %cond3A_110 = arith.cmpi ne, %convert_element_type3A_108, %cond3A_109 : i32
        scf.if %cond3A_110 {
          %add3A_195 = arith.constant 4 : i32
          %add3A_196 = arith.addi %add3A_72, %add3A_195 : i32
          %dma_start3A_197 = arith.constant 1 : i32
          %dma_start3A_198 = arith.constant 0 : i32
          %dma_start3A_199 = arith.constant 0 : i32
          %dma_start3A_200 = tpu.memref_slice %arg9[%dma_start3A_197, %dma_start3A_198, %dma_start3A_199] : memref<4x128x4xf32, #tpu.memory_space<vmem>> -> memref<1x128x4xf32, #tpu.memory_space<vmem>>
          %dma_start3A_201 = tpu.memref_squeeze %dma_start3A_200 : memref<1x128x4xf32, #tpu.memory_space<vmem>> -> memref<128x4xf32, #tpu.memory_space<vmem>>
          %dma_start3A_202 = arith.constant 0 : i32
          %dma_start3A_203 = tpu.memref_slice %arg7[%add3A_196, %dma_start3A_202] : memref<104x128xi32, #tpu.memory_space<vmem>> -> memref<1x128xi32, #tpu.memory_space<vmem>>
          %dma_start3A_204 = tpu.memref_squeeze %dma_start3A_203 : memref<1x128xi32, #tpu.memory_space<vmem>> -> memref<128xi32, #tpu.memory_space<vmem>>
          %dma_start3A_205 = arith.constant 0 : i32
          %dma_start3A_206 = arith.constant 0 : i32
          %dma_start3A_207 = tpu.memref_slice %arg4[%dma_start3A_205, %dma_start3A_206] : memref<10000x4xf32, #tpu.memory_space<hbm>> -> memref<10000x4xf32, #tpu.memory_space<hbm>>
          tpu.enqueue_indirect_dma source(%dma_start3A_207 : memref<10000x4xf32, #tpu.memory_space<hbm>>) target(%dma_start3A_201 : memref<128x4xf32, #tpu.memory_space<vmem>>) offsets(%dma_start3A_204 : memref<128xi32, #tpu.memory_space<vmem>>) semaphore(%arg14 : memref<!tpu.dma_semaphore, #tpu.memory_space<semaphore_mem>>)
        } else {
        }
        %mul3A_111 = arith.constant 4 : i32
        %mul3A_112 = arith.muli %scan3A_30, %mul3A_111 : i32
        %add3A_113 = arith.constant 2 : i32
        %add3A_114 = arith.addi %mul3A_112, %add3A_113 : i32
        %dma_wait3A_115 = arith.constant 2 : i32
        %dma_wait3A_116 = arith.constant 0 : i32
        %dma_wait3A_117 = arith.constant 0 : i32
        %dma_wait3A_118 = tpu.memref_slice %arg9[%dma_wait3A_115, %dma_wait3A_116, %dma_wait3A_117] : memref<4x128x4xf32, #tpu.memory_space<vmem>> -> memref<1x128x4xf32, #tpu.memory_space<vmem>>
        %dma_wait3A_119 = tpu.memref_squeeze %dma_wait3A_118 : memref<1x128x4xf32, #tpu.memory_space<vmem>> -> memref<128x4xf32, #tpu.memory_space<vmem>>
        %dma_wait3A_120 = arith.constant 0 : i32
        %dma_wait3A_121 = tpu.memref_slice %arg7[%add3A_114, %dma_wait3A_120] : memref<104x128xi32, #tpu.memory_space<vmem>> -> memref<1x128xi32, #tpu.memory_space<vmem>>
        %dma_wait3A_122 = tpu.memref_squeeze %dma_wait3A_121 : memref<1x128xi32, #tpu.memory_space<vmem>> -> memref<128xi32, #tpu.memory_space<vmem>>
        %dma_wait3A_123 = arith.constant 0 : i32
        %dma_wait3A_124 = arith.constant 0 : i32
        %dma_wait3A_125 = tpu.memref_slice %arg4[%dma_wait3A_123, %dma_wait3A_124] : memref<10000x4xf32, #tpu.memory_space<hbm>> -> memref<10000x4xf32, #tpu.memory_space<hbm>>
        tpu.wait_indirect_dma semaphore(%arg15 : memref<!tpu.dma_semaphore, #tpu.memory_space<semaphore_mem>>) src(%dma_wait3A_125 : memref<10000x4xf32, #tpu.memory_space<hbm>>) dst(%dma_wait3A_119 : memref<128x4xf32, #tpu.memory_space<vmem>>)
        %dma_start3A_126 = arith.constant 2 : i32
        %dma_start3A_127 = arith.constant 0 : i32
        %dma_start3A_128 = arith.constant 0 : i32
        %dma_start3A_129 = tpu.memref_slice %arg9[%dma_start3A_126, %dma_start3A_127, %dma_start3A_128] : memref<4x128x4xf32, #tpu.memory_space<vmem>> -> memref<1x128x4xf32, #tpu.memory_space<vmem>>
        %dma_start3A_130 = tpu.memref_squeeze %dma_start3A_129 : memref<1x128x4xf32, #tpu.memory_space<vmem>> -> memref<128x4xf32, #tpu.memory_space<vmem>>
        %dma_start3A_131 = arith.constant 0 : i32
        %dma_start3A_132 = tpu.memref_slice %arg8[%add3A_114, %dma_start3A_131] : memref<104x128xi32, #tpu.memory_space<vmem>> -> memref<1x128xi32, #tpu.memory_space<vmem>>
        %dma_start3A_133 = tpu.memref_squeeze %dma_start3A_132 : memref<1x128xi32, #tpu.memory_space<vmem>> -> memref<128xi32, #tpu.memory_space<vmem>>
        %dma_start3A_134 = arith.constant 0 : i32
        %dma_start3A_135 = arith.constant 0 : i32
        %dma_start3A_136 = tpu.memref_slice %arg11[%dma_start3A_134, %dma_start3A_135] : memref<10112x4xf32, #tpu.memory_space<vmem_shared>> -> memref<10112x4xf32, #tpu.memory_space<vmem_shared>>
        tpu.enqueue_indirect_dma source(%dma_start3A_130 : memref<128x4xf32, #tpu.memory_space<vmem>>) target(%dma_start3A_136 : memref<10112x4xf32, #tpu.memory_space<vmem_shared>>) offsets(%dma_start3A_133 : memref<128xi32, #tpu.memory_space<vmem>>) semaphore(%arg12 : memref<!tpu.dma_semaphore, #tpu.memory_space<semaphore_mem>>) {add = true}
        %dma_wait3A_137 = arith.constant 2 : i32
        %dma_wait3A_138 = arith.constant 0 : i32
        %dma_wait3A_139 = arith.constant 0 : i32
        %dma_wait3A_140 = tpu.memref_slice %arg9[%dma_wait3A_137, %dma_wait3A_138, %dma_wait3A_139] : memref<4x128x4xf32, #tpu.memory_space<vmem>> -> memref<1x128x4xf32, #tpu.memory_space<vmem>>
        %dma_wait3A_141 = tpu.memref_squeeze %dma_wait3A_140 : memref<1x128x4xf32, #tpu.memory_space<vmem>> -> memref<128x4xf32, #tpu.memory_space<vmem>>
        %dma_wait3A_142 = arith.constant 0 : i32
        %dma_wait3A_143 = tpu.memref_slice %arg8[%add3A_114, %dma_wait3A_142] : memref<104x128xi32, #tpu.memory_space<vmem>> -> memref<1x128xi32, #tpu.memory_space<vmem>>
        %dma_wait3A_144 = tpu.memref_squeeze %dma_wait3A_143 : memref<1x128xi32, #tpu.memory_space<vmem>> -> memref<128xi32, #tpu.memory_space<vmem>>
        %dma_wait3A_145 = arith.constant 0 : i32
        %dma_wait3A_146 = arith.constant 0 : i32
        %dma_wait3A_147 = tpu.memref_slice %arg11[%dma_wait3A_145, %dma_wait3A_146] : memref<10112x4xf32, #tpu.memory_space<vmem_shared>> -> memref<10112x4xf32, #tpu.memory_space<vmem_shared>>
        tpu.wait_indirect_dma semaphore(%arg12 : memref<!tpu.dma_semaphore, #tpu.memory_space<semaphore_mem>>) src(%dma_wait3A_141 : memref<128x4xf32, #tpu.memory_space<vmem>>) dst(%dma_wait3A_147 : memref<10112x4xf32, #tpu.memory_space<vmem_shared>>)
        %lt3A_148 = arith.constant 25 : i32
        %lt3A_149 = arith.cmpi slt, %scan3A_30, %lt3A_148 : i32
        %convert_element_type3A_150 = arith.extui %lt3A_149 : i1 to i32
        %cond3A_151 = arith.constant 0 : i32
        %cond3A_152 = arith.cmpi ne, %convert_element_type3A_150, %cond3A_151 : i32
        scf.if %cond3A_152 {
          %add3A_195 = arith.constant 4 : i32
          %add3A_196 = arith.addi %add3A_114, %add3A_195 : i32
          %dma_start3A_197 = arith.constant 2 : i32
          %dma_start3A_198 = arith.constant 0 : i32
          %dma_start3A_199 = arith.constant 0 : i32
          %dma_start3A_200 = tpu.memref_slice %arg9[%dma_start3A_197, %dma_start3A_198, %dma_start3A_199] : memref<4x128x4xf32, #tpu.memory_space<vmem>> -> memref<1x128x4xf32, #tpu.memory_space<vmem>>
          %dma_start3A_201 = tpu.memref_squeeze %dma_start3A_200 : memref<1x128x4xf32, #tpu.memory_space<vmem>> -> memref<128x4xf32, #tpu.memory_space<vmem>>
          %dma_start3A_202 = arith.constant 0 : i32
          %dma_start3A_203 = tpu.memref_slice %arg7[%add3A_196, %dma_start3A_202] : memref<104x128xi32, #tpu.memory_space<vmem>> -> memref<1x128xi32, #tpu.memory_space<vmem>>
          %dma_start3A_204 = tpu.memref_squeeze %dma_start3A_203 : memref<1x128xi32, #tpu.memory_space<vmem>> -> memref<128xi32, #tpu.memory_space<vmem>>
          %dma_start3A_205 = arith.constant 0 : i32
          %dma_start3A_206 = arith.constant 0 : i32
          %dma_start3A_207 = tpu.memref_slice %arg4[%dma_start3A_205, %dma_start3A_206] : memref<10000x4xf32, #tpu.memory_space<hbm>> -> memref<10000x4xf32, #tpu.memory_space<hbm>>
          tpu.enqueue_indirect_dma source(%dma_start3A_207 : memref<10000x4xf32, #tpu.memory_space<hbm>>) target(%dma_start3A_201 : memref<128x4xf32, #tpu.memory_space<vmem>>) offsets(%dma_start3A_204 : memref<128xi32, #tpu.memory_space<vmem>>) semaphore(%arg15 : memref<!tpu.dma_semaphore, #tpu.memory_space<semaphore_mem>>)
        } else {
        }
        %mul3A_153 = arith.constant 4 : i32
        %mul3A_154 = arith.muli %scan3A_30, %mul3A_153 : i32
        %add3A_155 = arith.constant 3 : i32
        %add3A_156 = arith.addi %mul3A_154, %add3A_155 : i32
        %dma_wait3A_157 = arith.constant 3 : i32
        %dma_wait3A_158 = arith.constant 0 : i32
        %dma_wait3A_159 = arith.constant 0 : i32
        %dma_wait3A_160 = tpu.memref_slice %arg9[%dma_wait3A_157, %dma_wait3A_158, %dma_wait3A_159] : memref<4x128x4xf32, #tpu.memory_space<vmem>> -> memref<1x128x4xf32, #tpu.memory_space<vmem>>
        %dma_wait3A_161 = tpu.memref_squeeze %dma_wait3A_160 : memref<1x128x4xf32, #tpu.memory_space<vmem>> -> memref<128x4xf32, #tpu.memory_space<vmem>>
        %dma_wait3A_162 = arith.constant 0 : i32
        %dma_wait3A_163 = tpu.memref_slice %arg7[%add3A_156, %dma_wait3A_162] : memref<104x128xi32, #tpu.memory_space<vmem>> -> memref<1x128xi32, #tpu.memory_space<vmem>>
        %dma_wait3A_164 = tpu.memref_squeeze %dma_wait3A_163 : memref<1x128xi32, #tpu.memory_space<vmem>> -> memref<128xi32, #tpu.memory_space<vmem>>
        %dma_wait3A_165 = arith.constant 0 : i32
        %dma_wait3A_166 = arith.constant 0 : i32
        %dma_wait3A_167 = tpu.memref_slice %arg4[%dma_wait3A_165, %dma_wait3A_166] : memref<10000x4xf32, #tpu.memory_space<hbm>> -> memref<10000x4xf32, #tpu.memory_space<hbm>>
        tpu.wait_indirect_dma semaphore(%arg16 : memref<!tpu.dma_semaphore, #tpu.memory_space<semaphore_mem>>) src(%dma_wait3A_167 : memref<10000x4xf32, #tpu.memory_space<hbm>>) dst(%dma_wait3A_161 : memref<128x4xf32, #tpu.memory_space<vmem>>)
        %dma_start3A_168 = arith.constant 3 : i32
        %dma_start3A_169 = arith.constant 0 : i32
        %dma_start3A_170 = arith.constant 0 : i32
        %dma_start3A_171 = tpu.memref_slice %arg9[%dma_start3A_168, %dma_start3A_169, %dma_start3A_170] : memref<4x128x4xf32, #tpu.memory_space<vmem>> -> memref<1x128x4xf32, #tpu.memory_space<vmem>>
        %dma_start3A_172 = tpu.memref_squeeze %dma_start3A_171 : memref<1x128x4xf32, #tpu.memory_space<vmem>> -> memref<128x4xf32, #tpu.memory_space<vmem>>
        %dma_start3A_173 = arith.constant 0 : i32
        %dma_start3A_174 = tpu.memref_slice %arg8[%add3A_156, %dma_start3A_173] : memref<104x128xi32, #tpu.memory_space<vmem>> -> memref<1x128xi32, #tpu.memory_space<vmem>>
        %dma_start3A_175 = tpu.memref_squeeze %dma_start3A_174 : memref<1x128xi32, #tpu.memory_space<vmem>> -> memref<128xi32, #tpu.memory_space<vmem>>
        %dma_start3A_176 = arith.constant 0 : i32
        %dma_start3A_177 = arith.constant 0 : i32
        %dma_start3A_178 = tpu.memref_slice %arg11[%dma_start3A_176, %dma_start3A_177] : memref<10112x4xf32, #tpu.memory_space<vmem_shared>> -> memref<10112x4xf32, #tpu.memory_space<vmem_shared>>
        tpu.enqueue_indirect_dma source(%dma_start3A_172 : memref<128x4xf32, #tpu.memory_space<vmem>>) target(%dma_start3A_178 : memref<10112x4xf32, #tpu.memory_space<vmem_shared>>) offsets(%dma_start3A_175 : memref<128xi32, #tpu.memory_space<vmem>>) semaphore(%arg12 : memref<!tpu.dma_semaphore, #tpu.memory_space<semaphore_mem>>) {add = true}
        %dma_wait3A_179 = arith.constant 3 : i32
        %dma_wait3A_180 = arith.constant 0 : i32
        %dma_wait3A_181 = arith.constant 0 : i32
        %dma_wait3A_182 = tpu.memref_slice %arg9[%dma_wait3A_179, %dma_wait3A_180, %dma_wait3A_181] : memref<4x128x4xf32, #tpu.memory_space<vmem>> -> memref<1x128x4xf32, #tpu.memory_space<vmem>>
        %dma_wait3A_183 = tpu.memref_squeeze %dma_wait3A_182 : memref<1x128x4xf32, #tpu.memory_space<vmem>> -> memref<128x4xf32, #tpu.memory_space<vmem>>
        %dma_wait3A_184 = arith.constant 0 : i32
        %dma_wait3A_185 = tpu.memref_slice %arg8[%add3A_156, %dma_wait3A_184] : memref<104x128xi32, #tpu.memory_space<vmem>> -> memref<1x128xi32, #tpu.memory_space<vmem>>
        %dma_wait3A_186 = tpu.memref_squeeze %dma_wait3A_185 : memref<1x128xi32, #tpu.memory_space<vmem>> -> memref<128xi32, #tpu.memory_space<vmem>>
        %dma_wait3A_187 = arith.constant 0 : i32
        %dma_wait3A_188 = arith.constant 0 : i32
        %dma_wait3A_189 = tpu.memref_slice %arg11[%dma_wait3A_187, %dma_wait3A_188] : memref<10112x4xf32, #tpu.memory_space<vmem_shared>> -> memref<10112x4xf32, #tpu.memory_space<vmem_shared>>
        tpu.wait_indirect_dma semaphore(%arg12 : memref<!tpu.dma_semaphore, #tpu.memory_space<semaphore_mem>>) src(%dma_wait3A_183 : memref<128x4xf32, #tpu.memory_space<vmem>>) dst(%dma_wait3A_189 : memref<10112x4xf32, #tpu.memory_space<vmem_shared>>)
        %lt3A_190 = arith.constant 25 : i32
        %lt3A_191 = arith.cmpi slt, %scan3A_30, %lt3A_190 : i32
        %convert_element_type3A_192 = arith.extui %lt3A_191 : i1 to i32
        %cond3A_193 = arith.constant 0 : i32
        %cond3A_194 = arith.cmpi ne, %convert_element_type3A_192, %cond3A_193 : i32
        scf.if %cond3A_194 {
          %add3A_195 = arith.constant 4 : i32
          %add3A_196 = arith.addi %add3A_156, %add3A_195 : i32
          %dma_start3A_197 = arith.constant 3 : i32
          %dma_start3A_198 = arith.constant 0 : i32
          %dma_start3A_199 = arith.constant 0 : i32
          %dma_start3A_200 = tpu.memref_slice %arg9[%dma_start3A_197, %dma_start3A_198, %dma_start3A_199] : memref<4x128x4xf32, #tpu.memory_space<vmem>> -> memref<1x128x4xf32, #tpu.memory_space<vmem>>
          %dma_start3A_201 = tpu.memref_squeeze %dma_start3A_200 : memref<1x128x4xf32, #tpu.memory_space<vmem>> -> memref<128x4xf32, #tpu.memory_space<vmem>>
          %dma_start3A_202 = arith.constant 0 : i32
          %dma_start3A_203 = tpu.memref_slice %arg7[%add3A_196, %dma_start3A_202] : memref<104x128xi32, #tpu.memory_space<vmem>> -> memref<1x128xi32, #tpu.memory_space<vmem>>
          %dma_start3A_204 = tpu.memref_squeeze %dma_start3A_203 : memref<1x128xi32, #tpu.memory_space<vmem>> -> memref<128xi32, #tpu.memory_space<vmem>>
          %dma_start3A_205 = arith.constant 0 : i32
          %dma_start3A_206 = arith.constant 0 : i32
          %dma_start3A_207 = tpu.memref_slice %arg4[%dma_start3A_205, %dma_start3A_206] : memref<10000x4xf32, #tpu.memory_space<hbm>> -> memref<10000x4xf32, #tpu.memory_space<hbm>>
          tpu.enqueue_indirect_dma source(%dma_start3A_207 : memref<10000x4xf32, #tpu.memory_space<hbm>>) target(%dma_start3A_201 : memref<128x4xf32, #tpu.memory_space<vmem>>) offsets(%dma_start3A_204 : memref<128xi32, #tpu.memory_space<vmem>>) semaphore(%arg16 : memref<!tpu.dma_semaphore, #tpu.memory_space<semaphore_mem>>)
        } else {
        }
      }
      %scan3A_29 = arith.constant 26 : i32
    } else {
    }
    %barrier3A_20 = arith.constant 0 : index
    tpu.barrier barrier_id(%barrier3A_20)
    %mul3A_21 = arith.constant 632 : i32
    %mul3A_22 = arith.muli %arg1, %mul3A_21 : i32
    "tpu.region"() ({
      %run_scoped3A = tpu.sem_alloc : memref<!tpu.dma_semaphore, #tpu.memory_space<semaphore_mem>>
      %dma_start3A = arith.constant 0 : i32
      %dma_start3A_25 = tpu.memref_slice %arg11[%mul3A_22, %dma_start3A] : memref<10112x4xf32, #tpu.memory_space<vmem_shared>> -> memref<632x4xf32, #tpu.memory_space<vmem_shared>>
      %dma_start3A_26 = arith.constant 0 : i32
      %dma_start3A_27 = tpu.memref_slice %arg11[%mul3A_22, %dma_start3A_26] : memref<10112x4xf32, #tpu.memory_space<vmem_shared>> -> memref<632x4xf32, #tpu.memory_space<vmem_shared>>
      tpu.enqueue_dma source(%dma_start3A_27 : memref<632x4xf32, #tpu.memory_space<vmem_shared>>) target(%arg10 : memref<632x4xf32, #tpu.memory_space<vmem>>) target_semaphore(%run_scoped3A : memref<!tpu.dma_semaphore, #tpu.memory_space<semaphore_mem>>)
      %dma_wait3A = arith.constant 0 : i32
      %dma_wait3A_28 = tpu.memref_slice %arg11[%mul3A_22, %dma_wait3A] : memref<10112x4xf32, #tpu.memory_space<vmem_shared>> -> memref<632x4xf32, #tpu.memory_space<vmem_shared>>
      %dma_wait3A_29 = arith.constant 0 : i32
      %dma_wait3A_30 = tpu.memref_slice %arg11[%mul3A_22, %dma_wait3A_29] : memref<10112x4xf32, #tpu.memory_space<vmem_shared>> -> memref<632x4xf32, #tpu.memory_space<vmem_shared>>
      tpu.wait_dma2 semaphore(%run_scoped3A : memref<!tpu.dma_semaphore, #tpu.memory_space<semaphore_mem>>) src(%dma_wait3A_30 : memref<632x4xf32, #tpu.memory_space<vmem_shared>>) dst(%arg10 : memref<632x4xf32, #tpu.memory_space<vmem>>)
      tpu.yield
    }) : () -> ()
    %mul3A_23 = arith.constant 632 : i32
    %mul3A_24 = arith.muli %arg1, %mul3A_23 : i32
    "tpu.region"() ({
      %run_scoped3A = tpu.sem_alloc : memref<!tpu.dma_semaphore, #tpu.memory_space<semaphore_mem>>
      %dma_start3A = arith.constant 0 : i32
      %dma_start3A_25 = tpu.memref_slice %arg6[%arg0, %mul3A_24, %dma_start3A] : memref<2x10112x4xf32, #tpu.memory_space<hbm>> -> memref<1x632x4xf32, #tpu.memory_space<hbm>>
      %dma_start3A_26 = tpu.memref_squeeze %dma_start3A_25 : memref<1x632x4xf32, #tpu.memory_space<hbm>> -> memref<632x4xf32, #tpu.memory_space<hbm>>
      %dma_start3A_27 = arith.constant 0 : i32
      %dma_start3A_28 = tpu.memref_slice %arg6[%arg0, %mul3A_24, %dma_start3A_27] : memref<2x10112x4xf32, #tpu.memory_space<hbm>> -> memref<1x632x4xf32, #tpu.memory_space<hbm>>
      %dma_start3A_29 = tpu.memref_squeeze %dma_start3A_28 : memref<1x632x4xf32, #tpu.memory_space<hbm>> -> memref<632x4xf32, #tpu.memory_space<hbm>>
      tpu.enqueue_dma source(%arg10 : memref<632x4xf32, #tpu.memory_space<vmem>>) target(%dma_start3A_29 : memref<632x4xf32, #tpu.memory_space<hbm>>) target_semaphore(%run_scoped3A : memref<!tpu.dma_semaphore, #tpu.memory_space<semaphore_mem>>)
      %dma_wait3A = arith.constant 0 : i32
      %dma_wait3A_30 = tpu.memref_slice %arg6[%arg0, %mul3A_24, %dma_wait3A] : memref<2x10112x4xf32, #tpu.memory_space<hbm>> -> memref<1x632x4xf32, #tpu.memory_space<hbm>>
      %dma_wait3A_31 = tpu.memref_squeeze %dma_wait3A_30 : memref<1x632x4xf32, #tpu.memory_space<hbm>> -> memref<632x4xf32, #tpu.memory_space<hbm>>
      %dma_wait3A_32 = arith.constant 0 : i32
      %dma_wait3A_33 = tpu.memref_slice %arg6[%arg0, %mul3A_24, %dma_wait3A_32] : memref<2x10112x4xf32, #tpu.memory_space<hbm>> -> memref<1x632x4xf32, #tpu.memory_space<hbm>>
      %dma_wait3A_34 = tpu.memref_squeeze %dma_wait3A_33 : memref<1x632x4xf32, #tpu.memory_space<hbm>> -> memref<632x4xf32, #tpu.memory_space<hbm>>
      tpu.wait_dma2 semaphore(%run_scoped3A : memref<!tpu.dma_semaphore, #tpu.memory_space<semaphore_mem>>) src(%arg10 : memref<632x4xf32, #tpu.memory_space<vmem>>) dst(%dma_wait3A_34 : memref<632x4xf32, #tpu.memory_space<hbm>>)
      tpu.yield
    }) : () -> ()
    return
  }
}

#map = affine_map<(d0, d1) -> (0, 0)>
#map1 = affine_map<(d0, d1) -> (0, 0, 0)>
module attributes {stable_mosaic.version = 14 : i64} {
  func.func @_ep(%arg0: i32, %arg1: i32, %arg2: memref<2560x128xi32, #tpu.memory_space<hbm>>, %arg3: memref<2560x128xi32, #tpu.memory_space<hbm>>, %arg4: memref<10000x4xf32, #tpu.memory_space<hbm>>, %arg5: memref<10112x4xf32, #tpu.memory_space<hbm>>, %arg6: memref<2x10112x4xf32, #tpu.memory_space<hbm>>, %arg7: memref<104x128xi32, #tpu.memory_space<vmem>>, %arg8: memref<104x128xi32, #tpu.memory_space<vmem>>, %arg9: memref<4x128x4xf32, #tpu.memory_space<vmem>>, %arg10: memref<632x4xf32, #tpu.memory_space<vmem>>, %arg11: memref<10112x4xf32, #tpu.memory_space<vmem_shared>>, %arg12: memref<!tpu.dma_semaphore, #tpu.memory_space<semaphore_mem>>, %arg13: memref<!tpu.dma_semaphore, #tpu.memory_space<semaphore_mem>>, %arg14: memref<!tpu.dma_semaphore, #tpu.memory_space<semaphore_mem>>, %arg15: memref<!tpu.dma_semaphore, #tpu.memory_space<semaphore_mem>>, %arg16: memref<!tpu.dma_semaphore, #tpu.memory_space<semaphore_mem>>) attributes {dimension_semantics = [#tpu.dimension_semantics<core_parallel>, #tpu.dimension_semantics<subcore_parallel>], iteration_bounds = array<i64: 2, 16>, scalar_prefetch = 0 : i64, scratch_operands = 10 : i64, tpu.core_type = #tpu.core_type<sc_vector_subcore>, window_params = [{transform_indices = #map}, {transform_indices = #map}, {transform_indices = #map}, {transform_indices = #map}, {transform_indices = #map1}]} {
    %eq3A = arith.constant 0 : i32
    %eq3A_0 = arith.cmpi eq, %arg0, %eq3A : i32
    %convert_element_type3A = arith.extui %eq3A_0 : i1 to i32
    %cond3A = arith.constant 0 : i32
    %cond3A_1 = arith.cmpi ne, %convert_element_type3A, %cond3A : i32
    scf.if %cond3A_1 {
      %mul3A_25 = arith.constant 56 : i32
      %mul3A_26 = arith.muli %arg1, %mul3A_25 : i32
      "tpu.region"() ({
        %run_scoped3A = tpu.sem_alloc : memref<!tpu.dma_semaphore, #tpu.memory_space<semaphore_mem>>
        %dma_start3A_74 = arith.constant 0 : i32
        %dma_start3A_75 = arith.constant 0 : i32
        %dma_start3A_76 = tpu.memref_slice %arg8[%dma_start3A_74, %dma_start3A_75] : memref<104x128xi32, #tpu.memory_space<vmem>> -> memref<56x128xi32, #tpu.memory_space<vmem>>
        %dma_start3A_77 = arith.constant 0 : i32
        %dma_start3A_78 = tpu.memref_slice %arg3[%mul3A_26, %dma_start3A_77] : memref<2560x128xi32, #tpu.memory_space<hbm>> -> memref<56x128xi32, #tpu.memory_space<hbm>>
        %dma_start3A_79 = arith.constant 0 : i32
        %dma_start3A_80 = arith.constant 0 : i32
        %dma_start3A_81 = tpu.memref_slice %arg8[%dma_start3A_79, %dma_start3A_80] : memref<104x128xi32, #tpu.memory_space<vmem>> -> memref<56x128xi32, #tpu.memory_space<vmem>>
        %dma_start3A_82 = arith.constant 0 : i32
        %dma_start3A_83 = tpu.memref_slice %arg3[%mul3A_26, %dma_start3A_82] : memref<2560x128xi32, #tpu.memory_space<hbm>> -> memref<56x128xi32, #tpu.memory_space<hbm>>
        tpu.enqueue_dma source(%dma_start3A_83 : memref<56x128xi32, #tpu.memory_space<hbm>>) target(%dma_start3A_81 : memref<56x128xi32, #tpu.memory_space<vmem>>) target_semaphore(%run_scoped3A : memref<!tpu.dma_semaphore, #tpu.memory_space<semaphore_mem>>)
        %dma_wait3A = arith.constant 0 : i32
        %dma_wait3A_84 = arith.constant 0 : i32
        %dma_wait3A_85 = tpu.memref_slice %arg8[%dma_wait3A, %dma_wait3A_84] : memref<104x128xi32, #tpu.memory_space<vmem>> -> memref<56x128xi32, #tpu.memory_space<vmem>>
        %dma_wait3A_86 = arith.constant 0 : i32
        %dma_wait3A_87 = tpu.memref_slice %arg3[%mul3A_26, %dma_wait3A_86] : memref<2560x128xi32, #tpu.memory_space<hbm>> -> memref<56x128xi32, #tpu.memory_space<hbm>>
        %dma_wait3A_88 = arith.constant 0 : i32
        %dma_wait3A_89 = arith.constant 0 : i32
        %dma_wait3A_90 = tpu.memref_slice %arg8[%dma_wait3A_88, %dma_wait3A_89] : memref<104x128xi32, #tpu.memory_space<vmem>> -> memref<56x128xi32, #tpu.memory_space<vmem>>
        %dma_wait3A_91 = arith.constant 0 : i32
        %dma_wait3A_92 = tpu.memref_slice %arg3[%mul3A_26, %dma_wait3A_91] : memref<2560x128xi32, #tpu.memory_space<hbm>> -> memref<56x128xi32, #tpu.memory_space<hbm>>
        tpu.wait_dma2 semaphore(%run_scoped3A : memref<!tpu.dma_semaphore, #tpu.memory_space<semaphore_mem>>) src(%dma_wait3A_92 : memref<56x128xi32, #tpu.memory_space<hbm>>) dst(%dma_wait3A_90 : memref<56x128xi32, #tpu.memory_space<vmem>>)
        tpu.yield
      }) : () -> ()
      "tpu.region"() ({
        %run_scoped3A = tpu.sem_alloc : memref<!tpu.dma_semaphore, #tpu.memory_space<semaphore_mem>>
        %dma_start3A_74 = arith.constant 0 : i32
        %dma_start3A_75 = arith.constant 0 : i32
        %dma_start3A_76 = tpu.memref_slice %arg7[%dma_start3A_74, %dma_start3A_75] : memref<104x128xi32, #tpu.memory_space<vmem>> -> memref<56x128xi32, #tpu.memory_space<vmem>>
        %dma_start3A_77 = arith.constant 0 : i32
        %dma_start3A_78 = tpu.memref_slice %arg2[%mul3A_26, %dma_start3A_77] : memref<2560x128xi32, #tpu.memory_space<hbm>> -> memref<56x128xi32, #tpu.memory_space<hbm>>
        %dma_start3A_79 = arith.constant 0 : i32
        %dma_start3A_80 = arith.constant 0 : i32
        %dma_start3A_81 = tpu.memref_slice %arg7[%dma_start3A_79, %dma_start3A_80] : memref<104x128xi32, #tpu.memory_space<vmem>> -> memref<56x128xi32, #tpu.memory_space<vmem>>
        %dma_start3A_82 = arith.constant 0 : i32
        %dma_start3A_83 = tpu.memref_slice %arg2[%mul3A_26, %dma_start3A_82] : memref<2560x128xi32, #tpu.memory_space<hbm>> -> memref<56x128xi32, #tpu.memory_space<hbm>>
        tpu.enqueue_dma source(%dma_start3A_83 : memref<56x128xi32, #tpu.memory_space<hbm>>) target(%dma_start3A_81 : memref<56x128xi32, #tpu.memory_space<vmem>>) target_semaphore(%run_scoped3A : memref<!tpu.dma_semaphore, #tpu.memory_space<semaphore_mem>>)
        %dma_wait3A = arith.constant 0 : i32
        %dma_wait3A_84 = arith.constant 0 : i32
        %dma_wait3A_85 = tpu.memref_slice %arg7[%dma_wait3A, %dma_wait3A_84] : memref<104x128xi32, #tpu.memory_space<vmem>> -> memref<56x128xi32, #tpu.memory_space<vmem>>
        %dma_wait3A_86 = arith.constant 0 : i32
        %dma_wait3A_87 = tpu.memref_slice %arg2[%mul3A_26, %dma_wait3A_86] : memref<2560x128xi32, #tpu.memory_space<hbm>> -> memref<56x128xi32, #tpu.memory_space<hbm>>
        %dma_wait3A_88 = arith.constant 0 : i32
        %dma_wait3A_89 = arith.constant 0 : i32
        %dma_wait3A_90 = tpu.memref_slice %arg7[%dma_wait3A_88, %dma_wait3A_89] : memref<104x128xi32, #tpu.memory_space<vmem>> -> memref<56x128xi32, #tpu.memory_space<vmem>>
        %dma_wait3A_91 = arith.constant 0 : i32
        %dma_wait3A_92 = tpu.memref_slice %arg2[%mul3A_26, %dma_wait3A_91] : memref<2560x128xi32, #tpu.memory_space<hbm>> -> memref<56x128xi32, #tpu.memory_space<hbm>>
        tpu.wait_dma2 semaphore(%run_scoped3A : memref<!tpu.dma_semaphore, #tpu.memory_space<semaphore_mem>>) src(%dma_wait3A_92 : memref<56x128xi32, #tpu.memory_space<hbm>>) dst(%dma_wait3A_90 : memref<56x128xi32, #tpu.memory_space<vmem>>)
        tpu.yield
      }) : () -> ()
      %dma_start3A = arith.constant 0 : i32
      %dma_start3A_27 = arith.constant 0 : i32
      %dma_start3A_28 = arith.constant 0 : i32
      %dma_start3A_29 = arith.constant 0 : i32
      %dma_start3A_30 = tpu.memref_slice %arg9[%dma_start3A_27, %dma_start3A_28, %dma_start3A_29] : memref<4x128x4xf32, #tpu.memory_space<vmem>> -> memref<1x128x4xf32, #tpu.memory_space<vmem>>
      %dma_start3A_31 = tpu.memref_squeeze %dma_start3A_30 : memref<1x128x4xf32, #tpu.memory_space<vmem>> -> memref<128x4xf32, #tpu.memory_space<vmem>>
      %dma_start3A_32 = arith.constant 0 : i32
      %dma_start3A_33 = tpu.memref_slice %arg7[%dma_start3A, %dma_start3A_32] : memref<104x128xi32, #tpu.memory_space<vmem>> -> memref<1x128xi32, #tpu.memory_space<vmem>>
      %dma_start3A_34 = tpu.memref_squeeze %dma_start3A_33 : memref<1x128xi32, #tpu.memory_space<vmem>> -> memref<128xi32, #tpu.memory_space<vmem>>
      %dma_start3A_35 = arith.constant 0 : i32
      %dma_start3A_36 = arith.constant 0 : i32
      %dma_start3A_37 = tpu.memref_slice %arg4[%dma_start3A_35, %dma_start3A_36] : memref<10000x4xf32, #tpu.memory_space<hbm>> -> memref<10000x4xf32, #tpu.memory_space<hbm>>
      tpu.enqueue_indirect_dma source(%dma_start3A_37 : memref<10000x4xf32, #tpu.memory_space<hbm>>) target(%dma_start3A_31 : memref<128x4xf32, #tpu.memory_space<vmem>>) offsets(%dma_start3A_34 : memref<128xi32, #tpu.memory_space<vmem>>) semaphore(%arg13 : memref<!tpu.dma_semaphore, #tpu.memory_space<semaphore_mem>>)
      %dma_start3A_38 = arith.constant 1 : i32
      %dma_start3A_39 = arith.constant 1 : i32
      %dma_start3A_40 = arith.constant 0 : i32
      %dma_start3A_41 = arith.constant 0 : i32
      %dma_start3A_42 = tpu.memref_slice %arg9[%dma_start3A_39, %dma_start3A_40, %dma_start3A_41] : memref<4x128x4xf32, #tpu.memory_space<vmem>> -> memref<1x128x4xf32, #tpu.memory_space<vmem>>
      %dma_start3A_43 = tpu.memref_squeeze %dma_start3A_42 : memref<1x128x4xf32, #tpu.memory_space<vmem>> -> memref<128x4xf32, #tpu.memory_space<vmem>>
      %dma_start3A_44 = arith.constant 0 : i32
      %dma_start3A_45 = tpu.memref_slice %arg7[%dma_start3A_38, %dma_start3A_44] : memref<104x128xi32, #tpu.memory_space<vmem>> -> memref<1x128xi32, #tpu.memory_space<vmem>>
      %dma_start3A_46 = tpu.memref_squeeze %dma_start3A_45 : memref<1x128xi32, #tpu.memory_space<vmem>> -> memref<128xi32, #tpu.memory_space<vmem>>
      %dma_start3A_47 = arith.constant 0 : i32
      %dma_start3A_48 = arith.constant 0 : i32
      %dma_start3A_49 = tpu.memref_slice %arg4[%dma_start3A_47, %dma_start3A_48] : memref<10000x4xf32, #tpu.memory_space<hbm>> -> memref<10000x4xf32, #tpu.memory_space<hbm>>
      tpu.enqueue_indirect_dma source(%dma_start3A_49 : memref<10000x4xf32, #tpu.memory_space<hbm>>) target(%dma_start3A_43 : memref<128x4xf32, #tpu.memory_space<vmem>>) offsets(%dma_start3A_46 : memref<128xi32, #tpu.memory_space<vmem>>) semaphore(%arg14 : memref<!tpu.dma_semaphore, #tpu.memory_space<semaphore_mem>>)
      %dma_start3A_50 = arith.constant 2 : i32
      %dma_start3A_51 = arith.constant 2 : i32
      %dma_start3A_52 = arith.constant 0 : i32
      %dma_start3A_53 = arith.constant 0 : i32
      %dma_start3A_54 = tpu.memref_slice %arg9[%dma_start3A_51, %dma_start3A_52, %dma_start3A_53] : memref<4x128x4xf32, #tpu.memory_space<vmem>> -> memref<1x128x4xf32, #tpu.memory_space<vmem>>
      %dma_start3A_55 = tpu.memref_squeeze %dma_start3A_54 : memref<1x128x4xf32, #tpu.memory_space<vmem>> -> memref<128x4xf32, #tpu.memory_space<vmem>>
      %dma_start3A_56 = arith.constant 0 : i32
      %dma_start3A_57 = tpu.memref_slice %arg7[%dma_start3A_50, %dma_start3A_56] : memref<104x128xi32, #tpu.memory_space<vmem>> -> memref<1x128xi32, #tpu.memory_space<vmem>>
      %dma_start3A_58 = tpu.memref_squeeze %dma_start3A_57 : memref<1x128xi32, #tpu.memory_space<vmem>> -> memref<128xi32, #tpu.memory_space<vmem>>
      %dma_start3A_59 = arith.constant 0 : i32
      %dma_start3A_60 = arith.constant 0 : i32
      %dma_start3A_61 = tpu.memref_slice %arg4[%dma_start3A_59, %dma_start3A_60] : memref<10000x4xf32, #tpu.memory_space<hbm>> -> memref<10000x4xf32, #tpu.memory_space<hbm>>
      tpu.enqueue_indirect_dma source(%dma_start3A_61 : memref<10000x4xf32, #tpu.memory_space<hbm>>) target(%dma_start3A_55 : memref<128x4xf32, #tpu.memory_space<vmem>>) offsets(%dma_start3A_58 : memref<128xi32, #tpu.memory_space<vmem>>) semaphore(%arg15 : memref<!tpu.dma_semaphore, #tpu.memory_space<semaphore_mem>>)
      %dma_start3A_62 = arith.constant 3 : i32
      %dma_start3A_63 = arith.constant 3 : i32
      %dma_start3A_64 = arith.constant 0 : i32
      %dma_start3A_65 = arith.constant 0 : i32
      %dma_start3A_66 = tpu.memref_slice %arg9[%dma_start3A_63, %dma_start3A_64, %dma_start3A_65] : memref<4x128x4xf32, #tpu.memory_space<vmem>> -> memref<1x128x4xf32, #tpu.memory_space<vmem>>
      %dma_start3A_67 = tpu.memref_squeeze %dma_start3A_66 : memref<1x128x4xf32, #tpu.memory_space<vmem>> -> memref<128x4xf32, #tpu.memory_space<vmem>>
      %dma_start3A_68 = arith.constant 0 : i32
      %dma_start3A_69 = tpu.memref_slice %arg7[%dma_start3A_62, %dma_start3A_68] : memref<104x128xi32, #tpu.memory_space<vmem>> -> memref<1x128xi32, #tpu.memory_space<vmem>>
      %dma_start3A_70 = tpu.memref_squeeze %dma_start3A_69 : memref<1x128xi32, #tpu.memory_space<vmem>> -> memref<128xi32, #tpu.memory_space<vmem>>
      %dma_start3A_71 = arith.constant 0 : i32
      %dma_start3A_72 = arith.constant 0 : i32
      %dma_start3A_73 = tpu.memref_slice %arg4[%dma_start3A_71, %dma_start3A_72] : memref<10000x4xf32, #tpu.memory_space<hbm>> -> memref<10000x4xf32, #tpu.memory_space<hbm>>
      tpu.enqueue_indirect_dma source(%dma_start3A_73 : memref<10000x4xf32, #tpu.memory_space<hbm>>) target(%dma_start3A_67 : memref<128x4xf32, #tpu.memory_space<vmem>>) offsets(%dma_start3A_70 : memref<128xi32, #tpu.memory_space<vmem>>) semaphore(%arg16 : memref<!tpu.dma_semaphore, #tpu.memory_space<semaphore_mem>>)
    } else {
    }
    %eq3A_2 = arith.constant 1 : i32
    %eq3A_3 = arith.cmpi eq, %arg0, %eq3A_2 : i32
    %convert_element_type3A_4 = arith.extui %eq3A_3 : i1 to i32
    %cond3A_5 = arith.constant 0 : i32
    %cond3A_6 = arith.cmpi ne, %convert_element_type3A_4, %cond3A_5 : i32
    scf.if %cond3A_6 {
      %mul3A_25 = arith.constant 104 : i32
      %mul3A_26 = arith.muli %arg1, %mul3A_25 : i32
      %add3A = arith.constant 896 : i32
      %add3A_27 = arith.addi %add3A, %mul3A_26 : i32
      "tpu.region"() ({
        %run_scoped3A = tpu.sem_alloc : memref<!tpu.dma_semaphore, #tpu.memory_space<semaphore_mem>>
        %dma_start3A_75 = arith.constant 0 : i32
        %dma_start3A_76 = arith.constant 0 : i32
        %dma_start3A_77 = tpu.memref_slice %arg8[%dma_start3A_75, %dma_start3A_76] : memref<104x128xi32, #tpu.memory_space<vmem>> -> memref<104x128xi32, #tpu.memory_space<vmem>>
        %dma_start3A_78 = arith.constant 0 : i32
        %dma_start3A_79 = tpu.memref_slice %arg3[%add3A_27, %dma_start3A_78] : memref<2560x128xi32, #tpu.memory_space<hbm>> -> memref<104x128xi32, #tpu.memory_space<hbm>>
        %dma_start3A_80 = arith.constant 0 : i32
        %dma_start3A_81 = arith.constant 0 : i32
        %dma_start3A_82 = tpu.memref_slice %arg8[%dma_start3A_80, %dma_start3A_81] : memref<104x128xi32, #tpu.memory_space<vmem>> -> memref<104x128xi32, #tpu.memory_space<vmem>>
        %dma_start3A_83 = arith.constant 0 : i32
        %dma_start3A_84 = tpu.memref_slice %arg3[%add3A_27, %dma_start3A_83] : memref<2560x128xi32, #tpu.memory_space<hbm>> -> memref<104x128xi32, #tpu.memory_space<hbm>>
        tpu.enqueue_dma source(%dma_start3A_84 : memref<104x128xi32, #tpu.memory_space<hbm>>) target(%dma_start3A_82 : memref<104x128xi32, #tpu.memory_space<vmem>>) target_semaphore(%run_scoped3A : memref<!tpu.dma_semaphore, #tpu.memory_space<semaphore_mem>>)
        %dma_wait3A = arith.constant 0 : i32
        %dma_wait3A_85 = arith.constant 0 : i32
        %dma_wait3A_86 = tpu.memref_slice %arg8[%dma_wait3A, %dma_wait3A_85] : memref<104x128xi32, #tpu.memory_space<vmem>> -> memref<104x128xi32, #tpu.memory_space<vmem>>
        %dma_wait3A_87 = arith.constant 0 : i32
        %dma_wait3A_88 = tpu.memref_slice %arg3[%add3A_27, %dma_wait3A_87] : memref<2560x128xi32, #tpu.memory_space<hbm>> -> memref<104x128xi32, #tpu.memory_space<hbm>>
        %dma_wait3A_89 = arith.constant 0 : i32
        %dma_wait3A_90 = arith.constant 0 : i32
        %dma_wait3A_91 = tpu.memref_slice %arg8[%dma_wait3A_89, %dma_wait3A_90] : memref<104x128xi32, #tpu.memory_space<vmem>> -> memref<104x128xi32, #tpu.memory_space<vmem>>
        %dma_wait3A_92 = arith.constant 0 : i32
        %dma_wait3A_93 = tpu.memref_slice %arg3[%add3A_27, %dma_wait3A_92] : memref<2560x128xi32, #tpu.memory_space<hbm>> -> memref<104x128xi32, #tpu.memory_space<hbm>>
        tpu.wait_dma2 semaphore(%run_scoped3A : memref<!tpu.dma_semaphore, #tpu.memory_space<semaphore_mem>>) src(%dma_wait3A_93 : memref<104x128xi32, #tpu.memory_space<hbm>>) dst(%dma_wait3A_91 : memref<104x128xi32, #tpu.memory_space<vmem>>)
        tpu.yield
      }) : () -> ()
      "tpu.region"() ({
        %run_scoped3A = tpu.sem_alloc : memref<!tpu.dma_semaphore, #tpu.memory_space<semaphore_mem>>
        %dma_start3A_75 = arith.constant 0 : i32
        %dma_start3A_76 = arith.constant 0 : i32
        %dma_start3A_77 = tpu.memref_slice %arg7[%dma_start3A_75, %dma_start3A_76] : memref<104x128xi32, #tpu.memory_space<vmem>> -> memref<104x128xi32, #tpu.memory_space<vmem>>
        %dma_start3A_78 = arith.constant 0 : i32
        %dma_start3A_79 = tpu.memref_slice %arg2[%add3A_27, %dma_start3A_78] : memref<2560x128xi32, #tpu.memory_space<hbm>> -> memref<104x128xi32, #tpu.memory_space<hbm>>
        %dma_start3A_80 = arith.constant 0 : i32
        %dma_start3A_81 = arith.constant 0 : i32
        %dma_start3A_82 = tpu.memref_slice %arg7[%dma_start3A_80, %dma_start3A_81] : memref<104x128xi32, #tpu.memory_space<vmem>> -> memref<104x128xi32, #tpu.memory_space<vmem>>
        %dma_start3A_83 = arith.constant 0 : i32
        %dma_start3A_84 = tpu.memref_slice %arg2[%add3A_27, %dma_start3A_83] : memref<2560x128xi32, #tpu.memory_space<hbm>> -> memref<104x128xi32, #tpu.memory_space<hbm>>
        tpu.enqueue_dma source(%dma_start3A_84 : memref<104x128xi32, #tpu.memory_space<hbm>>) target(%dma_start3A_82 : memref<104x128xi32, #tpu.memory_space<vmem>>) target_semaphore(%run_scoped3A : memref<!tpu.dma_semaphore, #tpu.memory_space<semaphore_mem>>)
        %dma_wait3A = arith.constant 0 : i32
        %dma_wait3A_85 = arith.constant 0 : i32
        %dma_wait3A_86 = tpu.memref_slice %arg7[%dma_wait3A, %dma_wait3A_85] : memref<104x128xi32, #tpu.memory_space<vmem>> -> memref<104x128xi32, #tpu.memory_space<vmem>>
        %dma_wait3A_87 = arith.constant 0 : i32
        %dma_wait3A_88 = tpu.memref_slice %arg2[%add3A_27, %dma_wait3A_87] : memref<2560x128xi32, #tpu.memory_space<hbm>> -> memref<104x128xi32, #tpu.memory_space<hbm>>
        %dma_wait3A_89 = arith.constant 0 : i32
        %dma_wait3A_90 = arith.constant 0 : i32
        %dma_wait3A_91 = tpu.memref_slice %arg7[%dma_wait3A_89, %dma_wait3A_90] : memref<104x128xi32, #tpu.memory_space<vmem>> -> memref<104x128xi32, #tpu.memory_space<vmem>>
        %dma_wait3A_92 = arith.constant 0 : i32
        %dma_wait3A_93 = tpu.memref_slice %arg2[%add3A_27, %dma_wait3A_92] : memref<2560x128xi32, #tpu.memory_space<hbm>> -> memref<104x128xi32, #tpu.memory_space<hbm>>
        tpu.wait_dma2 semaphore(%run_scoped3A : memref<!tpu.dma_semaphore, #tpu.memory_space<semaphore_mem>>) src(%dma_wait3A_93 : memref<104x128xi32, #tpu.memory_space<hbm>>) dst(%dma_wait3A_91 : memref<104x128xi32, #tpu.memory_space<vmem>>)
        tpu.yield
      }) : () -> ()
      %dma_start3A = arith.constant 0 : i32
      %dma_start3A_28 = arith.constant 0 : i32
      %dma_start3A_29 = arith.constant 0 : i32
      %dma_start3A_30 = arith.constant 0 : i32
      %dma_start3A_31 = tpu.memref_slice %arg9[%dma_start3A_28, %dma_start3A_29, %dma_start3A_30] : memref<4x128x4xf32, #tpu.memory_space<vmem>> -> memref<1x128x4xf32, #tpu.memory_space<vmem>>
      %dma_start3A_32 = tpu.memref_squeeze %dma_start3A_31 : memref<1x128x4xf32, #tpu.memory_space<vmem>> -> memref<128x4xf32, #tpu.memory_space<vmem>>
      %dma_start3A_33 = arith.constant 0 : i32
      %dma_start3A_34 = tpu.memref_slice %arg7[%dma_start3A, %dma_start3A_33] : memref<104x128xi32, #tpu.memory_space<vmem>> -> memref<1x128xi32, #tpu.memory_space<vmem>>
      %dma_start3A_35 = tpu.memref_squeeze %dma_start3A_34 : memref<1x128xi32, #tpu.memory_space<vmem>> -> memref<128xi32, #tpu.memory_space<vmem>>
      %dma_start3A_36 = arith.constant 0 : i32
      %dma_start3A_37 = arith.constant 0 : i32
      %dma_start3A_38 = tpu.memref_slice %arg4[%dma_start3A_36, %dma_start3A_37] : memref<10000x4xf32, #tpu.memory_space<hbm>> -> memref<10000x4xf32, #tpu.memory_space<hbm>>
      tpu.enqueue_indirect_dma source(%dma_start3A_38 : memref<10000x4xf32, #tpu.memory_space<hbm>>) target(%dma_start3A_32 : memref<128x4xf32, #tpu.memory_space<vmem>>) offsets(%dma_start3A_35 : memref<128xi32, #tpu.memory_space<vmem>>) semaphore(%arg13 : memref<!tpu.dma_semaphore, #tpu.memory_space<semaphore_mem>>)
      %dma_start3A_39 = arith.constant 1 : i32
      %dma_start3A_40 = arith.constant 1 : i32
      %dma_start3A_41 = arith.constant 0 : i32
      %dma_start3A_42 = arith.constant 0 : i32
      %dma_start3A_43 = tpu.memref_slice %arg9[%dma_start3A_40, %dma_start3A_41, %dma_start3A_42] : memref<4x128x4xf32, #tpu.memory_space<vmem>> -> memref<1x128x4xf32, #tpu.memory_space<vmem>>
      %dma_start3A_44 = tpu.memref_squeeze %dma_start3A_43 : memref<1x128x4xf32, #tpu.memory_space<vmem>> -> memref<128x4xf32, #tpu.memory_space<vmem>>
      %dma_start3A_45 = arith.constant 0 : i32
      %dma_start3A_46 = tpu.memref_slice %arg7[%dma_start3A_39, %dma_start3A_45] : memref<104x128xi32, #tpu.memory_space<vmem>> -> memref<1x128xi32, #tpu.memory_space<vmem>>
      %dma_start3A_47 = tpu.memref_squeeze %dma_start3A_46 : memref<1x128xi32, #tpu.memory_space<vmem>> -> memref<128xi32, #tpu.memory_space<vmem>>
      %dma_start3A_48 = arith.constant 0 : i32
      %dma_start3A_49 = arith.constant 0 : i32
      %dma_start3A_50 = tpu.memref_slice %arg4[%dma_start3A_48, %dma_start3A_49] : memref<10000x4xf32, #tpu.memory_space<hbm>> -> memref<10000x4xf32, #tpu.memory_space<hbm>>
      tpu.enqueue_indirect_dma source(%dma_start3A_50 : memref<10000x4xf32, #tpu.memory_space<hbm>>) target(%dma_start3A_44 : memref<128x4xf32, #tpu.memory_space<vmem>>) offsets(%dma_start3A_47 : memref<128xi32, #tpu.memory_space<vmem>>) semaphore(%arg14 : memref<!tpu.dma_semaphore, #tpu.memory_space<semaphore_mem>>)
      %dma_start3A_51 = arith.constant 2 : i32
      %dma_start3A_52 = arith.constant 2 : i32
      %dma_start3A_53 = arith.constant 0 : i32
      %dma_start3A_54 = arith.constant 0 : i32
      %dma_start3A_55 = tpu.memref_slice %arg9[%dma_start3A_52, %dma_start3A_53, %dma_start3A_54] : memref<4x128x4xf32, #tpu.memory_space<vmem>> -> memref<1x128x4xf32, #tpu.memory_space<vmem>>
      %dma_start3A_56 = tpu.memref_squeeze %dma_start3A_55 : memref<1x128x4xf32, #tpu.memory_space<vmem>> -> memref<128x4xf32, #tpu.memory_space<vmem>>
      %dma_start3A_57 = arith.constant 0 : i32
      %dma_start3A_58 = tpu.memref_slice %arg7[%dma_start3A_51, %dma_start3A_57] : memref<104x128xi32, #tpu.memory_space<vmem>> -> memref<1x128xi32, #tpu.memory_space<vmem>>
      %dma_start3A_59 = tpu.memref_squeeze %dma_start3A_58 : memref<1x128xi32, #tpu.memory_space<vmem>> -> memref<128xi32, #tpu.memory_space<vmem>>
      %dma_start3A_60 = arith.constant 0 : i32
      %dma_start3A_61 = arith.constant 0 : i32
      %dma_start3A_62 = tpu.memref_slice %arg4[%dma_start3A_60, %dma_start3A_61] : memref<10000x4xf32, #tpu.memory_space<hbm>> -> memref<10000x4xf32, #tpu.memory_space<hbm>>
      tpu.enqueue_indirect_dma source(%dma_start3A_62 : memref<10000x4xf32, #tpu.memory_space<hbm>>) target(%dma_start3A_56 : memref<128x4xf32, #tpu.memory_space<vmem>>) offsets(%dma_start3A_59 : memref<128xi32, #tpu.memory_space<vmem>>) semaphore(%arg15 : memref<!tpu.dma_semaphore, #tpu.memory_space<semaphore_mem>>)
      %dma_start3A_63 = arith.constant 3 : i32
      %dma_start3A_64 = arith.constant 3 : i32
      %dma_start3A_65 = arith.constant 0 : i32
      %dma_start3A_66 = arith.constant 0 : i32
      %dma_start3A_67 = tpu.memref_slice %arg9[%dma_start3A_64, %dma_start3A_65, %dma_start3A_66] : memref<4x128x4xf32, #tpu.memory_space<vmem>> -> memref<1x128x4xf32, #tpu.memory_space<vmem>>
      %dma_start3A_68 = tpu.memref_squeeze %dma_start3A_67 : memref<1x128x4xf32, #tpu.memory_space<vmem>> -> memref<128x4xf32, #tpu.memory_space<vmem>>
      %dma_start3A_69 = arith.constant 0 : i32
      %dma_start3A_70 = tpu.memref_slice %arg7[%dma_start3A_63, %dma_start3A_69] : memref<104x128xi32, #tpu.memory_space<vmem>> -> memref<1x128xi32, #tpu.memory_space<vmem>>
      %dma_start3A_71 = tpu.memref_squeeze %dma_start3A_70 : memref<1x128xi32, #tpu.memory_space<vmem>> -> memref<128xi32, #tpu.memory_space<vmem>>
      %dma_start3A_72 = arith.constant 0 : i32
      %dma_start3A_73 = arith.constant 0 : i32
      %dma_start3A_74 = tpu.memref_slice %arg4[%dma_start3A_72, %dma_start3A_73] : memref<10000x4xf32, #tpu.memory_space<hbm>> -> memref<10000x4xf32, #tpu.memory_space<hbm>>
      tpu.enqueue_indirect_dma source(%dma_start3A_74 : memref<10000x4xf32, #tpu.memory_space<hbm>>) target(%dma_start3A_68 : memref<128x4xf32, #tpu.memory_space<vmem>>) offsets(%dma_start3A_71 : memref<128xi32, #tpu.memory_space<vmem>>) semaphore(%arg16 : memref<!tpu.dma_semaphore, #tpu.memory_space<semaphore_mem>>)
    } else {
    }
    %mul3A = arith.constant 632 : i32
    %mul3A_7 = arith.muli %arg1, %mul3A : i32
    "tpu.region"() ({
      %run_scoped3A = tpu.sem_alloc : memref<!tpu.dma_semaphore, #tpu.memory_space<semaphore_mem>>
      %dma_start3A = arith.constant 0 : i32
      %dma_start3A_25 = tpu.memref_slice %arg5[%mul3A_7, %dma_start3A] : memref<10112x4xf32, #tpu.memory_space<hbm>> -> memref<632x4xf32, #tpu.memory_space<hbm>>
      %dma_start3A_26 = arith.constant 0 : i32
      %dma_start3A_27 = tpu.memref_slice %arg5[%mul3A_7, %dma_start3A_26] : memref<10112x4xf32, #tpu.memory_space<hbm>> -> memref<632x4xf32, #tpu.memory_space<hbm>>
      tpu.enqueue_dma source(%dma_start3A_27 : memref<632x4xf32, #tpu.memory_space<hbm>>) target(%arg10 : memref<632x4xf32, #tpu.memory_space<vmem>>) target_semaphore(%run_scoped3A : memref<!tpu.dma_semaphore, #tpu.memory_space<semaphore_mem>>)
      %dma_wait3A = arith.constant 0 : i32
      %dma_wait3A_28 = tpu.memref_slice %arg5[%mul3A_7, %dma_wait3A] : memref<10112x4xf32, #tpu.memory_space<hbm>> -> memref<632x4xf32, #tpu.memory_space<hbm>>
      %dma_wait3A_29 = arith.constant 0 : i32
      %dma_wait3A_30 = tpu.memref_slice %arg5[%mul3A_7, %dma_wait3A_29] : memref<10112x4xf32, #tpu.memory_space<hbm>> -> memref<632x4xf32, #tpu.memory_space<hbm>>
      tpu.wait_dma2 semaphore(%run_scoped3A : memref<!tpu.dma_semaphore, #tpu.memory_space<semaphore_mem>>) src(%dma_wait3A_30 : memref<632x4xf32, #tpu.memory_space<hbm>>) dst(%arg10 : memref<632x4xf32, #tpu.memory_space<vmem>>)
      tpu.yield
    }) : () -> ()
    %mul3A_8 = arith.constant 632 : i32
    %mul3A_9 = arith.muli %arg1, %mul3A_8 : i32
    "tpu.region"() ({
      %run_scoped3A = tpu.sem_alloc : memref<!tpu.dma_semaphore, #tpu.memory_space<semaphore_mem>>
      %dma_start3A = arith.constant 0 : i32
      %dma_start3A_25 = tpu.memref_slice %arg11[%mul3A_9, %dma_start3A] : memref<10112x4xf32, #tpu.memory_space<vmem_shared>> -> memref<632x4xf32, #tpu.memory_space<vmem_shared>>
      %dma_start3A_26 = arith.constant 0 : i32
      %dma_start3A_27 = tpu.memref_slice %arg11[%mul3A_9, %dma_start3A_26] : memref<10112x4xf32, #tpu.memory_space<vmem_shared>> -> memref<632x4xf32, #tpu.memory_space<vmem_shared>>
      tpu.enqueue_dma source(%arg10 : memref<632x4xf32, #tpu.memory_space<vmem>>) target(%dma_start3A_27 : memref<632x4xf32, #tpu.memory_space<vmem_shared>>) target_semaphore(%run_scoped3A : memref<!tpu.dma_semaphore, #tpu.memory_space<semaphore_mem>>)
      %dma_wait3A = arith.constant 0 : i32
      %dma_wait3A_28 = tpu.memref_slice %arg11[%mul3A_9, %dma_wait3A] : memref<10112x4xf32, #tpu.memory_space<vmem_shared>> -> memref<632x4xf32, #tpu.memory_space<vmem_shared>>
      %dma_wait3A_29 = arith.constant 0 : i32
      %dma_wait3A_30 = tpu.memref_slice %arg11[%mul3A_9, %dma_wait3A_29] : memref<10112x4xf32, #tpu.memory_space<vmem_shared>> -> memref<632x4xf32, #tpu.memory_space<vmem_shared>>
      tpu.wait_dma2 semaphore(%run_scoped3A : memref<!tpu.dma_semaphore, #tpu.memory_space<semaphore_mem>>) src(%arg10 : memref<632x4xf32, #tpu.memory_space<vmem>>) dst(%dma_wait3A_30 : memref<632x4xf32, #tpu.memory_space<vmem_shared>>)
      tpu.yield
    }) : () -> ()
    %barrier3A = arith.constant 0 : index
    tpu.barrier barrier_id(%barrier3A)
    %eq3A_10 = arith.constant 0 : i32
    %eq3A_11 = arith.cmpi eq, %arg0, %eq3A_10 : i32
    %convert_element_type3A_12 = arith.extui %eq3A_11 : i1 to i32
    %cond3A_13 = arith.constant 0 : i32
    %cond3A_14 = arith.cmpi ne, %convert_element_type3A_12, %cond3A_13 : i32
    scf.if %cond3A_14 {
      %scan3A = arith.constant 0 : i32
      %scan3A_25 = arith.constant 0 : i32
      %scan3A_26 = arith.constant 14 : i32
      %scan3A_27 = arith.addi %scan3A_25, %scan3A_26 : i32
      %scan3A_28 = arith.constant 1 : i32
      scf.for %scan3A_30 = %scan3A_25 to %scan3A_27 step %scan3A_28  : i32 {
        %mul3A_31 = arith.constant 4 : i32
        %mul3A_32 = arith.muli %scan3A_30, %mul3A_31 : i32
        %add3A = arith.constant 0 : i32
        %add3A_33 = arith.addi %mul3A_32, %add3A : i32
        %dma_wait3A = arith.constant 0 : i32
        %dma_wait3A_34 = arith.constant 0 : i32
        %dma_wait3A_35 = arith.constant 0 : i32
        %dma_wait3A_36 = tpu.memref_slice %arg9[%dma_wait3A, %dma_wait3A_34, %dma_wait3A_35] : memref<4x128x4xf32, #tpu.memory_space<vmem>> -> memref<1x128x4xf32, #tpu.memory_space<vmem>>
        %dma_wait3A_37 = tpu.memref_squeeze %dma_wait3A_36 : memref<1x128x4xf32, #tpu.memory_space<vmem>> -> memref<128x4xf32, #tpu.memory_space<vmem>>
        %dma_wait3A_38 = arith.constant 0 : i32
        %dma_wait3A_39 = tpu.memref_slice %arg7[%add3A_33, %dma_wait3A_38] : memref<104x128xi32, #tpu.memory_space<vmem>> -> memref<1x128xi32, #tpu.memory_space<vmem>>
        %dma_wait3A_40 = tpu.memref_squeeze %dma_wait3A_39 : memref<1x128xi32, #tpu.memory_space<vmem>> -> memref<128xi32, #tpu.memory_space<vmem>>
        %dma_wait3A_41 = arith.constant 0 : i32
        %dma_wait3A_42 = arith.constant 0 : i32
        %dma_wait3A_43 = tpu.memref_slice %arg4[%dma_wait3A_41, %dma_wait3A_42] : memref<10000x4xf32, #tpu.memory_space<hbm>> -> memref<10000x4xf32, #tpu.memory_space<hbm>>
        tpu.wait_indirect_dma semaphore(%arg13 : memref<!tpu.dma_semaphore, #tpu.memory_space<semaphore_mem>>) src(%dma_wait3A_43 : memref<10000x4xf32, #tpu.memory_space<hbm>>) dst(%dma_wait3A_37 : memref<128x4xf32, #tpu.memory_space<vmem>>)
        %dma_start3A = arith.constant 0 : i32
        %dma_start3A_44 = arith.constant 0 : i32
        %dma_start3A_45 = arith.constant 0 : i32
        %dma_start3A_46 = tpu.memref_slice %arg9[%dma_start3A, %dma_start3A_44, %dma_start3A_45] : memref<4x128x4xf32, #tpu.memory_space<vmem>> -> memref<1x128x4xf32, #tpu.memory_space<vmem>>
        %dma_start3A_47 = tpu.memref_squeeze %dma_start3A_46 : memref<1x128x4xf32, #tpu.memory_space<vmem>> -> memref<128x4xf32, #tpu.memory_space<vmem>>
        %dma_start3A_48 = arith.constant 0 : i32
        %dma_start3A_49 = tpu.memref_slice %arg8[%add3A_33, %dma_start3A_48] : memref<104x128xi32, #tpu.memory_space<vmem>> -> memref<1x128xi32, #tpu.memory_space<vmem>>
        %dma_start3A_50 = tpu.memref_squeeze %dma_start3A_49 : memref<1x128xi32, #tpu.memory_space<vmem>> -> memref<128xi32, #tpu.memory_space<vmem>>
        %dma_start3A_51 = arith.constant 0 : i32
        %dma_start3A_52 = arith.constant 0 : i32
        %dma_start3A_53 = tpu.memref_slice %arg11[%dma_start3A_51, %dma_start3A_52] : memref<10112x4xf32, #tpu.memory_space<vmem_shared>> -> memref<10112x4xf32, #tpu.memory_space<vmem_shared>>
        tpu.enqueue_indirect_dma source(%dma_start3A_47 : memref<128x4xf32, #tpu.memory_space<vmem>>) target(%dma_start3A_53 : memref<10112x4xf32, #tpu.memory_space<vmem_shared>>) offsets(%dma_start3A_50 : memref<128xi32, #tpu.memory_space<vmem>>) semaphore(%arg12 : memref<!tpu.dma_semaphore, #tpu.memory_space<semaphore_mem>>) {add = true}
        %dma_wait3A_54 = arith.constant 0 : i32
        %dma_wait3A_55 = arith.constant 0 : i32
        %dma_wait3A_56 = arith.constant 0 : i32
        %dma_wait3A_57 = tpu.memref_slice %arg9[%dma_wait3A_54, %dma_wait3A_55, %dma_wait3A_56] : memref<4x128x4xf32, #tpu.memory_space<vmem>> -> memref<1x128x4xf32, #tpu.memory_space<vmem>>
        %dma_wait3A_58 = tpu.memref_squeeze %dma_wait3A_57 : memref<1x128x4xf32, #tpu.memory_space<vmem>> -> memref<128x4xf32, #tpu.memory_space<vmem>>
        %dma_wait3A_59 = arith.constant 0 : i32
        %dma_wait3A_60 = tpu.memref_slice %arg8[%add3A_33, %dma_wait3A_59] : memref<104x128xi32, #tpu.memory_space<vmem>> -> memref<1x128xi32, #tpu.memory_space<vmem>>
        %dma_wait3A_61 = tpu.memref_squeeze %dma_wait3A_60 : memref<1x128xi32, #tpu.memory_space<vmem>> -> memref<128xi32, #tpu.memory_space<vmem>>
        %dma_wait3A_62 = arith.constant 0 : i32
        %dma_wait3A_63 = arith.constant 0 : i32
        %dma_wait3A_64 = tpu.memref_slice %arg11[%dma_wait3A_62, %dma_wait3A_63] : memref<10112x4xf32, #tpu.memory_space<vmem_shared>> -> memref<10112x4xf32, #tpu.memory_space<vmem_shared>>
        tpu.wait_indirect_dma semaphore(%arg12 : memref<!tpu.dma_semaphore, #tpu.memory_space<semaphore_mem>>) src(%dma_wait3A_58 : memref<128x4xf32, #tpu.memory_space<vmem>>) dst(%dma_wait3A_64 : memref<10112x4xf32, #tpu.memory_space<vmem_shared>>)
        %lt3A = arith.constant 13 : i32
        %lt3A_65 = arith.cmpi slt, %scan3A_30, %lt3A : i32
        %convert_element_type3A_66 = arith.extui %lt3A_65 : i1 to i32
        %cond3A_67 = arith.constant 0 : i32
        %cond3A_68 = arith.cmpi ne, %convert_element_type3A_66, %cond3A_67 : i32
        scf.if %cond3A_68 {
          %add3A_195 = arith.constant 4 : i32
          %add3A_196 = arith.addi %add3A_33, %add3A_195 : i32
          %dma_start3A_197 = arith.constant 0 : i32
          %dma_start3A_198 = arith.constant 0 : i32
          %dma_start3A_199 = arith.constant 0 : i32
          %dma_start3A_200 = tpu.memref_slice %arg9[%dma_start3A_197, %dma_start3A_198, %dma_start3A_199] : memref<4x128x4xf32, #tpu.memory_space<vmem>> -> memref<1x128x4xf32, #tpu.memory_space<vmem>>
          %dma_start3A_201 = tpu.memref_squeeze %dma_start3A_200 : memref<1x128x4xf32, #tpu.memory_space<vmem>> -> memref<128x4xf32, #tpu.memory_space<vmem>>
          %dma_start3A_202 = arith.constant 0 : i32
          %dma_start3A_203 = tpu.memref_slice %arg7[%add3A_196, %dma_start3A_202] : memref<104x128xi32, #tpu.memory_space<vmem>> -> memref<1x128xi32, #tpu.memory_space<vmem>>
          %dma_start3A_204 = tpu.memref_squeeze %dma_start3A_203 : memref<1x128xi32, #tpu.memory_space<vmem>> -> memref<128xi32, #tpu.memory_space<vmem>>
          %dma_start3A_205 = arith.constant 0 : i32
          %dma_start3A_206 = arith.constant 0 : i32
          %dma_start3A_207 = tpu.memref_slice %arg4[%dma_start3A_205, %dma_start3A_206] : memref<10000x4xf32, #tpu.memory_space<hbm>> -> memref<10000x4xf32, #tpu.memory_space<hbm>>
          tpu.enqueue_indirect_dma source(%dma_start3A_207 : memref<10000x4xf32, #tpu.memory_space<hbm>>) target(%dma_start3A_201 : memref<128x4xf32, #tpu.memory_space<vmem>>) offsets(%dma_start3A_204 : memref<128xi32, #tpu.memory_space<vmem>>) semaphore(%arg13 : memref<!tpu.dma_semaphore, #tpu.memory_space<semaphore_mem>>)
        } else {
        }
        %mul3A_69 = arith.constant 4 : i32
        %mul3A_70 = arith.muli %scan3A_30, %mul3A_69 : i32
        %add3A_71 = arith.constant 1 : i32
        %add3A_72 = arith.addi %mul3A_70, %add3A_71 : i32
        %dma_wait3A_73 = arith.constant 1 : i32
        %dma_wait3A_74 = arith.constant 0 : i32
        %dma_wait3A_75 = arith.constant 0 : i32
        %dma_wait3A_76 = tpu.memref_slice %arg9[%dma_wait3A_73, %dma_wait3A_74, %dma_wait3A_75] : memref<4x128x4xf32, #tpu.memory_space<vmem>> -> memref<1x128x4xf32, #tpu.memory_space<vmem>>
        %dma_wait3A_77 = tpu.memref_squeeze %dma_wait3A_76 : memref<1x128x4xf32, #tpu.memory_space<vmem>> -> memref<128x4xf32, #tpu.memory_space<vmem>>
        %dma_wait3A_78 = arith.constant 0 : i32
        %dma_wait3A_79 = tpu.memref_slice %arg7[%add3A_72, %dma_wait3A_78] : memref<104x128xi32, #tpu.memory_space<vmem>> -> memref<1x128xi32, #tpu.memory_space<vmem>>
        %dma_wait3A_80 = tpu.memref_squeeze %dma_wait3A_79 : memref<1x128xi32, #tpu.memory_space<vmem>> -> memref<128xi32, #tpu.memory_space<vmem>>
        %dma_wait3A_81 = arith.constant 0 : i32
        %dma_wait3A_82 = arith.constant 0 : i32
        %dma_wait3A_83 = tpu.memref_slice %arg4[%dma_wait3A_81, %dma_wait3A_82] : memref<10000x4xf32, #tpu.memory_space<hbm>> -> memref<10000x4xf32, #tpu.memory_space<hbm>>
        tpu.wait_indirect_dma semaphore(%arg14 : memref<!tpu.dma_semaphore, #tpu.memory_space<semaphore_mem>>) src(%dma_wait3A_83 : memref<10000x4xf32, #tpu.memory_space<hbm>>) dst(%dma_wait3A_77 : memref<128x4xf32, #tpu.memory_space<vmem>>)
        %dma_start3A_84 = arith.constant 1 : i32
        %dma_start3A_85 = arith.constant 0 : i32
        %dma_start3A_86 = arith.constant 0 : i32
        %dma_start3A_87 = tpu.memref_slice %arg9[%dma_start3A_84, %dma_start3A_85, %dma_start3A_86] : memref<4x128x4xf32, #tpu.memory_space<vmem>> -> memref<1x128x4xf32, #tpu.memory_space<vmem>>
        %dma_start3A_88 = tpu.memref_squeeze %dma_start3A_87 : memref<1x128x4xf32, #tpu.memory_space<vmem>> -> memref<128x4xf32, #tpu.memory_space<vmem>>
        %dma_start3A_89 = arith.constant 0 : i32
        %dma_start3A_90 = tpu.memref_slice %arg8[%add3A_72, %dma_start3A_89] : memref<104x128xi32, #tpu.memory_space<vmem>> -> memref<1x128xi32, #tpu.memory_space<vmem>>
        %dma_start3A_91 = tpu.memref_squeeze %dma_start3A_90 : memref<1x128xi32, #tpu.memory_space<vmem>> -> memref<128xi32, #tpu.memory_space<vmem>>
        %dma_start3A_92 = arith.constant 0 : i32
        %dma_start3A_93 = arith.constant 0 : i32
        %dma_start3A_94 = tpu.memref_slice %arg11[%dma_start3A_92, %dma_start3A_93] : memref<10112x4xf32, #tpu.memory_space<vmem_shared>> -> memref<10112x4xf32, #tpu.memory_space<vmem_shared>>
        tpu.enqueue_indirect_dma source(%dma_start3A_88 : memref<128x4xf32, #tpu.memory_space<vmem>>) target(%dma_start3A_94 : memref<10112x4xf32, #tpu.memory_space<vmem_shared>>) offsets(%dma_start3A_91 : memref<128xi32, #tpu.memory_space<vmem>>) semaphore(%arg12 : memref<!tpu.dma_semaphore, #tpu.memory_space<semaphore_mem>>) {add = true}
        %dma_wait3A_95 = arith.constant 1 : i32
        %dma_wait3A_96 = arith.constant 0 : i32
        %dma_wait3A_97 = arith.constant 0 : i32
        %dma_wait3A_98 = tpu.memref_slice %arg9[%dma_wait3A_95, %dma_wait3A_96, %dma_wait3A_97] : memref<4x128x4xf32, #tpu.memory_space<vmem>> -> memref<1x128x4xf32, #tpu.memory_space<vmem>>
        %dma_wait3A_99 = tpu.memref_squeeze %dma_wait3A_98 : memref<1x128x4xf32, #tpu.memory_space<vmem>> -> memref<128x4xf32, #tpu.memory_space<vmem>>
        %dma_wait3A_100 = arith.constant 0 : i32
        %dma_wait3A_101 = tpu.memref_slice %arg8[%add3A_72, %dma_wait3A_100] : memref<104x128xi32, #tpu.memory_space<vmem>> -> memref<1x128xi32, #tpu.memory_space<vmem>>
        %dma_wait3A_102 = tpu.memref_squeeze %dma_wait3A_101 : memref<1x128xi32, #tpu.memory_space<vmem>> -> memref<128xi32, #tpu.memory_space<vmem>>
        %dma_wait3A_103 = arith.constant 0 : i32
        %dma_wait3A_104 = arith.constant 0 : i32
        %dma_wait3A_105 = tpu.memref_slice %arg11[%dma_wait3A_103, %dma_wait3A_104] : memref<10112x4xf32, #tpu.memory_space<vmem_shared>> -> memref<10112x4xf32, #tpu.memory_space<vmem_shared>>
        tpu.wait_indirect_dma semaphore(%arg12 : memref<!tpu.dma_semaphore, #tpu.memory_space<semaphore_mem>>) src(%dma_wait3A_99 : memref<128x4xf32, #tpu.memory_space<vmem>>) dst(%dma_wait3A_105 : memref<10112x4xf32, #tpu.memory_space<vmem_shared>>)
        %lt3A_106 = arith.constant 13 : i32
        %lt3A_107 = arith.cmpi slt, %scan3A_30, %lt3A_106 : i32
        %convert_element_type3A_108 = arith.extui %lt3A_107 : i1 to i32
        %cond3A_109 = arith.constant 0 : i32
        %cond3A_110 = arith.cmpi ne, %convert_element_type3A_108, %cond3A_109 : i32
        scf.if %cond3A_110 {
          %add3A_195 = arith.constant 4 : i32
          %add3A_196 = arith.addi %add3A_72, %add3A_195 : i32
          %dma_start3A_197 = arith.constant 1 : i32
          %dma_start3A_198 = arith.constant 0 : i32
          %dma_start3A_199 = arith.constant 0 : i32
          %dma_start3A_200 = tpu.memref_slice %arg9[%dma_start3A_197, %dma_start3A_198, %dma_start3A_199] : memref<4x128x4xf32, #tpu.memory_space<vmem>> -> memref<1x128x4xf32, #tpu.memory_space<vmem>>
          %dma_start3A_201 = tpu.memref_squeeze %dma_start3A_200 : memref<1x128x4xf32, #tpu.memory_space<vmem>> -> memref<128x4xf32, #tpu.memory_space<vmem>>
          %dma_start3A_202 = arith.constant 0 : i32
          %dma_start3A_203 = tpu.memref_slice %arg7[%add3A_196, %dma_start3A_202] : memref<104x128xi32, #tpu.memory_space<vmem>> -> memref<1x128xi32, #tpu.memory_space<vmem>>
          %dma_start3A_204 = tpu.memref_squeeze %dma_start3A_203 : memref<1x128xi32, #tpu.memory_space<vmem>> -> memref<128xi32, #tpu.memory_space<vmem>>
          %dma_start3A_205 = arith.constant 0 : i32
          %dma_start3A_206 = arith.constant 0 : i32
          %dma_start3A_207 = tpu.memref_slice %arg4[%dma_start3A_205, %dma_start3A_206] : memref<10000x4xf32, #tpu.memory_space<hbm>> -> memref<10000x4xf32, #tpu.memory_space<hbm>>
          tpu.enqueue_indirect_dma source(%dma_start3A_207 : memref<10000x4xf32, #tpu.memory_space<hbm>>) target(%dma_start3A_201 : memref<128x4xf32, #tpu.memory_space<vmem>>) offsets(%dma_start3A_204 : memref<128xi32, #tpu.memory_space<vmem>>) semaphore(%arg14 : memref<!tpu.dma_semaphore, #tpu.memory_space<semaphore_mem>>)
        } else {
        }
        %mul3A_111 = arith.constant 4 : i32
        %mul3A_112 = arith.muli %scan3A_30, %mul3A_111 : i32
        %add3A_113 = arith.constant 2 : i32
        %add3A_114 = arith.addi %mul3A_112, %add3A_113 : i32
        %dma_wait3A_115 = arith.constant 2 : i32
        %dma_wait3A_116 = arith.constant 0 : i32
        %dma_wait3A_117 = arith.constant 0 : i32
        %dma_wait3A_118 = tpu.memref_slice %arg9[%dma_wait3A_115, %dma_wait3A_116, %dma_wait3A_117] : memref<4x128x4xf32, #tpu.memory_space<vmem>> -> memref<1x128x4xf32, #tpu.memory_space<vmem>>
        %dma_wait3A_119 = tpu.memref_squeeze %dma_wait3A_118 : memref<1x128x4xf32, #tpu.memory_space<vmem>> -> memref<128x4xf32, #tpu.memory_space<vmem>>
        %dma_wait3A_120 = arith.constant 0 : i32
        %dma_wait3A_121 = tpu.memref_slice %arg7[%add3A_114, %dma_wait3A_120] : memref<104x128xi32, #tpu.memory_space<vmem>> -> memref<1x128xi32, #tpu.memory_space<vmem>>
        %dma_wait3A_122 = tpu.memref_squeeze %dma_wait3A_121 : memref<1x128xi32, #tpu.memory_space<vmem>> -> memref<128xi32, #tpu.memory_space<vmem>>
        %dma_wait3A_123 = arith.constant 0 : i32
        %dma_wait3A_124 = arith.constant 0 : i32
        %dma_wait3A_125 = tpu.memref_slice %arg4[%dma_wait3A_123, %dma_wait3A_124] : memref<10000x4xf32, #tpu.memory_space<hbm>> -> memref<10000x4xf32, #tpu.memory_space<hbm>>
        tpu.wait_indirect_dma semaphore(%arg15 : memref<!tpu.dma_semaphore, #tpu.memory_space<semaphore_mem>>) src(%dma_wait3A_125 : memref<10000x4xf32, #tpu.memory_space<hbm>>) dst(%dma_wait3A_119 : memref<128x4xf32, #tpu.memory_space<vmem>>)
        %dma_start3A_126 = arith.constant 2 : i32
        %dma_start3A_127 = arith.constant 0 : i32
        %dma_start3A_128 = arith.constant 0 : i32
        %dma_start3A_129 = tpu.memref_slice %arg9[%dma_start3A_126, %dma_start3A_127, %dma_start3A_128] : memref<4x128x4xf32, #tpu.memory_space<vmem>> -> memref<1x128x4xf32, #tpu.memory_space<vmem>>
        %dma_start3A_130 = tpu.memref_squeeze %dma_start3A_129 : memref<1x128x4xf32, #tpu.memory_space<vmem>> -> memref<128x4xf32, #tpu.memory_space<vmem>>
        %dma_start3A_131 = arith.constant 0 : i32
        %dma_start3A_132 = tpu.memref_slice %arg8[%add3A_114, %dma_start3A_131] : memref<104x128xi32, #tpu.memory_space<vmem>> -> memref<1x128xi32, #tpu.memory_space<vmem>>
        %dma_start3A_133 = tpu.memref_squeeze %dma_start3A_132 : memref<1x128xi32, #tpu.memory_space<vmem>> -> memref<128xi32, #tpu.memory_space<vmem>>
        %dma_start3A_134 = arith.constant 0 : i32
        %dma_start3A_135 = arith.constant 0 : i32
        %dma_start3A_136 = tpu.memref_slice %arg11[%dma_start3A_134, %dma_start3A_135] : memref<10112x4xf32, #tpu.memory_space<vmem_shared>> -> memref<10112x4xf32, #tpu.memory_space<vmem_shared>>
        tpu.enqueue_indirect_dma source(%dma_start3A_130 : memref<128x4xf32, #tpu.memory_space<vmem>>) target(%dma_start3A_136 : memref<10112x4xf32, #tpu.memory_space<vmem_shared>>) offsets(%dma_start3A_133 : memref<128xi32, #tpu.memory_space<vmem>>) semaphore(%arg12 : memref<!tpu.dma_semaphore, #tpu.memory_space<semaphore_mem>>) {add = true}
        %dma_wait3A_137 = arith.constant 2 : i32
        %dma_wait3A_138 = arith.constant 0 : i32
        %dma_wait3A_139 = arith.constant 0 : i32
        %dma_wait3A_140 = tpu.memref_slice %arg9[%dma_wait3A_137, %dma_wait3A_138, %dma_wait3A_139] : memref<4x128x4xf32, #tpu.memory_space<vmem>> -> memref<1x128x4xf32, #tpu.memory_space<vmem>>
        %dma_wait3A_141 = tpu.memref_squeeze %dma_wait3A_140 : memref<1x128x4xf32, #tpu.memory_space<vmem>> -> memref<128x4xf32, #tpu.memory_space<vmem>>
        %dma_wait3A_142 = arith.constant 0 : i32
        %dma_wait3A_143 = tpu.memref_slice %arg8[%add3A_114, %dma_wait3A_142] : memref<104x128xi32, #tpu.memory_space<vmem>> -> memref<1x128xi32, #tpu.memory_space<vmem>>
        %dma_wait3A_144 = tpu.memref_squeeze %dma_wait3A_143 : memref<1x128xi32, #tpu.memory_space<vmem>> -> memref<128xi32, #tpu.memory_space<vmem>>
        %dma_wait3A_145 = arith.constant 0 : i32
        %dma_wait3A_146 = arith.constant 0 : i32
        %dma_wait3A_147 = tpu.memref_slice %arg11[%dma_wait3A_145, %dma_wait3A_146] : memref<10112x4xf32, #tpu.memory_space<vmem_shared>> -> memref<10112x4xf32, #tpu.memory_space<vmem_shared>>
        tpu.wait_indirect_dma semaphore(%arg12 : memref<!tpu.dma_semaphore, #tpu.memory_space<semaphore_mem>>) src(%dma_wait3A_141 : memref<128x4xf32, #tpu.memory_space<vmem>>) dst(%dma_wait3A_147 : memref<10112x4xf32, #tpu.memory_space<vmem_shared>>)
        %lt3A_148 = arith.constant 13 : i32
        %lt3A_149 = arith.cmpi slt, %scan3A_30, %lt3A_148 : i32
        %convert_element_type3A_150 = arith.extui %lt3A_149 : i1 to i32
        %cond3A_151 = arith.constant 0 : i32
        %cond3A_152 = arith.cmpi ne, %convert_element_type3A_150, %cond3A_151 : i32
        scf.if %cond3A_152 {
          %add3A_195 = arith.constant 4 : i32
          %add3A_196 = arith.addi %add3A_114, %add3A_195 : i32
          %dma_start3A_197 = arith.constant 2 : i32
          %dma_start3A_198 = arith.constant 0 : i32
          %dma_start3A_199 = arith.constant 0 : i32
          %dma_start3A_200 = tpu.memref_slice %arg9[%dma_start3A_197, %dma_start3A_198, %dma_start3A_199] : memref<4x128x4xf32, #tpu.memory_space<vmem>> -> memref<1x128x4xf32, #tpu.memory_space<vmem>>
          %dma_start3A_201 = tpu.memref_squeeze %dma_start3A_200 : memref<1x128x4xf32, #tpu.memory_space<vmem>> -> memref<128x4xf32, #tpu.memory_space<vmem>>
          %dma_start3A_202 = arith.constant 0 : i32
          %dma_start3A_203 = tpu.memref_slice %arg7[%add3A_196, %dma_start3A_202] : memref<104x128xi32, #tpu.memory_space<vmem>> -> memref<1x128xi32, #tpu.memory_space<vmem>>
          %dma_start3A_204 = tpu.memref_squeeze %dma_start3A_203 : memref<1x128xi32, #tpu.memory_space<vmem>> -> memref<128xi32, #tpu.memory_space<vmem>>
          %dma_start3A_205 = arith.constant 0 : i32
          %dma_start3A_206 = arith.constant 0 : i32
          %dma_start3A_207 = tpu.memref_slice %arg4[%dma_start3A_205, %dma_start3A_206] : memref<10000x4xf32, #tpu.memory_space<hbm>> -> memref<10000x4xf32, #tpu.memory_space<hbm>>
          tpu.enqueue_indirect_dma source(%dma_start3A_207 : memref<10000x4xf32, #tpu.memory_space<hbm>>) target(%dma_start3A_201 : memref<128x4xf32, #tpu.memory_space<vmem>>) offsets(%dma_start3A_204 : memref<128xi32, #tpu.memory_space<vmem>>) semaphore(%arg15 : memref<!tpu.dma_semaphore, #tpu.memory_space<semaphore_mem>>)
        } else {
        }
        %mul3A_153 = arith.constant 4 : i32
        %mul3A_154 = arith.muli %scan3A_30, %mul3A_153 : i32
        %add3A_155 = arith.constant 3 : i32
        %add3A_156 = arith.addi %mul3A_154, %add3A_155 : i32
        %dma_wait3A_157 = arith.constant 3 : i32
        %dma_wait3A_158 = arith.constant 0 : i32
        %dma_wait3A_159 = arith.constant 0 : i32
        %dma_wait3A_160 = tpu.memref_slice %arg9[%dma_wait3A_157, %dma_wait3A_158, %dma_wait3A_159] : memref<4x128x4xf32, #tpu.memory_space<vmem>> -> memref<1x128x4xf32, #tpu.memory_space<vmem>>
        %dma_wait3A_161 = tpu.memref_squeeze %dma_wait3A_160 : memref<1x128x4xf32, #tpu.memory_space<vmem>> -> memref<128x4xf32, #tpu.memory_space<vmem>>
        %dma_wait3A_162 = arith.constant 0 : i32
        %dma_wait3A_163 = tpu.memref_slice %arg7[%add3A_156, %dma_wait3A_162] : memref<104x128xi32, #tpu.memory_space<vmem>> -> memref<1x128xi32, #tpu.memory_space<vmem>>
        %dma_wait3A_164 = tpu.memref_squeeze %dma_wait3A_163 : memref<1x128xi32, #tpu.memory_space<vmem>> -> memref<128xi32, #tpu.memory_space<vmem>>
        %dma_wait3A_165 = arith.constant 0 : i32
        %dma_wait3A_166 = arith.constant 0 : i32
        %dma_wait3A_167 = tpu.memref_slice %arg4[%dma_wait3A_165, %dma_wait3A_166] : memref<10000x4xf32, #tpu.memory_space<hbm>> -> memref<10000x4xf32, #tpu.memory_space<hbm>>
        tpu.wait_indirect_dma semaphore(%arg16 : memref<!tpu.dma_semaphore, #tpu.memory_space<semaphore_mem>>) src(%dma_wait3A_167 : memref<10000x4xf32, #tpu.memory_space<hbm>>) dst(%dma_wait3A_161 : memref<128x4xf32, #tpu.memory_space<vmem>>)
        %dma_start3A_168 = arith.constant 3 : i32
        %dma_start3A_169 = arith.constant 0 : i32
        %dma_start3A_170 = arith.constant 0 : i32
        %dma_start3A_171 = tpu.memref_slice %arg9[%dma_start3A_168, %dma_start3A_169, %dma_start3A_170] : memref<4x128x4xf32, #tpu.memory_space<vmem>> -> memref<1x128x4xf32, #tpu.memory_space<vmem>>
        %dma_start3A_172 = tpu.memref_squeeze %dma_start3A_171 : memref<1x128x4xf32, #tpu.memory_space<vmem>> -> memref<128x4xf32, #tpu.memory_space<vmem>>
        %dma_start3A_173 = arith.constant 0 : i32
        %dma_start3A_174 = tpu.memref_slice %arg8[%add3A_156, %dma_start3A_173] : memref<104x128xi32, #tpu.memory_space<vmem>> -> memref<1x128xi32, #tpu.memory_space<vmem>>
        %dma_start3A_175 = tpu.memref_squeeze %dma_start3A_174 : memref<1x128xi32, #tpu.memory_space<vmem>> -> memref<128xi32, #tpu.memory_space<vmem>>
        %dma_start3A_176 = arith.constant 0 : i32
        %dma_start3A_177 = arith.constant 0 : i32
        %dma_start3A_178 = tpu.memref_slice %arg11[%dma_start3A_176, %dma_start3A_177] : memref<10112x4xf32, #tpu.memory_space<vmem_shared>> -> memref<10112x4xf32, #tpu.memory_space<vmem_shared>>
        tpu.enqueue_indirect_dma source(%dma_start3A_172 : memref<128x4xf32, #tpu.memory_space<vmem>>) target(%dma_start3A_178 : memref<10112x4xf32, #tpu.memory_space<vmem_shared>>) offsets(%dma_start3A_175 : memref<128xi32, #tpu.memory_space<vmem>>) semaphore(%arg12 : memref<!tpu.dma_semaphore, #tpu.memory_space<semaphore_mem>>) {add = true}
        %dma_wait3A_179 = arith.constant 3 : i32
        %dma_wait3A_180 = arith.constant 0 : i32
        %dma_wait3A_181 = arith.constant 0 : i32
        %dma_wait3A_182 = tpu.memref_slice %arg9[%dma_wait3A_179, %dma_wait3A_180, %dma_wait3A_181] : memref<4x128x4xf32, #tpu.memory_space<vmem>> -> memref<1x128x4xf32, #tpu.memory_space<vmem>>
        %dma_wait3A_183 = tpu.memref_squeeze %dma_wait3A_182 : memref<1x128x4xf32, #tpu.memory_space<vmem>> -> memref<128x4xf32, #tpu.memory_space<vmem>>
        %dma_wait3A_184 = arith.constant 0 : i32
        %dma_wait3A_185 = tpu.memref_slice %arg8[%add3A_156, %dma_wait3A_184] : memref<104x128xi32, #tpu.memory_space<vmem>> -> memref<1x128xi32, #tpu.memory_space<vmem>>
        %dma_wait3A_186 = tpu.memref_squeeze %dma_wait3A_185 : memref<1x128xi32, #tpu.memory_space<vmem>> -> memref<128xi32, #tpu.memory_space<vmem>>
        %dma_wait3A_187 = arith.constant 0 : i32
        %dma_wait3A_188 = arith.constant 0 : i32
        %dma_wait3A_189 = tpu.memref_slice %arg11[%dma_wait3A_187, %dma_wait3A_188] : memref<10112x4xf32, #tpu.memory_space<vmem_shared>> -> memref<10112x4xf32, #tpu.memory_space<vmem_shared>>
        tpu.wait_indirect_dma semaphore(%arg12 : memref<!tpu.dma_semaphore, #tpu.memory_space<semaphore_mem>>) src(%dma_wait3A_183 : memref<128x4xf32, #tpu.memory_space<vmem>>) dst(%dma_wait3A_189 : memref<10112x4xf32, #tpu.memory_space<vmem_shared>>)
        %lt3A_190 = arith.constant 13 : i32
        %lt3A_191 = arith.cmpi slt, %scan3A_30, %lt3A_190 : i32
        %convert_element_type3A_192 = arith.extui %lt3A_191 : i1 to i32
        %cond3A_193 = arith.constant 0 : i32
        %cond3A_194 = arith.cmpi ne, %convert_element_type3A_192, %cond3A_193 : i32
        scf.if %cond3A_194 {
          %add3A_195 = arith.constant 4 : i32
          %add3A_196 = arith.addi %add3A_156, %add3A_195 : i32
          %dma_start3A_197 = arith.constant 3 : i32
          %dma_start3A_198 = arith.constant 0 : i32
          %dma_start3A_199 = arith.constant 0 : i32
          %dma_start3A_200 = tpu.memref_slice %arg9[%dma_start3A_197, %dma_start3A_198, %dma_start3A_199] : memref<4x128x4xf32, #tpu.memory_space<vmem>> -> memref<1x128x4xf32, #tpu.memory_space<vmem>>
          %dma_start3A_201 = tpu.memref_squeeze %dma_start3A_200 : memref<1x128x4xf32, #tpu.memory_space<vmem>> -> memref<128x4xf32, #tpu.memory_space<vmem>>
          %dma_start3A_202 = arith.constant 0 : i32
          %dma_start3A_203 = tpu.memref_slice %arg7[%add3A_196, %dma_start3A_202] : memref<104x128xi32, #tpu.memory_space<vmem>> -> memref<1x128xi32, #tpu.memory_space<vmem>>
          %dma_start3A_204 = tpu.memref_squeeze %dma_start3A_203 : memref<1x128xi32, #tpu.memory_space<vmem>> -> memref<128xi32, #tpu.memory_space<vmem>>
          %dma_start3A_205 = arith.constant 0 : i32
          %dma_start3A_206 = arith.constant 0 : i32
          %dma_start3A_207 = tpu.memref_slice %arg4[%dma_start3A_205, %dma_start3A_206] : memref<10000x4xf32, #tpu.memory_space<hbm>> -> memref<10000x4xf32, #tpu.memory_space<hbm>>
          tpu.enqueue_indirect_dma source(%dma_start3A_207 : memref<10000x4xf32, #tpu.memory_space<hbm>>) target(%dma_start3A_201 : memref<128x4xf32, #tpu.memory_space<vmem>>) offsets(%dma_start3A_204 : memref<128xi32, #tpu.memory_space<vmem>>) semaphore(%arg16 : memref<!tpu.dma_semaphore, #tpu.memory_space<semaphore_mem>>)
        } else {
        }
      }
      %scan3A_29 = arith.constant 14 : i32
    } else {
    }
    %eq3A_15 = arith.constant 1 : i32
    %eq3A_16 = arith.cmpi eq, %arg0, %eq3A_15 : i32
    %convert_element_type3A_17 = arith.extui %eq3A_16 : i1 to i32
    %cond3A_18 = arith.constant 0 : i32
    %cond3A_19 = arith.cmpi ne, %convert_element_type3A_17, %cond3A_18 : i32
    scf.if %cond3A_19 {
      %scan3A = arith.constant 0 : i32
      %scan3A_25 = arith.constant 0 : i32
      %scan3A_26 = arith.constant 26 : i32
      %scan3A_27 = arith.addi %scan3A_25, %scan3A_26 : i32
      %scan3A_28 = arith.constant 1 : i32
      scf.for %scan3A_30 = %scan3A_25 to %scan3A_27 step %scan3A_28  : i32 {
        %mul3A_31 = arith.constant 4 : i32
        %mul3A_32 = arith.muli %scan3A_30, %mul3A_31 : i32
        %add3A = arith.constant 0 : i32
        %add3A_33 = arith.addi %mul3A_32, %add3A : i32
        %dma_wait3A = arith.constant 0 : i32
        %dma_wait3A_34 = arith.constant 0 : i32
        %dma_wait3A_35 = arith.constant 0 : i32
        %dma_wait3A_36 = tpu.memref_slice %arg9[%dma_wait3A, %dma_wait3A_34, %dma_wait3A_35] : memref<4x128x4xf32, #tpu.memory_space<vmem>> -> memref<1x128x4xf32, #tpu.memory_space<vmem>>
        %dma_wait3A_37 = tpu.memref_squeeze %dma_wait3A_36 : memref<1x128x4xf32, #tpu.memory_space<vmem>> -> memref<128x4xf32, #tpu.memory_space<vmem>>
        %dma_wait3A_38 = arith.constant 0 : i32
        %dma_wait3A_39 = tpu.memref_slice %arg7[%add3A_33, %dma_wait3A_38] : memref<104x128xi32, #tpu.memory_space<vmem>> -> memref<1x128xi32, #tpu.memory_space<vmem>>
        %dma_wait3A_40 = tpu.memref_squeeze %dma_wait3A_39 : memref<1x128xi32, #tpu.memory_space<vmem>> -> memref<128xi32, #tpu.memory_space<vmem>>
        %dma_wait3A_41 = arith.constant 0 : i32
        %dma_wait3A_42 = arith.constant 0 : i32
        %dma_wait3A_43 = tpu.memref_slice %arg4[%dma_wait3A_41, %dma_wait3A_42] : memref<10000x4xf32, #tpu.memory_space<hbm>> -> memref<10000x4xf32, #tpu.memory_space<hbm>>
        tpu.wait_indirect_dma semaphore(%arg13 : memref<!tpu.dma_semaphore, #tpu.memory_space<semaphore_mem>>) src(%dma_wait3A_43 : memref<10000x4xf32, #tpu.memory_space<hbm>>) dst(%dma_wait3A_37 : memref<128x4xf32, #tpu.memory_space<vmem>>)
        %dma_start3A = arith.constant 0 : i32
        %dma_start3A_44 = arith.constant 0 : i32
        %dma_start3A_45 = arith.constant 0 : i32
        %dma_start3A_46 = tpu.memref_slice %arg9[%dma_start3A, %dma_start3A_44, %dma_start3A_45] : memref<4x128x4xf32, #tpu.memory_space<vmem>> -> memref<1x128x4xf32, #tpu.memory_space<vmem>>
        %dma_start3A_47 = tpu.memref_squeeze %dma_start3A_46 : memref<1x128x4xf32, #tpu.memory_space<vmem>> -> memref<128x4xf32, #tpu.memory_space<vmem>>
        %dma_start3A_48 = arith.constant 0 : i32
        %dma_start3A_49 = tpu.memref_slice %arg8[%add3A_33, %dma_start3A_48] : memref<104x128xi32, #tpu.memory_space<vmem>> -> memref<1x128xi32, #tpu.memory_space<vmem>>
        %dma_start3A_50 = tpu.memref_squeeze %dma_start3A_49 : memref<1x128xi32, #tpu.memory_space<vmem>> -> memref<128xi32, #tpu.memory_space<vmem>>
        %dma_start3A_51 = arith.constant 0 : i32
        %dma_start3A_52 = arith.constant 0 : i32
        %dma_start3A_53 = tpu.memref_slice %arg11[%dma_start3A_51, %dma_start3A_52] : memref<10112x4xf32, #tpu.memory_space<vmem_shared>> -> memref<10112x4xf32, #tpu.memory_space<vmem_shared>>
        tpu.enqueue_indirect_dma source(%dma_start3A_47 : memref<128x4xf32, #tpu.memory_space<vmem>>) target(%dma_start3A_53 : memref<10112x4xf32, #tpu.memory_space<vmem_shared>>) offsets(%dma_start3A_50 : memref<128xi32, #tpu.memory_space<vmem>>) semaphore(%arg12 : memref<!tpu.dma_semaphore, #tpu.memory_space<semaphore_mem>>) {add = true}
        %dma_wait3A_54 = arith.constant 0 : i32
        %dma_wait3A_55 = arith.constant 0 : i32
        %dma_wait3A_56 = arith.constant 0 : i32
        %dma_wait3A_57 = tpu.memref_slice %arg9[%dma_wait3A_54, %dma_wait3A_55, %dma_wait3A_56] : memref<4x128x4xf32, #tpu.memory_space<vmem>> -> memref<1x128x4xf32, #tpu.memory_space<vmem>>
        %dma_wait3A_58 = tpu.memref_squeeze %dma_wait3A_57 : memref<1x128x4xf32, #tpu.memory_space<vmem>> -> memref<128x4xf32, #tpu.memory_space<vmem>>
        %dma_wait3A_59 = arith.constant 0 : i32
        %dma_wait3A_60 = tpu.memref_slice %arg8[%add3A_33, %dma_wait3A_59] : memref<104x128xi32, #tpu.memory_space<vmem>> -> memref<1x128xi32, #tpu.memory_space<vmem>>
        %dma_wait3A_61 = tpu.memref_squeeze %dma_wait3A_60 : memref<1x128xi32, #tpu.memory_space<vmem>> -> memref<128xi32, #tpu.memory_space<vmem>>
        %dma_wait3A_62 = arith.constant 0 : i32
        %dma_wait3A_63 = arith.constant 0 : i32
        %dma_wait3A_64 = tpu.memref_slice %arg11[%dma_wait3A_62, %dma_wait3A_63] : memref<10112x4xf32, #tpu.memory_space<vmem_shared>> -> memref<10112x4xf32, #tpu.memory_space<vmem_shared>>
        tpu.wait_indirect_dma semaphore(%arg12 : memref<!tpu.dma_semaphore, #tpu.memory_space<semaphore_mem>>) src(%dma_wait3A_58 : memref<128x4xf32, #tpu.memory_space<vmem>>) dst(%dma_wait3A_64 : memref<10112x4xf32, #tpu.memory_space<vmem_shared>>)
        %lt3A = arith.constant 25 : i32
        %lt3A_65 = arith.cmpi slt, %scan3A_30, %lt3A : i32
        %convert_element_type3A_66 = arith.extui %lt3A_65 : i1 to i32
        %cond3A_67 = arith.constant 0 : i32
        %cond3A_68 = arith.cmpi ne, %convert_element_type3A_66, %cond3A_67 : i32
        scf.if %cond3A_68 {
          %add3A_195 = arith.constant 4 : i32
          %add3A_196 = arith.addi %add3A_33, %add3A_195 : i32
          %dma_start3A_197 = arith.constant 0 : i32
          %dma_start3A_198 = arith.constant 0 : i32
          %dma_start3A_199 = arith.constant 0 : i32
          %dma_start3A_200 = tpu.memref_slice %arg9[%dma_start3A_197, %dma_start3A_198, %dma_start3A_199] : memref<4x128x4xf32, #tpu.memory_space<vmem>> -> memref<1x128x4xf32, #tpu.memory_space<vmem>>
          %dma_start3A_201 = tpu.memref_squeeze %dma_start3A_200 : memref<1x128x4xf32, #tpu.memory_space<vmem>> -> memref<128x4xf32, #tpu.memory_space<vmem>>
          %dma_start3A_202 = arith.constant 0 : i32
          %dma_start3A_203 = tpu.memref_slice %arg7[%add3A_196, %dma_start3A_202] : memref<104x128xi32, #tpu.memory_space<vmem>> -> memref<1x128xi32, #tpu.memory_space<vmem>>
          %dma_start3A_204 = tpu.memref_squeeze %dma_start3A_203 : memref<1x128xi32, #tpu.memory_space<vmem>> -> memref<128xi32, #tpu.memory_space<vmem>>
          %dma_start3A_205 = arith.constant 0 : i32
          %dma_start3A_206 = arith.constant 0 : i32
          %dma_start3A_207 = tpu.memref_slice %arg4[%dma_start3A_205, %dma_start3A_206] : memref<10000x4xf32, #tpu.memory_space<hbm>> -> memref<10000x4xf32, #tpu.memory_space<hbm>>
          tpu.enqueue_indirect_dma source(%dma_start3A_207 : memref<10000x4xf32, #tpu.memory_space<hbm>>) target(%dma_start3A_201 : memref<128x4xf32, #tpu.memory_space<vmem>>) offsets(%dma_start3A_204 : memref<128xi32, #tpu.memory_space<vmem>>) semaphore(%arg13 : memref<!tpu.dma_semaphore, #tpu.memory_space<semaphore_mem>>)
        } else {
        }
        %mul3A_69 = arith.constant 4 : i32
        %mul3A_70 = arith.muli %scan3A_30, %mul3A_69 : i32
        %add3A_71 = arith.constant 1 : i32
        %add3A_72 = arith.addi %mul3A_70, %add3A_71 : i32
        %dma_wait3A_73 = arith.constant 1 : i32
        %dma_wait3A_74 = arith.constant 0 : i32
        %dma_wait3A_75 = arith.constant 0 : i32
        %dma_wait3A_76 = tpu.memref_slice %arg9[%dma_wait3A_73, %dma_wait3A_74, %dma_wait3A_75] : memref<4x128x4xf32, #tpu.memory_space<vmem>> -> memref<1x128x4xf32, #tpu.memory_space<vmem>>
        %dma_wait3A_77 = tpu.memref_squeeze %dma_wait3A_76 : memref<1x128x4xf32, #tpu.memory_space<vmem>> -> memref<128x4xf32, #tpu.memory_space<vmem>>
        %dma_wait3A_78 = arith.constant 0 : i32
        %dma_wait3A_79 = tpu.memref_slice %arg7[%add3A_72, %dma_wait3A_78] : memref<104x128xi32, #tpu.memory_space<vmem>> -> memref<1x128xi32, #tpu.memory_space<vmem>>
        %dma_wait3A_80 = tpu.memref_squeeze %dma_wait3A_79 : memref<1x128xi32, #tpu.memory_space<vmem>> -> memref<128xi32, #tpu.memory_space<vmem>>
        %dma_wait3A_81 = arith.constant 0 : i32
        %dma_wait3A_82 = arith.constant 0 : i32
        %dma_wait3A_83 = tpu.memref_slice %arg4[%dma_wait3A_81, %dma_wait3A_82] : memref<10000x4xf32, #tpu.memory_space<hbm>> -> memref<10000x4xf32, #tpu.memory_space<hbm>>
        tpu.wait_indirect_dma semaphore(%arg14 : memref<!tpu.dma_semaphore, #tpu.memory_space<semaphore_mem>>) src(%dma_wait3A_83 : memref<10000x4xf32, #tpu.memory_space<hbm>>) dst(%dma_wait3A_77 : memref<128x4xf32, #tpu.memory_space<vmem>>)
        %dma_start3A_84 = arith.constant 1 : i32
        %dma_start3A_85 = arith.constant 0 : i32
        %dma_start3A_86 = arith.constant 0 : i32
        %dma_start3A_87 = tpu.memref_slice %arg9[%dma_start3A_84, %dma_start3A_85, %dma_start3A_86] : memref<4x128x4xf32, #tpu.memory_space<vmem>> -> memref<1x128x4xf32, #tpu.memory_space<vmem>>
        %dma_start3A_88 = tpu.memref_squeeze %dma_start3A_87 : memref<1x128x4xf32, #tpu.memory_space<vmem>> -> memref<128x4xf32, #tpu.memory_space<vmem>>
        %dma_start3A_89 = arith.constant 0 : i32
        %dma_start3A_90 = tpu.memref_slice %arg8[%add3A_72, %dma_start3A_89] : memref<104x128xi32, #tpu.memory_space<vmem>> -> memref<1x128xi32, #tpu.memory_space<vmem>>
        %dma_start3A_91 = tpu.memref_squeeze %dma_start3A_90 : memref<1x128xi32, #tpu.memory_space<vmem>> -> memref<128xi32, #tpu.memory_space<vmem>>
        %dma_start3A_92 = arith.constant 0 : i32
        %dma_start3A_93 = arith.constant 0 : i32
        %dma_start3A_94 = tpu.memref_slice %arg11[%dma_start3A_92, %dma_start3A_93] : memref<10112x4xf32, #tpu.memory_space<vmem_shared>> -> memref<10112x4xf32, #tpu.memory_space<vmem_shared>>
        tpu.enqueue_indirect_dma source(%dma_start3A_88 : memref<128x4xf32, #tpu.memory_space<vmem>>) target(%dma_start3A_94 : memref<10112x4xf32, #tpu.memory_space<vmem_shared>>) offsets(%dma_start3A_91 : memref<128xi32, #tpu.memory_space<vmem>>) semaphore(%arg12 : memref<!tpu.dma_semaphore, #tpu.memory_space<semaphore_mem>>) {add = true}
        %dma_wait3A_95 = arith.constant 1 : i32
        %dma_wait3A_96 = arith.constant 0 : i32
        %dma_wait3A_97 = arith.constant 0 : i32
        %dma_wait3A_98 = tpu.memref_slice %arg9[%dma_wait3A_95, %dma_wait3A_96, %dma_wait3A_97] : memref<4x128x4xf32, #tpu.memory_space<vmem>> -> memref<1x128x4xf32, #tpu.memory_space<vmem>>
        %dma_wait3A_99 = tpu.memref_squeeze %dma_wait3A_98 : memref<1x128x4xf32, #tpu.memory_space<vmem>> -> memref<128x4xf32, #tpu.memory_space<vmem>>
        %dma_wait3A_100 = arith.constant 0 : i32
        %dma_wait3A_101 = tpu.memref_slice %arg8[%add3A_72, %dma_wait3A_100] : memref<104x128xi32, #tpu.memory_space<vmem>> -> memref<1x128xi32, #tpu.memory_space<vmem>>
        %dma_wait3A_102 = tpu.memref_squeeze %dma_wait3A_101 : memref<1x128xi32, #tpu.memory_space<vmem>> -> memref<128xi32, #tpu.memory_space<vmem>>
        %dma_wait3A_103 = arith.constant 0 : i32
        %dma_wait3A_104 = arith.constant 0 : i32
        %dma_wait3A_105 = tpu.memref_slice %arg11[%dma_wait3A_103, %dma_wait3A_104] : memref<10112x4xf32, #tpu.memory_space<vmem_shared>> -> memref<10112x4xf32, #tpu.memory_space<vmem_shared>>
        tpu.wait_indirect_dma semaphore(%arg12 : memref<!tpu.dma_semaphore, #tpu.memory_space<semaphore_mem>>) src(%dma_wait3A_99 : memref<128x4xf32, #tpu.memory_space<vmem>>) dst(%dma_wait3A_105 : memref<10112x4xf32, #tpu.memory_space<vmem_shared>>)
        %lt3A_106 = arith.constant 25 : i32
        %lt3A_107 = arith.cmpi slt, %scan3A_30, %lt3A_106 : i32
        %convert_element_type3A_108 = arith.extui %lt3A_107 : i1 to i32
        %cond3A_109 = arith.constant 0 : i32
        %cond3A_110 = arith.cmpi ne, %convert_element_type3A_108, %cond3A_109 : i32
        scf.if %cond3A_110 {
          %add3A_195 = arith.constant 4 : i32
          %add3A_196 = arith.addi %add3A_72, %add3A_195 : i32
          %dma_start3A_197 = arith.constant 1 : i32
          %dma_start3A_198 = arith.constant 0 : i32
          %dma_start3A_199 = arith.constant 0 : i32
          %dma_start3A_200 = tpu.memref_slice %arg9[%dma_start3A_197, %dma_start3A_198, %dma_start3A_199] : memref<4x128x4xf32, #tpu.memory_space<vmem>> -> memref<1x128x4xf32, #tpu.memory_space<vmem>>
          %dma_start3A_201 = tpu.memref_squeeze %dma_start3A_200 : memref<1x128x4xf32, #tpu.memory_space<vmem>> -> memref<128x4xf32, #tpu.memory_space<vmem>>
          %dma_start3A_202 = arith.constant 0 : i32
          %dma_start3A_203 = tpu.memref_slice %arg7[%add3A_196, %dma_start3A_202] : memref<104x128xi32, #tpu.memory_space<vmem>> -> memref<1x128xi32, #tpu.memory_space<vmem>>
          %dma_start3A_204 = tpu.memref_squeeze %dma_start3A_203 : memref<1x128xi32, #tpu.memory_space<vmem>> -> memref<128xi32, #tpu.memory_space<vmem>>
          %dma_start3A_205 = arith.constant 0 : i32
          %dma_start3A_206 = arith.constant 0 : i32
          %dma_start3A_207 = tpu.memref_slice %arg4[%dma_start3A_205, %dma_start3A_206] : memref<10000x4xf32, #tpu.memory_space<hbm>> -> memref<10000x4xf32, #tpu.memory_space<hbm>>
          tpu.enqueue_indirect_dma source(%dma_start3A_207 : memref<10000x4xf32, #tpu.memory_space<hbm>>) target(%dma_start3A_201 : memref<128x4xf32, #tpu.memory_space<vmem>>) offsets(%dma_start3A_204 : memref<128xi32, #tpu.memory_space<vmem>>) semaphore(%arg14 : memref<!tpu.dma_semaphore, #tpu.memory_space<semaphore_mem>>)
        } else {
        }
        %mul3A_111 = arith.constant 4 : i32
        %mul3A_112 = arith.muli %scan3A_30, %mul3A_111 : i32
        %add3A_113 = arith.constant 2 : i32
        %add3A_114 = arith.addi %mul3A_112, %add3A_113 : i32
        %dma_wait3A_115 = arith.constant 2 : i32
        %dma_wait3A_116 = arith.constant 0 : i32
        %dma_wait3A_117 = arith.constant 0 : i32
        %dma_wait3A_118 = tpu.memref_slice %arg9[%dma_wait3A_115, %dma_wait3A_116, %dma_wait3A_117] : memref<4x128x4xf32, #tpu.memory_space<vmem>> -> memref<1x128x4xf32, #tpu.memory_space<vmem>>
        %dma_wait3A_119 = tpu.memref_squeeze %dma_wait3A_118 : memref<1x128x4xf32, #tpu.memory_space<vmem>> -> memref<128x4xf32, #tpu.memory_space<vmem>>
        %dma_wait3A_120 = arith.constant 0 : i32
        %dma_wait3A_121 = tpu.memref_slice %arg7[%add3A_114, %dma_wait3A_120] : memref<104x128xi32, #tpu.memory_space<vmem>> -> memref<1x128xi32, #tpu.memory_space<vmem>>
        %dma_wait3A_122 = tpu.memref_squeeze %dma_wait3A_121 : memref<1x128xi32, #tpu.memory_space<vmem>> -> memref<128xi32, #tpu.memory_space<vmem>>
        %dma_wait3A_123 = arith.constant 0 : i32
        %dma_wait3A_124 = arith.constant 0 : i32
        %dma_wait3A_125 = tpu.memref_slice %arg4[%dma_wait3A_123, %dma_wait3A_124] : memref<10000x4xf32, #tpu.memory_space<hbm>> -> memref<10000x4xf32, #tpu.memory_space<hbm>>
        tpu.wait_indirect_dma semaphore(%arg15 : memref<!tpu.dma_semaphore, #tpu.memory_space<semaphore_mem>>) src(%dma_wait3A_125 : memref<10000x4xf32, #tpu.memory_space<hbm>>) dst(%dma_wait3A_119 : memref<128x4xf32, #tpu.memory_space<vmem>>)
        %dma_start3A_126 = arith.constant 2 : i32
        %dma_start3A_127 = arith.constant 0 : i32
        %dma_start3A_128 = arith.constant 0 : i32
        %dma_start3A_129 = tpu.memref_slice %arg9[%dma_start3A_126, %dma_start3A_127, %dma_start3A_128] : memref<4x128x4xf32, #tpu.memory_space<vmem>> -> memref<1x128x4xf32, #tpu.memory_space<vmem>>
        %dma_start3A_130 = tpu.memref_squeeze %dma_start3A_129 : memref<1x128x4xf32, #tpu.memory_space<vmem>> -> memref<128x4xf32, #tpu.memory_space<vmem>>
        %dma_start3A_131 = arith.constant 0 : i32
        %dma_start3A_132 = tpu.memref_slice %arg8[%add3A_114, %dma_start3A_131] : memref<104x128xi32, #tpu.memory_space<vmem>> -> memref<1x128xi32, #tpu.memory_space<vmem>>
        %dma_start3A_133 = tpu.memref_squeeze %dma_start3A_132 : memref<1x128xi32, #tpu.memory_space<vmem>> -> memref<128xi32, #tpu.memory_space<vmem>>
        %dma_start3A_134 = arith.constant 0 : i32
        %dma_start3A_135 = arith.constant 0 : i32
        %dma_start3A_136 = tpu.memref_slice %arg11[%dma_start3A_134, %dma_start3A_135] : memref<10112x4xf32, #tpu.memory_space<vmem_shared>> -> memref<10112x4xf32, #tpu.memory_space<vmem_shared>>
        tpu.enqueue_indirect_dma source(%dma_start3A_130 : memref<128x4xf32, #tpu.memory_space<vmem>>) target(%dma_start3A_136 : memref<10112x4xf32, #tpu.memory_space<vmem_shared>>) offsets(%dma_start3A_133 : memref<128xi32, #tpu.memory_space<vmem>>) semaphore(%arg12 : memref<!tpu.dma_semaphore, #tpu.memory_space<semaphore_mem>>) {add = true}
        %dma_wait3A_137 = arith.constant 2 : i32
        %dma_wait3A_138 = arith.constant 0 : i32
        %dma_wait3A_139 = arith.constant 0 : i32
        %dma_wait3A_140 = tpu.memref_slice %arg9[%dma_wait3A_137, %dma_wait3A_138, %dma_wait3A_139] : memref<4x128x4xf32, #tpu.memory_space<vmem>> -> memref<1x128x4xf32, #tpu.memory_space<vmem>>
        %dma_wait3A_141 = tpu.memref_squeeze %dma_wait3A_140 : memref<1x128x4xf32, #tpu.memory_space<vmem>> -> memref<128x4xf32, #tpu.memory_space<vmem>>
        %dma_wait3A_142 = arith.constant 0 : i32
        %dma_wait3A_143 = tpu.memref_slice %arg8[%add3A_114, %dma_wait3A_142] : memref<104x128xi32, #tpu.memory_space<vmem>> -> memref<1x128xi32, #tpu.memory_space<vmem>>
        %dma_wait3A_144 = tpu.memref_squeeze %dma_wait3A_143 : memref<1x128xi32, #tpu.memory_space<vmem>> -> memref<128xi32, #tpu.memory_space<vmem>>
        %dma_wait3A_145 = arith.constant 0 : i32
        %dma_wait3A_146 = arith.constant 0 : i32
        %dma_wait3A_147 = tpu.memref_slice %arg11[%dma_wait3A_145, %dma_wait3A_146] : memref<10112x4xf32, #tpu.memory_space<vmem_shared>> -> memref<10112x4xf32, #tpu.memory_space<vmem_shared>>
        tpu.wait_indirect_dma semaphore(%arg12 : memref<!tpu.dma_semaphore, #tpu.memory_space<semaphore_mem>>) src(%dma_wait3A_141 : memref<128x4xf32, #tpu.memory_space<vmem>>) dst(%dma_wait3A_147 : memref<10112x4xf32, #tpu.memory_space<vmem_shared>>)
        %lt3A_148 = arith.constant 25 : i32
        %lt3A_149 = arith.cmpi slt, %scan3A_30, %lt3A_148 : i32
        %convert_element_type3A_150 = arith.extui %lt3A_149 : i1 to i32
        %cond3A_151 = arith.constant 0 : i32
        %cond3A_152 = arith.cmpi ne, %convert_element_type3A_150, %cond3A_151 : i32
        scf.if %cond3A_152 {
          %add3A_195 = arith.constant 4 : i32
          %add3A_196 = arith.addi %add3A_114, %add3A_195 : i32
          %dma_start3A_197 = arith.constant 2 : i32
          %dma_start3A_198 = arith.constant 0 : i32
          %dma_start3A_199 = arith.constant 0 : i32
          %dma_start3A_200 = tpu.memref_slice %arg9[%dma_start3A_197, %dma_start3A_198, %dma_start3A_199] : memref<4x128x4xf32, #tpu.memory_space<vmem>> -> memref<1x128x4xf32, #tpu.memory_space<vmem>>
          %dma_start3A_201 = tpu.memref_squeeze %dma_start3A_200 : memref<1x128x4xf32, #tpu.memory_space<vmem>> -> memref<128x4xf32, #tpu.memory_space<vmem>>
          %dma_start3A_202 = arith.constant 0 : i32
          %dma_start3A_203 = tpu.memref_slice %arg7[%add3A_196, %dma_start3A_202] : memref<104x128xi32, #tpu.memory_space<vmem>> -> memref<1x128xi32, #tpu.memory_space<vmem>>
          %dma_start3A_204 = tpu.memref_squeeze %dma_start3A_203 : memref<1x128xi32, #tpu.memory_space<vmem>> -> memref<128xi32, #tpu.memory_space<vmem>>
          %dma_start3A_205 = arith.constant 0 : i32
          %dma_start3A_206 = arith.constant 0 : i32
          %dma_start3A_207 = tpu.memref_slice %arg4[%dma_start3A_205, %dma_start3A_206] : memref<10000x4xf32, #tpu.memory_space<hbm>> -> memref<10000x4xf32, #tpu.memory_space<hbm>>
          tpu.enqueue_indirect_dma source(%dma_start3A_207 : memref<10000x4xf32, #tpu.memory_space<hbm>>) target(%dma_start3A_201 : memref<128x4xf32, #tpu.memory_space<vmem>>) offsets(%dma_start3A_204 : memref<128xi32, #tpu.memory_space<vmem>>) semaphore(%arg15 : memref<!tpu.dma_semaphore, #tpu.memory_space<semaphore_mem>>)
        } else {
        }
        %mul3A_153 = arith.constant 4 : i32
        %mul3A_154 = arith.muli %scan3A_30, %mul3A_153 : i32
        %add3A_155 = arith.constant 3 : i32
        %add3A_156 = arith.addi %mul3A_154, %add3A_155 : i32
        %dma_wait3A_157 = arith.constant 3 : i32
        %dma_wait3A_158 = arith.constant 0 : i32
        %dma_wait3A_159 = arith.constant 0 : i32
        %dma_wait3A_160 = tpu.memref_slice %arg9[%dma_wait3A_157, %dma_wait3A_158, %dma_wait3A_159] : memref<4x128x4xf32, #tpu.memory_space<vmem>> -> memref<1x128x4xf32, #tpu.memory_space<vmem>>
        %dma_wait3A_161 = tpu.memref_squeeze %dma_wait3A_160 : memref<1x128x4xf32, #tpu.memory_space<vmem>> -> memref<128x4xf32, #tpu.memory_space<vmem>>
        %dma_wait3A_162 = arith.constant 0 : i32
        %dma_wait3A_163 = tpu.memref_slice %arg7[%add3A_156, %dma_wait3A_162] : memref<104x128xi32, #tpu.memory_space<vmem>> -> memref<1x128xi32, #tpu.memory_space<vmem>>
        %dma_wait3A_164 = tpu.memref_squeeze %dma_wait3A_163 : memref<1x128xi32, #tpu.memory_space<vmem>> -> memref<128xi32, #tpu.memory_space<vmem>>
        %dma_wait3A_165 = arith.constant 0 : i32
        %dma_wait3A_166 = arith.constant 0 : i32
        %dma_wait3A_167 = tpu.memref_slice %arg4[%dma_wait3A_165, %dma_wait3A_166] : memref<10000x4xf32, #tpu.memory_space<hbm>> -> memref<10000x4xf32, #tpu.memory_space<hbm>>
        tpu.wait_indirect_dma semaphore(%arg16 : memref<!tpu.dma_semaphore, #tpu.memory_space<semaphore_mem>>) src(%dma_wait3A_167 : memref<10000x4xf32, #tpu.memory_space<hbm>>) dst(%dma_wait3A_161 : memref<128x4xf32, #tpu.memory_space<vmem>>)
        %dma_start3A_168 = arith.constant 3 : i32
        %dma_start3A_169 = arith.constant 0 : i32
        %dma_start3A_170 = arith.constant 0 : i32
        %dma_start3A_171 = tpu.memref_slice %arg9[%dma_start3A_168, %dma_start3A_169, %dma_start3A_170] : memref<4x128x4xf32, #tpu.memory_space<vmem>> -> memref<1x128x4xf32, #tpu.memory_space<vmem>>
        %dma_start3A_172 = tpu.memref_squeeze %dma_start3A_171 : memref<1x128x4xf32, #tpu.memory_space<vmem>> -> memref<128x4xf32, #tpu.memory_space<vmem>>
        %dma_start3A_173 = arith.constant 0 : i32
        %dma_start3A_174 = tpu.memref_slice %arg8[%add3A_156, %dma_start3A_173] : memref<104x128xi32, #tpu.memory_space<vmem>> -> memref<1x128xi32, #tpu.memory_space<vmem>>
        %dma_start3A_175 = tpu.memref_squeeze %dma_start3A_174 : memref<1x128xi32, #tpu.memory_space<vmem>> -> memref<128xi32, #tpu.memory_space<vmem>>
        %dma_start3A_176 = arith.constant 0 : i32
        %dma_start3A_177 = arith.constant 0 : i32
        %dma_start3A_178 = tpu.memref_slice %arg11[%dma_start3A_176, %dma_start3A_177] : memref<10112x4xf32, #tpu.memory_space<vmem_shared>> -> memref<10112x4xf32, #tpu.memory_space<vmem_shared>>
        tpu.enqueue_indirect_dma source(%dma_start3A_172 : memref<128x4xf32, #tpu.memory_space<vmem>>) target(%dma_start3A_178 : memref<10112x4xf32, #tpu.memory_space<vmem_shared>>) offsets(%dma_start3A_175 : memref<128xi32, #tpu.memory_space<vmem>>) semaphore(%arg12 : memref<!tpu.dma_semaphore, #tpu.memory_space<semaphore_mem>>) {add = true}
        %dma_wait3A_179 = arith.constant 3 : i32
        %dma_wait3A_180 = arith.constant 0 : i32
        %dma_wait3A_181 = arith.constant 0 : i32
        %dma_wait3A_182 = tpu.memref_slice %arg9[%dma_wait3A_179, %dma_wait3A_180, %dma_wait3A_181] : memref<4x128x4xf32, #tpu.memory_space<vmem>> -> memref<1x128x4xf32, #tpu.memory_space<vmem>>
        %dma_wait3A_183 = tpu.memref_squeeze %dma_wait3A_182 : memref<1x128x4xf32, #tpu.memory_space<vmem>> -> memref<128x4xf32, #tpu.memory_space<vmem>>
        %dma_wait3A_184 = arith.constant 0 : i32
        %dma_wait3A_185 = tpu.memref_slice %arg8[%add3A_156, %dma_wait3A_184] : memref<104x128xi32, #tpu.memory_space<vmem>> -> memref<1x128xi32, #tpu.memory_space<vmem>>
        %dma_wait3A_186 = tpu.memref_squeeze %dma_wait3A_185 : memref<1x128xi32, #tpu.memory_space<vmem>> -> memref<128xi32, #tpu.memory_space<vmem>>
        %dma_wait3A_187 = arith.constant 0 : i32
        %dma_wait3A_188 = arith.constant 0 : i32
        %dma_wait3A_189 = tpu.memref_slice %arg11[%dma_wait3A_187, %dma_wait3A_188] : memref<10112x4xf32, #tpu.memory_space<vmem_shared>> -> memref<10112x4xf32, #tpu.memory_space<vmem_shared>>
        tpu.wait_indirect_dma semaphore(%arg12 : memref<!tpu.dma_semaphore, #tpu.memory_space<semaphore_mem>>) src(%dma_wait3A_183 : memref<128x4xf32, #tpu.memory_space<vmem>>) dst(%dma_wait3A_189 : memref<10112x4xf32, #tpu.memory_space<vmem_shared>>)
        %lt3A_190 = arith.constant 25 : i32
        %lt3A_191 = arith.cmpi slt, %scan3A_30, %lt3A_190 : i32
        %convert_element_type3A_192 = arith.extui %lt3A_191 : i1 to i32
        %cond3A_193 = arith.constant 0 : i32
        %cond3A_194 = arith.cmpi ne, %convert_element_type3A_192, %cond3A_193 : i32
        scf.if %cond3A_194 {
          %add3A_195 = arith.constant 4 : i32
          %add3A_196 = arith.addi %add3A_156, %add3A_195 : i32
          %dma_start3A_197 = arith.constant 3 : i32
          %dma_start3A_198 = arith.constant 0 : i32
          %dma_start3A_199 = arith.constant 0 : i32
          %dma_start3A_200 = tpu.memref_slice %arg9[%dma_start3A_197, %dma_start3A_198, %dma_start3A_199] : memref<4x128x4xf32, #tpu.memory_space<vmem>> -> memref<1x128x4xf32, #tpu.memory_space<vmem>>
          %dma_start3A_201 = tpu.memref_squeeze %dma_start3A_200 : memref<1x128x4xf32, #tpu.memory_space<vmem>> -> memref<128x4xf32, #tpu.memory_space<vmem>>
          %dma_start3A_202 = arith.constant 0 : i32
          %dma_start3A_203 = tpu.memref_slice %arg7[%add3A_196, %dma_start3A_202] : memref<104x128xi32, #tpu.memory_space<vmem>> -> memref<1x128xi32, #tpu.memory_space<vmem>>
          %dma_start3A_204 = tpu.memref_squeeze %dma_start3A_203 : memref<1x128xi32, #tpu.memory_space<vmem>> -> memref<128xi32, #tpu.memory_space<vmem>>
          %dma_start3A_205 = arith.constant 0 : i32
          %dma_start3A_206 = arith.constant 0 : i32
          %dma_start3A_207 = tpu.memref_slice %arg4[%dma_start3A_205, %dma_start3A_206] : memref<10000x4xf32, #tpu.memory_space<hbm>> -> memref<10000x4xf32, #tpu.memory_space<hbm>>
          tpu.enqueue_indirect_dma source(%dma_start3A_207 : memref<10000x4xf32, #tpu.memory_space<hbm>>) target(%dma_start3A_201 : memref<128x4xf32, #tpu.memory_space<vmem>>) offsets(%dma_start3A_204 : memref<128xi32, #tpu.memory_space<vmem>>) semaphore(%arg16 : memref<!tpu.dma_semaphore, #tpu.memory_space<semaphore_mem>>)
        } else {
        }
      }
      %scan3A_29 = arith.constant 26 : i32
    } else {
    }
    %barrier3A_20 = arith.constant 0 : index
    tpu.barrier barrier_id(%barrier3A_20)
    %mul3A_21 = arith.constant 632 : i32
    %mul3A_22 = arith.muli %arg1, %mul3A_21 : i32
    "tpu.region"() ({
      %run_scoped3A = tpu.sem_alloc : memref<!tpu.dma_semaphore, #tpu.memory_space<semaphore_mem>>
      %dma_start3A = arith.constant 0 : i32
      %dma_start3A_25 = tpu.memref_slice %arg11[%mul3A_22, %dma_start3A] : memref<10112x4xf32, #tpu.memory_space<vmem_shared>> -> memref<632x4xf32, #tpu.memory_space<vmem_shared>>
      %dma_start3A_26 = arith.constant 0 : i32
      %dma_start3A_27 = tpu.memref_slice %arg11[%mul3A_22, %dma_start3A_26] : memref<10112x4xf32, #tpu.memory_space<vmem_shared>> -> memref<632x4xf32, #tpu.memory_space<vmem_shared>>
      tpu.enqueue_dma source(%dma_start3A_27 : memref<632x4xf32, #tpu.memory_space<vmem_shared>>) target(%arg10 : memref<632x4xf32, #tpu.memory_space<vmem>>) target_semaphore(%run_scoped3A : memref<!tpu.dma_semaphore, #tpu.memory_space<semaphore_mem>>)
      %dma_wait3A = arith.constant 0 : i32
      %dma_wait3A_28 = tpu.memref_slice %arg11[%mul3A_22, %dma_wait3A] : memref<10112x4xf32, #tpu.memory_space<vmem_shared>> -> memref<632x4xf32, #tpu.memory_space<vmem_shared>>
      %dma_wait3A_29 = arith.constant 0 : i32
      %dma_wait3A_30 = tpu.memref_slice %arg11[%mul3A_22, %dma_wait3A_29] : memref<10112x4xf32, #tpu.memory_space<vmem_shared>> -> memref<632x4xf32, #tpu.memory_space<vmem_shared>>
      tpu.wait_dma2 semaphore(%run_scoped3A : memref<!tpu.dma_semaphore, #tpu.memory_space<semaphore_mem>>) src(%dma_wait3A_30 : memref<632x4xf32, #tpu.memory_space<vmem_shared>>) dst(%arg10 : memref<632x4xf32, #tpu.memory_space<vmem>>)
      tpu.yield
    }) : () -> ()
    %mul3A_23 = arith.constant 632 : i32
    %mul3A_24 = arith.muli %arg1, %mul3A_23 : i32
    "tpu.region"() ({
      %run_scoped3A = tpu.sem_alloc : memref<!tpu.dma_semaphore, #tpu.memory_space<semaphore_mem>>
      %dma_start3A = arith.constant 0 : i32
      %dma_start3A_25 = tpu.memref_slice %arg6[%arg0, %mul3A_24, %dma_start3A] : memref<2x10112x4xf32, #tpu.memory_space<hbm>> -> memref<1x632x4xf32, #tpu.memory_space<hbm>>
      %dma_start3A_26 = tpu.memref_squeeze %dma_start3A_25 : memref<1x632x4xf32, #tpu.memory_space<hbm>> -> memref<632x4xf32, #tpu.memory_space<hbm>>
      %dma_start3A_27 = arith.constant 0 : i32
      %dma_start3A_28 = tpu.memref_slice %arg6[%arg0, %mul3A_24, %dma_start3A_27] : memref<2x10112x4xf32, #tpu.memory_space<hbm>> -> memref<1x632x4xf32, #tpu.memory_space<hbm>>
      %dma_start3A_29 = tpu.memref_squeeze %dma_start3A_28 : memref<1x632x4xf32, #tpu.memory_space<hbm>> -> memref<632x4xf32, #tpu.memory_space<hbm>>
      tpu.enqueue_dma source(%arg10 : memref<632x4xf32, #tpu.memory_space<vmem>>) target(%dma_start3A_29 : memref<632x4xf32, #tpu.memory_space<hbm>>) target_semaphore(%run_scoped3A : memref<!tpu.dma_semaphore, #tpu.memory_space<semaphore_mem>>)
      %dma_wait3A = arith.constant 0 : i32
      %dma_wait3A_30 = tpu.memref_slice %arg6[%arg0, %mul3A_24, %dma_wait3A] : memref<2x10112x4xf32, #tpu.memory_space<hbm>> -> memref<1x632x4xf32, #tpu.memory_space<hbm>>
      %dma_wait3A_31 = tpu.memref_squeeze %dma_wait3A_30 : memref<1x632x4xf32, #tpu.memory_space<hbm>> -> memref<632x4xf32, #tpu.memory_space<hbm>>
      %dma_wait3A_32 = arith.constant 0 : i32
      %dma_wait3A_33 = tpu.memref_slice %arg6[%arg0, %mul3A_24, %dma_wait3A_32] : memref<2x10112x4xf32, #tpu.memory_space<hbm>> -> memref<1x632x4xf32, #tpu.memory_space<hbm>>
      %dma_wait3A_34 = tpu.memref_squeeze %dma_wait3A_33 : memref<1x632x4xf32, #tpu.memory_space<hbm>> -> memref<632x4xf32, #tpu.memory_space<hbm>>
      tpu.wait_dma2 semaphore(%run_scoped3A : memref<!tpu.dma_semaphore, #tpu.memory_space<semaphore_mem>>) src(%arg10 : memref<632x4xf32, #tpu.memory_space<vmem>>) dst(%dma_wait3A_34 : memref<632x4xf32, #tpu.memory_space<hbm>>)
      tpu.yield
    }) : () -> ()
    return
  }
}

module attributes {stable_mosaic.version = 14 : i64} {
  func.func @_t1_body(%arg0: memref<2x10112x4xf32, #tpu.memory_space<vmem>>, %arg1: memref<10000x128xf32, #tpu.memory_space<vmem>>, %arg2: memref<128x4xf32, #tpu.memory_space<vmem>>, %arg3: memref<10000x1xf32, #tpu.memory_space<vmem>>, %arg4: memref<10000x4xf32, #tpu.memory_space<vmem>>) attributes {dimension_semantics = [], scalar_prefetch = 0 : i64, scratch_operands = 0 : i64, tpu.core_type = #tpu.core_type<tc>} {
    %get3A = arith.constant 0 : index
    %get3A_0 = arith.constant 0 : index
    %get3A_1 = arith.constant 0 : index
    %get3A_2 = vector.load %arg0[%get3A, %get3A_0, %get3A_1] : memref<2x10112x4xf32, #tpu.memory_space<vmem>>, vector<1x10000x1xf32>
    %get3A_3 = vector.shape_cast %get3A_2 : vector<1x10000x1xf32> to vector<10000x1xf32>
    %get3A_4 = arith.constant 1 : index
    %get3A_5 = arith.constant 0 : index
    %get3A_6 = arith.constant 0 : index
    %get3A_7 = vector.load %arg0[%get3A_4, %get3A_5, %get3A_6] : memref<2x10112x4xf32, #tpu.memory_space<vmem>>, vector<1x10000x1xf32>
    %get3A_8 = vector.shape_cast %get3A_7 : vector<1x10000x1xf32> to vector<10000x1xf32>
    %add3A = arith.addf %get3A_3, %get3A_8 : vector<10000x1xf32>
    %add3A_9 = arith.constant 1.000000e+00 : f32
    %add3A_10 = vector.broadcast %add3A_9 : f32 to vector<10000x1xf32>
    %add3A_11 = arith.addf %add3A, %add3A_10 : vector<10000x1xf32>
    %rsqrt3A = math.rsqrt %add3A_11 : vector<10000x1xf32>
    %swap3A = arith.constant 0 : index
    %swap3A_12 = arith.constant 0 : index
    %swap3A_13 = vector.load %arg3[%swap3A, %swap3A_12] : memref<10000x1xf32, #tpu.memory_space<vmem>>, vector<10000x1xf32>
    tpu.vector_store %arg3[%swap3A, %swap3A_12], %rsqrt3A {strides = array<i32>} : memref<10000x1xf32, #tpu.memory_space<vmem>>, vector<10000x1xf32>,
    %get3A_14 = arith.constant 0 : index
    %get3A_15 = arith.constant 0 : index
    %get3A_16 = vector.load %arg1[%get3A_14, %get3A_15] : memref<10000x128xf32, #tpu.memory_space<vmem>>, vector<10000x128xf32>
    %get3A_17 = arith.constant 0 : index
    %get3A_18 = arith.constant 0 : index
    %get3A_19 = vector.load %arg2[%get3A_17, %get3A_18] : memref<128x4xf32, #tpu.memory_space<vmem>>, vector<128x4xf32>
    %dot_general3A = arith.constant dense<0.000000e+00> : vector<10000x4xf32>
    %dot_general3A_20 = tpu.matmul %get3A_16, %get3A_19, %dot_general3A {dimension_numbers = #tpu.dot_dimension_numbers<[1], [0], [0], [1], [0, 0, 1, 1], [], []>, transpose_lhs_hint = false} : vector<10000x128xf32>, vector<128x4xf32>, vector<10000x4xf32> -> vector<10000x4xf32>
    %mul3A = vector.broadcast %rsqrt3A : vector<10000x1xf32> to vector<10000x4xf32>
    %mul3A_21 = arith.mulf %dot_general3A_20, %mul3A : vector<10000x4xf32>
    %swap3A_22 = arith.constant 0 : index
    %swap3A_23 = arith.constant 0 : index
    %swap3A_24 = vector.load %arg4[%swap3A_22, %swap3A_23] : memref<10000x4xf32, #tpu.memory_space<vmem>>, vector<10000x4xf32>
    tpu.vector_store %arg4[%swap3A_22, %swap3A_23], %mul3A_21 {strides = array<i32>} : memref<10000x4xf32, #tpu.memory_space<vmem>>, vector<10000x4xf32>,
    return
  }
}

module attributes {stable_mosaic.version = 14 : i64} {
  func.func @body(%arg0: memref<2x10112x4xf32, #tpu.memory_space<vmem>>, %arg1: memref<10000x4xf32, #tpu.memory_space<vmem>>, %arg2: memref<10000x1xf32, #tpu.memory_space<vmem>>, %arg3: memref<1x4xf32, #tpu.memory_space<vmem>>, %arg4: memref<4x4xf32, #tpu.memory_space<vmem>>, %arg5: memref<10000x4xf32, #tpu.memory_space<vmem>>) attributes {dimension_semantics = [], scalar_prefetch = 0 : i64, scratch_operands = 0 : i64, tpu.core_type = #tpu.core_type<tc>} {
    %get3A = arith.constant 0 : index
    %get3A_0 = arith.constant 0 : index
    %get3A_1 = arith.constant 0 : index
    %get3A_2 = vector.load %arg0[%get3A, %get3A_0, %get3A_1] : memref<2x10112x4xf32, #tpu.memory_space<vmem>>, vector<1x10000x4xf32>
    %get3A_3 = vector.shape_cast %get3A_2 : vector<1x10000x4xf32> to vector<10000x4xf32>
    %get3A_4 = arith.constant 1 : index
    %get3A_5 = arith.constant 0 : index
    %get3A_6 = arith.constant 0 : index
    %get3A_7 = vector.load %arg0[%get3A_4, %get3A_5, %get3A_6] : memref<2x10112x4xf32, #tpu.memory_space<vmem>>, vector<1x10000x4xf32>
    %get3A_8 = vector.shape_cast %get3A_7 : vector<1x10000x4xf32> to vector<10000x4xf32>
    %add3A = arith.addf %get3A_3, %get3A_8 : vector<10000x4xf32>
    %get3A_9 = arith.constant 0 : index
    %get3A_10 = arith.constant 0 : index
    %get3A_11 = vector.load %arg1[%get3A_9, %get3A_10] : memref<10000x4xf32, #tpu.memory_space<vmem>>, vector<10000x4xf32>
    %add3A_12 = arith.addf %add3A, %get3A_11 : vector<10000x4xf32>
    %get3A_13 = arith.constant 0 : index
    %get3A_14 = arith.constant 0 : index
    %get3A_15 = vector.load %arg2[%get3A_13, %get3A_14] : memref<10000x1xf32, #tpu.memory_space<vmem>>, vector<10000x1xf32>
    %mul3A = vector.broadcast %get3A_15 : vector<10000x1xf32> to vector<10000x4xf32>
    %mul3A_16 = arith.mulf %mul3A, %add3A_12 : vector<10000x4xf32>
    %get3A_17 = arith.constant 0 : index
    %get3A_18 = arith.constant 0 : index
    %get3A_19 = vector.load %arg3[%get3A_17, %get3A_18] : memref<1x4xf32, #tpu.memory_space<vmem>>, vector<1x4xf32>
    %add3A_20 = vector.broadcast %get3A_19 : vector<1x4xf32> to vector<10000x4xf32>
    %add3A_21 = arith.addf %mul3A_16, %add3A_20 : vector<10000x4xf32>
    %tanh3A = math.tanh %add3A_21 : vector<10000x4xf32>
    %get3A_22 = arith.constant 0 : index
    %get3A_23 = arith.constant 0 : index
    %get3A_24 = vector.load %arg4[%get3A_22, %get3A_23] : memref<4x4xf32, #tpu.memory_space<vmem>>, vector<4x4xf32>
    %dot_general3A = arith.constant dense<0.000000e+00> : vector<10000x4xf32>
    %dot_general3A_25 = tpu.matmul %tanh3A, %get3A_24, %dot_general3A {dimension_numbers = #tpu.dot_dimension_numbers<[1], [0], [0], [1], [0, 0, 1, 1], [], []>, transpose_lhs_hint = false} : vector<10000x4xf32>, vector<4x4xf32>, vector<10000x4xf32> -> vector<10000x4xf32>
    %get3A_26 = arith.constant 0 : index
    %get3A_27 = arith.constant 0 : index
    %get3A_28 = vector.load %arg2[%get3A_26, %get3A_27] : memref<10000x1xf32, #tpu.memory_space<vmem>>, vector<10000x1xf32>
    %mul3A_29 = vector.broadcast %get3A_28 : vector<10000x1xf32> to vector<10000x4xf32>
    %mul3A_30 = arith.mulf %mul3A_29, %dot_general3A_25 : vector<10000x4xf32>
    %swap3A = arith.constant 0 : index
    %swap3A_31 = arith.constant 0 : index
    %swap3A_32 = vector.load %arg5[%swap3A, %swap3A_31] : memref<10000x4xf32, #tpu.memory_space<vmem>>, vector<10000x4xf32>
    tpu.vector_store %arg5[%swap3A, %swap3A_31], %mul3A_30 {strides = array<i32>} : memref<10000x4xf32, #tpu.memory_space<vmem>>, vector<10000x4xf32>,
    return
  }
}

module attributes {stable_mosaic.version = 14 : i64} {
  func.func @body(%arg0: memref<2x10112x4xf32, #tpu.memory_space<vmem>>, %arg1: memref<10000x4xf32, #tpu.memory_space<vmem>>, %arg2: memref<10000x1xf32, #tpu.memory_space<vmem>>, %arg3: memref<1x4xf32, #tpu.memory_space<vmem>>, %arg4: memref<4x2xf32, #tpu.memory_space<vmem>>, %arg5: memref<10000x4xf32, #tpu.memory_space<vmem>>) attributes {dimension_semantics = [], scalar_prefetch = 0 : i64, scratch_operands = 0 : i64, tpu.core_type = #tpu.core_type<tc>} {
    %get3A = arith.constant 0 : index
    %get3A_0 = arith.constant 0 : index
    %get3A_1 = arith.constant 0 : index
    %get3A_2 = vector.load %arg0[%get3A, %get3A_0, %get3A_1] : memref<2x10112x4xf32, #tpu.memory_space<vmem>>, vector<1x10000x4xf32>
    %get3A_3 = vector.shape_cast %get3A_2 : vector<1x10000x4xf32> to vector<10000x4xf32>
    %get3A_4 = arith.constant 1 : index
    %get3A_5 = arith.constant 0 : index
    %get3A_6 = arith.constant 0 : index
    %get3A_7 = vector.load %arg0[%get3A_4, %get3A_5, %get3A_6] : memref<2x10112x4xf32, #tpu.memory_space<vmem>>, vector<1x10000x4xf32>
    %get3A_8 = vector.shape_cast %get3A_7 : vector<1x10000x4xf32> to vector<10000x4xf32>
    %add3A = arith.addf %get3A_3, %get3A_8 : vector<10000x4xf32>
    %get3A_9 = arith.constant 0 : index
    %get3A_10 = arith.constant 0 : index
    %get3A_11 = vector.load %arg1[%get3A_9, %get3A_10] : memref<10000x4xf32, #tpu.memory_space<vmem>>, vector<10000x4xf32>
    %add3A_12 = arith.addf %add3A, %get3A_11 : vector<10000x4xf32>
    %get3A_13 = arith.constant 0 : index
    %get3A_14 = arith.constant 0 : index
    %get3A_15 = vector.load %arg2[%get3A_13, %get3A_14] : memref<10000x1xf32, #tpu.memory_space<vmem>>, vector<10000x1xf32>
    %mul3A = vector.broadcast %get3A_15 : vector<10000x1xf32> to vector<10000x4xf32>
    %mul3A_16 = arith.mulf %mul3A, %add3A_12 : vector<10000x4xf32>
    %get3A_17 = arith.constant 0 : index
    %get3A_18 = arith.constant 0 : index
    %get3A_19 = vector.load %arg3[%get3A_17, %get3A_18] : memref<1x4xf32, #tpu.memory_space<vmem>>, vector<1x4xf32>
    %add3A_20 = vector.broadcast %get3A_19 : vector<1x4xf32> to vector<10000x4xf32>
    %add3A_21 = arith.addf %mul3A_16, %add3A_20 : vector<10000x4xf32>
    %tanh3A = math.tanh %add3A_21 : vector<10000x4xf32>
    %get3A_22 = arith.constant 0 : index
    %get3A_23 = arith.constant 0 : index
    %get3A_24 = vector.load %arg4[%get3A_22, %get3A_23] : memref<4x2xf32, #tpu.memory_space<vmem>>, vector<4x2xf32>
    %dot_general3A = arith.constant dense<0.000000e+00> : vector<10000x2xf32>
    %dot_general3A_25 = tpu.matmul %tanh3A, %get3A_24, %dot_general3A {dimension_numbers = #tpu.dot_dimension_numbers<[1], [0], [0], [1], [0, 0, 1, 1], [], []>, transpose_lhs_hint = false} : vector<10000x4xf32>, vector<4x2xf32>, vector<10000x2xf32> -> vector<10000x2xf32>
    %get3A_26 = arith.constant 0 : index
    %get3A_27 = arith.constant 0 : index
    %get3A_28 = vector.load %arg2[%get3A_26, %get3A_27] : memref<10000x1xf32, #tpu.memory_space<vmem>>, vector<10000x1xf32>
    %mul3A_29 = vector.broadcast %get3A_28 : vector<10000x1xf32> to vector<10000x2xf32>
    %mul3A_30 = arith.mulf %mul3A_29, %dot_general3A_25 : vector<10000x2xf32>
    %broadcast_in_dim3A = arith.constant 0.000000e+00 : f32
    %broadcast_in_dim3A_31 = vector.broadcast %broadcast_in_dim3A : f32 to vector<10000x2xf32>
    %concatenate3A = tpu.concatenate %mul3A_30, %broadcast_in_dim3A_31 in 1 : vector<10000x2xf32>, vector<10000x2xf32> -> vector<10000x4xf32>
    %swap3A = arith.constant 0 : index
    %swap3A_32 = arith.constant 0 : index
    %swap3A_33 = vector.load %arg5[%swap3A, %swap3A_32] : memref<10000x4xf32, #tpu.memory_space<vmem>>, vector<10000x4xf32>
    tpu.vector_store %arg5[%swap3A, %swap3A_32], %concatenate3A {strides = array<i32>} : memref<10000x4xf32, #tpu.memory_space<vmem>>, vector<10000x4xf32>,
    return
  }
}

module attributes {stable_mosaic.version = 14 : i64} {
  func.func @_t4_body(%arg0: memref<2x10112x4xf32, #tpu.memory_space<vmem>>, %arg1: memref<10000x4xf32, #tpu.memory_space<vmem>>, %arg2: memref<10000x1xf32, #tpu.memory_space<vmem>>, %arg3: memref<1x2xf32, #tpu.memory_space<vmem>>, %arg4: memref<2x16xf32, #tpu.memory_space<vmem>>, %arg5: memref<1x16xf32, #tpu.memory_space<vmem>>, %arg6: memref<10000x16xf32, #tpu.memory_space<vmem>>, %arg7: memref<10000x2xf32, #tpu.memory_space<vmem>>) attributes {dimension_semantics = [], scalar_prefetch = 0 : i64, scratch_operands = 0 : i64, tpu.core_type = #tpu.core_type<tc>} {
    %get3A = arith.constant 0 : index
    %get3A_0 = arith.constant 0 : index
    %get3A_1 = arith.constant 0 : index
    %get3A_2 = vector.load %arg0[%get3A, %get3A_0, %get3A_1] : memref<2x10112x4xf32, #tpu.memory_space<vmem>>, vector<1x10000x2xf32>
    %get3A_3 = vector.shape_cast %get3A_2 : vector<1x10000x2xf32> to vector<10000x2xf32>
    %get3A_4 = arith.constant 1 : index
    %get3A_5 = arith.constant 0 : index
    %get3A_6 = arith.constant 0 : index
    %get3A_7 = vector.load %arg0[%get3A_4, %get3A_5, %get3A_6] : memref<2x10112x4xf32, #tpu.memory_space<vmem>>, vector<1x10000x2xf32>
    %get3A_8 = vector.shape_cast %get3A_7 : vector<1x10000x2xf32> to vector<10000x2xf32>
    %add3A = arith.addf %get3A_3, %get3A_8 : vector<10000x2xf32>
    %get3A_9 = arith.constant 0 : index
    %get3A_10 = arith.constant 0 : index
    %get3A_11 = vector.load %arg1[%get3A_9, %get3A_10] : memref<10000x4xf32, #tpu.memory_space<vmem>>, vector<10000x2xf32>
    %add3A_12 = arith.addf %add3A, %get3A_11 : vector<10000x2xf32>
    %get3A_13 = arith.constant 0 : index
    %get3A_14 = arith.constant 0 : index
    %get3A_15 = vector.load %arg2[%get3A_13, %get3A_14] : memref<10000x1xf32, #tpu.memory_space<vmem>>, vector<10000x1xf32>
    %mul3A = vector.broadcast %get3A_15 : vector<10000x1xf32> to vector<10000x2xf32>
    %mul3A_16 = arith.mulf %mul3A, %add3A_12 : vector<10000x2xf32>
    %get3A_17 = arith.constant 0 : index
    %get3A_18 = arith.constant 0 : index
    %get3A_19 = vector.load %arg3[%get3A_17, %get3A_18] : memref<1x2xf32, #tpu.memory_space<vmem>>, vector<1x2xf32>
    %add3A_20 = vector.broadcast %get3A_19 : vector<1x2xf32> to vector<10000x2xf32>
    %add3A_21 = arith.addf %mul3A_16, %add3A_20 : vector<10000x2xf32>
    %tanh3A = math.tanh %add3A_21 : vector<10000x2xf32>
    %swap3A = arith.constant 0 : index
    %swap3A_22 = arith.constant 0 : index
    %swap3A_23 = vector.load %arg7[%swap3A, %swap3A_22] : memref<10000x2xf32, #tpu.memory_space<vmem>>, vector<10000x2xf32>
    tpu.vector_store %arg7[%swap3A, %swap3A_22], %tanh3A {strides = array<i32>} : memref<10000x2xf32, #tpu.memory_space<vmem>>, vector<10000x2xf32>,
    %get3A_24 = arith.constant 0 : index
    %get3A_25 = arith.constant 0 : index
    %get3A_26 = vector.load %arg4[%get3A_24, %get3A_25] : memref<2x16xf32, #tpu.memory_space<vmem>>, vector<2x16xf32>
    %dot_general3A = arith.constant dense<0.000000e+00> : vector<10000x16xf32>
    %dot_general3A_27 = tpu.matmul %tanh3A, %get3A_26, %dot_general3A {dimension_numbers = #tpu.dot_dimension_numbers<[1], [0], [0], [1], [0, 0, 1, 1], [], []>, transpose_lhs_hint = false} : vector<10000x2xf32>, vector<2x16xf32>, vector<10000x16xf32> -> vector<10000x16xf32>
    %get3A_28 = arith.constant 0 : index
    %get3A_29 = arith.constant 0 : index
    %get3A_30 = vector.load %arg5[%get3A_28, %get3A_29] : memref<1x16xf32, #tpu.memory_space<vmem>>, vector<1x16xf32>
    %add3A_31 = vector.broadcast %get3A_30 : vector<1x16xf32> to vector<10000x16xf32>
    %add3A_32 = arith.addf %dot_general3A_27, %add3A_31 : vector<10000x16xf32>
    %swap3A_33 = arith.constant 0 : index
    %swap3A_34 = arith.constant 0 : index
    %swap3A_35 = vector.load %arg6[%swap3A_33, %swap3A_34] : memref<10000x16xf32, #tpu.memory_space<vmem>>, vector<10000x16xf32>
    tpu.vector_store %arg6[%swap3A_33, %swap3A_34], %add3A_32 {strides = array<i32>} : memref<10000x16xf32, #tpu.memory_space<vmem>>, vector<10000x16xf32>,
    return
  }
}

</mosaic_0001>

<sc_bundles>
// kernel: kernel.10.cloned.1.call-start
scs
__scs_entry_jumppad:
0x0: {  	(pc) =	sbr.rel $0x88, $3  }
0x1: {  	(tag) =	ssettag $0x0;
	lr =	simm.s32 $0x1  }
0x2: {  	[smem:$0x3F97] =	sst lr;
	_ =	strace $0xD0000000  }
0x3: {  	_ = 	snop  }
0x4: {  	_ = 	snop  }
0x5: {  	_ = 	snop  }
0x6: {  	_ = 	snop  }
0x7: {  	_ = 	snop  }
__scs_overlays_trampoline_lowered:
0x8: {  	[smem:$0x3FA6] =	sst s0  }
0x9: {  	[smem:$0x3FA7] =	sst s1  }
0xa: {  	[smem:$0x3FA8] =	sst s2  }
0xb: {  	[smem:$0x3FA9] =	sst s3  }
0xc: {  	[smem:$0x3FAA] =	sst s4  }
0xd: {  	[smem:$0x3FAB] =	sst s5  }
0xe: {  	[smem:$0x3FAC] =	sst s6  }
0xf: {  	[smem:$0x3FAD] =	sst s7  }
0x10: {  	[smem:$0x3FAE] =	sst s8  }
0x11: {  	[smem:$0x3FAF] =	sst s9;
	s0 =	simm.s32 @!p0 $0x0  }
0x12: {  	s1 =	sld [smem:$0x3F95];
	s0 =	simm.s32 @p0 $0x1  }
0x13: {  	[smem:$0x3FB0] =	sst s0;
	s0 =	simm.s32 @!p1 $0x0  }
0x14: {  	s2 =	sld [smem:$0x3F94];
	s0 =	simm.s32 @p1 $0x1  }
0x15: {  	[smem:$0x3FB1] =	sst s0;
	s0 =	simm.s32 @!p2 $0x0  }
0x16: {  	s3 =	sld [smem:$0x3FDB];
	s0 =	simm.s32 @p2 $0x1  }
0x17: {  	s4 =	simm.s32 $0x1BF5;
	[smem:$0x3FB3] =	sst s0  }
0x18: {  	s0 =	sld [smem:$0x3F96];
	_ =	swait.ge [sflag:s4], $0x0  }
0x19: {  	s7 =	sld [smem:$0x3F97]  }
0x1a: {  	s8 =	sadd.s32 $0xFFFFE003, lr  }
0x1b: {  	s9 =	sadd.s32 $0xFFFFFEF7, lr;
	s5 =	simm.s32 $0xFFFFFFFF;
	p2 =	slt.u32 s8, $0xFFFFF086  }
0x1c: {  	p1 =	slt.u32 s9, $0xF7A;
	s5 =	simm.s32 @!p2 $0x0  }
0x1d: {  	s5 =	simm.s32 @p1 $0x1;
	p0 =	seq.s32 s7, s2  }
0x1e: {  	s7 =	smul.u32 @!p0 $0xF7A, s2;
	p2 =	seq.s32 @!p0 s5, $0x0  }
0x1f: {  	s9 =	smul.u32 $0xF7A, s1;
	s8 =	simm.s32 @!p0 $0x1BF5;
	p2 =	por !p2, p0  }
0x20: {  	[sflag:s8] =	ssyncset.s32 @!p0 $0xFFFFF086;
	s6 =	sadd.s32 @!p0 s3, s7;
	s7 =	simm.s32 @!p0 $0x108  }
0x21: {  	s3 =	sadd.s32 s3, s9;
	s6 =	sadd.s32 @!p0 $0x88, s6;
	s7 =	simm.s32 @p2 $0x1082  }
0x22: {  	[simem:s7], [sflag:s8] =	dma.local @!p0 [hbm:s6], $0xF7A  }
0x23: {  	s9 =	sor.u32 $0xD0000000, s2;
	s6 =	simm.s32 $0x108;
	_ =	swait.ge @!p0 [sflag:s8], $0x0  }
0x24: {  	s3 =	sadd.s32 $0x88, s3;
	s6 =	simm.s32 @!p1 $0x1082;
	[sflag:s4] =	ssyncset.s32 $0xFFFFF086  }
0x25: {  	[simem:s6], [sflag:s4] =	dma.local [hbm:s3], $0xF7A  }
0x26: {  	[smem:$0x3F97] =	sst s1;
	(tag) =	ssettag s2;
	_ =	strace s9  }
0x27: {  	s1 =	sld [smem:$0x3FA7]  }
0x28: {  	s2 =	sld [smem:$0x3FA8]  }
0x29: {  	s4 =	sld [smem:$0x3FAA]  }
0x2a: {  	p0 =	seq.s32 s5, $0x0;
	s5 =	sld [smem:$0x3FAB]  }
0x2b: {  	s6 =	sld [smem:$0x3FAC]  }
0x2c: {  	s7 =	sld [smem:$0x3FAD]  }
0x2d: {  	s3 =	simm.s32 $0x108;
	s8 =	sld [smem:$0x3FAE]  }
0x2e: {  	s3 =	simm.s32 @!p0 $0x1082;
	s9 =	sld [smem:$0x3FAF]  }
0x2f: {  	lr =	sadd.s32 s0, s3;
	s0 =	sld [smem:$0x3FA6]  }
0x30: {  	s3 =	sld [smem:$0x3FA9]  }
0x31: {  	[smem:$0x3FB2] =	sst s10  }
0x32: {  	s10 =	sld [smem:$0x3FB0];
	_ =	sdelay $0x3  }
0x33: {  	p0 =	seq.s32 s10, $0x1;
	s10 =	sld [smem:$0x3FB2];
	_ =	sdelay $0x3  }
0x34: {  	[smem:$0x3FB2] =	sst s10  }
0x35: {  	s10 =	sld [smem:$0x3FB1];
	_ =	sdelay $0x3  }
0x36: {  	p1 =	seq.s32 s10, $0x1;
	s10 =	sld [smem:$0x3FB2];
	_ =	sdelay $0x3  }
0x37: {  	[smem:$0x3FB2] =	sst s10  }
0x38: {  	s10 =	sld [smem:$0x3FB3]  }
0x39: {  	_ = 	snop;
	(pc) =	sbr.ind lr, $3  }
0x3a: {  	_ = 	snop  }
0x3b: {  	_ = 	snop  }
0x3c: {  	p2 =	seq.s32 s10, $0x1;
	s10 =	sld [smem:$0x3FB2]  }
0x3d: {  	_ =	shalt  }
0x3e: {  	_ =	shalt  }
0x3f: {  	_ =	shalt  }
0x40: {  	_ =	shalt  }
0x41: {  	_ =	shalt  }
0x42: {  	_ =	shalt  }
0x43: {  	_ =	shalt  }
0x44: {  	_ =	shalt  }
0x45: {  	_ =	shalt  }
0x46: {  	_ =	shalt  }
0x47: {  	_ =	shalt  }
0x48: {  	_ =	shalt  }
0x49: {  	_ =	shalt  }
0x4a: {  	_ =	shalt  }
0x4b: {  	_ =	shalt  }
0x4c: {  	_ =	shalt  }
0x4d: {  	_ =	shalt  }
0x4e: {  	_ =	shalt  }
0x4f: {  	_ =	shalt  }
0x50: {  	_ =	shalt  }
0x51: {  	_ =	shalt  }
0x52: {  	_ =	shalt  }
0x53: {  	_ =	shalt  }
0x54: {  	_ =	shalt  }
0x55: {  	_ =	shalt  }
0x56: {  	_ =	shalt  }
0x57: {  	_ =	shalt  }
0x58: {  	_ =	shalt  }
0x59: {  	_ =	shalt  }
0x5a: {  	_ =	shalt  }
0x5b: {  	_ =	shalt  }
0x5c: {  	_ =	shalt  }
0x5d: {  	_ =	shalt  }
0x5e: {  	_ =	shalt  }
0x5f: {  	_ =	shalt  }
0x60: {  	_ =	shalt  }
0x61: {  	_ =	shalt  }
0x62: {  	_ =	shalt  }
0x63: {  	_ =	shalt  }
0x64: {  	_ =	shalt  }
0x65: {  	_ =	shalt  }
0x66: {  	_ =	shalt  }
0x67: {  	_ =	shalt  }
0x68: {  	_ =	shalt  }
0x69: {  	_ =	shalt  }
0x6a: {  	_ =	shalt  }
0x6b: {  	_ =	shalt  }
0x6c: {  	_ =	shalt  }
0x6d: {  	_ =	shalt  }
0x6e: {  	_ =	shalt  }
0x6f: {  	_ =	shalt  }
0x70: {  	_ =	shalt  }
0x71: {  	_ =	shalt  }
0x72: {  	_ =	shalt  }
0x73: {  	_ =	shalt  }
0x74: {  	_ =	shalt  }
0x75: {  	_ =	shalt  }
0x76: {  	_ =	shalt  }
0x77: {  	_ =	shalt  }
0x78: {  	_ =	shalt  }
0x79: {  	_ =	shalt  }
0x7a: {  	_ =	shalt  }
0x7b: {  	_ =	shalt  }
0x7c: {  	_ =	shalt  }
0x7d: {  	_ =	shalt  }
0x7e: {  	_ =	shalt  }
0x7f: {  	_ =	shalt  }
0x80: {  	_ =	shalt  }
0x81: {  	_ =	shalt  }
0x82: {  	_ =	shalt  }
0x83: {  	_ =	shalt  }
0x84: {  	_ =	shalt  }
0x85: {  	_ =	shalt  }
0x86: {  	_ =	shalt  }
0x87: {  	_ =	shalt  }
.Lfunc_end0:
.L_simem_size_0:
called_computation_lowered:
.L_overlay_start_0:
0x88: {  	s2 =	sld [smem:$0x3FD9]  }
0x89: {  	s3 =	sld [smem:$0x3FFE];
	_ =	sdelay $0x1  }
0x8a: {  	s1 =	srdreg.scid  }
0x8b: {  	s0 =	sand.u32 $0x1, s1  }
0x8c: {  	s14 =	sshll.u32 s0, $0xA;
	s2 =	sadd.s32 s3, s2  }
0x8d: {  	s2 =	sadd.s32 s2, s14  }
0x8e: {  	[smem:$0x3FBE] =	sst s2  }
0x8f: {  	_ = 	snop  }
0x90: {  	s2 =	sld [smem:$0x3FD0];
	_ =	sdelay $0x2  }
0x91: {  	s15 =	simm.s32 $0xA;
	s4 =	simm.s32 $0x10  }
0x92: {  	[smem:s4], [sflag:s15] =	dma.local [hbm:s2], $0x1  }
0x93: {  	_ =	swait.eq [sflag:s15], $0x1  }
0x94: {  	[sflag:s15] =	ssyncset.done $0x0  }
0x95: {  	s16 =	sld [smem:$0x10];
	[sflag:s15] =	ssyncadd.s32 $0xFFFFFFFF  }
0x96: {  	s17 =	sld [smem:$0x11];
	(tm) =	ssettm $0x1  }
0x97: {  	s18 =	sld [smem:$0x3FFB];
	_ =	sdelay $0x3  }
0x98: {  	_ =	strace s18  }
0x99: {  	s4 =	sld [smem:$0x3FFC];
	_ =	sdelay $0x3  }
0x9a: {  	_ =	strace s4  }
0x9b: {  	s4 =	sld [smem:$0x3FFD];
	_ =	sdelay $0x3  }
0x9c: {  	_ =	strace s4  }
0x9d: {  	_ =	strace $0x8FFFFFFF  }
0x9e: {  	s19 =	sld [smem:$0x3FDB];
	_ =	sdelay $0x1  }
0x9f: {  	s5 =	simm.s32 $_scs_section_size  }
0xa0: {  	s6 =	simm.s32 $_size__tile_overlayer_lowered;
	s7 =	simm.s32 $_tile_overlayer_lowered  }
0xa1: {  	s22 =	simm.s32 $0x1BFF;
	s21 =	sshll.u32 s7, $0x1;
	s4 =	sadd.s32 s5, s19  }
0xa2: {  	s8 =	simm.s32 $0x0;
	s20 =	sshll.u32 s6, $0x1;
	s6 =	sadd.s32 s21, s4  }
0xa3: {  	[timem:s8], [sflag:s22] =	dma.local [hbm:s6], s20  }
0xa4: {  	_ =	swait.ge [sflag:s22], s20  }
0xa5: {  	s5 =	ssub.s32 $0x0, s20;
	[sflag:s22] =	ssyncset.done $0x0  }
0xa6: {  	[sflag:s22] =	ssyncadd.s32 s5;
	_ =	sdelay $0x1  }
0xa7: {  	s23 =	simm.s32 $0x1B8B  }
0xa8: {  	_ =	swait.ge [sflag:s23], $0x1  }
0xa9: {  	[sflag:s23] =	ssyncset.done $0x0  }
0xaa: {  	s25 =	simm.s32 $0x1B8E;
	s24 =	sld [smem:$0x3FFE];
	[sflag:s23] =	ssyncadd.s32 $0xFFFFFFFF  }
0xab: {  	s26 =	simm.s32 $execute0_lowered;
	[smem:$0x3FD2] =	sst s25  }
0xac: {  	s6 =	sshll.u32 s26, $0x1;
	_ =	strace $0x80000046;
	[dreg:$0x1] =	wrdreg $0xFFFFFFFF  }
0xad: {  	s28 =	simm.s32 $_size_execute0_lowered;
	s4 =	sadd.s32 s4, s6;
	[dreg:$0x0] =	wrdreg $0x0  }
0xae: {  	s6 =	sshll.u32 s28, $0x1;
	[dreg:$0x2] =	wrdreg s4  }
0xaf: {  	[dreg:$0x3] =	wrdreg s6  }
0xb0: {  	[dreg:$0x4] =	wrdreg $0xC0  }
0xb1: {  	_ =	task [dreg:s8], $0x5FFFF  }
0xb2: {  	[dreg:$0x1] =	wrdreg $0xFFFFFFFF  }
0xb3: {  	[dreg:$0x0] =	wrdreg $0x60  }
0xb4: {  	[dreg:$0x2] =	wrdreg s24  }
0xb5: {  	[dreg:$0x3] =	wrdreg s17  }
0xb6: {  	[dreg:$0x4] =	wrdreg s16  }
0xb7: {  	[dreg:$0x5] =	wrdreg $0x57C00  }
0xb8: {  	[dreg:$0x6] =	wrdreg $0x9  }
0xb9: {  	_ =	task.clear_ibuf [dreg:s8], $0x7FFFF;
	_ =	strace $0x90000046  }
0xba: {  	s29 =	simm.s32 $0x9;
	_ =	strace $0x80000048  }
0xbb: {  	_ =	swait.ge [sflag:s29], $0x1  }
0xbc: {  	[sflag:s29] =	ssyncadd.s32 $0xFFFFFFFF  }
0xbd: {  	_ =	strace $0x90000048  }
0xbe: {  	_ =	sfence  }
0xbf: {  	s30 =	sld [smem:$0x0];
	_ =	sdelay $0x2  }
0xc0: {  	s31 =	sshll.u32 s1, $0xD;
	s1 =	sshrl.u32 s1, $0x2  }
0xc1: {  	s3 =	sand.u32 $0x4000, s31;
	s1 =	sadd.s32 s1, s30  }
0xc2: {  	s0 =	sor.u32 s3, s0;
	s1 =	sshll.u32 s1, $0x11  }
0xc3: {  	s0 =	sor.u32 s1, s0  }
0xc4: {  	s0 =	sadd.s32 $0x8F2B, s0  }
0xc5: {  	[sflag:s0] =	ssyncadd.remote.s32 $0x1  }
0xc6: {  	_ =	sfence.sel $0xFFFF  }
0xc7: {  	[dreg:$0x0] =	wrdreg $0xFFFFFFFF;
	(pc) =	sbr.abs _section_cstart, $3  }
0xc8: {  	[dreg:$0x1] =	wrdreg $0xFFFFFFFF  }
0xc9: {  	_ =	task.clear_ibuf [dreg:s8], $0x2FFFF;
	_ =	strace $0x9FFFFFFF  }
0xca: {  	(tm) =	ssettm $0x7FFFFFFF  }
0xcb: {  	_ =	shalt  }
tec
execute0_lowered:
.L_overlay_start_1:
0x0: {  	(tag) =	ssettag $0x1  }
0x1: {  	s5 =	rddreg [dreg:$0x0]  }
0x2: {  	s1 =	rddreg [dreg:$0x1]  }
0x3: {  	s9 =	rddreg [dreg:$0x2]  }
0x4: {  	s3 =	rddreg [dreg:$0x3]  }
0x5: {  	s0 =	rddreg [dreg:$0x4];
	s2 =	stileid.u32  }
0x6: {  	s4 =	simm.s32 $0x0;
	s6 =	srdreg.scid;
	s8 =	smul.u32 $0x13C0, s2  }
0x7: {  	s16 =	simm.s32 $0x0;
	[smem:$0x7FF] =	sst s4;
	s28 =	smul.u32 $0x3400, s2  }
0x8: {  	s7 =	sadd.s32 $0x4C00, s5;
	s11 =	sand.u32 $0x1, s6;
	s13 =	smul.u32 $0x380, s2  }
0x9: {  	_ =	strace $0x80000047;
	s12 =	ssub.s32 $0x2, s11;
	s15 =	smul.u32 $0x13C00, s11  }
0xa: {  	p0 =	sne.s32 s11, $0x0;
	s11 =	simm.s32 $0x3400;
	s10 =	sshrl.u32 s8, $0x3  }
0xb: {  	s14 =	sshrl.u32 s12, $0x1;
	s6 =	sshrl.u32 s28, $0x3;
	s10 =	sadd.s32 s10, s5  }
.Ltmp0:
0xc: {  	s12 =	ssub.s32 s12, s14;
	s29 =	sadd.s32 s7, s6;
	(pc) =	sbr.rel .LBB2_1-.Ltmp0, $4  }
0xd: {  	s6 =	sadd.s32 s7, s13;
	s30 =	sadd.s32 s8, s15;
	s8 =	sadd.s32 s8, s3  }
0xe: {  	s13 =	simm.s32 $0x4400;
	s14 =	simm.s32 $0x80;
	s15 =	simm.s32 $0x1  }
0xf: {  	s5 =	sadd.s32 $0x3800, s29;
	s7 =	sadd.s32 $0x2400, s10;
	s31 =	sshrl.u32 s30, $0x3  }
0x10: {  	s10 =	smax.u32 s12, $0x1;
	s12 =	simm.s32 $0x2;
	s9 =	sadd.s32 s9, s31  }
.LBB2_7:
0x11: {  	[sflag:s15] =	ssyncadd.s32 $0xFFFFFE00  }
.LBB2_8:
0x12: {  	[bflag:$0x0] =	sbarrier.arrive $0xFFFF  }
0x13: {  	[tilespmem:s13], [sflag:$0x2] =	stream.linear.gather [spmem:s8], $0x13C0, $0x38;
	[tilespmem:$0x61A0] =	vst v63  }
0x14: {  	s16 =	sadd.s32 $0x1, s16;
	_ =	swait.ge [sflag:s12], $0x13C0  }
0x15: {  	p1 =	sne.s32 s16, s10;
	[sflag:s12] =	ssyncset.done $0x0  }
.Ltmp1:
0x16: {  	[sflag:s12] =	ssyncadd.s32 $0xFFFFEC40;
	(pc) =	sbr.rel @!p1 .LBB2_9-.Ltmp1, $4  }
0x17: {  	[hbm4b:s9+s4] =	stream.linear.scatter [tilespmem:s13], [sflag:$0x2], $0x13C0, $0x38;
	[tilespmem:$0x61A0] =	vst v63  }
0x18: {  	_ =	swait.ge [sflag:s12], $0x13C0  }
0x19: {  	[sflag:s12] =	ssyncset.done $0x0  }
0x1a: {  	[sflag:s12] =	ssyncadd.s32 $0xFFFFEC40  }
.LBB2_1:
0x1b: {  	s17 =	simm.s32 @p0 $0x0  }
0x1c: {  	[tilespmem:s17], [sflag:$0x2] =	stream.linear.gather @p0 [hbm4b:s5+s17], $0x3400, $0x38;
	[tilespmem:$0x61A0] =	vst v63  }
0x1d: {  	s17 =	simm.s32 @p0 $0x2  }
0x1e: {  	_ =	swait.ge @p0 [sflag:s17], $0x3400  }
0x1f: {  	[sflag:s17] =	ssyncset.done @p0 $0x0  }
0x20: {  	[sflag:s17] =	ssyncadd.s32 @p0 $0xFFFFCC00;
	s17 =	simm.s32 @!p0 $0x0  }
0x21: {  	[tilespmem:s17], [sflag:$0x2] =	stream.linear.gather @!p0 [hbm4b:s6+s17], $0x1C00, $0x38;
	[tilespmem:$0x61A0] =	vst v63  }
0x22: {  	s17 =	simm.s32 @!p0 $0x2  }
0x23: {  	_ =	swait.ge @!p0 [sflag:s17], $0x1C00  }
0x24: {  	[sflag:s17] =	ssyncset.done @!p0 $0x0  }
0x25: {  	[sflag:s17] =	ssyncadd.s32 @!p0 $0xFFFFE400  }
0x26: {  	[tilespmem:s11], [sflag:$0x2] =	stream.linear.gather [hbm4b:s1+s4], $0x400, $0x38;
	[tilespmem:$0x61A0] =	vst v63  }
0x27: {  	_ =	swait.ge [sflag:s12], $0x400  }
0x28: {  	[sflag:s12] =	ssyncset.done $0x0  }
0x29: {  	[sflag:s12] =	ssyncadd.s32 $0xFFFFFC00  }
0x2a: {  	[tilespmem:s13], [sflag:$0x2] =	stream.linear.gather [hbm4b:s7+s4], $0x13C0, $0x38;
	[tilespmem:$0x61A0] =	vst v63  }
0x2b: {  	_ =	swait.ge [sflag:s12], $0x13C0  }
0x2c: {  	[sflag:s12] =	ssyncset.done $0x0  }
0x2d: {  	[sflag:s12] =	ssyncadd.s32 $0xFFFFEC40  }
0x2e: {  	[spmem:s8] =	stream.linear.scatter [tilespmem:s13], [sflag:$0x2], $0x13C0, $0x38;
	[tilespmem:$0x61A0] =	vst v63  }
.Ltmp2:
0x2f: {  	_ =	swait.ge [sflag:s12], $0x13C0;
	(pc) =	sbr.rel @p0 .LBB2_5-.Ltmp2, $4  }
0x30: {  	[sflag:s12] =	ssyncset.done $0x0  }
0x31: {  	[sflag:s12] =	ssyncadd.s32 $0xFFFFEC40  }
0x32: {  	[bflag:$0x0] =	sbarrier.arrive $0xFFFF  }
0x33: {  	s17 =	sshra.s32 s4, $0x2  }
0x34: {  	[spmem:s3] =	stream.indirect.scatter.add.f32 [tilespmem:s11], [sflag:$0x1], $0x4, s17, s14, $0xb8;
	[tilespmem:$0x61A0] =	vst v63  }
0x35: {  	_ =	swait.ge [sflag:s15], $0x200  }
0x36: {  	s17 =	sadd.s32 $0x200, s4;
	[sflag:s15] =	ssyncset.done $0x0  }
.LBB2_3:
0x37: {  	s18 =	sshra.s32 s17, $0x2;
	[sflag:s15] =	ssyncadd.s32 $0xFFFFFE00;
	p1 =	seq.s32 s17, $0x6E00  }
0x38: {  	[spmem:s3] =	stream.indirect.scatter.add.f32 [tilespmem:s11], [sflag:$0x1], $0x4, s18, s14, $0xb8;
	[tilespmem:$0x61A0] =	vst v63  }
.Ltmp3:
0x39: {  	_ = 	snop;
	(pc) =	sbr.rel @!p1 .LBB2_3-.Ltmp3, $4  }
0x3a: {  	_ = 	snop  }
0x3b: {  	s17 =	sadd.s32 $0x200, s17  }
0x3c: {  	_ =	swait.ge [sflag:s15], $0x200  }
0x3d: {  	[sflag:s15] =	ssyncset.done $0x0  }
.Ltmp4:
0x3e: {  	(pc) =	sbr.rel .LBB2_8-.Ltmp4, $2  }
0x3f: {  	_ =	sdelay $0x2  }
0x40: {  	[sflag:s15] =	ssyncadd.s32 $0xFFFFFE00  }
.LBB2_5:
0x41: {  	[spmem:s3] =	stream.indirect.scatter.add.f32 [tilespmem:s11], [sflag:$0x1], $0x4, s17, s14, $0xb8;
	[tilespmem:$0x61A0] =	vst v63  }
0x42: {  	_ =	swait.ge [sflag:s15], $0x200  }
0x43: {  	s17 =	sadd.s32 $0x200, s4;
	[sflag:s15] =	ssyncset.done $0x0  }
.LBB2_6:
0x44: {  	s18 =	sshra.s32 s17, $0x2;
	[sflag:s15] =	ssyncadd.s32 $0xFFFFFE00;
	p1 =	sne.s32 s17, $0xCE00  }
0x45: {  	[spmem:s3] =	stream.indirect.scatter.add.f32 [tilespmem:s11], [sflag:$0x1], $0x4, s18, s14, $0xb8;
	[tilespmem:$0x61A0] =	vst v63  }
.Ltmp5:
0x46: {  	_ = 	snop;
	(pc) =	sbr.rel @p1 .LBB2_6-.Ltmp5, $4  }
0x47: {  	_ = 	snop  }
0x48: {  	s17 =	sadd.s32 $0x200, s17  }
0x49: {  	_ =	swait.ge [sflag:s15], $0x200  }
0x4a: {  	[sflag:s15] =	ssyncset.done $0x0  }
.Ltmp6:
0x4b: {  	_ = 	snop;
	(pc) =	sbr.rel .LBB2_7-.Ltmp6, $1  }
0x4c: {  	_ =	sdelay $0x3  }
.LBB2_9:
0x4d: {  	_ =	sfence.sel $0x180000  }
0x4e: {  	[bflag:$0x0] =	sbarrier.arrive $0xFFFF  }
0x4f: {  	p0 =	sne.s32 s2, $0x0;
	_ =	strace $0x90000047  }
0x50: {  	s0 =	sadd.s32 @!p0 $0x100000, s0;
	[bflag:$0x2] =	sbarrier.arrive $0xFFFF  }
0x51: {  	[sflag:s0] =	ssyncadd.tile.s32 @!p0 $0x1;
	_ =	shalt  }
.Lfunc_end2:
_tile_overlayer_lowered:
.L_overlay_start_2:
0x52: {  	(tag) =	ssettag $0x2  }
0x53: {  	s0 =	rddreg [dreg:$0x0];
	s2 =	stileid.u32  }
0x54: {  	s1 =	rddreg [dreg:$0x1];
	p0 =	sne.s32 s2, $0x0  }
0x55: {  	s3 =	rddreg [dreg:$0x2];
	[bflag:$0x3] =	sbarrier.arrive $0xFFFF;
	s2 =	simm.s32 @!p0 $0x1C02  }
0x56: {  	[timem:s3], [sflag:s2] =	dma.local @!p0 [hbm:s0], s1  }
0x57: {  	s0 =	simm.s32 @!p0 $0x2  }
0x58: {  	_ =	swait.ge @!p0 [sflag:s0], s1  }
0x59: {  	s1 =	ssub.s32 @!p0 $0x0, s1;
	[sflag:s0] =	ssyncset.done @!p0 $0x0  }
0x5a: {  	[sflag:s0] =	ssyncadd.s32 @!p0 s1  }
0x5b: {  	[bflag:$0x3] =	sbarrier.arrive $0xFFFF  }
0x5c: {  	_ =	shalt  }

// kernel: kernel.13.cloned.1.call-start
scs
__scs_entry_jumppad:
0x0: {  	(pc) =	sbr.rel $0x88, $3  }
0x1: {  	(tag) =	ssettag $0x0;
	lr =	simm.s32 $0x1  }
0x2: {  	[smem:$0x3F97] =	sst lr;
	_ =	strace $0xD0000000  }
0x3: {  	_ = 	snop  }
0x4: {  	_ = 	snop  }
0x5: {  	_ = 	snop  }
0x6: {  	_ = 	snop  }
0x7: {  	_ = 	snop  }
__scs_overlays_trampoline_lowered:
0x8: {  	[smem:$0x3FA6] =	sst s0  }
0x9: {  	[smem:$0x3FA7] =	sst s1  }
0xa: {  	[smem:$0x3FA8] =	sst s2  }
0xb: {  	[smem:$0x3FA9] =	sst s3  }
0xc: {  	[smem:$0x3FAA] =	sst s4  }
0xd: {  	[smem:$0x3FAB] =	sst s5  }
0xe: {  	[smem:$0x3FAC] =	sst s6  }
0xf: {  	[smem:$0x3FAD] =	sst s7  }
0x10: {  	[smem:$0x3FAE] =	sst s8  }
0x11: {  	[smem:$0x3FAF] =	sst s9;
	s0 =	simm.s32 @!p0 $0x0  }
0x12: {  	s1 =	sld [smem:$0x3F95];
	s0 =	simm.s32 @p0 $0x1  }
0x13: {  	[smem:$0x3FB0] =	sst s0;
	s0 =	simm.s32 @!p1 $0x0  }
0x14: {  	s2 =	sld [smem:$0x3F94];
	s0 =	simm.s32 @p1 $0x1  }
0x15: {  	[smem:$0x3FB1] =	sst s0;
	s0 =	simm.s32 @!p2 $0x0  }
0x16: {  	s3 =	sld [smem:$0x3FDB];
	s0 =	simm.s32 @p2 $0x1  }
0x17: {  	s4 =	simm.s32 $0x1BF5;
	[smem:$0x3FB3] =	sst s0  }
0x18: {  	s0 =	sld [smem:$0x3F96];
	_ =	swait.ge [sflag:s4], $0x0  }
0x19: {  	s7 =	sld [smem:$0x3F97]  }
0x1a: {  	s8 =	sadd.s32 $0xFFFFE003, lr  }
0x1b: {  	s9 =	sadd.s32 $0xFFFFFEF7, lr;
	s5 =	simm.s32 $0xFFFFFFFF;
	p2 =	slt.u32 s8, $0xFFFFF086  }
0x1c: {  	p1 =	slt.u32 s9, $0xF7A;
	s5 =	simm.s32 @!p2 $0x0  }
0x1d: {  	s5 =	simm.s32 @p1 $0x1;
	p0 =	seq.s32 s7, s2  }
0x1e: {  	s7 =	smul.u32 @!p0 $0xF7A, s2;
	p2 =	seq.s32 @!p0 s5, $0x0  }
0x1f: {  	s9 =	smul.u32 $0xF7A, s1;
	s8 =	simm.s32 @!p0 $0x1BF5;
	p2 =	por !p2, p0  }
0x20: {  	[sflag:s8] =	ssyncset.s32 @!p0 $0xFFFFF086;
	s6 =	sadd.s32 @!p0 s3, s7;
	s7 =	simm.s32 @!p0 $0x108  }
0x21: {  	s3 =	sadd.s32 s3, s9;
	s6 =	sadd.s32 @!p0 $0x88, s6;
	s7 =	simm.s32 @p2 $0x1082  }
0x22: {  	[simem:s7], [sflag:s8] =	dma.local @!p0 [hbm:s6], $0xF7A  }
0x23: {  	s9 =	sor.u32 $0xD0000000, s2;
	s6 =	simm.s32 $0x108;
	_ =	swait.ge @!p0 [sflag:s8], $0x0  }
0x24: {  	s3 =	sadd.s32 $0x88, s3;
	s6 =	simm.s32 @!p1 $0x1082;
	[sflag:s4] =	ssyncset.s32 $0xFFFFF086  }
0x25: {  	[simem:s6], [sflag:s4] =	dma.local [hbm:s3], $0xF7A  }
0x26: {  	[smem:$0x3F97] =	sst s1;
	(tag) =	ssettag s2;
	_ =	strace s9  }
0x27: {  	s1 =	sld [smem:$0x3FA7]  }
0x28: {  	s2 =	sld [smem:$0x3FA8]  }
0x29: {  	s4 =	sld [smem:$0x3FAA]  }
0x2a: {  	p0 =	seq.s32 s5, $0x0;
	s5 =	sld [smem:$0x3FAB]  }
0x2b: {  	s6 =	sld [smem:$0x3FAC]  }
0x2c: {  	s7 =	sld [smem:$0x3FAD]  }
0x2d: {  	s3 =	simm.s32 $0x108;
	s8 =	sld [smem:$0x3FAE]  }
0x2e: {  	s3 =	simm.s32 @!p0 $0x1082;
	s9 =	sld [smem:$0x3FAF]  }
0x2f: {  	lr =	sadd.s32 s0, s3;
	s0 =	sld [smem:$0x3FA6]  }
0x30: {  	s3 =	sld [smem:$0x3FA9]  }
0x31: {  	[smem:$0x3FB2] =	sst s10  }
0x32: {  	s10 =	sld [smem:$0x3FB0];
	_ =	sdelay $0x3  }
0x33: {  	p0 =	seq.s32 s10, $0x1;
	s10 =	sld [smem:$0x3FB2];
	_ =	sdelay $0x3  }
0x34: {  	[smem:$0x3FB2] =	sst s10  }
0x35: {  	s10 =	sld [smem:$0x3FB1];
	_ =	sdelay $0x3  }
0x36: {  	p1 =	seq.s32 s10, $0x1;
	s10 =	sld [smem:$0x3FB2];
	_ =	sdelay $0x3  }
0x37: {  	[smem:$0x3FB2] =	sst s10  }
0x38: {  	s10 =	sld [smem:$0x3FB3]  }
0x39: {  	_ = 	snop;
	(pc) =	sbr.ind lr, $3  }
0x3a: {  	_ = 	snop  }
0x3b: {  	_ = 	snop  }
0x3c: {  	p2 =	seq.s32 s10, $0x1;
	s10 =	sld [smem:$0x3FB2]  }
0x3d: {  	_ =	shalt  }
0x3e: {  	_ =	shalt  }
0x3f: {  	_ =	shalt  }
0x40: {  	_ =	shalt  }
0x41: {  	_ =	shalt  }
0x42: {  	_ =	shalt  }
0x43: {  	_ =	shalt  }
0x44: {  	_ =	shalt  }
0x45: {  	_ =	shalt  }
0x46: {  	_ =	shalt  }
0x47: {  	_ =	shalt  }
0x48: {  	_ =	shalt  }
0x49: {  	_ =	shalt  }
0x4a: {  	_ =	shalt  }
0x4b: {  	_ =	shalt  }
0x4c: {  	_ =	shalt  }
0x4d: {  	_ =	shalt  }
0x4e: {  	_ =	shalt  }
0x4f: {  	_ =	shalt  }
0x50: {  	_ =	shalt  }
0x51: {  	_ =	shalt  }
0x52: {  	_ =	shalt  }
0x53: {  	_ =	shalt  }
0x54: {  	_ =	shalt  }
0x55: {  	_ =	shalt  }
0x56: {  	_ =	shalt  }
0x57: {  	_ =	shalt  }
0x58: {  	_ =	shalt  }
0x59: {  	_ =	shalt  }
0x5a: {  	_ =	shalt  }
0x5b: {  	_ =	shalt  }
0x5c: {  	_ =	shalt  }
0x5d: {  	_ =	shalt  }
0x5e: {  	_ =	shalt  }
0x5f: {  	_ =	shalt  }
0x60: {  	_ =	shalt  }
0x61: {  	_ =	shalt  }
0x62: {  	_ =	shalt  }
0x63: {  	_ =	shalt  }
0x64: {  	_ =	shalt  }
0x65: {  	_ =	shalt  }
0x66: {  	_ =	shalt  }
0x67: {  	_ =	shalt  }
0x68: {  	_ =	shalt  }
0x69: {  	_ =	shalt  }
0x6a: {  	_ =	shalt  }
0x6b: {  	_ =	shalt  }
0x6c: {  	_ =	shalt  }
0x6d: {  	_ =	shalt  }
0x6e: {  	_ =	shalt  }
0x6f: {  	_ =	shalt  }
0x70: {  	_ =	shalt  }
0x71: {  	_ =	shalt  }
0x72: {  	_ =	shalt  }
0x73: {  	_ =	shalt  }
0x74: {  	_ =	shalt  }
0x75: {  	_ =	shalt  }
0x76: {  	_ =	shalt  }
0x77: {  	_ =	shalt  }
0x78: {  	_ =	shalt  }
0x79: {  	_ =	shalt  }
0x7a: {  	_ =	shalt  }
0x7b: {  	_ =	shalt  }
0x7c: {  	_ =	shalt  }
0x7d: {  	_ =	shalt  }
0x7e: {  	_ =	shalt  }
0x7f: {  	_ =	shalt  }
0x80: {  	_ =	shalt  }
0x81: {  	_ =	shalt  }
0x82: {  	_ =	shalt  }
0x83: {  	_ =	shalt  }
0x84: {  	_ =	shalt  }
0x85: {  	_ =	shalt  }
0x86: {  	_ =	shalt  }
0x87: {  	_ =	shalt  }
.Lfunc_end0:
.L_simem_size_0:
called_computation.1_lowered:
.L_overlay_start_0:
0x88: {  	s2 =	sld [smem:$0x3FD9]  }
0x89: {  	s3 =	sld [smem:$0x3FFE];
	_ =	sdelay $0x1  }
0x8a: {  	s1 =	srdreg.scid  }
0x8b: {  	s0 =	sand.u32 $0x1, s1  }
0x8c: {  	s14 =	sshll.u32 s0, $0xA;
	s2 =	sadd.s32 s3, s2  }
0x8d: {  	s2 =	sadd.s32 s2, s14  }
0x8e: {  	[smem:$0x3FBE] =	sst s2  }
0x8f: {  	_ = 	snop  }
0x90: {  	s2 =	sld [smem:$0x3FD0];
	_ =	sdelay $0x2  }
0x91: {  	s15 =	simm.s32 $0xA;
	s4 =	simm.s32 $0x10  }
0x92: {  	[smem:s4], [sflag:s15] =	dma.local [hbm:s2], $0x1  }
0x93: {  	_ =	swait.eq [sflag:s15], $0x1  }
0x94: {  	[sflag:s15] =	ssyncset.done $0x0  }
0x95: {  	[sflag:s15] =	ssyncadd.s32 $0xFFFFFFFF  }
0x96: {  	s16 =	sld [smem:$0x10];
	(tm) =	ssettm $0x1  }
0x97: {  	s17 =	sld [smem:$0x3FFB];
	_ =	sdelay $0x3  }
0x98: {  	_ =	strace s17  }
0x99: {  	s3 =	sld [smem:$0x3FFC];
	_ =	sdelay $0x3  }
0x9a: {  	_ =	strace s3  }
0x9b: {  	s3 =	sld [smem:$0x3FFD];
	_ =	sdelay $0x3  }
0x9c: {  	_ =	strace s3  }
0x9d: {  	_ =	strace $0x8FFFFFFF  }
0x9e: {  	s18 =	sld [smem:$0x3FDB];
	_ =	sdelay $0x1  }
0x9f: {  	s19 =	simm.s32 $_scs_section_size  }
0xa0: {  	s5 =	simm.s32 $_size__tile_overlayer_lowered;
	s6 =	simm.s32 $_tile_overlayer_lowered  }
0xa1: {  	s22 =	simm.s32 $0x1BFF;
	s21 =	sshll.u32 s6, $0x1;
	s3 =	sadd.s32 s19, s18  }
0xa2: {  	s7 =	simm.s32 $0x0;
	s20 =	sshll.u32 s5, $0x1;
	s5 =	sadd.s32 s21, s3  }
0xa3: {  	[timem:s7], [sflag:s22] =	dma.local [hbm:s5], s20  }
0xa4: {  	_ =	swait.ge [sflag:s22], s20  }
0xa5: {  	s4 =	ssub.s32 $0x0, s20;
	[sflag:s22] =	ssyncset.done $0x0  }
0xa6: {  	[sflag:s22] =	ssyncadd.s32 s4;
	_ =	sdelay $0x1  }
0xa7: {  	s23 =	simm.s32 $0x1B8B  }
0xa8: {  	_ =	swait.ge [sflag:s23], $0x1  }
0xa9: {  	[sflag:s23] =	ssyncset.done $0x0  }
0xaa: {  	s25 =	simm.s32 $0x1B8E;
	s24 =	sld [smem:$0x3FFE];
	[sflag:s23] =	ssyncadd.s32 $0xFFFFFFFF  }
0xab: {  	s26 =	simm.s32 $execute0_lowered;
	[smem:$0x3FD2] =	sst s25  }
0xac: {  	s5 =	sshll.u32 s26, $0x1;
	_ =	strace $0x80000049;
	[dreg:$0x1] =	wrdreg $0xFFFFFFFF  }
0xad: {  	s28 =	simm.s32 $_size_execute0_lowered;
	s3 =	sadd.s32 s3, s5;
	[dreg:$0x0] =	wrdreg $0x0  }
0xae: {  	s5 =	sshll.u32 s28, $0x1;
	[dreg:$0x2] =	wrdreg s3  }
0xaf: {  	[dreg:$0x3] =	wrdreg s5  }
0xb0: {  	[dreg:$0x4] =	wrdreg $0xC0  }
0xb1: {  	_ =	task [dreg:s7], $0x5FFFF  }
0xb2: {  	[dreg:$0x1] =	wrdreg $0xFFFFFFFF  }
0xb3: {  	[dreg:$0x0] =	wrdreg $0x60  }
0xb4: {  	[dreg:$0x2] =	wrdreg s24  }
0xb5: {  	[dreg:$0x3] =	wrdreg s16  }
0xb6: {  	[dreg:$0x4] =	wrdreg $0x8BC00  }
0xb7: {  	[dreg:$0x5] =	wrdreg $0x9  }
0xb8: {  	_ =	task.clear_ibuf [dreg:s7], $0x6FFFF;
	_ =	strace $0x90000049  }
0xb9: {  	s29 =	simm.s32 $0x9;
	_ =	strace $0x8000004B  }
0xba: {  	_ =	swait.ge [sflag:s29], $0x1  }
0xbb: {  	[sflag:s29] =	ssyncadd.s32 $0xFFFFFFFF  }
0xbc: {  	_ =	strace $0x9000004B  }
0xbd: {  	_ =	sfence  }
0xbe: {  	s30 =	sld [smem:$0x0];
	_ =	sdelay $0x2  }
0xbf: {  	s31 =	sshll.u32 s1, $0xD;
	s1 =	sshrl.u32 s1, $0x2  }
0xc0: {  	s3 =	sand.u32 $0x4000, s31;
	s1 =	sadd.s32 s1, s30  }
0xc1: {  	s0 =	sor.u32 s3, s0;
	s1 =	sshll.u32 s1, $0x11  }
0xc2: {  	s0 =	sor.u32 s1, s0  }
0xc3: {  	s0 =	sadd.s32 $0x8F2B, s0  }
0xc4: {  	[sflag:s0] =	ssyncadd.remote.s32 $0x1  }
0xc5: {  	_ =	sfence.sel $0xFFFF  }
0xc6: {  	[dreg:$0x0] =	wrdreg $0xFFFFFFFF;
	(pc) =	sbr.abs _section_cstart, $3  }
0xc7: {  	[dreg:$0x1] =	wrdreg $0xFFFFFFFF  }
0xc8: {  	_ =	task.clear_ibuf [dreg:s7], $0x2FFFF;
	_ =	strace $0x9FFFFFFF  }
0xc9: {  	(tm) =	ssettm $0x7FFFFFFF  }
tec
execute0_lowered:
.L_overlay_start_1:
0x0: {  	(tag) =	ssettag $0x1  }
0x1: {  	s0 =	rddreg [dreg:$0x0]  }
0x2: {  	s11 =	rddreg [dreg:$0x1]  }
0x3: {  	s2 =	rddreg [dreg:$0x2];
	s3 =	simm.s32 $0x0;
	s1 =	stileid.u32  }
0x4: {  	s6 =	srdreg.scid;
	s15 =	simm.s32 $0x6C00;
	s16 =	simm.s32 $0x100  }
0x5: {  	s17 =	simm.s32 $0x7000;
	s18 =	simm.s32 $0x180;
	s19 =	simm.s32 $0x7400  }
0x6: {  	s20 =	simm.s32 $0x7800;
	s21 =	simm.s32 $0x6;
	s22 =	simm.s32 $0x2  }
0x7: {  	s23 =	simm.s32 $0x1;
	s24 =	simm.s32 $0x3;
	s25 =	simm.s32 $0x4  }
0x8: {  	s28 =	simm.s32 $0x0;
	[smem:$0x7FF] =	sst s3;
	s10 =	smul.u32 $0x13C0, s1  }
0x9: {  	s8 =	sadd.s32 $0xEC00, s0;
	s7 =	sadd.s32 $0x4C00, s0;
	s9 =	smul.u32 $0x3400, s1  }
0xa: {  	s4 =	sadd.s32 $0x18C00, s0;
	s13 =	sand.u32 $0x1, s6;
	s30 =	smul.u32 $0x380, s1  }
0xb: {  	_ =	strace $0x8000004A;
	s26 =	ssub.s32 $0x2, s13;
	s14 =	smul.u32 $0x13C00, s13  }
0xc: {  	p0 =	sne.s32 s13, $0x0;
	s13 =	simm.s32 $0x80;
	s5 =	sshrl.u32 s10, $0x3  }
0xd: {  	s29 =	sshrl.u32 s9, $0x3;
	s12 =	sshrl.u32 s26, $0x1;
	s0 =	sadd.s32 s5, s0  }
.Ltmp0:
0xe: {  	s6 =	sadd.s32 $0x3800, s29;
	s12 =	ssub.s32 s26, s12;
	(pc) =	sbr.rel .LBB2_1-.Ltmp0, $4  }
0xf: {  	s14 =	sadd.s32 s10, s14;
	s10 =	sadd.s32 s10, s2;
	s26 =	simm.s32 $0x5  }
0x10: {  	s5 =	sadd.s32 s7, s6;
	s6 =	sadd.s32 s8, s6;
	s7 =	sadd.s32 s7, s30  }
0x11: {  	s8 =	sadd.s32 s8, s30;
	s9 =	sadd.s32 $0x2400, s0;
	s31 =	sshrl.u32 s14, $0x3  }
0x12: {  	s12 =	smax.u32 s12, $0x1;
	s14 =	simm.s32 $0x6800;
	s11 =	sadd.s32 s11, s31  }
.LBB2_4:
0x13: {  	[tilespmem:s19], [sflag:$0x5] =	stream.indirect.gather [hbm4b:s4+s13], $0x4, s30, s13, $0xb8;
	[tilespmem:$0x95A0] =	vst v63  }
0x14: {  	s29 =	simm.s32 $0x4F80  }
0x15: {  	s30 =	simm.s32 $0x4F00;
	s31 =	simm.s32 $0x4E80;
	s0 =	simm.s32 $0x4E00  }
.LBB2_8:
0x16: {  	_ =	swait.ge [sflag:s22], $0x200  }
0x17: {  	[sflag:s22] =	ssyncset.done $0x0  }
0x18: {  	[sflag:s22] =	ssyncadd.s32 $0xFFFFFE00  }
0x19: {  	[spmem:s2] =	stream.indirect.scatter.add.f32 [tilespmem:s14], [sflag:$0x1], $0x4, s0, s13, $0xb8;
	[tilespmem:$0x95A0] =	vst v63  }
0x1a: {  	_ =	swait.ge [sflag:s23], $0x200  }
0x1b: {  	[sflag:s23] =	ssyncset.done $0x0  }
0x1c: {  	[sflag:s23] =	ssyncadd.s32 $0xFFFFFE00  }
0x1d: {  	_ =	swait.ge [sflag:s24], $0x200  }
0x1e: {  	[sflag:s24] =	ssyncset.done $0x0  }
0x1f: {  	[sflag:s24] =	ssyncadd.s32 $0xFFFFFE00  }
0x20: {  	[spmem:s2] =	stream.indirect.scatter.add.f32 [tilespmem:s15], [sflag:$0x1], $0x4, s31, s13, $0xb8;
	[tilespmem:$0x95A0] =	vst v63  }
0x21: {  	_ =	swait.ge [sflag:s23], $0x200  }
0x22: {  	[sflag:s23] =	ssyncset.done $0x0  }
0x23: {  	[sflag:s23] =	ssyncadd.s32 $0xFFFFFE00  }
0x24: {  	_ =	swait.ge [sflag:s25], $0x200  }
0x25: {  	[sflag:s25] =	ssyncset.done $0x0  }
0x26: {  	[sflag:s25] =	ssyncadd.s32 $0xFFFFFE00  }
0x27: {  	[spmem:s2] =	stream.indirect.scatter.add.f32 [tilespmem:s17], [sflag:$0x1], $0x4, s30, s13, $0xb8;
	[tilespmem:$0x95A0] =	vst v63  }
0x28: {  	_ =	swait.ge [sflag:s23], $0x200  }
0x29: {  	[sflag:s23] =	ssyncset.done $0x0  }
0x2a: {  	[sflag:s23] =	ssyncadd.s32 $0xFFFFFE00  }
0x2b: {  	_ =	swait.ge [sflag:s26], $0x200  }
0x2c: {  	[sflag:s26] =	ssyncset.done $0x0  }
0x2d: {  	[sflag:s26] =	ssyncadd.s32 $0xFFFFFE00  }
0x2e: {  	[spmem:s2] =	stream.indirect.scatter.add.f32 [tilespmem:s19], [sflag:$0x1], $0x4, s29, s13, $0xb8;
	[tilespmem:$0x95A0] =	vst v63  }
0x2f: {  	_ =	swait.ge [sflag:s23], $0x200  }
0x30: {  	[sflag:s23] =	ssyncset.done $0x0  }
0x31: {  	[sflag:s23] =	ssyncadd.s32 $0xFFFFFE00  }
0x32: {  	[bflag:$0x0] =	sbarrier.arrive $0xFFFF  }
0x33: {  	[tilespmem:s20], [sflag:$0x6] =	stream.linear.gather [spmem:s10], $0x13C0, $0x38;
	[tilespmem:$0x95A0] =	vst v63  }
0x34: {  	s28 =	sadd.s32 $0x1, s28;
	_ =	swait.ge [sflag:s21], $0x13C0  }
0x35: {  	p1 =	sne.s32 s28, s12;
	[sflag:s21] =	ssyncset.done $0x0  }
.Ltmp1:
0x36: {  	[sflag:s21] =	ssyncadd.s32 $0xFFFFEC40;
	(pc) =	sbr.rel @!p1 .LBB2_9-.Ltmp1, $4  }
0x37: {  	[hbm4b:s11+s3] =	stream.linear.scatter [tilespmem:s20], [sflag:$0x6], $0x13C0, $0x38;
	[tilespmem:$0x95A0] =	vst v63  }
0x38: {  	_ =	swait.ge [sflag:s21], $0x13C0  }
0x39: {  	[sflag:s21] =	ssyncset.done $0x0  }
0x3a: {  	[sflag:s21] =	ssyncadd.s32 $0xFFFFEC40  }
.LBB2_1:
0x3b: {  	s0 =	simm.s32 @p0 $0x0;
	s29 =	simm.s32 @p0 $0x3400  }
0x3c: {  	[tilespmem:s29], [sflag:$0x6] =	stream.linear.gather @p0 [hbm4b:s5+s0], $0x3400, $0x38;
	[tilespmem:$0x95A0] =	vst v63  }
0x3d: {  	s29 =	simm.s32 @p0 $0x6  }
0x3e: {  	_ =	swait.ge @p0 [sflag:s29], $0x3400  }
0x3f: {  	[sflag:s29] =	ssyncset.done @p0 $0x0  }
0x40: {  	[sflag:s29] =	ssyncadd.s32 @p0 $0xFFFFCC00  }
0x41: {  	[tilespmem:s0], [sflag:$0x6] =	stream.linear.gather @p0 [hbm4b:s6+s0], $0x3400, $0x38;
	[tilespmem:$0x95A0] =	vst v63  }
0x42: {  	_ =	swait.ge @p0 [sflag:s29], $0x3400  }
0x43: {  	[sflag:s29] =	ssyncset.done @p0 $0x0  }
0x44: {  	s0 =	simm.s32 @!p0 $0x0;
	[sflag:s29] =	ssyncadd.s32 @p0 $0xFFFFCC00;
	s29 =	simm.s32 @!p0 $0x3400  }
0x45: {  	[tilespmem:s29], [sflag:$0x6] =	stream.linear.gather @!p0 [hbm4b:s7+s0], $0x1C00, $0x38;
	[tilespmem:$0x95A0] =	vst v63  }
0x46: {  	s29 =	simm.s32 @!p0 $0x6  }
0x47: {  	_ =	swait.ge @!p0 [sflag:s29], $0x1C00  }
0x48: {  	[sflag:s29] =	ssyncset.done @!p0 $0x0  }
0x49: {  	[sflag:s29] =	ssyncadd.s32 @!p0 $0xFFFFE400  }
0x4a: {  	[tilespmem:s0], [sflag:$0x6] =	stream.linear.gather @!p0 [hbm4b:s8+s0], $0x1C00, $0x38;
	[tilespmem:$0x95A0] =	vst v63  }
0x4b: {  	_ =	swait.ge @!p0 [sflag:s29], $0x1C00  }
0x4c: {  	[sflag:s29] =	ssyncset.done @!p0 $0x0  }
0x4d: {  	[sflag:s29] =	ssyncadd.s32 @!p0 $0xFFFFE400  }
0x4e: {  	[tilespmem:s14], [sflag:$0x2] =	stream.indirect.gather [hbm4b:s4+s13], $0x4, s3, s13, $0xb8;
	[tilespmem:$0x95A0] =	vst v63  }
0x4f: {  	_ = 	snop  }
0x50: {  	[tilespmem:s15], [sflag:$0x3] =	stream.indirect.gather [hbm4b:s4+s13], $0x4, s13, s13, $0xb8;
	[tilespmem:$0x95A0] =	vst v63  }
0x51: {  	_ = 	snop  }
0x52: {  	[tilespmem:s17], [sflag:$0x4] =	stream.indirect.gather [hbm4b:s4+s13], $0x4, s16, s13, $0xb8;
	[tilespmem:$0x95A0] =	vst v63  }
0x53: {  	_ = 	snop  }
0x54: {  	[tilespmem:s19], [sflag:$0x5] =	stream.indirect.gather [hbm4b:s4+s13], $0x4, s18, s13, $0xb8;
	[tilespmem:$0x95A0] =	vst v63  }
0x55: {  	_ = 	snop  }
0x56: {  	[tilespmem:s20], [sflag:$0x6] =	stream.linear.gather [hbm4b:s9+s3], $0x13C0, $0x38;
	[tilespmem:$0x95A0] =	vst v63  }
0x57: {  	_ =	swait.ge [sflag:s21], $0x13C0  }
0x58: {  	[sflag:s21] =	ssyncset.done $0x0  }
0x59: {  	[sflag:s21] =	ssyncadd.s32 $0xFFFFEC40  }
0x5a: {  	[spmem:s10] =	stream.linear.scatter [tilespmem:s20], [sflag:$0x6], $0x13C0, $0x38;
	[tilespmem:$0x95A0] =	vst v63  }
.Ltmp2:
0x5b: {  	_ =	swait.ge [sflag:s21], $0x13C0;
	(pc) =	sbr.rel @p0 .LBB2_5-.Ltmp2, $3  }
0x5c: {  	[sflag:s21] =	ssyncset.done $0x0  }
0x5d: {  	[sflag:s21] =	ssyncadd.s32 $0xFFFFEC40  }
0x5e: {  	[bflag:$0x0] =	sbarrier.arrive $0xFFFF;
	_ =	sdelay $0x1  }
0x5f: {  	_ =	swait.ge [sflag:s22], $0x200  }
0x60: {  	[sflag:s22] =	ssyncset.done $0x0  }
0x61: {  	s0 =	simm.s32 $0x3400;
	[sflag:s22] =	ssyncadd.s32 $0xFFFFFE00  }
0x62: {  	[spmem:s2] =	stream.indirect.scatter.add.f32 [tilespmem:s14], [sflag:$0x1], $0x4, s0, s13, $0xb8;
	[tilespmem:$0x95A0] =	vst v63  }
0x63: {  	_ =	swait.ge [sflag:s23], $0x200  }
0x64: {  	[sflag:s23] =	ssyncset.done $0x0  }
0x65: {  	s31 =	simm.s32 $0x200;
	[sflag:s23] =	ssyncadd.s32 $0xFFFFFE00  }
0x66: {  	[tilespmem:s14], [sflag:$0x2] =	stream.indirect.gather [hbm4b:s4+s13], $0x4, s31, s13, $0xb8;
	[tilespmem:$0x95A0] =	vst v63  }
0x67: {  	_ =	swait.ge [sflag:s24], $0x200  }
0x68: {  	[sflag:s24] =	ssyncset.done $0x0  }
0x69: {  	s31 =	simm.s32 $0x3480;
	[sflag:s24] =	ssyncadd.s32 $0xFFFFFE00  }
0x6a: {  	[spmem:s2] =	stream.indirect.scatter.add.f32 [tilespmem:s15], [sflag:$0x1], $0x4, s31, s13, $0xb8;
	[tilespmem:$0x95A0] =	vst v63  }
0x6b: {  	_ =	swait.ge [sflag:s23], $0x200  }
0x6c: {  	[sflag:s23] =	ssyncset.done $0x0  }
0x6d: {  	s31 =	simm.s32 $0x280;
	[sflag:s23] =	ssyncadd.s32 $0xFFFFFE00  }
0x6e: {  	[tilespmem:s15], [sflag:$0x3] =	stream.indirect.gather [hbm4b:s4+s13], $0x4, s31, s13, $0xb8;
	[tilespmem:$0x95A0] =	vst v63  }
0x6f: {  	_ =	swait.ge [sflag:s25], $0x200  }
0x70: {  	[sflag:s25] =	ssyncset.done $0x0  }
0x71: {  	s31 =	simm.s32 $0x3500;
	[sflag:s25] =	ssyncadd.s32 $0xFFFFFE00  }
0x72: {  	[spmem:s2] =	stream.indirect.scatter.add.f32 [tilespmem:s17], [sflag:$0x1], $0x4, s31, s13, $0xb8;
	[tilespmem:$0x95A0] =	vst v63  }
0x73: {  	_ =	swait.ge [sflag:s23], $0x200  }
0x74: {  	[sflag:s23] =	ssyncset.done $0x0  }
0x75: {  	s31 =	simm.s32 $0x300;
	[sflag:s23] =	ssyncadd.s32 $0xFFFFFE00  }
0x76: {  	[tilespmem:s17], [sflag:$0x4] =	stream.indirect.gather [hbm4b:s4+s13], $0x4, s31, s13, $0xb8;
	[tilespmem:$0x95A0] =	vst v63  }
0x77: {  	_ =	swait.ge [sflag:s26], $0x200  }
0x78: {  	p1 =	por $0x0, $0x0;
	[sflag:s26] =	ssyncset.done $0x0  }
.Ltmp3:
0x79: {  	s31 =	simm.s32 $0x3580;
	[sflag:s26] =	ssyncadd.s32 $0xFFFFFE00;
	(pc) =	sbr.rel @p1 .LBB2_4-.Ltmp3, $4  }
0x7a: {  	[spmem:s2] =	stream.indirect.scatter.add.f32 [tilespmem:s19], [sflag:$0x1], $0x4, s31, s13, $0xb8;
	[tilespmem:$0x95A0] =	vst v63  }
0x7b: {  	_ =	swait.ge [sflag:s23], $0x200  }
0x7c: {  	[sflag:s23] =	ssyncset.done $0x0  }
0x7d: {  	s29 =	simm.s32 $0x800;
	s30 =	simm.s32 $0x380;
	[sflag:s23] =	ssyncadd.s32 $0xFFFFFE00  }
.LBB2_3:
0x7e: {  	[tilespmem:s19], [sflag:$0x5] =	stream.indirect.gather [hbm4b:s4+s13], $0x4, s30, s13, $0xb8;
	[tilespmem:$0x95A0] =	vst v63  }
0x7f: {  	s0 =	smov.u32 s29  }
0x80: {  	p1 =	seq.s32 s29, $0x6000;
	s29 =	sadd.s32 $0x800, s29;
	_ =	swait.ge [sflag:s22], $0x200  }
0x81: {  	s30 =	sshra.s32 s0, $0x2;
	[sflag:s22] =	ssyncset.done $0x0  }
0x82: {  	s0 =	sadd.s32 $0x3400, s30;
	[sflag:s22] =	ssyncadd.s32 $0xFFFFFE00  }
0x83: {  	[spmem:s2] =	stream.indirect.scatter.add.f32 [tilespmem:s14], [sflag:$0x1], $0x4, s0, s13, $0xb8;
	[tilespmem:$0x95A0] =	vst v63  }
0x84: {  	_ =	swait.ge [sflag:s23], $0x200  }
0x85: {  	[sflag:s23] =	ssyncset.done $0x0  }
0x86: {  	s0 =	sadd.s32 $0x200, s30;
	[sflag:s23] =	ssyncadd.s32 $0xFFFFFE00  }
0x87: {  	[tilespmem:s14], [sflag:$0x2] =	stream.indirect.gather [hbm4b:s4+s13], $0x4, s0, s13, $0xb8;
	[tilespmem:$0x95A0] =	vst v63  }
0x88: {  	_ =	swait.ge [sflag:s24], $0x200  }
0x89: {  	[sflag:s24] =	ssyncset.done $0x0  }
0x8a: {  	s0 =	sadd.s32 $0x3480, s30;
	[sflag:s24] =	ssyncadd.s32 $0xFFFFFE00  }
0x8b: {  	[spmem:s2] =	stream.indirect.scatter.add.f32 [tilespmem:s15], [sflag:$0x1], $0x4, s0, s13, $0xb8;
	[tilespmem:$0x95A0] =	vst v63  }
0x8c: {  	_ =	swait.ge [sflag:s23], $0x200  }
0x8d: {  	[sflag:s23] =	ssyncset.done $0x0  }
0x8e: {  	s0 =	sadd.s32 $0x280, s30;
	[sflag:s23] =	ssyncadd.s32 $0xFFFFFE00  }
0x8f: {  	[tilespmem:s15], [sflag:$0x3] =	stream.indirect.gather [hbm4b:s4+s13], $0x4, s0, s13, $0xb8;
	[tilespmem:$0x95A0] =	vst v63  }
0x90: {  	_ =	swait.ge [sflag:s25], $0x200  }
0x91: {  	[sflag:s25] =	ssyncset.done $0x0  }
0x92: {  	s0 =	sadd.s32 $0x3500, s30;
	[sflag:s25] =	ssyncadd.s32 $0xFFFFFE00  }
0x93: {  	[spmem:s2] =	stream.indirect.scatter.add.f32 [tilespmem:s17], [sflag:$0x1], $0x4, s0, s13, $0xb8;
	[tilespmem:$0x95A0] =	vst v63  }
0x94: {  	_ =	swait.ge [sflag:s23], $0x200  }
0x95: {  	[sflag:s23] =	ssyncset.done $0x0  }
0x96: {  	s0 =	sadd.s32 $0x300, s30;
	[sflag:s23] =	ssyncadd.s32 $0xFFFFFE00  }
0x97: {  	[tilespmem:s17], [sflag:$0x4] =	stream.indirect.gather [hbm4b:s4+s13], $0x4, s0, s13, $0xb8;
	[tilespmem:$0x95A0] =	vst v63  }
0x98: {  	_ =	swait.ge [sflag:s26], $0x200  }
0x99: {  	[sflag:s26] =	ssyncset.done $0x0  }
.Ltmp4:
0x9a: {  	s0 =	sadd.s32 $0x3580, s30;
	[sflag:s26] =	ssyncadd.s32 $0xFFFFFE00;
	(pc) =	sbr.rel @!p1 .LBB2_3-.Ltmp4, $4  }
0x9b: {  	[spmem:s2] =	stream.indirect.scatter.add.f32 [tilespmem:s19], [sflag:$0x1], $0x4, s0, s13, $0xb8;
	[tilespmem:$0x95A0] =	vst v63  }
0x9c: {  	_ =	swait.ge [sflag:s23], $0x200  }
0x9d: {  	[sflag:s23] =	ssyncset.done $0x0  }
0x9e: {  	s30 =	sadd.s32 $0x380, s30;
	[sflag:s23] =	ssyncadd.s32 $0xFFFFFE00  }
.Ltmp5:
0x9f: {  	_ = 	snop;
	(pc) =	sbr.rel .LBB2_4-.Ltmp5, $1  }
0xa0: {  	_ =	sdelay $0x3  }
.LBB2_5:
0xa1: {  	_ =	swait.ge [sflag:s22], $0x200  }
0xa2: {  	[sflag:s22] =	ssyncset.done $0x0  }
0xa3: {  	s0 =	simm.s32 $0x3400;
	[sflag:s22] =	ssyncadd.s32 $0xFFFFFE00  }
0xa4: {  	[spmem:s2] =	stream.indirect.scatter.add.f32 [tilespmem:s14], [sflag:$0x1], $0x4, s0, s13, $0xb8;
	[tilespmem:$0x95A0] =	vst v63  }
0xa5: {  	_ =	swait.ge [sflag:s23], $0x200  }
0xa6: {  	[sflag:s23] =	ssyncset.done $0x0  }
0xa7: {  	s30 =	simm.s32 $0x200;
	[sflag:s23] =	ssyncadd.s32 $0xFFFFFE00  }
0xa8: {  	[tilespmem:s14], [sflag:$0x2] =	stream.indirect.gather [hbm4b:s4+s13], $0x4, s30, s13, $0xb8;
	[tilespmem:$0x95A0] =	vst v63  }
0xa9: {  	_ =	swait.ge [sflag:s24], $0x200  }
0xaa: {  	[sflag:s24] =	ssyncset.done $0x0  }
0xab: {  	s31 =	simm.s32 $0x3480;
	[sflag:s24] =	ssyncadd.s32 $0xFFFFFE00  }
0xac: {  	[spmem:s2] =	stream.indirect.scatter.add.f32 [tilespmem:s15], [sflag:$0x1], $0x4, s31, s13, $0xb8;
	[tilespmem:$0x95A0] =	vst v63  }
0xad: {  	_ =	swait.ge [sflag:s23], $0x200  }
0xae: {  	[sflag:s23] =	ssyncset.done $0x0  }
0xaf: {  	s30 =	simm.s32 $0x280;
	[sflag:s23] =	ssyncadd.s32 $0xFFFFFE00  }
0xb0: {  	[tilespmem:s15], [sflag:$0x3] =	stream.indirect.gather [hbm4b:s4+s13], $0x4, s30, s13, $0xb8;
	[tilespmem:$0x95A0] =	vst v63  }
0xb1: {  	_ =	swait.ge [sflag:s25], $0x200  }
0xb2: {  	[sflag:s25] =	ssyncset.done $0x0  }
0xb3: {  	s31 =	simm.s32 $0x3500;
	[sflag:s25] =	ssyncadd.s32 $0xFFFFFE00  }
0xb4: {  	[spmem:s2] =	stream.indirect.scatter.add.f32 [tilespmem:s17], [sflag:$0x1], $0x4, s31, s13, $0xb8;
	[tilespmem:$0x95A0] =	vst v63  }
0xb5: {  	_ =	swait.ge [sflag:s23], $0x200  }
0xb6: {  	[sflag:s23] =	ssyncset.done $0x0  }
0xb7: {  	s30 =	simm.s32 $0x300;
	[sflag:s23] =	ssyncadd.s32 $0xFFFFFE00  }
0xb8: {  	[tilespmem:s17], [sflag:$0x4] =	stream.indirect.gather [hbm4b:s4+s13], $0x4, s30, s13, $0xb8;
	[tilespmem:$0x95A0] =	vst v63  }
0xb9: {  	_ =	swait.ge [sflag:s26], $0x200  }
0xba: {  	[sflag:s26] =	ssyncset.done $0x0  }
0xbb: {  	s31 =	simm.s32 $0x3580;
	[sflag:s26] =	ssyncadd.s32 $0xFFFFFE00  }
0xbc: {  	[spmem:s2] =	stream.indirect.scatter.add.f32 [tilespmem:s19], [sflag:$0x1], $0x4, s31, s13, $0xb8;
	[tilespmem:$0x95A0] =	vst v63  }
0xbd: {  	_ =	swait.ge [sflag:s23], $0x200  }
0xbe: {  	[sflag:s23] =	ssyncset.done $0x0  }
0xbf: {  	s29 =	simm.s32 $0x800;
	s0 =	simm.s32 $0x380;
	[sflag:s23] =	ssyncadd.s32 $0xFFFFFE00  }
.LBB2_6:
0xc0: {  	[tilespmem:s19], [sflag:$0x5] =	stream.indirect.gather [hbm4b:s4+s13], $0x4, s0, s13, $0xb8;
	[tilespmem:$0x95A0] =	vst v63  }
0xc1: {  	s0 =	smov.u32 s29  }
0xc2: {  	p1 =	sne.s32 s29, $0xC000;
	s29 =	sadd.s32 $0x800, s29;
	_ =	swait.ge [sflag:s22], $0x200  }
0xc3: {  	s30 =	sshra.s32 s0, $0x2;
	[sflag:s22] =	ssyncset.done $0x0  }
0xc4: {  	s0 =	sadd.s32 $0x3400, s30;
	[sflag:s22] =	ssyncadd.s32 $0xFFFFFE00  }
0xc5: {  	[spmem:s2] =	stream.indirect.scatter.add.f32 [tilespmem:s14], [sflag:$0x1], $0x4, s0, s13, $0xb8;
	[tilespmem:$0x95A0] =	vst v63  }
0xc6: {  	_ =	swait.ge [sflag:s23], $0x200  }
0xc7: {  	[sflag:s23] =	ssyncset.done $0x0  }
0xc8: {  	s0 =	sadd.s32 $0x200, s30;
	[sflag:s23] =	ssyncadd.s32 $0xFFFFFE00  }
0xc9: {  	[tilespmem:s14], [sflag:$0x2] =	stream.indirect.gather [hbm4b:s4+s13], $0x4, s0, s13, $0xb8;
	[tilespmem:$0x95A0] =	vst v63  }
0xca: {  	_ =	swait.ge [sflag:s24], $0x200  }
0xcb: {  	[sflag:s24] =	ssyncset.done $0x0  }
0xcc: {  	s0 =	sadd.s32 $0x3480, s30;
	[sflag:s24] =	ssyncadd.s32 $0xFFFFFE00  }
0xcd: {  	[spmem:s2] =	stream.indirect.scatter.add.f32 [tilespmem:s15], [sflag:$0x1], $0x4, s0, s13, $0xb8;
	[tilespmem:$0x95A0] =	vst v63  }
0xce: {  	_ =	swait.ge [sflag:s23], $0x200  }
0xcf: {  	[sflag:s23] =	ssyncset.done $0x0  }
0xd0: {  	s0 =	sadd.s32 $0x280, s30;
	[sflag:s23] =	ssyncadd.s32 $0xFFFFFE00  }
0xd1: {  	[tilespmem:s15], [sflag:$0x3] =	stream.indirect.gather [hbm4b:s4+s13], $0x4, s0, s13, $0xb8;
	[tilespmem:$0x95A0] =	vst v63  }
0xd2: {  	_ =	swait.ge [sflag:s25], $0x200  }
0xd3: {  	[sflag:s25] =	ssyncset.done $0x0  }
0xd4: {  	s0 =	sadd.s32 $0x3500, s30;
	[sflag:s25] =	ssyncadd.s32 $0xFFFFFE00  }
0xd5: {  	[spmem:s2] =	stream.indirect.scatter.add.f32 [tilespmem:s17], [sflag:$0x1], $0x4, s0, s13, $0xb8;
	[tilespmem:$0x95A0] =	vst v63  }
0xd6: {  	_ =	swait.ge [sflag:s23], $0x200  }
0xd7: {  	[sflag:s23] =	ssyncset.done $0x0  }
0xd8: {  	s0 =	sadd.s32 $0x300, s30;
	[sflag:s23] =	ssyncadd.s32 $0xFFFFFE00  }
0xd9: {  	[tilespmem:s17], [sflag:$0x4] =	stream.indirect.gather [hbm4b:s4+s13], $0x4, s0, s13, $0xb8;
	[tilespmem:$0x95A0] =	vst v63  }
0xda: {  	_ =	swait.ge [sflag:s26], $0x200  }
0xdb: {  	[sflag:s26] =	ssyncset.done $0x0  }
.Ltmp6:
0xdc: {  	s0 =	sadd.s32 $0x3580, s30;
	[sflag:s26] =	ssyncadd.s32 $0xFFFFFE00;
	(pc) =	sbr.rel @p1 .LBB2_6-.Ltmp6, $4  }
0xdd: {  	[spmem:s2] =	stream.indirect.scatter.add.f32 [tilespmem:s19], [sflag:$0x1], $0x4, s0, s13, $0xb8;
	[tilespmem:$0x95A0] =	vst v63  }
0xde: {  	_ =	swait.ge [sflag:s23], $0x200  }
0xdf: {  	[sflag:s23] =	ssyncset.done $0x0  }
0xe0: {  	s0 =	sadd.s32 $0x380, s30;
	[sflag:s23] =	ssyncadd.s32 $0xFFFFFE00  }
.Ltmp7:
0xe1: {  	(pc) =	sbr.rel .LBB2_8-.Ltmp7, $4  }
0xe2: {  	_ = 	snop  }
0xe3: {  	[tilespmem:s19], [sflag:$0x5] =	stream.indirect.gather [hbm4b:s4+s13], $0x4, s0, s13, $0xb8;
	[tilespmem:$0x95A0] =	vst v63  }
0xe4: {  	s29 =	simm.s32 $0x6780  }
0xe5: {  	s30 =	simm.s32 $0x6700;
	s31 =	simm.s32 $0x6680;
	s0 =	simm.s32 $0x6600  }
.LBB2_9:
0xe6: {  	_ =	sfence.sel $0x180000  }
0xe7: {  	[bflag:$0x0] =	sbarrier.arrive $0xFFFF  }
0xe8: {  	_ =	strace $0x9000004A  }
0xe9: {  	[bflag:$0x2] =	sbarrier.arrive $0xFFFF  }
0xea: {  	p0 =	sne.s32 s1, $0x0;
	s0 =	rddreg [dreg:$0x3]  }
0xeb: {  	s0 =	sadd.s32 @!p0 $0x100000, s0  }
0xec: {  	[sflag:s0] =	ssyncadd.tile.s32 @!p0 $0x1;
	_ =	shalt  }
.Lfunc_end2:
_tile_overlayer_lowered:
.L_overlay_start_2:
0xed: {  	(tag) =	ssettag $0x2  }
0xee: {  	s0 =	rddreg [dreg:$0x0];
	s2 =	stileid.u32  }
0xef: {  	s1 =	rddreg [dreg:$0x1];
	p0 =	sne.s32 s2, $0x0  }
0xf0: {  	s3 =	rddreg [dreg:$0x2];
	[bflag:$0x3] =	sbarrier.arrive $0xFFFF;
	s2 =	simm.s32 @!p0 $0x1C06  }
0xf1: {  	[timem:s3], [sflag:s2] =	dma.local @!p0 [hbm:s0], s1  }
0xf2: {  	s0 =	simm.s32 @!p0 $0x6  }
0xf3: {  	_ =	swait.ge @!p0 [sflag:s0], s1  }
0xf4: {  	s1 =	ssub.s32 @!p0 $0x0, s1;
	[sflag:s0] =	ssyncset.done @!p0 $0x0  }
0xf5: {  	[sflag:s0] =	ssyncadd.s32 @!p0 s1  }
0xf6: {  	[bflag:$0x3] =	sbarrier.arrive $0xFFFF  }
0xf7: {  	_ =	shalt  }

// kernel: kernel.16.cloned.1.call-start
scs
__scs_entry_jumppad:
0x0: {  	(pc) =	sbr.rel $0x88, $3  }
0x1: {  	(tag) =	ssettag $0x0;
	lr =	simm.s32 $0x1  }
0x2: {  	[smem:$0x3F97] =	sst lr;
	_ =	strace $0xD0000000  }
0x3: {  	_ = 	snop  }
0x4: {  	_ = 	snop  }
0x5: {  	_ = 	snop  }
0x6: {  	_ = 	snop  }
0x7: {  	_ = 	snop  }
__scs_overlays_trampoline_lowered:
0x8: {  	[smem:$0x3FA6] =	sst s0  }
0x9: {  	[smem:$0x3FA7] =	sst s1  }
0xa: {  	[smem:$0x3FA8] =	sst s2  }
0xb: {  	[smem:$0x3FA9] =	sst s3  }
0xc: {  	[smem:$0x3FAA] =	sst s4  }
0xd: {  	[smem:$0x3FAB] =	sst s5  }
0xe: {  	[smem:$0x3FAC] =	sst s6  }
0xf: {  	[smem:$0x3FAD] =	sst s7  }
0x10: {  	[smem:$0x3FAE] =	sst s8  }
0x11: {  	[smem:$0x3FAF] =	sst s9;
	s0 =	simm.s32 @!p0 $0x0  }
0x12: {  	s1 =	sld [smem:$0x3F95];
	s0 =	simm.s32 @p0 $0x1  }
0x13: {  	[smem:$0x3FB0] =	sst s0;
	s0 =	simm.s32 @!p1 $0x0  }
0x14: {  	s2 =	sld [smem:$0x3F94];
	s0 =	simm.s32 @p1 $0x1  }
0x15: {  	[smem:$0x3FB1] =	sst s0;
	s0 =	simm.s32 @!p2 $0x0  }
0x16: {  	s3 =	sld [smem:$0x3FDB];
	s0 =	simm.s32 @p2 $0x1  }
0x17: {  	s4 =	simm.s32 $0x1BF5;
	[smem:$0x3FB3] =	sst s0  }
0x18: {  	s0 =	sld [smem:$0x3F96];
	_ =	swait.ge [sflag:s4], $0x0  }
0x19: {  	s7 =	sld [smem:$0x3F97]  }
0x1a: {  	s8 =	sadd.s32 $0xFFFFE003, lr  }
0x1b: {  	s9 =	sadd.s32 $0xFFFFFEF7, lr;
	s5 =	simm.s32 $0xFFFFFFFF;
	p2 =	slt.u32 s8, $0xFFFFF086  }
0x1c: {  	p1 =	slt.u32 s9, $0xF7A;
	s5 =	simm.s32 @!p2 $0x0  }
0x1d: {  	s5 =	simm.s32 @p1 $0x1;
	p0 =	seq.s32 s7, s2  }
0x1e: {  	s7 =	smul.u32 @!p0 $0xF7A, s2;
	p2 =	seq.s32 @!p0 s5, $0x0  }
0x1f: {  	s9 =	smul.u32 $0xF7A, s1;
	s8 =	simm.s32 @!p0 $0x1BF5;
	p2 =	por !p2, p0  }
0x20: {  	[sflag:s8] =	ssyncset.s32 @!p0 $0xFFFFF086;
	s6 =	sadd.s32 @!p0 s3, s7;
	s7 =	simm.s32 @!p0 $0x108  }
0x21: {  	s3 =	sadd.s32 s3, s9;
	s6 =	sadd.s32 @!p0 $0x88, s6;
	s7 =	simm.s32 @p2 $0x1082  }
0x22: {  	[simem:s7], [sflag:s8] =	dma.local @!p0 [hbm:s6], $0xF7A  }
0x23: {  	s9 =	sor.u32 $0xD0000000, s2;
	s6 =	simm.s32 $0x108;
	_ =	swait.ge @!p0 [sflag:s8], $0x0  }
0x24: {  	s3 =	sadd.s32 $0x88, s3;
	s6 =	simm.s32 @!p1 $0x1082;
	[sflag:s4] =	ssyncset.s32 $0xFFFFF086  }
0x25: {  	[simem:s6], [sflag:s4] =	dma.local [hbm:s3], $0xF7A  }
0x26: {  	[smem:$0x3F97] =	sst s1;
	(tag) =	ssettag s2;
	_ =	strace s9  }
0x27: {  	s1 =	sld [smem:$0x3FA7]  }
0x28: {  	s2 =	sld [smem:$0x3FA8]  }
0x29: {  	s4 =	sld [smem:$0x3FAA]  }
0x2a: {  	p0 =	seq.s32 s5, $0x0;
	s5 =	sld [smem:$0x3FAB]  }
0x2b: {  	s6 =	sld [smem:$0x3FAC]  }
0x2c: {  	s7 =	sld [smem:$0x3FAD]  }
0x2d: {  	s3 =	simm.s32 $0x108;
	s8 =	sld [smem:$0x3FAE]  }
0x2e: {  	s3 =	simm.s32 @!p0 $0x1082;
	s9 =	sld [smem:$0x3FAF]  }
0x2f: {  	lr =	sadd.s32 s0, s3;
	s0 =	sld [smem:$0x3FA6]  }
0x30: {  	s3 =	sld [smem:$0x3FA9]  }
0x31: {  	[smem:$0x3FB2] =	sst s10  }
0x32: {  	s10 =	sld [smem:$0x3FB0];
	_ =	sdelay $0x3  }
0x33: {  	p0 =	seq.s32 s10, $0x1;
	s10 =	sld [smem:$0x3FB2];
	_ =	sdelay $0x3  }
0x34: {  	[smem:$0x3FB2] =	sst s10  }
0x35: {  	s10 =	sld [smem:$0x3FB1];
	_ =	sdelay $0x3  }
0x36: {  	p1 =	seq.s32 s10, $0x1;
	s10 =	sld [smem:$0x3FB2];
	_ =	sdelay $0x3  }
0x37: {  	[smem:$0x3FB2] =	sst s10  }
0x38: {  	s10 =	sld [smem:$0x3FB3]  }
0x39: {  	_ = 	snop;
	(pc) =	sbr.ind lr, $3  }
0x3a: {  	_ = 	snop  }
0x3b: {  	_ = 	snop  }
0x3c: {  	p2 =	seq.s32 s10, $0x1;
	s10 =	sld [smem:$0x3FB2]  }
0x3d: {  	_ =	shalt  }
0x3e: {  	_ =	shalt  }
0x3f: {  	_ =	shalt  }
0x40: {  	_ =	shalt  }
0x41: {  	_ =	shalt  }
0x42: {  	_ =	shalt  }
0x43: {  	_ =	shalt  }
0x44: {  	_ =	shalt  }
0x45: {  	_ =	shalt  }
0x46: {  	_ =	shalt  }
0x47: {  	_ =	shalt  }
0x48: {  	_ =	shalt  }
0x49: {  	_ =	shalt  }
0x4a: {  	_ =	shalt  }
0x4b: {  	_ =	shalt  }
0x4c: {  	_ =	shalt  }
0x4d: {  	_ =	shalt  }
0x4e: {  	_ =	shalt  }
0x4f: {  	_ =	shalt  }
0x50: {  	_ =	shalt  }
0x51: {  	_ =	shalt  }
0x52: {  	_ =	shalt  }
0x53: {  	_ =	shalt  }
0x54: {  	_ =	shalt  }
0x55: {  	_ =	shalt  }
0x56: {  	_ =	shalt  }
0x57: {  	_ =	shalt  }
0x58: {  	_ =	shalt  }
0x59: {  	_ =	shalt  }
0x5a: {  	_ =	shalt  }
0x5b: {  	_ =	shalt  }
0x5c: {  	_ =	shalt  }
0x5d: {  	_ =	shalt  }
0x5e: {  	_ =	shalt  }
0x5f: {  	_ =	shalt  }
0x60: {  	_ =	shalt  }
0x61: {  	_ =	shalt  }
0x62: {  	_ =	shalt  }
0x63: {  	_ =	shalt  }
0x64: {  	_ =	shalt  }
0x65: {  	_ =	shalt  }
0x66: {  	_ =	shalt  }
0x67: {  	_ =	shalt  }
0x68: {  	_ =	shalt  }
0x69: {  	_ =	shalt  }
0x6a: {  	_ =	shalt  }
0x6b: {  	_ =	shalt  }
0x6c: {  	_ =	shalt  }
0x6d: {  	_ =	shalt  }
0x6e: {  	_ =	shalt  }
0x6f: {  	_ =	shalt  }
0x70: {  	_ =	shalt  }
0x71: {  	_ =	shalt  }
0x72: {  	_ =	shalt  }
0x73: {  	_ =	shalt  }
0x74: {  	_ =	shalt  }
0x75: {  	_ =	shalt  }
0x76: {  	_ =	shalt  }
0x77: {  	_ =	shalt  }
0x78: {  	_ =	shalt  }
0x79: {  	_ =	shalt  }
0x7a: {  	_ =	shalt  }
0x7b: {  	_ =	shalt  }
0x7c: {  	_ =	shalt  }
0x7d: {  	_ =	shalt  }
0x7e: {  	_ =	shalt  }
0x7f: {  	_ =	shalt  }
0x80: {  	_ =	shalt  }
0x81: {  	_ =	shalt  }
0x82: {  	_ =	shalt  }
0x83: {  	_ =	shalt  }
0x84: {  	_ =	shalt  }
0x85: {  	_ =	shalt  }
0x86: {  	_ =	shalt  }
0x87: {  	_ =	shalt  }
.Lfunc_end0:
.L_simem_size_0:
called_computation.2_lowered:
.L_overlay_start_0:
0x88: {  	s2 =	sld [smem:$0x3FD9]  }
0x89: {  	s3 =	sld [smem:$0x3FFE];
	_ =	sdelay $0x1  }
0x8a: {  	s1 =	srdreg.scid  }
0x8b: {  	s0 =	sand.u32 $0x1, s1  }
0x8c: {  	s14 =	sshll.u32 s0, $0xA;
	s2 =	sadd.s32 s3, s2  }
0x8d: {  	s2 =	sadd.s32 s2, s14  }
0x8e: {  	[smem:$0x3FBE] =	sst s2  }
0x8f: {  	_ = 	snop  }
0x90: {  	s2 =	sld [smem:$0x3FD0];
	_ =	sdelay $0x2  }
0x91: {  	s15 =	simm.s32 $0xA;
	s4 =	simm.s32 $0x10  }
0x92: {  	[smem:s4], [sflag:s15] =	dma.local [hbm:s2], $0x1  }
0x93: {  	_ =	swait.eq [sflag:s15], $0x1  }
0x94: {  	[sflag:s15] =	ssyncset.done $0x0  }
0x95: {  	[sflag:s15] =	ssyncadd.s32 $0xFFFFFFFF  }
0x96: {  	s16 =	sld [smem:$0x10];
	(tm) =	ssettm $0x1  }
0x97: {  	s17 =	sld [smem:$0x3FFB];
	_ =	sdelay $0x3  }
0x98: {  	_ =	strace s17  }
0x99: {  	s3 =	sld [smem:$0x3FFC];
	_ =	sdelay $0x3  }
0x9a: {  	_ =	strace s3  }
0x9b: {  	s3 =	sld [smem:$0x3FFD];
	_ =	sdelay $0x3  }
0x9c: {  	_ =	strace s3  }
0x9d: {  	_ =	strace $0x8FFFFFFF  }
0x9e: {  	s18 =	sld [smem:$0x3FDB];
	_ =	sdelay $0x1  }
0x9f: {  	s19 =	simm.s32 $_scs_section_size  }
0xa0: {  	s5 =	simm.s32 $_size__tile_overlayer_lowered;
	s6 =	simm.s32 $_tile_overlayer_lowered  }
0xa1: {  	s22 =	simm.s32 $0x1BFF;
	s21 =	sshll.u32 s6, $0x1;
	s3 =	sadd.s32 s19, s18  }
0xa2: {  	s7 =	simm.s32 $0x0;
	s20 =	sshll.u32 s5, $0x1;
	s5 =	sadd.s32 s21, s3  }
0xa3: {  	[timem:s7], [sflag:s22] =	dma.local [hbm:s5], s20  }
0xa4: {  	_ =	swait.ge [sflag:s22], s20  }
0xa5: {  	s4 =	ssub.s32 $0x0, s20;
	[sflag:s22] =	ssyncset.done $0x0  }
0xa6: {  	[sflag:s22] =	ssyncadd.s32 s4;
	_ =	sdelay $0x1  }
0xa7: {  	s23 =	simm.s32 $0x1B8B  }
0xa8: {  	_ =	swait.ge [sflag:s23], $0x1  }
0xa9: {  	[sflag:s23] =	ssyncset.done $0x0  }
0xaa: {  	s25 =	simm.s32 $0x1B8E;
	s24 =	sld [smem:$0x3FFE];
	[sflag:s23] =	ssyncadd.s32 $0xFFFFFFFF  }
0xab: {  	s26 =	simm.s32 $execute0_lowered;
	[smem:$0x3FD2] =	sst s25  }
0xac: {  	s5 =	sshll.u32 s26, $0x1;
	_ =	strace $0x8000004C;
	[dreg:$0x1] =	wrdreg $0xFFFFFFFF  }
0xad: {  	s28 =	simm.s32 $_size_execute0_lowered;
	s3 =	sadd.s32 s3, s5;
	[dreg:$0x0] =	wrdreg $0x0  }
0xae: {  	s5 =	sshll.u32 s28, $0x1;
	[dreg:$0x2] =	wrdreg s3  }
0xaf: {  	[dreg:$0x3] =	wrdreg s5  }
0xb0: {  	[dreg:$0x4] =	wrdreg $0xC0  }
0xb1: {  	_ =	task [dreg:s7], $0x5FFFF  }
0xb2: {  	[dreg:$0x1] =	wrdreg $0xFFFFFFFF  }
0xb3: {  	[dreg:$0x0] =	wrdreg $0x60  }
0xb4: {  	[dreg:$0x2] =	wrdreg s24  }
0xb5: {  	[dreg:$0x3] =	wrdreg s16  }
0xb6: {  	[dreg:$0x4] =	wrdreg $0x8BC00  }
0xb7: {  	[dreg:$0x5] =	wrdreg $0x9  }
0xb8: {  	_ =	task.clear_ibuf [dreg:s7], $0x6FFFF;
	_ =	strace $0x9000004C  }
0xb9: {  	s29 =	simm.s32 $0x9;
	_ =	strace $0x8000004E  }
0xba: {  	_ =	swait.ge [sflag:s29], $0x1  }
0xbb: {  	[sflag:s29] =	ssyncadd.s32 $0xFFFFFFFF  }
0xbc: {  	_ =	strace $0x9000004E  }
0xbd: {  	_ =	sfence  }
0xbe: {  	s30 =	sld [smem:$0x0];
	_ =	sdelay $0x2  }
0xbf: {  	s31 =	sshll.u32 s1, $0xD;
	s1 =	sshrl.u32 s1, $0x2  }
0xc0: {  	s3 =	sand.u32 $0x4000, s31;
	s1 =	sadd.s32 s1, s30  }
0xc1: {  	s0 =	sor.u32 s3, s0;
	s1 =	sshll.u32 s1, $0x11  }
0xc2: {  	s0 =	sor.u32 s1, s0  }
0xc3: {  	s0 =	sadd.s32 $0x8F2B, s0  }
0xc4: {  	[sflag:s0] =	ssyncadd.remote.s32 $0x1  }
0xc5: {  	_ =	sfence.sel $0xFFFF  }
0xc6: {  	[dreg:$0x0] =	wrdreg $0xFFFFFFFF;
	(pc) =	sbr.abs _section_cstart, $3  }
0xc7: {  	[dreg:$0x1] =	wrdreg $0xFFFFFFFF  }
0xc8: {  	_ =	task.clear_ibuf [dreg:s7], $0x2FFFF;
	_ =	strace $0x9FFFFFFF  }
0xc9: {  	(tm) =	ssettm $0x7FFFFFFF  }
tec
execute0_lowered:
.L_overlay_start_1:
0x0: {  	(tag) =	ssettag $0x1  }
0x1: {  	s0 =	rddreg [dreg:$0x0]  }
0x2: {  	s11 =	rddreg [dreg:$0x1]  }
0x3: {  	s2 =	rddreg [dreg:$0x2];
	s3 =	simm.s32 $0x0;
	s1 =	stileid.u32  }
0x4: {  	s6 =	srdreg.scid;
	s15 =	simm.s32 $0x6C00;
	s16 =	simm.s32 $0x100  }
0x5: {  	s17 =	simm.s32 $0x7000;
	s18 =	simm.s32 $0x180;
	s19 =	simm.s32 $0x7400  }
0x6: {  	s20 =	simm.s32 $0x7800;
	s21 =	simm.s32 $0x6;
	s22 =	simm.s32 $0x2  }
0x7: {  	s23 =	simm.s32 $0x1;
	s24 =	simm.s32 $0x3;
	s25 =	simm.s32 $0x4  }
0x8: {  	s28 =	simm.s32 $0x0;
	[smem:$0x7FF] =	sst s3;
	s10 =	smul.u32 $0x13C0, s1  }
0x9: {  	s8 =	sadd.s32 $0xEC00, s0;
	s7 =	sadd.s32 $0x4C00, s0;
	s9 =	smul.u32 $0x3400, s1  }
0xa: {  	s4 =	sadd.s32 $0x18C00, s0;
	s13 =	sand.u32 $0x1, s6;
	s30 =	smul.u32 $0x380, s1  }
0xb: {  	_ =	strace $0x8000004D;
	s26 =	ssub.s32 $0x2, s13;
	s14 =	smul.u32 $0x13C00, s13  }
0xc: {  	p0 =	sne.s32 s13, $0x0;
	s13 =	simm.s32 $0x80;
	s5 =	sshrl.u32 s10, $0x3  }
0xd: {  	s29 =	sshrl.u32 s9, $0x3;
	s12 =	sshrl.u32 s26, $0x1;
	s0 =	sadd.s32 s5, s0  }
.Ltmp0:
0xe: {  	s6 =	sadd.s32 $0x3800, s29;
	s12 =	ssub.s32 s26, s12;
	(pc) =	sbr.rel .LBB2_1-.Ltmp0, $4  }
0xf: {  	s14 =	sadd.s32 s10, s14;
	s10 =	sadd.s32 s10, s2;
	s26 =	simm.s32 $0x5  }
0x10: {  	s5 =	sadd.s32 s7, s6;
	s6 =	sadd.s32 s8, s6;
	s7 =	sadd.s32 s7, s30  }
0x11: {  	s8 =	sadd.s32 s8, s30;
	s9 =	sadd.s32 $0x2400, s0;
	s31 =	sshrl.u32 s14, $0x3  }
0x12: {  	s12 =	smax.u32 s12, $0x1;
	s14 =	simm.s32 $0x6800;
	s11 =	sadd.s32 s11, s31  }
.LBB2_4:
0x13: {  	[tilespmem:s19], [sflag:$0x5] =	stream.indirect.gather [hbm4b:s4+s13], $0x4, s30, s13, $0xb8;
	[tilespmem:$0x95A0] =	vst v63  }
0x14: {  	s29 =	simm.s32 $0x4F80  }
0x15: {  	s30 =	simm.s32 $0x4F00;
	s31 =	simm.s32 $0x4E80;
	s0 =	simm.s32 $0x4E00  }
.LBB2_8:
0x16: {  	_ =	swait.ge [sflag:s22], $0x200  }
0x17: {  	[sflag:s22] =	ssyncset.done $0x0  }
0x18: {  	[sflag:s22] =	ssyncadd.s32 $0xFFFFFE00  }
0x19: {  	[spmem:s2] =	stream.indirect.scatter.add.f32 [tilespmem:s14], [sflag:$0x1], $0x4, s0, s13, $0xb8;
	[tilespmem:$0x95A0] =	vst v63  }
0x1a: {  	_ =	swait.ge [sflag:s23], $0x200  }
0x1b: {  	[sflag:s23] =	ssyncset.done $0x0  }
0x1c: {  	[sflag:s23] =	ssyncadd.s32 $0xFFFFFE00  }
0x1d: {  	_ =	swait.ge [sflag:s24], $0x200  }
0x1e: {  	[sflag:s24] =	ssyncset.done $0x0  }
0x1f: {  	[sflag:s24] =	ssyncadd.s32 $0xFFFFFE00  }
0x20: {  	[spmem:s2] =	stream.indirect.scatter.add.f32 [tilespmem:s15], [sflag:$0x1], $0x4, s31, s13, $0xb8;
	[tilespmem:$0x95A0] =	vst v63  }
0x21: {  	_ =	swait.ge [sflag:s23], $0x200  }
0x22: {  	[sflag:s23] =	ssyncset.done $0x0  }
0x23: {  	[sflag:s23] =	ssyncadd.s32 $0xFFFFFE00  }
0x24: {  	_ =	swait.ge [sflag:s25], $0x200  }
0x25: {  	[sflag:s25] =	ssyncset.done $0x0  }
0x26: {  	[sflag:s25] =	ssyncadd.s32 $0xFFFFFE00  }
0x27: {  	[spmem:s2] =	stream.indirect.scatter.add.f32 [tilespmem:s17], [sflag:$0x1], $0x4, s30, s13, $0xb8;
	[tilespmem:$0x95A0] =	vst v63  }
0x28: {  	_ =	swait.ge [sflag:s23], $0x200  }
0x29: {  	[sflag:s23] =	ssyncset.done $0x0  }
0x2a: {  	[sflag:s23] =	ssyncadd.s32 $0xFFFFFE00  }
0x2b: {  	_ =	swait.ge [sflag:s26], $0x200  }
0x2c: {  	[sflag:s26] =	ssyncset.done $0x0  }
0x2d: {  	[sflag:s26] =	ssyncadd.s32 $0xFFFFFE00  }
0x2e: {  	[spmem:s2] =	stream.indirect.scatter.add.f32 [tilespmem:s19], [sflag:$0x1], $0x4, s29, s13, $0xb8;
	[tilespmem:$0x95A0] =	vst v63  }
0x2f: {  	_ =	swait.ge [sflag:s23], $0x200  }
0x30: {  	[sflag:s23] =	ssyncset.done $0x0  }
0x31: {  	[sflag:s23] =	ssyncadd.s32 $0xFFFFFE00  }
0x32: {  	[bflag:$0x0] =	sbarrier.arrive $0xFFFF  }
0x33: {  	[tilespmem:s20], [sflag:$0x6] =	stream.linear.gather [spmem:s10], $0x13C0, $0x38;
	[tilespmem:$0x95A0] =	vst v63  }
0x34: {  	s28 =	sadd.s32 $0x1, s28;
	_ =	swait.ge [sflag:s21], $0x13C0  }
0x35: {  	p1 =	sne.s32 s28, s12;
	[sflag:s21] =	ssyncset.done $0x0  }
.Ltmp1:
0x36: {  	[sflag:s21] =	ssyncadd.s32 $0xFFFFEC40;
	(pc) =	sbr.rel @!p1 .LBB2_9-.Ltmp1, $4  }
0x37: {  	[hbm4b:s11+s3] =	stream.linear.scatter [tilespmem:s20], [sflag:$0x6], $0x13C0, $0x38;
	[tilespmem:$0x95A0] =	vst v63  }
0x38: {  	_ =	swait.ge [sflag:s21], $0x13C0  }
0x39: {  	[sflag:s21] =	ssyncset.done $0x0  }
0x3a: {  	[sflag:s21] =	ssyncadd.s32 $0xFFFFEC40  }
.LBB2_1:
0x3b: {  	s0 =	simm.s32 @p0 $0x0;
	s29 =	simm.s32 @p0 $0x3400  }
0x3c: {  	[tilespmem:s29], [sflag:$0x6] =	stream.linear.gather @p0 [hbm4b:s5+s0], $0x3400, $0x38;
	[tilespmem:$0x95A0] =	vst v63  }
0x3d: {  	s29 =	simm.s32 @p0 $0x6  }
0x3e: {  	_ =	swait.ge @p0 [sflag:s29], $0x3400  }
0x3f: {  	[sflag:s29] =	ssyncset.done @p0 $0x0  }
0x40: {  	[sflag:s29] =	ssyncadd.s32 @p0 $0xFFFFCC00  }
0x41: {  	[tilespmem:s0], [sflag:$0x6] =	stream.linear.gather @p0 [hbm4b:s6+s0], $0x3400, $0x38;
	[tilespmem:$0x95A0] =	vst v63  }
0x42: {  	_ =	swait.ge @p0 [sflag:s29], $0x3400  }
0x43: {  	[sflag:s29] =	ssyncset.done @p0 $0x0  }
0x44: {  	s0 =	simm.s32 @!p0 $0x0;
	[sflag:s29] =	ssyncadd.s32 @p0 $0xFFFFCC00;
	s29 =	simm.s32 @!p0 $0x3400  }
0x45: {  	[tilespmem:s29], [sflag:$0x6] =	stream.linear.gather @!p0 [hbm4b:s7+s0], $0x1C00, $0x38;
	[tilespmem:$0x95A0] =	vst v63  }
0x46: {  	s29 =	simm.s32 @!p0 $0x6  }
0x47: {  	_ =	swait.ge @!p0 [sflag:s29], $0x1C00  }
0x48: {  	[sflag:s29] =	ssyncset.done @!p0 $0x0  }
0x49: {  	[sflag:s29] =	ssyncadd.s32 @!p0 $0xFFFFE400  }
0x4a: {  	[tilespmem:s0], [sflag:$0x6] =	stream.linear.gather @!p0 [hbm4b:s8+s0], $0x1C00, $0x38;
	[tilespmem:$0x95A0] =	vst v63  }
0x4b: {  	_ =	swait.ge @!p0 [sflag:s29], $0x1C00  }
0x4c: {  	[sflag:s29] =	ssyncset.done @!p0 $0x0  }
0x4d: {  	[sflag:s29] =	ssyncadd.s32 @!p0 $0xFFFFE400  }
0x4e: {  	[tilespmem:s14], [sflag:$0x2] =	stream.indirect.gather [hbm4b:s4+s13], $0x4, s3, s13, $0xb8;
	[tilespmem:$0x95A0] =	vst v63  }
0x4f: {  	_ = 	snop  }
0x50: {  	[tilespmem:s15], [sflag:$0x3] =	stream.indirect.gather [hbm4b:s4+s13], $0x4, s13, s13, $0xb8;
	[tilespmem:$0x95A0] =	vst v63  }
0x51: {  	_ = 	snop  }
0x52: {  	[tilespmem:s17], [sflag:$0x4] =	stream.indirect.gather [hbm4b:s4+s13], $0x4, s16, s13, $0xb8;
	[tilespmem:$0x95A0] =	vst v63  }
0x53: {  	_ = 	snop  }
0x54: {  	[tilespmem:s19], [sflag:$0x5] =	stream.indirect.gather [hbm4b:s4+s13], $0x4, s18, s13, $0xb8;
	[tilespmem:$0x95A0] =	vst v63  }
0x55: {  	_ = 	snop  }
0x56: {  	[tilespmem:s20], [sflag:$0x6] =	stream.linear.gather [hbm4b:s9+s3], $0x13C0, $0x38;
	[tilespmem:$0x95A0] =	vst v63  }
0x57: {  	_ =	swait.ge [sflag:s21], $0x13C0  }
0x58: {  	[sflag:s21] =	ssyncset.done $0x0  }
0x59: {  	[sflag:s21] =	ssyncadd.s32 $0xFFFFEC40  }
0x5a: {  	[spmem:s10] =	stream.linear.scatter [tilespmem:s20], [sflag:$0x6], $0x13C0, $0x38;
	[tilespmem:$0x95A0] =	vst v63  }
.Ltmp2:
0x5b: {  	_ =	swait.ge [sflag:s21], $0x13C0;
	(pc) =	sbr.rel @p0 .LBB2_5-.Ltmp2, $3  }
0x5c: {  	[sflag:s21] =	ssyncset.done $0x0  }
0x5d: {  	[sflag:s21] =	ssyncadd.s32 $0xFFFFEC40  }
0x5e: {  	[bflag:$0x0] =	sbarrier.arrive $0xFFFF;
	_ =	sdelay $0x1  }
0x5f: {  	_ =	swait.ge [sflag:s22], $0x200  }
0x60: {  	[sflag:s22] =	ssyncset.done $0x0  }
0x61: {  	s0 =	simm.s32 $0x3400;
	[sflag:s22] =	ssyncadd.s32 $0xFFFFFE00  }
0x62: {  	[spmem:s2] =	stream.indirect.scatter.add.f32 [tilespmem:s14], [sflag:$0x1], $0x4, s0, s13, $0xb8;
	[tilespmem:$0x95A0] =	vst v63  }
0x63: {  	_ =	swait.ge [sflag:s23], $0x200  }
0x64: {  	[sflag:s23] =	ssyncset.done $0x0  }
0x65: {  	s31 =	simm.s32 $0x200;
	[sflag:s23] =	ssyncadd.s32 $0xFFFFFE00  }
0x66: {  	[tilespmem:s14], [sflag:$0x2] =	stream.indirect.gather [hbm4b:s4+s13], $0x4, s31, s13, $0xb8;
	[tilespmem:$0x95A0] =	vst v63  }
0x67: {  	_ =	swait.ge [sflag:s24], $0x200  }
0x68: {  	[sflag:s24] =	ssyncset.done $0x0  }
0x69: {  	s31 =	simm.s32 $0x3480;
	[sflag:s24] =	ssyncadd.s32 $0xFFFFFE00  }
0x6a: {  	[spmem:s2] =	stream.indirect.scatter.add.f32 [tilespmem:s15], [sflag:$0x1], $0x4, s31, s13, $0xb8;
	[tilespmem:$0x95A0] =	vst v63  }
0x6b: {  	_ =	swait.ge [sflag:s23], $0x200  }
0x6c: {  	[sflag:s23] =	ssyncset.done $0x0  }
0x6d: {  	s31 =	simm.s32 $0x280;
	[sflag:s23] =	ssyncadd.s32 $0xFFFFFE00  }
0x6e: {  	[tilespmem:s15], [sflag:$0x3] =	stream.indirect.gather [hbm4b:s4+s13], $0x4, s31, s13, $0xb8;
	[tilespmem:$0x95A0] =	vst v63  }
0x6f: {  	_ =	swait.ge [sflag:s25], $0x200  }
0x70: {  	[sflag:s25] =	ssyncset.done $0x0  }
0x71: {  	s31 =	simm.s32 $0x3500;
	[sflag:s25] =	ssyncadd.s32 $0xFFFFFE00  }
0x72: {  	[spmem:s2] =	stream.indirect.scatter.add.f32 [tilespmem:s17], [sflag:$0x1], $0x4, s31, s13, $0xb8;
	[tilespmem:$0x95A0] =	vst v63  }
0x73: {  	_ =	swait.ge [sflag:s23], $0x200  }
0x74: {  	[sflag:s23] =	ssyncset.done $0x0  }
0x75: {  	s31 =	simm.s32 $0x300;
	[sflag:s23] =	ssyncadd.s32 $0xFFFFFE00  }
0x76: {  	[tilespmem:s17], [sflag:$0x4] =	stream.indirect.gather [hbm4b:s4+s13], $0x4, s31, s13, $0xb8;
	[tilespmem:$0x95A0] =	vst v63  }
0x77: {  	_ =	swait.ge [sflag:s26], $0x200  }
0x78: {  	p1 =	por $0x0, $0x0;
	[sflag:s26] =	ssyncset.done $0x0  }
.Ltmp3:
0x79: {  	s31 =	simm.s32 $0x3580;
	[sflag:s26] =	ssyncadd.s32 $0xFFFFFE00;
	(pc) =	sbr.rel @p1 .LBB2_4-.Ltmp3, $4  }
0x7a: {  	[spmem:s2] =	stream.indirect.scatter.add.f32 [tilespmem:s19], [sflag:$0x1], $0x4, s31, s13, $0xb8;
	[tilespmem:$0x95A0] =	vst v63  }
0x7b: {  	_ =	swait.ge [sflag:s23], $0x200  }
0x7c: {  	[sflag:s23] =	ssyncset.done $0x0  }
0x7d: {  	s29 =	simm.s32 $0x800;
	s30 =	simm.s32 $0x380;
	[sflag:s23] =	ssyncadd.s32 $0xFFFFFE00  }
.LBB2_3:
0x7e: {  	[tilespmem:s19], [sflag:$0x5] =	stream.indirect.gather [hbm4b:s4+s13], $0x4, s30, s13, $0xb8;
	[tilespmem:$0x95A0] =	vst v63  }
0x7f: {  	s0 =	smov.u32 s29  }
0x80: {  	p1 =	seq.s32 s29, $0x6000;
	s29 =	sadd.s32 $0x800, s29;
	_ =	swait.ge [sflag:s22], $0x200  }
0x81: {  	s30 =	sshra.s32 s0, $0x2;
	[sflag:s22] =	ssyncset.done $0x0  }
0x82: {  	s0 =	sadd.s32 $0x3400, s30;
	[sflag:s22] =	ssyncadd.s32 $0xFFFFFE00  }
0x83: {  	[spmem:s2] =	stream.indirect.scatter.add.f32 [tilespmem:s14], [sflag:$0x1], $0x4, s0, s13, $0xb8;
	[tilespmem:$0x95A0] =	vst v63  }
0x84: {  	_ =	swait.ge [sflag:s23], $0x200  }
0x85: {  	[sflag:s23] =	ssyncset.done $0x0  }
0x86: {  	s0 =	sadd.s32 $0x200, s30;
	[sflag:s23] =	ssyncadd.s32 $0xFFFFFE00  }
0x87: {  	[tilespmem:s14], [sflag:$0x2] =	stream.indirect.gather [hbm4b:s4+s13], $0x4, s0, s13, $0xb8;
	[tilespmem:$0x95A0] =	vst v63  }
0x88: {  	_ =	swait.ge [sflag:s24], $0x200  }
0x89: {  	[sflag:s24] =	ssyncset.done $0x0  }
0x8a: {  	s0 =	sadd.s32 $0x3480, s30;
	[sflag:s24] =	ssyncadd.s32 $0xFFFFFE00  }
0x8b: {  	[spmem:s2] =	stream.indirect.scatter.add.f32 [tilespmem:s15], [sflag:$0x1], $0x4, s0, s13, $0xb8;
	[tilespmem:$0x95A0] =	vst v63  }
0x8c: {  	_ =	swait.ge [sflag:s23], $0x200  }
0x8d: {  	[sflag:s23] =	ssyncset.done $0x0  }
0x8e: {  	s0 =	sadd.s32 $0x280, s30;
	[sflag:s23] =	ssyncadd.s32 $0xFFFFFE00  }
0x8f: {  	[tilespmem:s15], [sflag:$0x3] =	stream.indirect.gather [hbm4b:s4+s13], $0x4, s0, s13, $0xb8;
	[tilespmem:$0x95A0] =	vst v63  }
0x90: {  	_ =	swait.ge [sflag:s25], $0x200  }
0x91: {  	[sflag:s25] =	ssyncset.done $0x0  }
0x92: {  	s0 =	sadd.s32 $0x3500, s30;
	[sflag:s25] =	ssyncadd.s32 $0xFFFFFE00  }
0x93: {  	[spmem:s2] =	stream.indirect.scatter.add.f32 [tilespmem:s17], [sflag:$0x1], $0x4, s0, s13, $0xb8;
	[tilespmem:$0x95A0] =	vst v63  }
0x94: {  	_ =	swait.ge [sflag:s23], $0x200  }
0x95: {  	[sflag:s23] =	ssyncset.done $0x0  }
0x96: {  	s0 =	sadd.s32 $0x300, s30;
	[sflag:s23] =	ssyncadd.s32 $0xFFFFFE00  }
0x97: {  	[tilespmem:s17], [sflag:$0x4] =	stream.indirect.gather [hbm4b:s4+s13], $0x4, s0, s13, $0xb8;
	[tilespmem:$0x95A0] =	vst v63  }
0x98: {  	_ =	swait.ge [sflag:s26], $0x200  }
0x99: {  	[sflag:s26] =	ssyncset.done $0x0  }
.Ltmp4:
0x9a: {  	s0 =	sadd.s32 $0x3580, s30;
	[sflag:s26] =	ssyncadd.s32 $0xFFFFFE00;
	(pc) =	sbr.rel @!p1 .LBB2_3-.Ltmp4, $4  }
0x9b: {  	[spmem:s2] =	stream.indirect.scatter.add.f32 [tilespmem:s19], [sflag:$0x1], $0x4, s0, s13, $0xb8;
	[tilespmem:$0x95A0] =	vst v63  }
0x9c: {  	_ =	swait.ge [sflag:s23], $0x200  }
0x9d: {  	[sflag:s23] =	ssyncset.done $0x0  }
0x9e: {  	s30 =	sadd.s32 $0x380, s30;
	[sflag:s23] =	ssyncadd.s32 $0xFFFFFE00  }
.Ltmp5:
0x9f: {  	_ = 	snop;
	(pc) =	sbr.rel .LBB2_4-.Ltmp5, $1  }
0xa0: {  	_ =	sdelay $0x3  }
.LBB2_5:
0xa1: {  	_ =	swait.ge [sflag:s22], $0x200  }
0xa2: {  	[sflag:s22] =	ssyncset.done $0x0  }
0xa3: {  	s0 =	simm.s32 $0x3400;
	[sflag:s22] =	ssyncadd.s32 $0xFFFFFE00  }
0xa4: {  	[spmem:s2] =	stream.indirect.scatter.add.f32 [tilespmem:s14], [sflag:$0x1], $0x4, s0, s13, $0xb8;
	[tilespmem:$0x95A0] =	vst v63  }
0xa5: {  	_ =	swait.ge [sflag:s23], $0x200  }
0xa6: {  	[sflag:s23] =	ssyncset.done $0x0  }
0xa7: {  	s30 =	simm.s32 $0x200;
	[sflag:s23] =	ssyncadd.s32 $0xFFFFFE00  }
0xa8: {  	[tilespmem:s14], [sflag:$0x2] =	stream.indirect.gather [hbm4b:s4+s13], $0x4, s30, s13, $0xb8;
	[tilespmem:$0x95A0] =	vst v63  }
0xa9: {  	_ =	swait.ge [sflag:s24], $0x200  }
0xaa: {  	[sflag:s24] =	ssyncset.done $0x0  }
0xab: {  	s31 =	simm.s32 $0x3480;
	[sflag:s24] =	ssyncadd.s32 $0xFFFFFE00  }
0xac: {  	[spmem:s2] =	stream.indirect.scatter.add.f32 [tilespmem:s15], [sflag:$0x1], $0x4, s31, s13, $0xb8;
	[tilespmem:$0x95A0] =	vst v63  }
0xad: {  	_ =	swait.ge [sflag:s23], $0x200  }
0xae: {  	[sflag:s23] =	ssyncset.done $0x0  }
0xaf: {  	s30 =	simm.s32 $0x280;
	[sflag:s23] =	ssyncadd.s32 $0xFFFFFE00  }
0xb0: {  	[tilespmem:s15], [sflag:$0x3] =	stream.indirect.gather [hbm4b:s4+s13], $0x4, s30, s13, $0xb8;
	[tilespmem:$0x95A0] =	vst v63  }
0xb1: {  	_ =	swait.ge [sflag:s25], $0x200  }
0xb2: {  	[sflag:s25] =	ssyncset.done $0x0  }
0xb3: {  	s31 =	simm.s32 $0x3500;
	[sflag:s25] =	ssyncadd.s32 $0xFFFFFE00  }
0xb4: {  	[spmem:s2] =	stream.indirect.scatter.add.f32 [tilespmem:s17], [sflag:$0x1], $0x4, s31, s13, $0xb8;
	[tilespmem:$0x95A0] =	vst v63  }
0xb5: {  	_ =	swait.ge [sflag:s23], $0x200  }
0xb6: {  	[sflag:s23] =	ssyncset.done $0x0  }
0xb7: {  	s30 =	simm.s32 $0x300;
	[sflag:s23] =	ssyncadd.s32 $0xFFFFFE00  }
0xb8: {  	[tilespmem:s17], [sflag:$0x4] =	stream.indirect.gather [hbm4b:s4+s13], $0x4, s30, s13, $0xb8;
	[tilespmem:$0x95A0] =	vst v63  }
0xb9: {  	_ =	swait.ge [sflag:s26], $0x200  }
0xba: {  	[sflag:s26] =	ssyncset.done $0x0  }
0xbb: {  	s31 =	simm.s32 $0x3580;
	[sflag:s26] =	ssyncadd.s32 $0xFFFFFE00  }
0xbc: {  	[spmem:s2] =	stream.indirect.scatter.add.f32 [tilespmem:s19], [sflag:$0x1], $0x4, s31, s13, $0xb8;
	[tilespmem:$0x95A0] =	vst v63  }
0xbd: {  	_ =	swait.ge [sflag:s23], $0x200  }
0xbe: {  	[sflag:s23] =	ssyncset.done $0x0  }
0xbf: {  	s29 =	simm.s32 $0x800;
	s0 =	simm.s32 $0x380;
	[sflag:s23] =	ssyncadd.s32 $0xFFFFFE00  }
.LBB2_6:
0xc0: {  	[tilespmem:s19], [sflag:$0x5] =	stream.indirect.gather [hbm4b:s4+s13], $0x4, s0, s13, $0xb8;
	[tilespmem:$0x95A0] =	vst v63  }
0xc1: {  	s0 =	smov.u32 s29  }
0xc2: {  	p1 =	sne.s32 s29, $0xC000;
	s29 =	sadd.s32 $0x800, s29;
	_ =	swait.ge [sflag:s22], $0x200  }
0xc3: {  	s30 =	sshra.s32 s0, $0x2;
	[sflag:s22] =	ssyncset.done $0x0  }
0xc4: {  	s0 =	sadd.s32 $0x3400, s30;
	[sflag:s22] =	ssyncadd.s32 $0xFFFFFE00  }
0xc5: {  	[spmem:s2] =	stream.indirect.scatter.add.f32 [tilespmem:s14], [sflag:$0x1], $0x4, s0, s13, $0xb8;
	[tilespmem:$0x95A0] =	vst v63  }
0xc6: {  	_ =	swait.ge [sflag:s23], $0x200  }
0xc7: {  	[sflag:s23] =	ssyncset.done $0x0  }
0xc8: {  	s0 =	sadd.s32 $0x200, s30;
	[sflag:s23] =	ssyncadd.s32 $0xFFFFFE00  }
0xc9: {  	[tilespmem:s14], [sflag:$0x2] =	stream.indirect.gather [hbm4b:s4+s13], $0x4, s0, s13, $0xb8;
	[tilespmem:$0x95A0] =	vst v63  }
0xca: {  	_ =	swait.ge [sflag:s24], $0x200  }
0xcb: {  	[sflag:s24] =	ssyncset.done $0x0  }
0xcc: {  	s0 =	sadd.s32 $0x3480, s30;
	[sflag:s24] =	ssyncadd.s32 $0xFFFFFE00  }
0xcd: {  	[spmem:s2] =	stream.indirect.scatter.add.f32 [tilespmem:s15], [sflag:$0x1], $0x4, s0, s13, $0xb8;
	[tilespmem:$0x95A0] =	vst v63  }
0xce: {  	_ =	swait.ge [sflag:s23], $0x200  }
0xcf: {  	[sflag:s23] =	ssyncset.done $0x0  }
0xd0: {  	s0 =	sadd.s32 $0x280, s30;
	[sflag:s23] =	ssyncadd.s32 $0xFFFFFE00  }
0xd1: {  	[tilespmem:s15], [sflag:$0x3] =	stream.indirect.gather [hbm4b:s4+s13], $0x4, s0, s13, $0xb8;
	[tilespmem:$0x95A0] =	vst v63  }
0xd2: {  	_ =	swait.ge [sflag:s25], $0x200  }
0xd3: {  	[sflag:s25] =	ssyncset.done $0x0  }
0xd4: {  	s0 =	sadd.s32 $0x3500, s30;
	[sflag:s25] =	ssyncadd.s32 $0xFFFFFE00  }
0xd5: {  	[spmem:s2] =	stream.indirect.scatter.add.f32 [tilespmem:s17], [sflag:$0x1], $0x4, s0, s13, $0xb8;
	[tilespmem:$0x95A0] =	vst v63  }
0xd6: {  	_ =	swait.ge [sflag:s23], $0x200  }
0xd7: {  	[sflag:s23] =	ssyncset.done $0x0  }
0xd8: {  	s0 =	sadd.s32 $0x300, s30;
	[sflag:s23] =	ssyncadd.s32 $0xFFFFFE00  }
0xd9: {  	[tilespmem:s17], [sflag:$0x4] =	stream.indirect.gather [hbm4b:s4+s13], $0x4, s0, s13, $0xb8;
	[tilespmem:$0x95A0] =	vst v63  }
0xda: {  	_ =	swait.ge [sflag:s26], $0x200  }
0xdb: {  	[sflag:s26] =	ssyncset.done $0x0  }
.Ltmp6:
0xdc: {  	s0 =	sadd.s32 $0x3580, s30;
	[sflag:s26] =	ssyncadd.s32 $0xFFFFFE00;
	(pc) =	sbr.rel @p1 .LBB2_6-.Ltmp6, $4  }
0xdd: {  	[spmem:s2] =	stream.indirect.scatter.add.f32 [tilespmem:s19], [sflag:$0x1], $0x4, s0, s13, $0xb8;
	[tilespmem:$0x95A0] =	vst v63  }
0xde: {  	_ =	swait.ge [sflag:s23], $0x200  }
0xdf: {  	[sflag:s23] =	ssyncset.done $0x0  }
0xe0: {  	s0 =	sadd.s32 $0x380, s30;
	[sflag:s23] =	ssyncadd.s32 $0xFFFFFE00  }
.Ltmp7:
0xe1: {  	(pc) =	sbr.rel .LBB2_8-.Ltmp7, $4  }
0xe2: {  	_ = 	snop  }
0xe3: {  	[tilespmem:s19], [sflag:$0x5] =	stream.indirect.gather [hbm4b:s4+s13], $0x4, s0, s13, $0xb8;
	[tilespmem:$0x95A0] =	vst v63  }
0xe4: {  	s29 =	simm.s32 $0x6780  }
0xe5: {  	s30 =	simm.s32 $0x6700;
	s31 =	simm.s32 $0x6680;
	s0 =	simm.s32 $0x6600  }
.LBB2_9:
0xe6: {  	_ =	sfence.sel $0x180000  }
0xe7: {  	[bflag:$0x0] =	sbarrier.arrive $0xFFFF  }
0xe8: {  	_ =	strace $0x9000004D  }
0xe9: {  	[bflag:$0x2] =	sbarrier.arrive $0xFFFF  }
0xea: {  	p0 =	sne.s32 s1, $0x0;
	s0 =	rddreg [dreg:$0x3]  }
0xeb: {  	s0 =	sadd.s32 @!p0 $0x100000, s0  }
0xec: {  	[sflag:s0] =	ssyncadd.tile.s32 @!p0 $0x1;
	_ =	shalt  }
.Lfunc_end2:
_tile_overlayer_lowered:
.L_overlay_start_2:
0xed: {  	(tag) =	ssettag $0x2  }
0xee: {  	s0 =	rddreg [dreg:$0x0];
	s2 =	stileid.u32  }
0xef: {  	s1 =	rddreg [dreg:$0x1];
	p0 =	sne.s32 s2, $0x0  }
0xf0: {  	s3 =	rddreg [dreg:$0x2];
	[bflag:$0x3] =	sbarrier.arrive $0xFFFF;
	s2 =	simm.s32 @!p0 $0x1C06  }
0xf1: {  	[timem:s3], [sflag:s2] =	dma.local @!p0 [hbm:s0], s1  }
0xf2: {  	s0 =	simm.s32 @!p0 $0x6  }
0xf3: {  	_ =	swait.ge @!p0 [sflag:s0], s1  }
0xf4: {  	s1 =	ssub.s32 @!p0 $0x0, s1;
	[sflag:s0] =	ssyncset.done @!p0 $0x0  }
0xf5: {  	[sflag:s0] =	ssyncadd.s32 @!p0 s1  }
0xf6: {  	[bflag:$0x3] =	sbarrier.arrive $0xFFFF  }
0xf7: {  	_ =	shalt  }

// kernel: kernel.19.cloned.1.call-start
scs
__scs_entry_jumppad:
0x0: {  	(pc) =	sbr.rel $0x88, $3  }
0x1: {  	(tag) =	ssettag $0x0;
	lr =	simm.s32 $0x1  }
0x2: {  	[smem:$0x3F97] =	sst lr;
	_ =	strace $0xD0000000  }
0x3: {  	_ = 	snop  }
0x4: {  	_ = 	snop  }
0x5: {  	_ = 	snop  }
0x6: {  	_ = 	snop  }
0x7: {  	_ = 	snop  }
__scs_overlays_trampoline_lowered:
0x8: {  	[smem:$0x3FA6] =	sst s0  }
0x9: {  	[smem:$0x3FA7] =	sst s1  }
0xa: {  	[smem:$0x3FA8] =	sst s2  }
0xb: {  	[smem:$0x3FA9] =	sst s3  }
0xc: {  	[smem:$0x3FAA] =	sst s4  }
0xd: {  	[smem:$0x3FAB] =	sst s5  }
0xe: {  	[smem:$0x3FAC] =	sst s6  }
0xf: {  	[smem:$0x3FAD] =	sst s7  }
0x10: {  	[smem:$0x3FAE] =	sst s8  }
0x11: {  	[smem:$0x3FAF] =	sst s9;
	s0 =	simm.s32 @!p0 $0x0  }
0x12: {  	s1 =	sld [smem:$0x3F95];
	s0 =	simm.s32 @p0 $0x1  }
0x13: {  	[smem:$0x3FB0] =	sst s0;
	s0 =	simm.s32 @!p1 $0x0  }
0x14: {  	s2 =	sld [smem:$0x3F94];
	s0 =	simm.s32 @p1 $0x1  }
0x15: {  	[smem:$0x3FB1] =	sst s0;
	s0 =	simm.s32 @!p2 $0x0  }
0x16: {  	s3 =	sld [smem:$0x3FDB];
	s0 =	simm.s32 @p2 $0x1  }
0x17: {  	s4 =	simm.s32 $0x1BF5;
	[smem:$0x3FB3] =	sst s0  }
0x18: {  	s0 =	sld [smem:$0x3F96];
	_ =	swait.ge [sflag:s4], $0x0  }
0x19: {  	s7 =	sld [smem:$0x3F97]  }
0x1a: {  	s8 =	sadd.s32 $0xFFFFE003, lr  }
0x1b: {  	s9 =	sadd.s32 $0xFFFFFEF7, lr;
	s5 =	simm.s32 $0xFFFFFFFF;
	p2 =	slt.u32 s8, $0xFFFFF086  }
0x1c: {  	p1 =	slt.u32 s9, $0xF7A;
	s5 =	simm.s32 @!p2 $0x0  }
0x1d: {  	s5 =	simm.s32 @p1 $0x1;
	p0 =	seq.s32 s7, s2  }
0x1e: {  	s7 =	smul.u32 @!p0 $0xF7A, s2;
	p2 =	seq.s32 @!p0 s5, $0x0  }
0x1f: {  	s9 =	smul.u32 $0xF7A, s1;
	s8 =	simm.s32 @!p0 $0x1BF5;
	p2 =	por !p2, p0  }
0x20: {  	[sflag:s8] =	ssyncset.s32 @!p0 $0xFFFFF086;
	s6 =	sadd.s32 @!p0 s3, s7;
	s7 =	simm.s32 @!p0 $0x108  }
0x21: {  	s3 =	sadd.s32 s3, s9;
	s6 =	sadd.s32 @!p0 $0x88, s6;
	s7 =	simm.s32 @p2 $0x1082  }
0x22: {  	[simem:s7], [sflag:s8] =	dma.local @!p0 [hbm:s6], $0xF7A  }
0x23: {  	s9 =	sor.u32 $0xD0000000, s2;
	s6 =	simm.s32 $0x108;
	_ =	swait.ge @!p0 [sflag:s8], $0x0  }
0x24: {  	s3 =	sadd.s32 $0x88, s3;
	s6 =	simm.s32 @!p1 $0x1082;
	[sflag:s4] =	ssyncset.s32 $0xFFFFF086  }
0x25: {  	[simem:s6], [sflag:s4] =	dma.local [hbm:s3], $0xF7A  }
0x26: {  	[smem:$0x3F97] =	sst s1;
	(tag) =	ssettag s2;
	_ =	strace s9  }
0x27: {  	s1 =	sld [smem:$0x3FA7]  }
0x28: {  	s2 =	sld [smem:$0x3FA8]  }
0x29: {  	s4 =	sld [smem:$0x3FAA]  }
0x2a: {  	p0 =	seq.s32 s5, $0x0;
	s5 =	sld [smem:$0x3FAB]  }
0x2b: {  	s6 =	sld [smem:$0x3FAC]  }
0x2c: {  	s7 =	sld [smem:$0x3FAD]  }
0x2d: {  	s3 =	simm.s32 $0x108;
	s8 =	sld [smem:$0x3FAE]  }
0x2e: {  	s3 =	simm.s32 @!p0 $0x1082;
	s9 =	sld [smem:$0x3FAF]  }
0x2f: {  	lr =	sadd.s32 s0, s3;
	s0 =	sld [smem:$0x3FA6]  }
0x30: {  	s3 =	sld [smem:$0x3FA9]  }
0x31: {  	[smem:$0x3FB2] =	sst s10  }
0x32: {  	s10 =	sld [smem:$0x3FB0];
	_ =	sdelay $0x3  }
0x33: {  	p0 =	seq.s32 s10, $0x1;
	s10 =	sld [smem:$0x3FB2];
	_ =	sdelay $0x3  }
0x34: {  	[smem:$0x3FB2] =	sst s10  }
0x35: {  	s10 =	sld [smem:$0x3FB1];
	_ =	sdelay $0x3  }
0x36: {  	p1 =	seq.s32 s10, $0x1;
	s10 =	sld [smem:$0x3FB2];
	_ =	sdelay $0x3  }
0x37: {  	[smem:$0x3FB2] =	sst s10  }
0x38: {  	s10 =	sld [smem:$0x3FB3]  }
0x39: {  	_ = 	snop;
	(pc) =	sbr.ind lr, $3  }
0x3a: {  	_ = 	snop  }
0x3b: {  	_ = 	snop  }
0x3c: {  	p2 =	seq.s32 s10, $0x1;
	s10 =	sld [smem:$0x3FB2]  }
0x3d: {  	_ =	shalt  }
0x3e: {  	_ =	shalt  }
0x3f: {  	_ =	shalt  }
0x40: {  	_ =	shalt  }
0x41: {  	_ =	shalt  }
0x42: {  	_ =	shalt  }
0x43: {  	_ =	shalt  }
0x44: {  	_ =	shalt  }
0x45: {  	_ =	shalt  }
0x46: {  	_ =	shalt  }
0x47: {  	_ =	shalt  }
0x48: {  	_ =	shalt  }
0x49: {  	_ =	shalt  }
0x4a: {  	_ =	shalt  }
0x4b: {  	_ =	shalt  }
0x4c: {  	_ =	shalt  }
0x4d: {  	_ =	shalt  }
0x4e: {  	_ =	shalt  }
0x4f: {  	_ =	shalt  }
0x50: {  	_ =	shalt  }
0x51: {  	_ =	shalt  }
0x52: {  	_ =	shalt  }
0x53: {  	_ =	shalt  }
0x54: {  	_ =	shalt  }
0x55: {  	_ =	shalt  }
0x56: {  	_ =	shalt  }
0x57: {  	_ =	shalt  }
0x58: {  	_ =	shalt  }
0x59: {  	_ =	shalt  }
0x5a: {  	_ =	shalt  }
0x5b: {  	_ =	shalt  }
0x5c: {  	_ =	shalt  }
0x5d: {  	_ =	shalt  }
0x5e: {  	_ =	shalt  }
0x5f: {  	_ =	shalt  }
0x60: {  	_ =	shalt  }
0x61: {  	_ =	shalt  }
0x62: {  	_ =	shalt  }
0x63: {  	_ =	shalt  }
0x64: {  	_ =	shalt  }
0x65: {  	_ =	shalt  }
0x66: {  	_ =	shalt  }
0x67: {  	_ =	shalt  }
0x68: {  	_ =	shalt  }
0x69: {  	_ =	shalt  }
0x6a: {  	_ =	shalt  }
0x6b: {  	_ =	shalt  }
0x6c: {  	_ =	shalt  }
0x6d: {  	_ =	shalt  }
0x6e: {  	_ =	shalt  }
0x6f: {  	_ =	shalt  }
0x70: {  	_ =	shalt  }
0x71: {  	_ =	shalt  }
0x72: {  	_ =	shalt  }
0x73: {  	_ =	shalt  }
0x74: {  	_ =	shalt  }
0x75: {  	_ =	shalt  }
0x76: {  	_ =	shalt  }
0x77: {  	_ =	shalt  }
0x78: {  	_ =	shalt  }
0x79: {  	_ =	shalt  }
0x7a: {  	_ =	shalt  }
0x7b: {  	_ =	shalt  }
0x7c: {  	_ =	shalt  }
0x7d: {  	_ =	shalt  }
0x7e: {  	_ =	shalt  }
0x7f: {  	_ =	shalt  }
0x80: {  	_ =	shalt  }
0x81: {  	_ =	shalt  }
0x82: {  	_ =	shalt  }
0x83: {  	_ =	shalt  }
0x84: {  	_ =	shalt  }
0x85: {  	_ =	shalt  }
0x86: {  	_ =	shalt  }
0x87: {  	_ =	shalt  }
.Lfunc_end0:
.L_simem_size_0:
called_computation.3_lowered:
.L_overlay_start_0:
0x88: {  	s2 =	sld [smem:$0x3FD9]  }
0x89: {  	s3 =	sld [smem:$0x3FFE];
	_ =	sdelay $0x1  }
0x8a: {  	s1 =	srdreg.scid  }
0x8b: {  	s0 =	sand.u32 $0x1, s1  }
0x8c: {  	s14 =	sshll.u32 s0, $0xA;
	s2 =	sadd.s32 s3, s2  }
0x8d: {  	s2 =	sadd.s32 s2, s14  }
0x8e: {  	[smem:$0x3FBE] =	sst s2  }
0x8f: {  	_ = 	snop  }
0x90: {  	s2 =	sld [smem:$0x3FD0];
	_ =	sdelay $0x2  }
0x91: {  	s15 =	simm.s32 $0xA;
	s4 =	simm.s32 $0x10  }
0x92: {  	[smem:s4], [sflag:s15] =	dma.local [hbm:s2], $0x1  }
0x93: {  	_ =	swait.eq [sflag:s15], $0x1  }
0x94: {  	[sflag:s15] =	ssyncset.done $0x0  }
0x95: {  	[sflag:s15] =	ssyncadd.s32 $0xFFFFFFFF  }
0x96: {  	s16 =	sld [smem:$0x10];
	(tm) =	ssettm $0x1  }
0x97: {  	s17 =	sld [smem:$0x3FFB];
	_ =	sdelay $0x3  }
0x98: {  	_ =	strace s17  }
0x99: {  	s3 =	sld [smem:$0x3FFC];
	_ =	sdelay $0x3  }
0x9a: {  	_ =	strace s3  }
0x9b: {  	s3 =	sld [smem:$0x3FFD];
	_ =	sdelay $0x3  }
0x9c: {  	_ =	strace s3  }
0x9d: {  	_ =	strace $0x8FFFFFFF  }
0x9e: {  	s18 =	sld [smem:$0x3FDB];
	_ =	sdelay $0x1  }
0x9f: {  	s19 =	simm.s32 $_scs_section_size  }
0xa0: {  	s5 =	simm.s32 $_size__tile_overlayer_lowered;
	s6 =	simm.s32 $_tile_overlayer_lowered  }
0xa1: {  	s22 =	simm.s32 $0x1BFF;
	s21 =	sshll.u32 s6, $0x1;
	s3 =	sadd.s32 s19, s18  }
0xa2: {  	s7 =	simm.s32 $0x0;
	s20 =	sshll.u32 s5, $0x1;
	s5 =	sadd.s32 s21, s3  }
0xa3: {  	[timem:s7], [sflag:s22] =	dma.local [hbm:s5], s20  }
0xa4: {  	_ =	swait.ge [sflag:s22], s20  }
0xa5: {  	s4 =	ssub.s32 $0x0, s20;
	[sflag:s22] =	ssyncset.done $0x0  }
0xa6: {  	[sflag:s22] =	ssyncadd.s32 s4;
	_ =	sdelay $0x1  }
0xa7: {  	s23 =	simm.s32 $0x1B8B  }
0xa8: {  	_ =	swait.ge [sflag:s23], $0x1  }
0xa9: {  	[sflag:s23] =	ssyncset.done $0x0  }
0xaa: {  	s25 =	simm.s32 $0x1B8E;
	s24 =	sld [smem:$0x3FFE];
	[sflag:s23] =	ssyncadd.s32 $0xFFFFFFFF  }
0xab: {  	s26 =	simm.s32 $execute0_lowered;
	[smem:$0x3FD2] =	sst s25  }
0xac: {  	s5 =	sshll.u32 s26, $0x1;
	_ =	strace $0x8000004F;
	[dreg:$0x1] =	wrdreg $0xFFFFFFFF  }
0xad: {  	s28 =	simm.s32 $_size_execute0_lowered;
	s3 =	sadd.s32 s3, s5;
	[dreg:$0x0] =	wrdreg $0x0  }
0xae: {  	s5 =	sshll.u32 s28, $0x1;
	[dreg:$0x2] =	wrdreg s3  }
0xaf: {  	[dreg:$0x3] =	wrdreg s5  }
0xb0: {  	[dreg:$0x4] =	wrdreg $0xC0  }
0xb1: {  	_ =	task [dreg:s7], $0x5FFFF  }
0xb2: {  	[dreg:$0x1] =	wrdreg $0xFFFFFFFF  }
0xb3: {  	[dreg:$0x0] =	wrdreg $0x60  }
0xb4: {  	[dreg:$0x2] =	wrdreg s24  }
0xb5: {  	[dreg:$0x3] =	wrdreg s16  }
0xb6: {  	[dreg:$0x4] =	wrdreg $0x8BC00  }
0xb7: {  	[dreg:$0x5] =	wrdreg $0x9  }
0xb8: {  	_ =	task.clear_ibuf [dreg:s7], $0x6FFFF;
	_ =	strace $0x9000004F  }
0xb9: {  	s29 =	simm.s32 $0x9;
	_ =	strace $0x80000051  }
0xba: {  	_ =	swait.ge [sflag:s29], $0x1  }
0xbb: {  	[sflag:s29] =	ssyncadd.s32 $0xFFFFFFFF  }
0xbc: {  	_ =	strace $0x90000051  }
0xbd: {  	_ =	sfence  }
0xbe: {  	s30 =	sld [smem:$0x0];
	_ =	sdelay $0x2  }
0xbf: {  	s31 =	sshll.u32 s1, $0xD;
	s1 =	sshrl.u32 s1, $0x2  }
0xc0: {  	s3 =	sand.u32 $0x4000, s31;
	s1 =	sadd.s32 s1, s30  }
0xc1: {  	s0 =	sor.u32 s3, s0;
	s1 =	sshll.u32 s1, $0x11  }
0xc2: {  	s0 =	sor.u32 s1, s0  }
0xc3: {  	s0 =	sadd.s32 $0x8F2B, s0  }
0xc4: {  	[sflag:s0] =	ssyncadd.remote.s32 $0x1  }
0xc5: {  	_ =	sfence.sel $0xFFFF  }
0xc6: {  	[dreg:$0x0] =	wrdreg $0xFFFFFFFF;
	(pc) =	sbr.abs _section_cstart, $3  }
0xc7: {  	[dreg:$0x1] =	wrdreg $0xFFFFFFFF  }
0xc8: {  	_ =	task.clear_ibuf [dreg:s7], $0x2FFFF;
	_ =	strace $0x9FFFFFFF  }
0xc9: {  	(tm) =	ssettm $0x7FFFFFFF  }
tec
execute0_lowered:
.L_overlay_start_1:
0x0: {  	(tag) =	ssettag $0x1  }
0x1: {  	s0 =	rddreg [dreg:$0x0]  }
0x2: {  	s11 =	rddreg [dreg:$0x1]  }
0x3: {  	s2 =	rddreg [dreg:$0x2];
	s3 =	simm.s32 $0x0;
	s1 =	stileid.u32  }
0x4: {  	s6 =	srdreg.scid;
	s15 =	simm.s32 $0x6C00;
	s16 =	simm.s32 $0x100  }
0x5: {  	s17 =	simm.s32 $0x7000;
	s18 =	simm.s32 $0x180;
	s19 =	simm.s32 $0x7400  }
0x6: {  	s20 =	simm.s32 $0x7800;
	s21 =	simm.s32 $0x6;
	s22 =	simm.s32 $0x2  }
0x7: {  	s23 =	simm.s32 $0x1;
	s24 =	simm.s32 $0x3;
	s25 =	simm.s32 $0x4  }
0x8: {  	s28 =	simm.s32 $0x0;
	[smem:$0x7FF] =	sst s3;
	s10 =	smul.u32 $0x13C0, s1  }
0x9: {  	s8 =	sadd.s32 $0xEC00, s0;
	s7 =	sadd.s32 $0x4C00, s0;
	s9 =	smul.u32 $0x3400, s1  }
0xa: {  	s4 =	sadd.s32 $0x18C00, s0;
	s13 =	sand.u32 $0x1, s6;
	s30 =	smul.u32 $0x380, s1  }
0xb: {  	_ =	strace $0x80000050;
	s26 =	ssub.s32 $0x2, s13;
	s14 =	smul.u32 $0x13C00, s13  }
0xc: {  	p0 =	sne.s32 s13, $0x0;
	s13 =	simm.s32 $0x80;
	s5 =	sshrl.u32 s10, $0x3  }
0xd: {  	s29 =	sshrl.u32 s9, $0x3;
	s12 =	sshrl.u32 s26, $0x1;
	s0 =	sadd.s32 s5, s0  }
.Ltmp0:
0xe: {  	s6 =	sadd.s32 $0x3800, s29;
	s12 =	ssub.s32 s26, s12;
	(pc) =	sbr.rel .LBB2_1-.Ltmp0, $4  }
0xf: {  	s14 =	sadd.s32 s10, s14;
	s10 =	sadd.s32 s10, s2;
	s26 =	simm.s32 $0x5  }
0x10: {  	s5 =	sadd.s32 s7, s6;
	s6 =	sadd.s32 s8, s6;
	s7 =	sadd.s32 s7, s30  }
0x11: {  	s8 =	sadd.s32 s8, s30;
	s9 =	sadd.s32 $0x2400, s0;
	s31 =	sshrl.u32 s14, $0x3  }
0x12: {  	s12 =	smax.u32 s12, $0x1;
	s14 =	simm.s32 $0x6800;
	s11 =	sadd.s32 s11, s31  }
.LBB2_4:
0x13: {  	[tilespmem:s19], [sflag:$0x5] =	stream.indirect.gather [hbm4b:s4+s13], $0x4, s30, s13, $0xb8;
	[tilespmem:$0x95A0] =	vst v63  }
0x14: {  	s29 =	simm.s32 $0x4F80  }
0x15: {  	s30 =	simm.s32 $0x4F00;
	s31 =	simm.s32 $0x4E80;
	s0 =	simm.s32 $0x4E00  }
.LBB2_8:
0x16: {  	_ =	swait.ge [sflag:s22], $0x200  }
0x17: {  	[sflag:s22] =	ssyncset.done $0x0  }
0x18: {  	[sflag:s22] =	ssyncadd.s32 $0xFFFFFE00  }
0x19: {  	[spmem:s2] =	stream.indirect.scatter.add.f32 [tilespmem:s14], [sflag:$0x1], $0x4, s0, s13, $0xb8;
	[tilespmem:$0x95A0] =	vst v63  }
0x1a: {  	_ =	swait.ge [sflag:s23], $0x200  }
0x1b: {  	[sflag:s23] =	ssyncset.done $0x0  }
0x1c: {  	[sflag:s23] =	ssyncadd.s32 $0xFFFFFE00  }
0x1d: {  	_ =	swait.ge [sflag:s24], $0x200  }
0x1e: {  	[sflag:s24] =	ssyncset.done $0x0  }
0x1f: {  	[sflag:s24] =	ssyncadd.s32 $0xFFFFFE00  }
0x20: {  	[spmem:s2] =	stream.indirect.scatter.add.f32 [tilespmem:s15], [sflag:$0x1], $0x4, s31, s13, $0xb8;
	[tilespmem:$0x95A0] =	vst v63  }
0x21: {  	_ =	swait.ge [sflag:s23], $0x200  }
0x22: {  	[sflag:s23] =	ssyncset.done $0x0  }
0x23: {  	[sflag:s23] =	ssyncadd.s32 $0xFFFFFE00  }
0x24: {  	_ =	swait.ge [sflag:s25], $0x200  }
0x25: {  	[sflag:s25] =	ssyncset.done $0x0  }
0x26: {  	[sflag:s25] =	ssyncadd.s32 $0xFFFFFE00  }
0x27: {  	[spmem:s2] =	stream.indirect.scatter.add.f32 [tilespmem:s17], [sflag:$0x1], $0x4, s30, s13, $0xb8;
	[tilespmem:$0x95A0] =	vst v63  }
0x28: {  	_ =	swait.ge [sflag:s23], $0x200  }
0x29: {  	[sflag:s23] =	ssyncset.done $0x0  }
0x2a: {  	[sflag:s23] =	ssyncadd.s32 $0xFFFFFE00  }
0x2b: {  	_ =	swait.ge [sflag:s26], $0x200  }
0x2c: {  	[sflag:s26] =	ssyncset.done $0x0  }
0x2d: {  	[sflag:s26] =	ssyncadd.s32 $0xFFFFFE00  }
0x2e: {  	[spmem:s2] =	stream.indirect.scatter.add.f32 [tilespmem:s19], [sflag:$0x1], $0x4, s29, s13, $0xb8;
	[tilespmem:$0x95A0] =	vst v63  }
0x2f: {  	_ =	swait.ge [sflag:s23], $0x200  }
0x30: {  	[sflag:s23] =	ssyncset.done $0x0  }
0x31: {  	[sflag:s23] =	ssyncadd.s32 $0xFFFFFE00  }
0x32: {  	[bflag:$0x0] =	sbarrier.arrive $0xFFFF  }
0x33: {  	[tilespmem:s20], [sflag:$0x6] =	stream.linear.gather [spmem:s10], $0x13C0, $0x38;
	[tilespmem:$0x95A0] =	vst v63  }
0x34: {  	s28 =	sadd.s32 $0x1, s28;
	_ =	swait.ge [sflag:s21], $0x13C0  }
0x35: {  	p1 =	sne.s32 s28, s12;
	[sflag:s21] =	ssyncset.done $0x0  }
.Ltmp1:
0x36: {  	[sflag:s21] =	ssyncadd.s32 $0xFFFFEC40;
	(pc) =	sbr.rel @!p1 .LBB2_9-.Ltmp1, $4  }
0x37: {  	[hbm4b:s11+s3] =	stream.linear.scatter [tilespmem:s20], [sflag:$0x6], $0x13C0, $0x38;
	[tilespmem:$0x95A0] =	vst v63  }
0x38: {  	_ =	swait.ge [sflag:s21], $0x13C0  }
0x39: {  	[sflag:s21] =	ssyncset.done $0x0  }
0x3a: {  	[sflag:s21] =	ssyncadd.s32 $0xFFFFEC40  }
.LBB2_1:
0x3b: {  	s0 =	simm.s32 @p0 $0x0;
	s29 =	simm.s32 @p0 $0x3400  }
0x3c: {  	[tilespmem:s29], [sflag:$0x6] =	stream.linear.gather @p0 [hbm4b:s5+s0], $0x3400, $0x38;
	[tilespmem:$0x95A0] =	vst v63  }
0x3d: {  	s29 =	simm.s32 @p0 $0x6  }
0x3e: {  	_ =	swait.ge @p0 [sflag:s29], $0x3400  }
0x3f: {  	[sflag:s29] =	ssyncset.done @p0 $0x0  }
0x40: {  	[sflag:s29] =	ssyncadd.s32 @p0 $0xFFFFCC00  }
0x41: {  	[tilespmem:s0], [sflag:$0x6] =	stream.linear.gather @p0 [hbm4b:s6+s0], $0x3400, $0x38;
	[tilespmem:$0x95A0] =	vst v63  }
0x42: {  	_ =	swait.ge @p0 [sflag:s29], $0x3400  }
0x43: {  	[sflag:s29] =	ssyncset.done @p0 $0x0  }
0x44: {  	s0 =	simm.s32 @!p0 $0x0;
	[sflag:s29] =	ssyncadd.s32 @p0 $0xFFFFCC00;
	s29 =	simm.s32 @!p0 $0x3400  }
0x45: {  	[tilespmem:s29], [sflag:$0x6] =	stream.linear.gather @!p0 [hbm4b:s7+s0], $0x1C00, $0x38;
	[tilespmem:$0x95A0] =	vst v63  }
0x46: {  	s29 =	simm.s32 @!p0 $0x6  }
0x47: {  	_ =	swait.ge @!p0 [sflag:s29], $0x1C00  }
0x48: {  	[sflag:s29] =	ssyncset.done @!p0 $0x0  }
0x49: {  	[sflag:s29] =	ssyncadd.s32 @!p0 $0xFFFFE400  }
0x4a: {  	[tilespmem:s0], [sflag:$0x6] =	stream.linear.gather @!p0 [hbm4b:s8+s0], $0x1C00, $0x38;
	[tilespmem:$0x95A0] =	vst v63  }
0x4b: {  	_ =	swait.ge @!p0 [sflag:s29], $0x1C00  }
0x4c: {  	[sflag:s29] =	ssyncset.done @!p0 $0x0  }
0x4d: {  	[sflag:s29] =	ssyncadd.s32 @!p0 $0xFFFFE400  }
0x4e: {  	[tilespmem:s14], [sflag:$0x2] =	stream.indirect.gather [hbm4b:s4+s13], $0x4, s3, s13, $0xb8;
	[tilespmem:$0x95A0] =	vst v63  }
0x4f: {  	_ = 	snop  }
0x50: {  	[tilespmem:s15], [sflag:$0x3] =	stream.indirect.gather [hbm4b:s4+s13], $0x4, s13, s13, $0xb8;
	[tilespmem:$0x95A0] =	vst v63  }
0x51: {  	_ = 	snop  }
0x52: {  	[tilespmem:s17], [sflag:$0x4] =	stream.indirect.gather [hbm4b:s4+s13], $0x4, s16, s13, $0xb8;
	[tilespmem:$0x95A0] =	vst v63  }
0x53: {  	_ = 	snop  }
0x54: {  	[tilespmem:s19], [sflag:$0x5] =	stream.indirect.gather [hbm4b:s4+s13], $0x4, s18, s13, $0xb8;
	[tilespmem:$0x95A0] =	vst v63  }
0x55: {  	_ = 	snop  }
0x56: {  	[tilespmem:s20], [sflag:$0x6] =	stream.linear.gather [hbm4b:s9+s3], $0x13C0, $0x38;
	[tilespmem:$0x95A0] =	vst v63  }
0x57: {  	_ =	swait.ge [sflag:s21], $0x13C0  }
0x58: {  	[sflag:s21] =	ssyncset.done $0x0  }
0x59: {  	[sflag:s21] =	ssyncadd.s32 $0xFFFFEC40  }
0x5a: {  	[spmem:s10] =	stream.linear.scatter [tilespmem:s20], [sflag:$0x6], $0x13C0, $0x38;
	[tilespmem:$0x95A0] =	vst v63  }
.Ltmp2:
0x5b: {  	_ =	swait.ge [sflag:s21], $0x13C0;
	(pc) =	sbr.rel @p0 .LBB2_5-.Ltmp2, $3  }
0x5c: {  	[sflag:s21] =	ssyncset.done $0x0  }
0x5d: {  	[sflag:s21] =	ssyncadd.s32 $0xFFFFEC40  }
0x5e: {  	[bflag:$0x0] =	sbarrier.arrive $0xFFFF;
	_ =	sdelay $0x1  }
0x5f: {  	_ =	swait.ge [sflag:s22], $0x200  }
0x60: {  	[sflag:s22] =	ssyncset.done $0x0  }
0x61: {  	s0 =	simm.s32 $0x3400;
	[sflag:s22] =	ssyncadd.s32 $0xFFFFFE00  }
0x62: {  	[spmem:s2] =	stream.indirect.scatter.add.f32 [tilespmem:s14], [sflag:$0x1], $0x4, s0, s13, $0xb8;
	[tilespmem:$0x95A0] =	vst v63  }
0x63: {  	_ =	swait.ge [sflag:s23], $0x200  }
0x64: {  	[sflag:s23] =	ssyncset.done $0x0  }
0x65: {  	s31 =	simm.s32 $0x200;
	[sflag:s23] =	ssyncadd.s32 $0xFFFFFE00  }
0x66: {  	[tilespmem:s14], [sflag:$0x2] =	stream.indirect.gather [hbm4b:s4+s13], $0x4, s31, s13, $0xb8;
	[tilespmem:$0x95A0] =	vst v63  }
0x67: {  	_ =	swait.ge [sflag:s24], $0x200  }
0x68: {  	[sflag:s24] =	ssyncset.done $0x0  }
0x69: {  	s31 =	simm.s32 $0x3480;
	[sflag:s24] =	ssyncadd.s32 $0xFFFFFE00  }
0x6a: {  	[spmem:s2] =	stream.indirect.scatter.add.f32 [tilespmem:s15], [sflag:$0x1], $0x4, s31, s13, $0xb8;
	[tilespmem:$0x95A0] =	vst v63  }
0x6b: {  	_ =	swait.ge [sflag:s23], $0x200  }
0x6c: {  	[sflag:s23] =	ssyncset.done $0x0  }
0x6d: {  	s31 =	simm.s32 $0x280;
	[sflag:s23] =	ssyncadd.s32 $0xFFFFFE00  }
0x6e: {  	[tilespmem:s15], [sflag:$0x3] =	stream.indirect.gather [hbm4b:s4+s13], $0x4, s31, s13, $0xb8;
	[tilespmem:$0x95A0] =	vst v63  }
0x6f: {  	_ =	swait.ge [sflag:s25], $0x200  }
0x70: {  	[sflag:s25] =	ssyncset.done $0x0  }
0x71: {  	s31 =	simm.s32 $0x3500;
	[sflag:s25] =	ssyncadd.s32 $0xFFFFFE00  }
0x72: {  	[spmem:s2] =	stream.indirect.scatter.add.f32 [tilespmem:s17], [sflag:$0x1], $0x4, s31, s13, $0xb8;
	[tilespmem:$0x95A0] =	vst v63  }
0x73: {  	_ =	swait.ge [sflag:s23], $0x200  }
0x74: {  	[sflag:s23] =	ssyncset.done $0x0  }
0x75: {  	s31 =	simm.s32 $0x300;
	[sflag:s23] =	ssyncadd.s32 $0xFFFFFE00  }
0x76: {  	[tilespmem:s17], [sflag:$0x4] =	stream.indirect.gather [hbm4b:s4+s13], $0x4, s31, s13, $0xb8;
	[tilespmem:$0x95A0] =	vst v63  }
0x77: {  	_ =	swait.ge [sflag:s26], $0x200  }
0x78: {  	p1 =	por $0x0, $0x0;
	[sflag:s26] =	ssyncset.done $0x0  }
.Ltmp3:
0x79: {  	s31 =	simm.s32 $0x3580;
	[sflag:s26] =	ssyncadd.s32 $0xFFFFFE00;
	(pc) =	sbr.rel @p1 .LBB2_4-.Ltmp3, $4  }
0x7a: {  	[spmem:s2] =	stream.indirect.scatter.add.f32 [tilespmem:s19], [sflag:$0x1], $0x4, s31, s13, $0xb8;
	[tilespmem:$0x95A0] =	vst v63  }
0x7b: {  	_ =	swait.ge [sflag:s23], $0x200  }
0x7c: {  	[sflag:s23] =	ssyncset.done $0x0  }
0x7d: {  	s29 =	simm.s32 $0x800;
	s30 =	simm.s32 $0x380;
	[sflag:s23] =	ssyncadd.s32 $0xFFFFFE00  }
.LBB2_3:
0x7e: {  	[tilespmem:s19], [sflag:$0x5] =	stream.indirect.gather [hbm4b:s4+s13], $0x4, s30, s13, $0xb8;
	[tilespmem:$0x95A0] =	vst v63  }
0x7f: {  	s0 =	smov.u32 s29  }
0x80: {  	p1 =	seq.s32 s29, $0x6000;
	s29 =	sadd.s32 $0x800, s29;
	_ =	swait.ge [sflag:s22], $0x200  }
0x81: {  	s30 =	sshra.s32 s0, $0x2;
	[sflag:s22] =	ssyncset.done $0x0  }
0x82: {  	s0 =	sadd.s32 $0x3400, s30;
	[sflag:s22] =	ssyncadd.s32 $0xFFFFFE00  }
0x83: {  	[spmem:s2] =	stream.indirect.scatter.add.f32 [tilespmem:s14], [sflag:$0x1], $0x4, s0, s13, $0xb8;
	[tilespmem:$0x95A0] =	vst v63  }
0x84: {  	_ =	swait.ge [sflag:s23], $0x200  }
0x85: {  	[sflag:s23] =	ssyncset.done $0x0  }
0x86: {  	s0 =	sadd.s32 $0x200, s30;
	[sflag:s23] =	ssyncadd.s32 $0xFFFFFE00  }
0x87: {  	[tilespmem:s14], [sflag:$0x2] =	stream.indirect.gather [hbm4b:s4+s13], $0x4, s0, s13, $0xb8;
	[tilespmem:$0x95A0] =	vst v63  }
0x88: {  	_ =	swait.ge [sflag:s24], $0x200  }
0x89: {  	[sflag:s24] =	ssyncset.done $0x0  }
0x8a: {  	s0 =	sadd.s32 $0x3480, s30;
	[sflag:s24] =	ssyncadd.s32 $0xFFFFFE00  }
0x8b: {  	[spmem:s2] =	stream.indirect.scatter.add.f32 [tilespmem:s15], [sflag:$0x1], $0x4, s0, s13, $0xb8;
	[tilespmem:$0x95A0] =	vst v63  }
0x8c: {  	_ =	swait.ge [sflag:s23], $0x200  }
0x8d: {  	[sflag:s23] =	ssyncset.done $0x0  }
0x8e: {  	s0 =	sadd.s32 $0x280, s30;
	[sflag:s23] =	ssyncadd.s32 $0xFFFFFE00  }
0x8f: {  	[tilespmem:s15], [sflag:$0x3] =	stream.indirect.gather [hbm4b:s4+s13], $0x4, s0, s13, $0xb8;
	[tilespmem:$0x95A0] =	vst v63  }
0x90: {  	_ =	swait.ge [sflag:s25], $0x200  }
0x91: {  	[sflag:s25] =	ssyncset.done $0x0  }
0x92: {  	s0 =	sadd.s32 $0x3500, s30;
	[sflag:s25] =	ssyncadd.s32 $0xFFFFFE00  }
0x93: {  	[spmem:s2] =	stream.indirect.scatter.add.f32 [tilespmem:s17], [sflag:$0x1], $0x4, s0, s13, $0xb8;
	[tilespmem:$0x95A0] =	vst v63  }
0x94: {  	_ =	swait.ge [sflag:s23], $0x200  }
0x95: {  	[sflag:s23] =	ssyncset.done $0x0  }
0x96: {  	s0 =	sadd.s32 $0x300, s30;
	[sflag:s23] =	ssyncadd.s32 $0xFFFFFE00  }
0x97: {  	[tilespmem:s17], [sflag:$0x4] =	stream.indirect.gather [hbm4b:s4+s13], $0x4, s0, s13, $0xb8;
	[tilespmem:$0x95A0] =	vst v63  }
0x98: {  	_ =	swait.ge [sflag:s26], $0x200  }
0x99: {  	[sflag:s26] =	ssyncset.done $0x0  }
.Ltmp4:
0x9a: {  	s0 =	sadd.s32 $0x3580, s30;
	[sflag:s26] =	ssyncadd.s32 $0xFFFFFE00;
	(pc) =	sbr.rel @!p1 .LBB2_3-.Ltmp4, $4  }
0x9b: {  	[spmem:s2] =	stream.indirect.scatter.add.f32 [tilespmem:s19], [sflag:$0x1], $0x4, s0, s13, $0xb8;
	[tilespmem:$0x95A0] =	vst v63  }
0x9c: {  	_ =	swait.ge [sflag:s23], $0x200  }
0x9d: {  	[sflag:s23] =	ssyncset.done $0x0  }
0x9e: {  	s30 =	sadd.s32 $0x380, s30;
	[sflag:s23] =	ssyncadd.s32 $0xFFFFFE00  }
.Ltmp5:
0x9f: {  	_ = 	snop;
	(pc) =	sbr.rel .LBB2_4-.Ltmp5, $1  }
0xa0: {  	_ =	sdelay $0x3  }
.LBB2_5:
0xa1: {  	_ =	swait.ge [sflag:s22], $0x200  }
0xa2: {  	[sflag:s22] =	ssyncset.done $0x0  }
0xa3: {  	s0 =	simm.s32 $0x3400;
	[sflag:s22] =	ssyncadd.s32 $0xFFFFFE00  }
0xa4: {  	[spmem:s2] =	stream.indirect.scatter.add.f32 [tilespmem:s14], [sflag:$0x1], $0x4, s0, s13, $0xb8;
	[tilespmem:$0x95A0] =	vst v63  }
0xa5: {  	_ =	swait.ge [sflag:s23], $0x200  }
0xa6: {  	[sflag:s23] =	ssyncset.done $0x0  }
0xa7: {  	s30 =	simm.s32 $0x200;
	[sflag:s23] =	ssyncadd.s32 $0xFFFFFE00  }
0xa8: {  	[tilespmem:s14], [sflag:$0x2] =	stream.indirect.gather [hbm4b:s4+s13], $0x4, s30, s13, $0xb8;
	[tilespmem:$0x95A0] =	vst v63  }
0xa9: {  	_ =	swait.ge [sflag:s24], $0x200  }
0xaa: {  	[sflag:s24] =	ssyncset.done $0x0  }
0xab: {  	s31 =	simm.s32 $0x3480;
	[sflag:s24] =	ssyncadd.s32 $0xFFFFFE00  }
0xac: {  	[spmem:s2] =	stream.indirect.scatter.add.f32 [tilespmem:s15], [sflag:$0x1], $0x4, s31, s13, $0xb8;
	[tilespmem:$0x95A0] =	vst v63  }
0xad: {  	_ =	swait.ge [sflag:s23], $0x200  }
0xae: {  	[sflag:s23] =	ssyncset.done $0x0  }
0xaf: {  	s30 =	simm.s32 $0x280;
	[sflag:s23] =	ssyncadd.s32 $0xFFFFFE00  }
0xb0: {  	[tilespmem:s15], [sflag:$0x3] =	stream.indirect.gather [hbm4b:s4+s13], $0x4, s30, s13, $0xb8;
	[tilespmem:$0x95A0] =	vst v63  }
0xb1: {  	_ =	swait.ge [sflag:s25], $0x200  }
0xb2: {  	[sflag:s25] =	ssyncset.done $0x0  }
0xb3: {  	s31 =	simm.s32 $0x3500;
	[sflag:s25] =	ssyncadd.s32 $0xFFFFFE00  }
0xb4: {  	[spmem:s2] =	stream.indirect.scatter.add.f32 [tilespmem:s17], [sflag:$0x1], $0x4, s31, s13, $0xb8;
	[tilespmem:$0x95A0] =	vst v63  }
0xb5: {  	_ =	swait.ge [sflag:s23], $0x200  }
0xb6: {  	[sflag:s23] =	ssyncset.done $0x0  }
0xb7: {  	s30 =	simm.s32 $0x300;
	[sflag:s23] =	ssyncadd.s32 $0xFFFFFE00  }
0xb8: {  	[tilespmem:s17], [sflag:$0x4] =	stream.indirect.gather [hbm4b:s4+s13], $0x4, s30, s13, $0xb8;
	[tilespmem:$0x95A0] =	vst v63  }
0xb9: {  	_ =	swait.ge [sflag:s26], $0x200  }
0xba: {  	[sflag:s26] =	ssyncset.done $0x0  }
0xbb: {  	s31 =	simm.s32 $0x3580;
	[sflag:s26] =	ssyncadd.s32 $0xFFFFFE00  }
0xbc: {  	[spmem:s2] =	stream.indirect.scatter.add.f32 [tilespmem:s19], [sflag:$0x1], $0x4, s31, s13, $0xb8;
	[tilespmem:$0x95A0] =	vst v63  }
0xbd: {  	_ =	swait.ge [sflag:s23], $0x200  }
0xbe: {  	[sflag:s23] =	ssyncset.done $0x0  }
0xbf: {  	s29 =	simm.s32 $0x800;
	s0 =	simm.s32 $0x380;
	[sflag:s23] =	ssyncadd.s32 $0xFFFFFE00  }
.LBB2_6:
0xc0: {  	[tilespmem:s19], [sflag:$0x5] =	stream.indirect.gather [hbm4b:s4+s13], $0x4, s0, s13, $0xb8;
	[tilespmem:$0x95A0] =	vst v63  }
0xc1: {  	s0 =	smov.u32 s29  }
0xc2: {  	p1 =	sne.s32 s29, $0xC000;
	s29 =	sadd.s32 $0x800, s29;
	_ =	swait.ge [sflag:s22], $0x200  }
0xc3: {  	s30 =	sshra.s32 s0, $0x2;
	[sflag:s22] =	ssyncset.done $0x0  }
0xc4: {  	s0 =	sadd.s32 $0x3400, s30;
	[sflag:s22] =	ssyncadd.s32 $0xFFFFFE00  }
0xc5: {  	[spmem:s2] =	stream.indirect.scatter.add.f32 [tilespmem:s14], [sflag:$0x1], $0x4, s0, s13, $0xb8;
	[tilespmem:$0x95A0] =	vst v63  }
0xc6: {  	_ =	swait.ge [sflag:s23], $0x200  }
0xc7: {  	[sflag:s23] =	ssyncset.done $0x0  }
0xc8: {  	s0 =	sadd.s32 $0x200, s30;
	[sflag:s23] =	ssyncadd.s32 $0xFFFFFE00  }
0xc9: {  	[tilespmem:s14], [sflag:$0x2] =	stream.indirect.gather [hbm4b:s4+s13], $0x4, s0, s13, $0xb8;
	[tilespmem:$0x95A0] =	vst v63  }
0xca: {  	_ =	swait.ge [sflag:s24], $0x200  }
0xcb: {  	[sflag:s24] =	ssyncset.done $0x0  }
0xcc: {  	s0 =	sadd.s32 $0x3480, s30;
	[sflag:s24] =	ssyncadd.s32 $0xFFFFFE00  }
0xcd: {  	[spmem:s2] =	stream.indirect.scatter.add.f32 [tilespmem:s15], [sflag:$0x1], $0x4, s0, s13, $0xb8;
	[tilespmem:$0x95A0] =	vst v63  }
0xce: {  	_ =	swait.ge [sflag:s23], $0x200  }
0xcf: {  	[sflag:s23] =	ssyncset.done $0x0  }
0xd0: {  	s0 =	sadd.s32 $0x280, s30;
	[sflag:s23] =	ssyncadd.s32 $0xFFFFFE00  }
0xd1: {  	[tilespmem:s15], [sflag:$0x3] =	stream.indirect.gather [hbm4b:s4+s13], $0x4, s0, s13, $0xb8;
	[tilespmem:$0x95A0] =	vst v63  }
0xd2: {  	_ =	swait.ge [sflag:s25], $0x200  }
0xd3: {  	[sflag:s25] =	ssyncset.done $0x0  }
0xd4: {  	s0 =	sadd.s32 $0x3500, s30;
	[sflag:s25] =	ssyncadd.s32 $0xFFFFFE00  }
0xd5: {  	[spmem:s2] =	stream.indirect.scatter.add.f32 [tilespmem:s17], [sflag:$0x1], $0x4, s0, s13, $0xb8;
	[tilespmem:$0x95A0] =	vst v63  }
0xd6: {  	_ =	swait.ge [sflag:s23], $0x200  }
0xd7: {  	[sflag:s23] =	ssyncset.done $0x0  }
0xd8: {  	s0 =	sadd.s32 $0x300, s30;
	[sflag:s23] =	ssyncadd.s32 $0xFFFFFE00  }
0xd9: {  	[tilespmem:s17], [sflag:$0x4] =	stream.indirect.gather [hbm4b:s4+s13], $0x4, s0, s13, $0xb8;
	[tilespmem:$0x95A0] =	vst v63  }
0xda: {  	_ =	swait.ge [sflag:s26], $0x200  }
0xdb: {  	[sflag:s26] =	ssyncset.done $0x0  }
.Ltmp6:
0xdc: {  	s0 =	sadd.s32 $0x3580, s30;
	[sflag:s26] =	ssyncadd.s32 $0xFFFFFE00;
	(pc) =	sbr.rel @p1 .LBB2_6-.Ltmp6, $4  }
0xdd: {  	[spmem:s2] =	stream.indirect.scatter.add.f32 [tilespmem:s19], [sflag:$0x1], $0x4, s0, s13, $0xb8;
	[tilespmem:$0x95A0] =	vst v63  }
0xde: {  	_ =	swait.ge [sflag:s23], $0x200  }
0xdf: {  	[sflag:s23] =	ssyncset.done $0x0  }
0xe0: {  	s0 =	sadd.s32 $0x380, s30;
	[sflag:s23] =	ssyncadd.s32 $0xFFFFFE00  }
.Ltmp7:
0xe1: {  	(pc) =	sbr.rel .LBB2_8-.Ltmp7, $4  }
0xe2: {  	_ = 	snop  }
0xe3: {  	[tilespmem:s19], [sflag:$0x5] =	stream.indirect.gather [hbm4b:s4+s13], $0x4, s0, s13, $0xb8;
	[tilespmem:$0x95A0] =	vst v63  }
0xe4: {  	s29 =	simm.s32 $0x6780  }
0xe5: {  	s30 =	simm.s32 $0x6700;
	s31 =	simm.s32 $0x6680;
	s0 =	simm.s32 $0x6600  }
.LBB2_9:
0xe6: {  	_ =	sfence.sel $0x180000  }
0xe7: {  	[bflag:$0x0] =	sbarrier.arrive $0xFFFF  }
0xe8: {  	_ =	strace $0x90000050  }
0xe9: {  	[bflag:$0x2] =	sbarrier.arrive $0xFFFF  }
0xea: {  	p0 =	sne.s32 s1, $0x0;
	s0 =	rddreg [dreg:$0x3]  }
0xeb: {  	s0 =	sadd.s32 @!p0 $0x100000, s0  }
0xec: {  	[sflag:s0] =	ssyncadd.tile.s32 @!p0 $0x1;
	_ =	shalt  }
.Lfunc_end2:
_tile_overlayer_lowered:
.L_overlay_start_2:
0xed: {  	(tag) =	ssettag $0x2  }
0xee: {  	s0 =	rddreg [dreg:$0x0];
	s2 =	stileid.u32  }
0xef: {  	s1 =	rddreg [dreg:$0x1];
	p0 =	sne.s32 s2, $0x0  }
0xf0: {  	s3 =	rddreg [dreg:$0x2];
	[bflag:$0x3] =	sbarrier.arrive $0xFFFF;
	s2 =	simm.s32 @!p0 $0x1C06  }
0xf1: {  	[timem:s3], [sflag:s2] =	dma.local @!p0 [hbm:s0], s1  }
0xf2: {  	s0 =	simm.s32 @!p0 $0x6  }
0xf3: {  	_ =	swait.ge @!p0 [sflag:s0], s1  }
0xf4: {  	s1 =	ssub.s32 @!p0 $0x0, s1;
	[sflag:s0] =	ssyncset.done @!p0 $0x0  }
0xf5: {  	[sflag:s0] =	ssyncadd.s32 @!p0 s1  }
0xf6: {  	[bflag:$0x3] =	sbarrier.arrive $0xFFFF  }
0xf7: {  	_ =	shalt  }

</sc_bundles>
